<compile_context>
chip_gen: v7x
topology: tpu7x:2x2x1
jax: 0.10.2.dev20260603
libtpu: 0.0.44.dev20260713+nightly
codegen_flags: <defaults>
</compile_context>

<pallas_src>
import functools

import jax
import jax.numpy as jnp
from jax import lax
from jax.experimental import pallas as pl
from jax.experimental.pallas import tpu as pltpu
from jax.experimental.pallas import tpu_sc as plsc

B = 1024
D = 16
NUM_ENT = 1000000
NUM_TYPE = 1000
NUM_CORES = 2
NUM_SUBCORES = 16
NW = NUM_CORES * NUM_SUBCORES
B_PER_W = B // NW
SLAB = 128
GRP = 16


def _sc_gather(ent, ent_type, ee_t, te_t, ep_t, tp_t):
    mesh = plsc.VectorSubcoreMesh(core_axis_name="c", subcore_axis_name="s")
    row_blk_t = jax.ShapeDtypeStruct((NW, B_PER_W, D), jnp.float32)

    @functools.partial(
        pl.kernel,
        mesh=mesh,
        compiler_params=pltpu.CompilerParams(needs_layout_passes=False),
        out_type=[row_blk_t, row_blk_t, row_blk_t, row_blk_t],
        scratch_types=[
            pltpu.VMEM((B_PER_W,), jnp.int32),
            pltpu.VMEM((B_PER_W,), jnp.int32),
            pltpu.VMEM((GRP, D, SLAB), jnp.float32),
            pltpu.VMEM((GRP, D, SLAB), jnp.float32),
            pltpu.VMEM((D, NUM_TYPE), jnp.float32),
            pltpu.VMEM((D, NUM_TYPE), jnp.float32),
            pltpu.VMEM((B_PER_W, D), jnp.float32),
            pltpu.VMEM((B_PER_W, D), jnp.float32),
            pltpu.VMEM((B_PER_W, D), jnp.float32),
            pltpu.VMEM((B_PER_W, D), jnp.float32),
            pltpu.SemaphoreType.DMA,
            pltpu.SemaphoreType.DMA,
            pltpu.SemaphoreType.DMA,
            pltpu.SemaphoreType.DMA,
        ],
    )
    def gather_kernel(ent_hbm, etype_hbm, ee_hbm, te_hbm, ep_hbm, tp_hbm,
                      e_out, t_out, pe_out, pt_out,
                      idx_e, idx_t, slab0, slab1, ty_e, ty_p,
                      e_v, t_v, pe_v, pt_v, sem0, sem1, sem_ty, sem_out):
        wid = lax.axis_index("s") * NUM_CORES + lax.axis_index("c")
        base = wid * B_PER_W
        sl = pl.ds(base, B_PER_W)
        ci_e = pltpu.async_copy(ent_hbm.at[sl], idx_e, sem_out)
        ci_t = pltpu.async_copy(etype_hbm.at[sl], idx_t, sem_out)
        ct_e = pltpu.async_copy(te_hbm, ty_e, sem_ty)
        ct_p = pltpu.async_copy(tp_hbm, ty_p, sem_ty)
        ci_e.wait()
        ci_t.wait()
        grp16 = lax.iota(jnp.int32, GRP)
        rings = (slab0, slab1)
        sems = (sem0, sem1)

        def fire(table_hbm, g, ring):
            ve = idx_e[pl.ds(g * GRP, GRP)]
            cps = []
            for k in range(GRP):
                ie = ve[k]
                col = pl.multiple_of(ie - lax.rem(ie, SLAB), SLAB)
                cps.append(pltpu.async_copy(
                    table_hbm.at[:, pl.ds(col, SLAB)],
                    rings[ring].at[k], sems[ring]))
            return cps

        def extract(dst_v, g, ring):
            ve = idx_e[pl.ds(g * GRP, GRP)]
            lane_v = ve % SLAB
            row_v = grp16 + g * GRP
            for d in range(D):
                d_v = jnp.full((GRP,), d, jnp.int32)
                vec = plsc.load_gather(rings[ring], [grp16, d_v, lane_v])
                plsc.store_scatter(dst_v, [row_v, d_v], vec)

        f0 = fire(ee_hbm, 0, 0)
        f1 = fire(ee_hbm, 1, 1)
        ct_e.wait()
        ct_p.wait()
        for g2 in range(B_PER_W // GRP):
            vt = idx_t[pl.ds(g2 * GRP, GRP)]
            row_v2 = grp16 + g2 * GRP
            for d in range(D):
                d_v = jnp.full((GRP,), d, jnp.int32)
                vec_t = plsc.load_gather(ty_e, [d_v, vt])
                plsc.store_scatter(t_v, [row_v2, d_v], vec_t)
                vec_p = plsc.load_gather(ty_p, [d_v, vt])
                plsc.store_scatter(pt_v, [row_v2, d_v], vec_p)
        co_t = pltpu.async_copy(t_v, t_out.at[wid], sem_out)
        co_pt = pltpu.async_copy(pt_v, pt_out.at[wid], sem_out)
        for c in f0:
            c.wait()
        extract(e_v, 0, 0)
        f2 = fire(ep_hbm, 0, 0)
        for c in f1:
            c.wait()
        extract(e_v, 1, 1)
        co_e = pltpu.async_copy(e_v, e_out.at[wid], sem_out)
        f3 = fire(ep_hbm, 1, 1)
        for c in f2:
            c.wait()
        extract(pe_v, 0, 0)
        for c in f3:
            c.wait()
        extract(pe_v, 1, 1)
        co_pe = pltpu.async_copy(pe_v, pe_out.at[wid], sem_out)
        co_t.wait()
        co_pt.wait()
        co_e.wait()
        co_pe.wait()

    return gather_kernel(ent, ent_type, ee_t, te_t, ep_t, tp_t)


BI = 512


def _score_body(e_ref, t_ref, pe_ref, pt_ref, out_ref):
    bf = jnp.bfloat16
    e = e_ref[...].reshape(BI, D).astype(bf)
    t = t_ref[...].reshape(BI, D).astype(bf)
    pe = pe_ref[...].reshape(B, D).astype(bf)
    pt = pt_ref[...].reshape(B, D).astype(bf)
    eye = jax.lax.broadcasted_iota(jnp.int32, (D, D), 0)
    eye = (eye == jax.lax.broadcasted_iota(jnp.int32, (D, D), 1)).astype(bf)
    pet = jax.lax.dot_general(eye, pe, (((1,), (1,)), ((), ())),
                              preferred_element_type=jnp.float32
                              ).astype(bf)
    ptt = jax.lax.dot_general(eye, pt, (((1,), (1,)), ((), ())),
                              preferred_element_type=jnp.float32
                              ).astype(bf)
    a = jax.lax.dot_general(e, pet, (((1,), (0,)), ((), ())),
                            preferred_element_type=jnp.float32
                            ).astype(jnp.bfloat16)
    c = jax.lax.dot_general(t, ptt, (((1,), (0,)), ((), ())),
                            preferred_element_type=jnp.float32
                            ).astype(jnp.bfloat16)
    diff = e - t
    out = jnp.zeros((BI, B), jnp.float32)
    for h in range(4):
        acc = jnp.zeros((BI, B), jnp.bfloat16)
        for d in range(4 * h, 4 * h + 4):
            term = diff[:, d:d + 1] + a * pet[d:d + 1, :] - c * ptt[d:d + 1, :]
            acc = acc + jnp.abs(term)
        out = out + acc.astype(jnp.float32)
    out_ref[...] = out


WPB = BI // B_PER_W


def _tc_score(e_b, t_b, pe_b, pt_b):
    return pl.pallas_call(
        _score_body,
        grid=(B // BI,),
        in_specs=[
            pl.BlockSpec((WPB, B_PER_W, D), lambda i: (i, 0, 0)),
            pl.BlockSpec((WPB, B_PER_W, D), lambda i: (i, 0, 0)),
            pl.BlockSpec((NW, B_PER_W, D), lambda i: (0, 0, 0)),
            pl.BlockSpec((NW, B_PER_W, D), lambda i: (0, 0, 0)),
        ],
        out_specs=pl.BlockSpec((BI, B), lambda i: (i, 0)),
        out_shape=jax.ShapeDtypeStruct((B, B), jnp.float32),
    )(e_b, t_b, pe_b, pt_b)


def kernel(ent, ent_type, ent_emb, type_emb, ent_proj, type_proj):
    e_b, t_b, pe_b, pt_b = _sc_gather(
        ent, ent_type,
        ent_emb.T, type_emb.T, ent_proj.T, type_proj.T)
    return _tc_score(e_b, t_b, pe_b, pt_b)

# --- scband reference (transcript-rebuilt; emitter-appended) ---
"""Pipeline reference for scband-type-model-trans-d-16552803959069 (READ-ONLY COPY).

The authoritative reference and input builder live on the scoring server;
editing this copy changes nothing except your own understanding.
"""

import jax, jax.numpy as jnp
import numpy as np

NUM_ENT = 1000000
NUM_TYPE = 1000
D = 16
B = 1024

def _xavier(key, shape):
    limit = float(np.sqrt(6.0 / (shape[0] + shape[1])))
    return jax.random.uniform(key, shape, minval=-limit, maxval=limit, dtype=jnp.float32)

def setup_inputs(seed: int = 0) -> dict:
    key = jax.random.key(seed)
    k1, k2, k3, k4, k5, k6 = jax.random.split(key, 6)
    ent = jax.random.randint(k1, (B,), 0, NUM_ENT, dtype=jnp.int64 if jax.config.jax_enable_x64 else jnp.int32)
    ent_type = jax.random.randint(k2, (B,), 0, NUM_TYPE, dtype=jnp.int64 if jax.config.jax_enable_x64 else jnp.int32)
    ent_emb = _xavier(k3, (NUM_ENT, D))
    type_emb = _xavier(k4, (NUM_TYPE, D))
    ent_proj = _xavier(k5, (NUM_ENT, D))
    type_proj = _xavier(k6, (NUM_TYPE, D))
    return {"ent": ent, "ent_type": ent_type, "ent_emb": ent_emb, "type_emb": type_emb, "ent_proj": ent_proj, "type_proj": type_proj}

def _project(proj_vec, embeddings):
    # proj_vec: [B, D]; embeddings: [B, 1, D] -> numpy broadcasting yields [B, B, D]
    dot_product = jnp.sum(proj_vec * embeddings, axis=-1, keepdims=True)
    projected = embeddings + dot_product * proj_vec
    return projected

def reference(ent, ent_type, ent_emb, type_emb, ent_proj, type_proj):
    # BatchType.SINGLE branch
    e = jnp.take(ent_emb, ent, axis=0)[:, None, :]      # [B, 1, D]
    t = jnp.take(type_emb, ent_type, axis=0)[:, None, :]  # [B, 1, D]
    e_p = _project(jnp.take(ent_proj, ent, axis=0), e)
    t_p = _project(jnp.take(type_proj, ent_type, axis=0), t)
    # torch.norm(..., p=1, dim=-1)
    score = jnp.sum(jnp.abs(e_p - t_p), axis=-1)
    return score

if __name__ == "__main__":
    import jax
    _d = setup_inputs()
    print(jax.jit(kernel)(*tuple(_d.values())))

</pallas_src>

<mosaic_0001>
#map = affine_map<(d0, d1) -> (0)>
#map1 = affine_map<(d0, d1) -> (0, 0)>
#map2 = affine_map<(d0, d1) -> (0, 0, 0)>
module attributes {stable_mosaic.version = 14 : i64} {
  func.func @gather_kernel(%arg0: i32, %arg1: i32, %arg2: memref<1024xi32, #tpu.memory_space<hbm>>, %arg3: memref<1024xi32, #tpu.memory_space<hbm>>, %arg4: memref<16x1000000xf32, #tpu.memory_space<hbm>>, %arg5: memref<16x1000xf32, #tpu.memory_space<hbm>>, %arg6: memref<16x1000000xf32, #tpu.memory_space<hbm>>, %arg7: memref<16x1000xf32, #tpu.memory_space<hbm>>, %arg8: memref<32x32x16xf32, #tpu.memory_space<hbm>>, %arg9: memref<32x32x16xf32, #tpu.memory_space<hbm>>, %arg10: memref<32x32x16xf32, #tpu.memory_space<hbm>>, %arg11: memref<32x32x16xf32, #tpu.memory_space<hbm>>, %arg12: memref<32xi32, #tpu.memory_space<vmem>>, %arg13: memref<32xi32, #tpu.memory_space<vmem>>, %arg14: memref<16x16x128xf32, #tpu.memory_space<vmem>>, %arg15: memref<16x16x128xf32, #tpu.memory_space<vmem>>, %arg16: memref<16x1000xf32, #tpu.memory_space<vmem>>, %arg17: memref<16x1000xf32, #tpu.memory_space<vmem>>, %arg18: memref<32x16xf32, #tpu.memory_space<vmem>>, %arg19: memref<32x16xf32, #tpu.memory_space<vmem>>, %arg20: memref<32x16xf32, #tpu.memory_space<vmem>>, %arg21: memref<32x16xf32, #tpu.memory_space<vmem>>, %arg22: memref<!tpu.dma_semaphore, #tpu.memory_space<semaphore_mem>>, %arg23: memref<!tpu.dma_semaphore, #tpu.memory_space<semaphore_mem>>, %arg24: memref<!tpu.dma_semaphore, #tpu.memory_space<semaphore_mem>>, %arg25: memref<!tpu.dma_semaphore, #tpu.memory_space<semaphore_mem>>) attributes {dimension_semantics = [#tpu.dimension_semantics<core_parallel>, #tpu.dimension_semantics<subcore_parallel>], iteration_bounds = array<i64: 2, 16>, scalar_prefetch = 0 : i64, scratch_operands = 14 : i64, tpu.core_type = #tpu.core_type<sc_vector_subcore>, window_params = [{transform_indices = #map}, {transform_indices = #map}, {transform_indices = #map1}, {transform_indices = #map1}, {transform_indices = #map1}, {transform_indices = #map1}, {transform_indices = #map2}, {transform_indices = #map2}, {transform_indices = #map2}, {transform_indices = #map2}]} {
    %mul3A = arith.constant 2 : i32
    %mul3A_0 = arith.muli %arg1, %mul3A : i32
    %add3A = arith.addi %mul3A_0, %arg0 : i32
    %mul3A_1 = arith.constant 32 : i32
    %mul3A_2 = arith.muli %add3A, %mul3A_1 : i32
    %dma_start3A = tpu.memref_slice %arg2[%mul3A_2] : memref<1024xi32, #tpu.memory_space<hbm>> -> memref<32xi32, #tpu.memory_space<hbm>>
    %dma_start3A_3 = tpu.memref_slice %arg2[%mul3A_2] : memref<1024xi32, #tpu.memory_space<hbm>> -> memref<32xi32, #tpu.memory_space<hbm>>
    tpu.enqueue_dma source(%dma_start3A_3 : memref<32xi32, #tpu.memory_space<hbm>>) target(%arg12 : memref<32xi32, #tpu.memory_space<vmem>>) target_semaphore(%arg25 : memref<!tpu.dma_semaphore, #tpu.memory_space<semaphore_mem>>)
    %dma_start3A_4 = tpu.memref_slice %arg3[%mul3A_2] : memref<1024xi32, #tpu.memory_space<hbm>> -> memref<32xi32, #tpu.memory_space<hbm>>
    %dma_start3A_5 = tpu.memref_slice %arg3[%mul3A_2] : memref<1024xi32, #tpu.memory_space<hbm>> -> memref<32xi32, #tpu.memory_space<hbm>>
    tpu.enqueue_dma source(%dma_start3A_5 : memref<32xi32, #tpu.memory_space<hbm>>) target(%arg13 : memref<32xi32, #tpu.memory_space<vmem>>) target_semaphore(%arg25 : memref<!tpu.dma_semaphore, #tpu.memory_space<semaphore_mem>>)
    tpu.enqueue_dma source(%arg5 : memref<16x1000xf32, #tpu.memory_space<hbm>>) target(%arg16 : memref<16x1000xf32, #tpu.memory_space<vmem>>) target_semaphore(%arg24 : memref<!tpu.dma_semaphore, #tpu.memory_space<semaphore_mem>>)
    tpu.enqueue_dma source(%arg7 : memref<16x1000xf32, #tpu.memory_space<hbm>>) target(%arg17 : memref<16x1000xf32, #tpu.memory_space<vmem>>) target_semaphore(%arg24 : memref<!tpu.dma_semaphore, #tpu.memory_space<semaphore_mem>>)
    %dma_wait3A = tpu.memref_slice %arg2[%mul3A_2] : memref<1024xi32, #tpu.memory_space<hbm>> -> memref<32xi32, #tpu.memory_space<hbm>>
    %dma_wait3A_6 = tpu.memref_slice %arg2[%mul3A_2] : memref<1024xi32, #tpu.memory_space<hbm>> -> memref<32xi32, #tpu.memory_space<hbm>>
    tpu.wait_dma2 semaphore(%arg25 : memref<!tpu.dma_semaphore, #tpu.memory_space<semaphore_mem>>) src(%dma_wait3A_6 : memref<32xi32, #tpu.memory_space<hbm>>) dst(%arg12 : memref<32xi32, #tpu.memory_space<vmem>>)
    %dma_wait3A_7 = tpu.memref_slice %arg3[%mul3A_2] : memref<1024xi32, #tpu.memory_space<hbm>> -> memref<32xi32, #tpu.memory_space<hbm>>
    %dma_wait3A_8 = tpu.memref_slice %arg3[%mul3A_2] : memref<1024xi32, #tpu.memory_space<hbm>> -> memref<32xi32, #tpu.memory_space<hbm>>
    tpu.wait_dma2 semaphore(%arg25 : memref<!tpu.dma_semaphore, #tpu.memory_space<semaphore_mem>>) src(%dma_wait3A_8 : memref<32xi32, #tpu.memory_space<hbm>>) dst(%arg13 : memref<32xi32, #tpu.memory_space<vmem>>)
    %iota3A = tpu.iota {dimensions = array<i32: 0>} : vector<16xi32>
    %get3A = arith.constant 0 : index
    %get3A_9 = tpu.vector_load %arg12[%get3A] {strides = array<i32>} : memref<32xi32, #tpu.memory_space<vmem>>, vector<16xi32>,
    %slice3A = vector.extract_strided_slice %get3A_9 {offsets = [0], sizes = [1], strides = [1]} : vector<16xi32> to vector<1xi32>
    %squeeze3A = vector.extract %slice3A[0] : i32 from vector<1xi32>
    %rem3A = arith.constant 128 : i32
    %rem3A_10 = arith.remsi %squeeze3A, %rem3A : i32
    %sub3A = arith.subi %squeeze3A, %rem3A_10 : i32
    %multiple_of3A = tpu.assume_multiple %sub3A, 128 : i32
    %dma_start3A_11 = arith.constant 0 : i32
    %dma_start3A_12 = arith.constant 0 : i32
    %dma_start3A_13 = arith.constant 0 : i32
    %dma_start3A_14 = tpu.memref_slice %arg14[%dma_start3A_11, %dma_start3A_12, %dma_start3A_13] : memref<16x16x128xf32, #tpu.memory_space<vmem>> -> memref<1x16x128xf32, #tpu.memory_space<vmem>>
    %dma_start3A_15 = tpu.memref_squeeze %dma_start3A_14 : memref<1x16x128xf32, #tpu.memory_space<vmem>> -> memref<16x128xf32, #tpu.memory_space<vmem>>
    %dma_start3A_16 = arith.constant 0 : i32
    %dma_start3A_17 = tpu.memref_slice %arg4[%dma_start3A_16, %multiple_of3A] : memref<16x1000000xf32, #tpu.memory_space<hbm>> -> memref<16x128xf32, #tpu.memory_space<hbm>>
    %dma_start3A_18 = arith.constant 0 : i32
    %dma_start3A_19 = arith.constant 0 : i32
    %dma_start3A_20 = tpu.memref_slice %arg14[%dma_start3A_11, %dma_start3A_18, %dma_start3A_19] : memref<16x16x128xf32, #tpu.memory_space<vmem>> -> memref<1x16x128xf32, #tpu.memory_space<vmem>>
    %dma_start3A_21 = tpu.memref_squeeze %dma_start3A_20 : memref<1x16x128xf32, #tpu.memory_space<vmem>> -> memref<16x128xf32, #tpu.memory_space<vmem>>
    %dma_start3A_22 = arith.constant 0 : i32
    %dma_start3A_23 = tpu.memref_slice %arg4[%dma_start3A_22, %multiple_of3A] : memref<16x1000000xf32, #tpu.memory_space<hbm>> -> memref<16x128xf32, #tpu.memory_space<hbm>>
    tpu.enqueue_dma source(%dma_start3A_23 : memref<16x128xf32, #tpu.memory_space<hbm>>) target(%dma_start3A_21 : memref<16x128xf32, #tpu.memory_space<vmem>>) target_semaphore(%arg22 : memref<!tpu.dma_semaphore, #tpu.memory_space<semaphore_mem>>)
    %slice3A_24 = vector.extract_strided_slice %get3A_9 {offsets = [1], sizes = [1], strides = [1]} : vector<16xi32> to vector<1xi32>
    %squeeze3A_25 = vector.extract %slice3A_24[0] : i32 from vector<1xi32>
    %rem3A_26 = arith.constant 128 : i32
    %rem3A_27 = arith.remsi %squeeze3A_25, %rem3A_26 : i32
    %sub3A_28 = arith.subi %squeeze3A_25, %rem3A_27 : i32
    %multiple_of3A_29 = tpu.assume_multiple %sub3A_28, 128 : i32
    %dma_start3A_30 = arith.constant 1 : i32
    %dma_start3A_31 = arith.constant 0 : i32
    %dma_start3A_32 = arith.constant 0 : i32
    %dma_start3A_33 = tpu.memref_slice %arg14[%dma_start3A_30, %dma_start3A_31, %dma_start3A_32] : memref<16x16x128xf32, #tpu.memory_space<vmem>> -> memref<1x16x128xf32, #tpu.memory_space<vmem>>
    %dma_start3A_34 = tpu.memref_squeeze %dma_start3A_33 : memref<1x16x128xf32, #tpu.memory_space<vmem>> -> memref<16x128xf32, #tpu.memory_space<vmem>>
    %dma_start3A_35 = arith.constant 0 : i32
    %dma_start3A_36 = tpu.memref_slice %arg4[%dma_start3A_35, %multiple_of3A_29] : memref<16x1000000xf32, #tpu.memory_space<hbm>> -> memref<16x128xf32, #tpu.memory_space<hbm>>
    %dma_start3A_37 = arith.constant 0 : i32
    %dma_start3A_38 = arith.constant 0 : i32
    %dma_start3A_39 = tpu.memref_slice %arg14[%dma_start3A_30, %dma_start3A_37, %dma_start3A_38] : memref<16x16x128xf32, #tpu.memory_space<vmem>> -> memref<1x16x128xf32, #tpu.memory_space<vmem>>
    %dma_start3A_40 = tpu.memref_squeeze %dma_start3A_39 : memref<1x16x128xf32, #tpu.memory_space<vmem>> -> memref<16x128xf32, #tpu.memory_space<vmem>>
    %dma_start3A_41 = arith.constant 0 : i32
    %dma_start3A_42 = tpu.memref_slice %arg4[%dma_start3A_41, %multiple_of3A_29] : memref<16x1000000xf32, #tpu.memory_space<hbm>> -> memref<16x128xf32, #tpu.memory_space<hbm>>
    tpu.enqueue_dma source(%dma_start3A_42 : memref<16x128xf32, #tpu.memory_space<hbm>>) target(%dma_start3A_40 : memref<16x128xf32, #tpu.memory_space<vmem>>) target_semaphore(%arg22 : memref<!tpu.dma_semaphore, #tpu.memory_space<semaphore_mem>>)
    %slice3A_43 = vector.extract_strided_slice %get3A_9 {offsets = [2], sizes = [1], strides = [1]} : vector<16xi32> to vector<1xi32>
    %squeeze3A_44 = vector.extract %slice3A_43[0] : i32 from vector<1xi32>
    %rem3A_45 = arith.constant 128 : i32
    %rem3A_46 = arith.remsi %squeeze3A_44, %rem3A_45 : i32
    %sub3A_47 = arith.subi %squeeze3A_44, %rem3A_46 : i32
    %multiple_of3A_48 = tpu.assume_multiple %sub3A_47, 128 : i32
    %dma_start3A_49 = arith.constant 2 : i32
    %dma_start3A_50 = arith.constant 0 : i32
    %dma_start3A_51 = arith.constant 0 : i32
    %dma_start3A_52 = tpu.memref_slice %arg14[%dma_start3A_49, %dma_start3A_50, %dma_start3A_51] : memref<16x16x128xf32, #tpu.memory_space<vmem>> -> memref<1x16x128xf32, #tpu.memory_space<vmem>>
    %dma_start3A_53 = tpu.memref_squeeze %dma_start3A_52 : memref<1x16x128xf32, #tpu.memory_space<vmem>> -> memref<16x128xf32, #tpu.memory_space<vmem>>
    %dma_start3A_54 = arith.constant 0 : i32
    %dma_start3A_55 = tpu.memref_slice %arg4[%dma_start3A_54, %multiple_of3A_48] : memref<16x1000000xf32, #tpu.memory_space<hbm>> -> memref<16x128xf32, #tpu.memory_space<hbm>>
    %dma_start3A_56 = arith.constant 0 : i32
    %dma_start3A_57 = arith.constant 0 : i32
    %dma_start3A_58 = tpu.memref_slice %arg14[%dma_start3A_49, %dma_start3A_56, %dma_start3A_57] : memref<16x16x128xf32, #tpu.memory_space<vmem>> -> memref<1x16x128xf32, #tpu.memory_space<vmem>>
    %dma_start3A_59 = tpu.memref_squeeze %dma_start3A_58 : memref<1x16x128xf32, #tpu.memory_space<vmem>> -> memref<16x128xf32, #tpu.memory_space<vmem>>
    %dma_start3A_60 = arith.constant 0 : i32
    %dma_start3A_61 = tpu.memref_slice %arg4[%dma_start3A_60, %multiple_of3A_48] : memref<16x1000000xf32, #tpu.memory_space<hbm>> -> memref<16x128xf32, #tpu.memory_space<hbm>>
    tpu.enqueue_dma source(%dma_start3A_61 : memref<16x128xf32, #tpu.memory_space<hbm>>) target(%dma_start3A_59 : memref<16x128xf32, #tpu.memory_space<vmem>>) target_semaphore(%arg22 : memref<!tpu.dma_semaphore, #tpu.memory_space<semaphore_mem>>)
    %slice3A_62 = vector.extract_strided_slice %get3A_9 {offsets = [3], sizes = [1], strides = [1]} : vector<16xi32> to vector<1xi32>
    %squeeze3A_63 = vector.extract %slice3A_62[0] : i32 from vector<1xi32>
    %rem3A_64 = arith.constant 128 : i32
    %rem3A_65 = arith.remsi %squeeze3A_63, %rem3A_64 : i32
    %sub3A_66 = arith.subi %squeeze3A_63, %rem3A_65 : i32
    %multiple_of3A_67 = tpu.assume_multiple %sub3A_66, 128 : i32
    %dma_start3A_68 = arith.constant 3 : i32
    %dma_start3A_69 = arith.constant 0 : i32
    %dma_start3A_70 = arith.constant 0 : i32
    %dma_start3A_71 = tpu.memref_slice %arg14[%dma_start3A_68, %dma_start3A_69, %dma_start3A_70] : memref<16x16x128xf32, #tpu.memory_space<vmem>> -> memref<1x16x128xf32, #tpu.memory_space<vmem>>
    %dma_start3A_72 = tpu.memref_squeeze %dma_start3A_71 : memref<1x16x128xf32, #tpu.memory_space<vmem>> -> memref<16x128xf32, #tpu.memory_space<vmem>>
    %dma_start3A_73 = arith.constant 0 : i32
    %dma_start3A_74 = tpu.memref_slice %arg4[%dma_start3A_73, %multiple_of3A_67] : memref<16x1000000xf32, #tpu.memory_space<hbm>> -> memref<16x128xf32, #tpu.memory_space<hbm>>
    %dma_start3A_75 = arith.constant 0 : i32
    %dma_start3A_76 = arith.constant 0 : i32
    %dma_start3A_77 = tpu.memref_slice %arg14[%dma_start3A_68, %dma_start3A_75, %dma_start3A_76] : memref<16x16x128xf32, #tpu.memory_space<vmem>> -> memref<1x16x128xf32, #tpu.memory_space<vmem>>
    %dma_start3A_78 = tpu.memref_squeeze %dma_start3A_77 : memref<1x16x128xf32, #tpu.memory_space<vmem>> -> memref<16x128xf32, #tpu.memory_space<vmem>>
    %dma_start3A_79 = arith.constant 0 : i32
    %dma_start3A_80 = tpu.memref_slice %arg4[%dma_start3A_79, %multiple_of3A_67] : memref<16x1000000xf32, #tpu.memory_space<hbm>> -> memref<16x128xf32, #tpu.memory_space<hbm>>
    tpu.enqueue_dma source(%dma_start3A_80 : memref<16x128xf32, #tpu.memory_space<hbm>>) target(%dma_start3A_78 : memref<16x128xf32, #tpu.memory_space<vmem>>) target_semaphore(%arg22 : memref<!tpu.dma_semaphore, #tpu.memory_space<semaphore_mem>>)
    %slice3A_81 = vector.extract_strided_slice %get3A_9 {offsets = [4], sizes = [1], strides = [1]} : vector<16xi32> to vector<1xi32>
    %squeeze3A_82 = vector.extract %slice3A_81[0] : i32 from vector<1xi32>
    %rem3A_83 = arith.constant 128 : i32
    %rem3A_84 = arith.remsi %squeeze3A_82, %rem3A_83 : i32
    %sub3A_85 = arith.subi %squeeze3A_82, %rem3A_84 : i32
    %multiple_of3A_86 = tpu.assume_multiple %sub3A_85, 128 : i32
    %dma_start3A_87 = arith.constant 4 : i32
    %dma_start3A_88 = arith.constant 0 : i32
    %dma_start3A_89 = arith.constant 0 : i32
    %dma_start3A_90 = tpu.memref_slice %arg14[%dma_start3A_87, %dma_start3A_88, %dma_start3A_89] : memref<16x16x128xf32, #tpu.memory_space<vmem>> -> memref<1x16x128xf32, #tpu.memory_space<vmem>>
    %dma_start3A_91 = tpu.memref_squeeze %dma_start3A_90 : memref<1x16x128xf32, #tpu.memory_space<vmem>> -> memref<16x128xf32, #tpu.memory_space<vmem>>
    %dma_start3A_92 = arith.constant 0 : i32
    %dma_start3A_93 = tpu.memref_slice %arg4[%dma_start3A_92, %multiple_of3A_86] : memref<16x1000000xf32, #tpu.memory_space<hbm>> -> memref<16x128xf32, #tpu.memory_space<hbm>>
    %dma_start3A_94 = arith.constant 0 : i32
    %dma_start3A_95 = arith.constant 0 : i32
    %dma_start3A_96 = tpu.memref_slice %arg14[%dma_start3A_87, %dma_start3A_94, %dma_start3A_95] : memref<16x16x128xf32, #tpu.memory_space<vmem>> -> memref<1x16x128xf32, #tpu.memory_space<vmem>>
    %dma_start3A_97 = tpu.memref_squeeze %dma_start3A_96 : memref<1x16x128xf32, #tpu.memory_space<vmem>> -> memref<16x128xf32, #tpu.memory_space<vmem>>
    %dma_start3A_98 = arith.constant 0 : i32
    %dma_start3A_99 = tpu.memref_slice %arg4[%dma_start3A_98, %multiple_of3A_86] : memref<16x1000000xf32, #tpu.memory_space<hbm>> -> memref<16x128xf32, #tpu.memory_space<hbm>>
    tpu.enqueue_dma source(%dma_start3A_99 : memref<16x128xf32, #tpu.memory_space<hbm>>) target(%dma_start3A_97 : memref<16x128xf32, #tpu.memory_space<vmem>>) target_semaphore(%arg22 : memref<!tpu.dma_semaphore, #tpu.memory_space<semaphore_mem>>)
    %slice3A_100 = vector.extract_strided_slice %get3A_9 {offsets = [5], sizes = [1], strides = [1]} : vector<16xi32> to vector<1xi32>
    %squeeze3A_101 = vector.extract %slice3A_100[0] : i32 from vector<1xi32>
    %rem3A_102 = arith.constant 128 : i32
    %rem3A_103 = arith.remsi %squeeze3A_101, %rem3A_102 : i32
    %sub3A_104 = arith.subi %squeeze3A_101, %rem3A_103 : i32
    %multiple_of3A_105 = tpu.assume_multiple %sub3A_104, 128 : i32
    %dma_start3A_106 = arith.constant 5 : i32
    %dma_start3A_107 = arith.constant 0 : i32
    %dma_start3A_108 = arith.constant 0 : i32
    %dma_start3A_109 = tpu.memref_slice %arg14[%dma_start3A_106, %dma_start3A_107, %dma_start3A_108] : memref<16x16x128xf32, #tpu.memory_space<vmem>> -> memref<1x16x128xf32, #tpu.memory_space<vmem>>
    %dma_start3A_110 = tpu.memref_squeeze %dma_start3A_109 : memref<1x16x128xf32, #tpu.memory_space<vmem>> -> memref<16x128xf32, #tpu.memory_space<vmem>>
    %dma_start3A_111 = arith.constant 0 : i32
    %dma_start3A_112 = tpu.memref_slice %arg4[%dma_start3A_111, %multiple_of3A_105] : memref<16x1000000xf32, #tpu.memory_space<hbm>> -> memref<16x128xf32, #tpu.memory_space<hbm>>
    %dma_start3A_113 = arith.constant 0 : i32
    %dma_start3A_114 = arith.constant 0 : i32
    %dma_start3A_115 = tpu.memref_slice %arg14[%dma_start3A_106, %dma_start3A_113, %dma_start3A_114] : memref<16x16x128xf32, #tpu.memory_space<vmem>> -> memref<1x16x128xf32, #tpu.memory_space<vmem>>
    %dma_start3A_116 = tpu.memref_squeeze %dma_start3A_115 : memref<1x16x128xf32, #tpu.memory_space<vmem>> -> memref<16x128xf32, #tpu.memory_space<vmem>>
    %dma_start3A_117 = arith.constant 0 : i32
    %dma_start3A_118 = tpu.memref_slice %arg4[%dma_start3A_117, %multiple_of3A_105] : memref<16x1000000xf32, #tpu.memory_space<hbm>> -> memref<16x128xf32, #tpu.memory_space<hbm>>
    tpu.enqueue_dma source(%dma_start3A_118 : memref<16x128xf32, #tpu.memory_space<hbm>>) target(%dma_start3A_116 : memref<16x128xf32, #tpu.memory_space<vmem>>) target_semaphore(%arg22 : memref<!tpu.dma_semaphore, #tpu.memory_space<semaphore_mem>>)
    %slice3A_119 = vector.extract_strided_slice %get3A_9 {offsets = [6], sizes = [1], strides = [1]} : vector<16xi32> to vector<1xi32>
    %squeeze3A_120 = vector.extract %slice3A_119[0] : i32 from vector<1xi32>
    %rem3A_121 = arith.constant 128 : i32
    %rem3A_122 = arith.remsi %squeeze3A_120, %rem3A_121 : i32
    %sub3A_123 = arith.subi %squeeze3A_120, %rem3A_122 : i32
    %multiple_of3A_124 = tpu.assume_multiple %sub3A_123, 128 : i32
    %dma_start3A_125 = arith.constant 6 : i32
    %dma_start3A_126 = arith.constant 0 : i32
    %dma_start3A_127 = arith.constant 0 : i32
    %dma_start3A_128 = tpu.memref_slice %arg14[%dma_start3A_125, %dma_start3A_126, %dma_start3A_127] : memref<16x16x128xf32, #tpu.memory_space<vmem>> -> memref<1x16x128xf32, #tpu.memory_space<vmem>>
    %dma_start3A_129 = tpu.memref_squeeze %dma_start3A_128 : memref<1x16x128xf32, #tpu.memory_space<vmem>> -> memref<16x128xf32, #tpu.memory_space<vmem>>
    %dma_start3A_130 = arith.constant 0 : i32
    %dma_start3A_131 = tpu.memref_slice %arg4[%dma_start3A_130, %multiple_of3A_124] : memref<16x1000000xf32, #tpu.memory_space<hbm>> -> memref<16x128xf32, #tpu.memory_space<hbm>>
    %dma_start3A_132 = arith.constant 0 : i32
    %dma_start3A_133 = arith.constant 0 : i32
    %dma_start3A_134 = tpu.memref_slice %arg14[%dma_start3A_125, %dma_start3A_132, %dma_start3A_133] : memref<16x16x128xf32, #tpu.memory_space<vmem>> -> memref<1x16x128xf32, #tpu.memory_space<vmem>>
    %dma_start3A_135 = tpu.memref_squeeze %dma_start3A_134 : memref<1x16x128xf32, #tpu.memory_space<vmem>> -> memref<16x128xf32, #tpu.memory_space<vmem>>
    %dma_start3A_136 = arith.constant 0 : i32
    %dma_start3A_137 = tpu.memref_slice %arg4[%dma_start3A_136, %multiple_of3A_124] : memref<16x1000000xf32, #tpu.memory_space<hbm>> -> memref<16x128xf32, #tpu.memory_space<hbm>>
    tpu.enqueue_dma source(%dma_start3A_137 : memref<16x128xf32, #tpu.memory_space<hbm>>) target(%dma_start3A_135 : memref<16x128xf32, #tpu.memory_space<vmem>>) target_semaphore(%arg22 : memref<!tpu.dma_semaphore, #tpu.memory_space<semaphore_mem>>)
    %slice3A_138 = vector.extract_strided_slice %get3A_9 {offsets = [7], sizes = [1], strides = [1]} : vector<16xi32> to vector<1xi32>
    %squeeze3A_139 = vector.extract %slice3A_138[0] : i32 from vector<1xi32>
    %rem3A_140 = arith.constant 128 : i32
    %rem3A_141 = arith.remsi %squeeze3A_139, %rem3A_140 : i32
    %sub3A_142 = arith.subi %squeeze3A_139, %rem3A_141 : i32
    %multiple_of3A_143 = tpu.assume_multiple %sub3A_142, 128 : i32
    %dma_start3A_144 = arith.constant 7 : i32
    %dma_start3A_145 = arith.constant 0 : i32
    %dma_start3A_146 = arith.constant 0 : i32
    %dma_start3A_147 = tpu.memref_slice %arg14[%dma_start3A_144, %dma_start3A_145, %dma_start3A_146] : memref<16x16x128xf32, #tpu.memory_space<vmem>> -> memref<1x16x128xf32, #tpu.memory_space<vmem>>
    %dma_start3A_148 = tpu.memref_squeeze %dma_start3A_147 : memref<1x16x128xf32, #tpu.memory_space<vmem>> -> memref<16x128xf32, #tpu.memory_space<vmem>>
    %dma_start3A_149 = arith.constant 0 : i32
    %dma_start3A_150 = tpu.memref_slice %arg4[%dma_start3A_149, %multiple_of3A_143] : memref<16x1000000xf32, #tpu.memory_space<hbm>> -> memref<16x128xf32, #tpu.memory_space<hbm>>
    %dma_start3A_151 = arith.constant 0 : i32
    %dma_start3A_152 = arith.constant 0 : i32
    %dma_start3A_153 = tpu.memref_slice %arg14[%dma_start3A_144, %dma_start3A_151, %dma_start3A_152] : memref<16x16x128xf32, #tpu.memory_space<vmem>> -> memref<1x16x128xf32, #tpu.memory_space<vmem>>
    %dma_start3A_154 = tpu.memref_squeeze %dma_start3A_153 : memref<1x16x128xf32, #tpu.memory_space<vmem>> -> memref<16x128xf32, #tpu.memory_space<vmem>>
    %dma_start3A_155 = arith.constant 0 : i32
    %dma_start3A_156 = tpu.memref_slice %arg4[%dma_start3A_155, %multiple_of3A_143] : memref<16x1000000xf32, #tpu.memory_space<hbm>> -> memref<16x128xf32, #tpu.memory_space<hbm>>
    tpu.enqueue_dma source(%dma_start3A_156 : memref<16x128xf32, #tpu.memory_space<hbm>>) target(%dma_start3A_154 : memref<16x128xf32, #tpu.memory_space<vmem>>) target_semaphore(%arg22 : memref<!tpu.dma_semaphore, #tpu.memory_space<semaphore_mem>>)
    %slice3A_157 = vector.extract_strided_slice %get3A_9 {offsets = [8], sizes = [1], strides = [1]} : vector<16xi32> to vector<1xi32>
    %squeeze3A_158 = vector.extract %slice3A_157[0] : i32 from vector<1xi32>
    %rem3A_159 = arith.constant 128 : i32
    %rem3A_160 = arith.remsi %squeeze3A_158, %rem3A_159 : i32
    %sub3A_161 = arith.subi %squeeze3A_158, %rem3A_160 : i32
    %multiple_of3A_162 = tpu.assume_multiple %sub3A_161, 128 : i32
    %dma_start3A_163 = arith.constant 8 : i32
    %dma_start3A_164 = arith.constant 0 : i32
    %dma_start3A_165 = arith.constant 0 : i32
    %dma_start3A_166 = tpu.memref_slice %arg14[%dma_start3A_163, %dma_start3A_164, %dma_start3A_165] : memref<16x16x128xf32, #tpu.memory_space<vmem>> -> memref<1x16x128xf32, #tpu.memory_space<vmem>>
    %dma_start3A_167 = tpu.memref_squeeze %dma_start3A_166 : memref<1x16x128xf32, #tpu.memory_space<vmem>> -> memref<16x128xf32, #tpu.memory_space<vmem>>
    %dma_start3A_168 = arith.constant 0 : i32
    %dma_start3A_169 = tpu.memref_slice %arg4[%dma_start3A_168, %multiple_of3A_162] : memref<16x1000000xf32, #tpu.memory_space<hbm>> -> memref<16x128xf32, #tpu.memory_space<hbm>>
    %dma_start3A_170 = arith.constant 0 : i32
    %dma_start3A_171 = arith.constant 0 : i32
    %dma_start3A_172 = tpu.memref_slice %arg14[%dma_start3A_163, %dma_start3A_170, %dma_start3A_171] : memref<16x16x128xf32, #tpu.memory_space<vmem>> -> memref<1x16x128xf32, #tpu.memory_space<vmem>>
    %dma_start3A_173 = tpu.memref_squeeze %dma_start3A_172 : memref<1x16x128xf32, #tpu.memory_space<vmem>> -> memref<16x128xf32, #tpu.memory_space<vmem>>
    %dma_start3A_174 = arith.constant 0 : i32
    %dma_start3A_175 = tpu.memref_slice %arg4[%dma_start3A_174, %multiple_of3A_162] : memref<16x1000000xf32, #tpu.memory_space<hbm>> -> memref<16x128xf32, #tpu.memory_space<hbm>>
    tpu.enqueue_dma source(%dma_start3A_175 : memref<16x128xf32, #tpu.memory_space<hbm>>) target(%dma_start3A_173 : memref<16x128xf32, #tpu.memory_space<vmem>>) target_semaphore(%arg22 : memref<!tpu.dma_semaphore, #tpu.memory_space<semaphore_mem>>)
    %slice3A_176 = vector.extract_strided_slice %get3A_9 {offsets = [9], sizes = [1], strides = [1]} : vector<16xi32> to vector<1xi32>
    %squeeze3A_177 = vector.extract %slice3A_176[0] : i32 from vector<1xi32>
    %rem3A_178 = arith.constant 128 : i32
    %rem3A_179 = arith.remsi %squeeze3A_177, %rem3A_178 : i32
    %sub3A_180 = arith.subi %squeeze3A_177, %rem3A_179 : i32
    %multiple_of3A_181 = tpu.assume_multiple %sub3A_180, 128 : i32
    %dma_start3A_182 = arith.constant 9 : i32
    %dma_start3A_183 = arith.constant 0 : i32
    %dma_start3A_184 = arith.constant 0 : i32
    %dma_start3A_185 = tpu.memref_slice %arg14[%dma_start3A_182, %dma_start3A_183, %dma_start3A_184] : memref<16x16x128xf32, #tpu.memory_space<vmem>> -> memref<1x16x128xf32, #tpu.memory_space<vmem>>
    %dma_start3A_186 = tpu.memref_squeeze %dma_start3A_185 : memref<1x16x128xf32, #tpu.memory_space<vmem>> -> memref<16x128xf32, #tpu.memory_space<vmem>>
    %dma_start3A_187 = arith.constant 0 : i32
    %dma_start3A_188 = tpu.memref_slice %arg4[%dma_start3A_187, %multiple_of3A_181] : memref<16x1000000xf32, #tpu.memory_space<hbm>> -> memref<16x128xf32, #tpu.memory_space<hbm>>
    %dma_start3A_189 = arith.constant 0 : i32
    %dma_start3A_190 = arith.constant 0 : i32
    %dma_start3A_191 = tpu.memref_slice %arg14[%dma_start3A_182, %dma_start3A_189, %dma_start3A_190] : memref<16x16x128xf32, #tpu.memory_space<vmem>> -> memref<1x16x128xf32, #tpu.memory_space<vmem>>
    %dma_start3A_192 = tpu.memref_squeeze %dma_start3A_191 : memref<1x16x128xf32, #tpu.memory_space<vmem>> -> memref<16x128xf32, #tpu.memory_space<vmem>>
    %dma_start3A_193 = arith.constant 0 : i32
    %dma_start3A_194 = tpu.memref_slice %arg4[%dma_start3A_193, %multiple_of3A_181] : memref<16x1000000xf32, #tpu.memory_space<hbm>> -> memref<16x128xf32, #tpu.memory_space<hbm>>
    tpu.enqueue_dma source(%dma_start3A_194 : memref<16x128xf32, #tpu.memory_space<hbm>>) target(%dma_start3A_192 : memref<16x128xf32, #tpu.memory_space<vmem>>) target_semaphore(%arg22 : memref<!tpu.dma_semaphore, #tpu.memory_space<semaphore_mem>>)
    %slice3A_195 = vector.extract_strided_slice %get3A_9 {offsets = [10], sizes = [1], strides = [1]} : vector<16xi32> to vector<1xi32>
    %squeeze3A_196 = vector.extract %slice3A_195[0] : i32 from vector<1xi32>
    %rem3A_197 = arith.constant 128 : i32
    %rem3A_198 = arith.remsi %squeeze3A_196, %rem3A_197 : i32
    %sub3A_199 = arith.subi %squeeze3A_196, %rem3A_198 : i32
    %multiple_of3A_200 = tpu.assume_multiple %sub3A_199, 128 : i32
    %dma_start3A_201 = arith.constant 10 : i32
    %dma_start3A_202 = arith.constant 0 : i32
    %dma_start3A_203 = arith.constant 0 : i32
    %dma_start3A_204 = tpu.memref_slice %arg14[%dma_start3A_201, %dma_start3A_202, %dma_start3A_203] : memref<16x16x128xf32, #tpu.memory_space<vmem>> -> memref<1x16x128xf32, #tpu.memory_space<vmem>>
    %dma_start3A_205 = tpu.memref_squeeze %dma_start3A_204 : memref<1x16x128xf32, #tpu.memory_space<vmem>> -> memref<16x128xf32, #tpu.memory_space<vmem>>
    %dma_start3A_206 = arith.constant 0 : i32
    %dma_start3A_207 = tpu.memref_slice %arg4[%dma_start3A_206, %multiple_of3A_200] : memref<16x1000000xf32, #tpu.memory_space<hbm>> -> memref<16x128xf32, #tpu.memory_space<hbm>>
    %dma_start3A_208 = arith.constant 0 : i32
    %dma_start3A_209 = arith.constant 0 : i32
    %dma_start3A_210 = tpu.memref_slice %arg14[%dma_start3A_201, %dma_start3A_208, %dma_start3A_209] : memref<16x16x128xf32, #tpu.memory_space<vmem>> -> memref<1x16x128xf32, #tpu.memory_space<vmem>>
    %dma_start3A_211 = tpu.memref_squeeze %dma_start3A_210 : memref<1x16x128xf32, #tpu.memory_space<vmem>> -> memref<16x128xf32, #tpu.memory_space<vmem>>
    %dma_start3A_212 = arith.constant 0 : i32
    %dma_start3A_213 = tpu.memref_slice %arg4[%dma_start3A_212, %multiple_of3A_200] : memref<16x1000000xf32, #tpu.memory_space<hbm>> -> memref<16x128xf32, #tpu.memory_space<hbm>>
    tpu.enqueue_dma source(%dma_start3A_213 : memref<16x128xf32, #tpu.memory_space<hbm>>) target(%dma_start3A_211 : memref<16x128xf32, #tpu.memory_space<vmem>>) target_semaphore(%arg22 : memref<!tpu.dma_semaphore, #tpu.memory_space<semaphore_mem>>)
    %slice3A_214 = vector.extract_strided_slice %get3A_9 {offsets = [11], sizes = [1], strides = [1]} : vector<16xi32> to vector<1xi32>
    %squeeze3A_215 = vector.extract %slice3A_214[0] : i32 from vector<1xi32>
    %rem3A_216 = arith.constant 128 : i32
    %rem3A_217 = arith.remsi %squeeze3A_215, %rem3A_216 : i32
    %sub3A_218 = arith.subi %squeeze3A_215, %rem3A_217 : i32
    %multiple_of3A_219 = tpu.assume_multiple %sub3A_218, 128 : i32
    %dma_start3A_220 = arith.constant 11 : i32
    %dma_start3A_221 = arith.constant 0 : i32
    %dma_start3A_222 = arith.constant 0 : i32
    %dma_start3A_223 = tpu.memref_slice %arg14[%dma_start3A_220, %dma_start3A_221, %dma_start3A_222] : memref<16x16x128xf32, #tpu.memory_space<vmem>> -> memref<1x16x128xf32, #tpu.memory_space<vmem>>
    %dma_start3A_224 = tpu.memref_squeeze %dma_start3A_223 : memref<1x16x128xf32, #tpu.memory_space<vmem>> -> memref<16x128xf32, #tpu.memory_space<vmem>>
    %dma_start3A_225 = arith.constant 0 : i32
    %dma_start3A_226 = tpu.memref_slice %arg4[%dma_start3A_225, %multiple_of3A_219] : memref<16x1000000xf32, #tpu.memory_space<hbm>> -> memref<16x128xf32, #tpu.memory_space<hbm>>
    %dma_start3A_227 = arith.constant 0 : i32
    %dma_start3A_228 = arith.constant 0 : i32
    %dma_start3A_229 = tpu.memref_slice %arg14[%dma_start3A_220, %dma_start3A_227, %dma_start3A_228] : memref<16x16x128xf32, #tpu.memory_space<vmem>> -> memref<1x16x128xf32, #tpu.memory_space<vmem>>
    %dma_start3A_230 = tpu.memref_squeeze %dma_start3A_229 : memref<1x16x128xf32, #tpu.memory_space<vmem>> -> memref<16x128xf32, #tpu.memory_space<vmem>>
    %dma_start3A_231 = arith.constant 0 : i32
    %dma_start3A_232 = tpu.memref_slice %arg4[%dma_start3A_231, %multiple_of3A_219] : memref<16x1000000xf32, #tpu.memory_space<hbm>> -> memref<16x128xf32, #tpu.memory_space<hbm>>
    tpu.enqueue_dma source(%dma_start3A_232 : memref<16x128xf32, #tpu.memory_space<hbm>>) target(%dma_start3A_230 : memref<16x128xf32, #tpu.memory_space<vmem>>) target_semaphore(%arg22 : memref<!tpu.dma_semaphore, #tpu.memory_space<semaphore_mem>>)
    %slice3A_233 = vector.extract_strided_slice %get3A_9 {offsets = [12], sizes = [1], strides = [1]} : vector<16xi32> to vector<1xi32>
    %squeeze3A_234 = vector.extract %slice3A_233[0] : i32 from vector<1xi32>
    %rem3A_235 = arith.constant 128 : i32
    %rem3A_236 = arith.remsi %squeeze3A_234, %rem3A_235 : i32
    %sub3A_237 = arith.subi %squeeze3A_234, %rem3A_236 : i32
    %multiple_of3A_238 = tpu.assume_multiple %sub3A_237, 128 : i32
    %dma_start3A_239 = arith.constant 12 : i32
    %dma_start3A_240 = arith.constant 0 : i32
    %dma_start3A_241 = arith.constant 0 : i32
    %dma_start3A_242 = tpu.memref_slice %arg14[%dma_start3A_239, %dma_start3A_240, %dma_start3A_241] : memref<16x16x128xf32, #tpu.memory_space<vmem>> -> memref<1x16x128xf32, #tpu.memory_space<vmem>>
    %dma_start3A_243 = tpu.memref_squeeze %dma_start3A_242 : memref<1x16x128xf32, #tpu.memory_space<vmem>> -> memref<16x128xf32, #tpu.memory_space<vmem>>
    %dma_start3A_244 = arith.constant 0 : i32
    %dma_start3A_245 = tpu.memref_slice %arg4[%dma_start3A_244, %multiple_of3A_238] : memref<16x1000000xf32, #tpu.memory_space<hbm>> -> memref<16x128xf32, #tpu.memory_space<hbm>>
    %dma_start3A_246 = arith.constant 0 : i32
    %dma_start3A_247 = arith.constant 0 : i32
    %dma_start3A_248 = tpu.memref_slice %arg14[%dma_start3A_239, %dma_start3A_246, %dma_start3A_247] : memref<16x16x128xf32, #tpu.memory_space<vmem>> -> memref<1x16x128xf32, #tpu.memory_space<vmem>>
    %dma_start3A_249 = tpu.memref_squeeze %dma_start3A_248 : memref<1x16x128xf32, #tpu.memory_space<vmem>> -> memref<16x128xf32, #tpu.memory_space<vmem>>
    %dma_start3A_250 = arith.constant 0 : i32
    %dma_start3A_251 = tpu.memref_slice %arg4[%dma_start3A_250, %multiple_of3A_238] : memref<16x1000000xf32, #tpu.memory_space<hbm>> -> memref<16x128xf32, #tpu.memory_space<hbm>>
    tpu.enqueue_dma source(%dma_start3A_251 : memref<16x128xf32, #tpu.memory_space<hbm>>) target(%dma_start3A_249 : memref<16x128xf32, #tpu.memory_space<vmem>>) target_semaphore(%arg22 : memref<!tpu.dma_semaphore, #tpu.memory_space<semaphore_mem>>)
    %slice3A_252 = vector.extract_strided_slice %get3A_9 {offsets = [13], sizes = [1], strides = [1]} : vector<16xi32> to vector<1xi32>
    %squeeze3A_253 = vector.extract %slice3A_252[0] : i32 from vector<1xi32>
    %rem3A_254 = arith.constant 128 : i32
    %rem3A_255 = arith.remsi %squeeze3A_253, %rem3A_254 : i32
    %sub3A_256 = arith.subi %squeeze3A_253, %rem3A_255 : i32
    %multiple_of3A_257 = tpu.assume_multiple %sub3A_256, 128 : i32
    %dma_start3A_258 = arith.constant 13 : i32
    %dma_start3A_259 = arith.constant 0 : i32
    %dma_start3A_260 = arith.constant 0 : i32
    %dma_start3A_261 = tpu.memref_slice %arg14[%dma_start3A_258, %dma_start3A_259, %dma_start3A_260] : memref<16x16x128xf32, #tpu.memory_space<vmem>> -> memref<1x16x128xf32, #tpu.memory_space<vmem>>
    %dma_start3A_262 = tpu.memref_squeeze %dma_start3A_261 : memref<1x16x128xf32, #tpu.memory_space<vmem>> -> memref<16x128xf32, #tpu.memory_space<vmem>>
    %dma_start3A_263 = arith.constant 0 : i32
    %dma_start3A_264 = tpu.memref_slice %arg4[%dma_start3A_263, %multiple_of3A_257] : memref<16x1000000xf32, #tpu.memory_space<hbm>> -> memref<16x128xf32, #tpu.memory_space<hbm>>
    %dma_start3A_265 = arith.constant 0 : i32
    %dma_start3A_266 = arith.constant 0 : i32
    %dma_start3A_267 = tpu.memref_slice %arg14[%dma_start3A_258, %dma_start3A_265, %dma_start3A_266] : memref<16x16x128xf32, #tpu.memory_space<vmem>> -> memref<1x16x128xf32, #tpu.memory_space<vmem>>
    %dma_start3A_268 = tpu.memref_squeeze %dma_start3A_267 : memref<1x16x128xf32, #tpu.memory_space<vmem>> -> memref<16x128xf32, #tpu.memory_space<vmem>>
    %dma_start3A_269 = arith.constant 0 : i32
    %dma_start3A_270 = tpu.memref_slice %arg4[%dma_start3A_269, %multiple_of3A_257] : memref<16x1000000xf32, #tpu.memory_space<hbm>> -> memref<16x128xf32, #tpu.memory_space<hbm>>
    tpu.enqueue_dma source(%dma_start3A_270 : memref<16x128xf32, #tpu.memory_space<hbm>>) target(%dma_start3A_268 : memref<16x128xf32, #tpu.memory_space<vmem>>) target_semaphore(%arg22 : memref<!tpu.dma_semaphore, #tpu.memory_space<semaphore_mem>>)
    %slice3A_271 = vector.extract_strided_slice %get3A_9 {offsets = [14], sizes = [1], strides = [1]} : vector<16xi32> to vector<1xi32>
    %squeeze3A_272 = vector.extract %slice3A_271[0] : i32 from vector<1xi32>
    %rem3A_273 = arith.constant 128 : i32
    %rem3A_274 = arith.remsi %squeeze3A_272, %rem3A_273 : i32
    %sub3A_275 = arith.subi %squeeze3A_272, %rem3A_274 : i32
    %multiple_of3A_276 = tpu.assume_multiple %sub3A_275, 128 : i32
    %dma_start3A_277 = arith.constant 14 : i32
    %dma_start3A_278 = arith.constant 0 : i32
    %dma_start3A_279 = arith.constant 0 : i32
    %dma_start3A_280 = tpu.memref_slice %arg14[%dma_start3A_277, %dma_start3A_278, %dma_start3A_279] : memref<16x16x128xf32, #tpu.memory_space<vmem>> -> memref<1x16x128xf32, #tpu.memory_space<vmem>>
    %dma_start3A_281 = tpu.memref_squeeze %dma_start3A_280 : memref<1x16x128xf32, #tpu.memory_space<vmem>> -> memref<16x128xf32, #tpu.memory_space<vmem>>
    %dma_start3A_282 = arith.constant 0 : i32
    %dma_start3A_283 = tpu.memref_slice %arg4[%dma_start3A_282, %multiple_of3A_276] : memref<16x1000000xf32, #tpu.memory_space<hbm>> -> memref<16x128xf32, #tpu.memory_space<hbm>>
    %dma_start3A_284 = arith.constant 0 : i32
    %dma_start3A_285 = arith.constant 0 : i32
    %dma_start3A_286 = tpu.memref_slice %arg14[%dma_start3A_277, %dma_start3A_284, %dma_start3A_285] : memref<16x16x128xf32, #tpu.memory_space<vmem>> -> memref<1x16x128xf32, #tpu.memory_space<vmem>>
    %dma_start3A_287 = tpu.memref_squeeze %dma_start3A_286 : memref<1x16x128xf32, #tpu.memory_space<vmem>> -> memref<16x128xf32, #tpu.memory_space<vmem>>
    %dma_start3A_288 = arith.constant 0 : i32
    %dma_start3A_289 = tpu.memref_slice %arg4[%dma_start3A_288, %multiple_of3A_276] : memref<16x1000000xf32, #tpu.memory_space<hbm>> -> memref<16x128xf32, #tpu.memory_space<hbm>>
    tpu.enqueue_dma source(%dma_start3A_289 : memref<16x128xf32, #tpu.memory_space<hbm>>) target(%dma_start3A_287 : memref<16x128xf32, #tpu.memory_space<vmem>>) target_semaphore(%arg22 : memref<!tpu.dma_semaphore, #tpu.memory_space<semaphore_mem>>)
    %slice3A_290 = vector.extract_strided_slice %get3A_9 {offsets = [15], sizes = [1], strides = [1]} : vector<16xi32> to vector<1xi32>
    %squeeze3A_291 = vector.extract %slice3A_290[0] : i32 from vector<1xi32>
    %rem3A_292 = arith.constant 128 : i32
    %rem3A_293 = arith.remsi %squeeze3A_291, %rem3A_292 : i32
    %sub3A_294 = arith.subi %squeeze3A_291, %rem3A_293 : i32
    %multiple_of3A_295 = tpu.assume_multiple %sub3A_294, 128 : i32
    %dma_start3A_296 = arith.constant 15 : i32
    %dma_start3A_297 = arith.constant 0 : i32
    %dma_start3A_298 = arith.constant 0 : i32
    %dma_start3A_299 = tpu.memref_slice %arg14[%dma_start3A_296, %dma_start3A_297, %dma_start3A_298] : memref<16x16x128xf32, #tpu.memory_space<vmem>> -> memref<1x16x128xf32, #tpu.memory_space<vmem>>
    %dma_start3A_300 = tpu.memref_squeeze %dma_start3A_299 : memref<1x16x128xf32, #tpu.memory_space<vmem>> -> memref<16x128xf32, #tpu.memory_space<vmem>>
    %dma_start3A_301 = arith.constant 0 : i32
    %dma_start3A_302 = tpu.memref_slice %arg4[%dma_start3A_301, %multiple_of3A_295] : memref<16x1000000xf32, #tpu.memory_space<hbm>> -> memref<16x128xf32, #tpu.memory_space<hbm>>
    %dma_start3A_303 = arith.constant 0 : i32
    %dma_start3A_304 = arith.constant 0 : i32
    %dma_start3A_305 = tpu.memref_slice %arg14[%dma_start3A_296, %dma_start3A_303, %dma_start3A_304] : memref<16x16x128xf32, #tpu.memory_space<vmem>> -> memref<1x16x128xf32, #tpu.memory_space<vmem>>
    %dma_start3A_306 = tpu.memref_squeeze %dma_start3A_305 : memref<1x16x128xf32, #tpu.memory_space<vmem>> -> memref<16x128xf32, #tpu.memory_space<vmem>>
    %dma_start3A_307 = arith.constant 0 : i32
    %dma_start3A_308 = tpu.memref_slice %arg4[%dma_start3A_307, %multiple_of3A_295] : memref<16x1000000xf32, #tpu.memory_space<hbm>> -> memref<16x128xf32, #tpu.memory_space<hbm>>
    tpu.enqueue_dma source(%dma_start3A_308 : memref<16x128xf32, #tpu.memory_space<hbm>>) target(%dma_start3A_306 : memref<16x128xf32, #tpu.memory_space<vmem>>) target_semaphore(%arg22 : memref<!tpu.dma_semaphore, #tpu.memory_space<semaphore_mem>>)
    %get3A_309 = arith.constant 16 : index
    %get3A_310 = tpu.vector_load %arg12[%get3A_309] {strides = array<i32>} : memref<32xi32, #tpu.memory_space<vmem>>, vector<16xi32>,
    %slice3A_311 = vector.extract_strided_slice %get3A_310 {offsets = [0], sizes = [1], strides = [1]} : vector<16xi32> to vector<1xi32>
    %squeeze3A_312 = vector.extract %slice3A_311[0] : i32 from vector<1xi32>
    %rem3A_313 = arith.constant 128 : i32
    %rem3A_314 = arith.remsi %squeeze3A_312, %rem3A_313 : i32
    %sub3A_315 = arith.subi %squeeze3A_312, %rem3A_314 : i32
    %multiple_of3A_316 = tpu.assume_multiple %sub3A_315, 128 : i32
    %dma_start3A_317 = arith.constant 0 : i32
    %dma_start3A_318 = arith.constant 0 : i32
    %dma_start3A_319 = arith.constant 0 : i32
    %dma_start3A_320 = tpu.memref_slice %arg15[%dma_start3A_317, %dma_start3A_318, %dma_start3A_319] : memref<16x16x128xf32, #tpu.memory_space<vmem>> -> memref<1x16x128xf32, #tpu.memory_space<vmem>>
    %dma_start3A_321 = tpu.memref_squeeze %dma_start3A_320 : memref<1x16x128xf32, #tpu.memory_space<vmem>> -> memref<16x128xf32, #tpu.memory_space<vmem>>
    %dma_start3A_322 = arith.constant 0 : i32
    %dma_start3A_323 = tpu.memref_slice %arg4[%dma_start3A_322, %multiple_of3A_316] : memref<16x1000000xf32, #tpu.memory_space<hbm>> -> memref<16x128xf32, #tpu.memory_space<hbm>>
    %dma_start3A_324 = arith.constant 0 : i32
    %dma_start3A_325 = arith.constant 0 : i32
    %dma_start3A_326 = tpu.memref_slice %arg15[%dma_start3A_317, %dma_start3A_324, %dma_start3A_325] : memref<16x16x128xf32, #tpu.memory_space<vmem>> -> memref<1x16x128xf32, #tpu.memory_space<vmem>>
    %dma_start3A_327 = tpu.memref_squeeze %dma_start3A_326 : memref<1x16x128xf32, #tpu.memory_space<vmem>> -> memref<16x128xf32, #tpu.memory_space<vmem>>
    %dma_start3A_328 = arith.constant 0 : i32
    %dma_start3A_329 = tpu.memref_slice %arg4[%dma_start3A_328, %multiple_of3A_316] : memref<16x1000000xf32, #tpu.memory_space<hbm>> -> memref<16x128xf32, #tpu.memory_space<hbm>>
    tpu.enqueue_dma source(%dma_start3A_329 : memref<16x128xf32, #tpu.memory_space<hbm>>) target(%dma_start3A_327 : memref<16x128xf32, #tpu.memory_space<vmem>>) target_semaphore(%arg23 : memref<!tpu.dma_semaphore, #tpu.memory_space<semaphore_mem>>)
    %slice3A_330 = vector.extract_strided_slice %get3A_310 {offsets = [1], sizes = [1], strides = [1]} : vector<16xi32> to vector<1xi32>
    %squeeze3A_331 = vector.extract %slice3A_330[0] : i32 from vector<1xi32>
    %rem3A_332 = arith.constant 128 : i32
    %rem3A_333 = arith.remsi %squeeze3A_331, %rem3A_332 : i32
    %sub3A_334 = arith.subi %squeeze3A_331, %rem3A_333 : i32
    %multiple_of3A_335 = tpu.assume_multiple %sub3A_334, 128 : i32
    %dma_start3A_336 = arith.constant 1 : i32
    %dma_start3A_337 = arith.constant 0 : i32
    %dma_start3A_338 = arith.constant 0 : i32
    %dma_start3A_339 = tpu.memref_slice %arg15[%dma_start3A_336, %dma_start3A_337, %dma_start3A_338] : memref<16x16x128xf32, #tpu.memory_space<vmem>> -> memref<1x16x128xf32, #tpu.memory_space<vmem>>
    %dma_start3A_340 = tpu.memref_squeeze %dma_start3A_339 : memref<1x16x128xf32, #tpu.memory_space<vmem>> -> memref<16x128xf32, #tpu.memory_space<vmem>>
    %dma_start3A_341 = arith.constant 0 : i32
    %dma_start3A_342 = tpu.memref_slice %arg4[%dma_start3A_341, %multiple_of3A_335] : memref<16x1000000xf32, #tpu.memory_space<hbm>> -> memref<16x128xf32, #tpu.memory_space<hbm>>
    %dma_start3A_343 = arith.constant 0 : i32
    %dma_start3A_344 = arith.constant 0 : i32
    %dma_start3A_345 = tpu.memref_slice %arg15[%dma_start3A_336, %dma_start3A_343, %dma_start3A_344] : memref<16x16x128xf32, #tpu.memory_space<vmem>> -> memref<1x16x128xf32, #tpu.memory_space<vmem>>
    %dma_start3A_346 = tpu.memref_squeeze %dma_start3A_345 : memref<1x16x128xf32, #tpu.memory_space<vmem>> -> memref<16x128xf32, #tpu.memory_space<vmem>>
    %dma_start3A_347 = arith.constant 0 : i32
    %dma_start3A_348 = tpu.memref_slice %arg4[%dma_start3A_347, %multiple_of3A_335] : memref<16x1000000xf32, #tpu.memory_space<hbm>> -> memref<16x128xf32, #tpu.memory_space<hbm>>
    tpu.enqueue_dma source(%dma_start3A_348 : memref<16x128xf32, #tpu.memory_space<hbm>>) target(%dma_start3A_346 : memref<16x128xf32, #tpu.memory_space<vmem>>) target_semaphore(%arg23 : memref<!tpu.dma_semaphore, #tpu.memory_space<semaphore_mem>>)
    %slice3A_349 = vector.extract_strided_slice %get3A_310 {offsets = [2], sizes = [1], strides = [1]} : vector<16xi32> to vector<1xi32>
    %squeeze3A_350 = vector.extract %slice3A_349[0] : i32 from vector<1xi32>
    %rem3A_351 = arith.constant 128 : i32
    %rem3A_352 = arith.remsi %squeeze3A_350, %rem3A_351 : i32
    %sub3A_353 = arith.subi %squeeze3A_350, %rem3A_352 : i32
    %multiple_of3A_354 = tpu.assume_multiple %sub3A_353, 128 : i32
    %dma_start3A_355 = arith.constant 2 : i32
    %dma_start3A_356 = arith.constant 0 : i32
    %dma_start3A_357 = arith.constant 0 : i32
    %dma_start3A_358 = tpu.memref_slice %arg15[%dma_start3A_355, %dma_start3A_356, %dma_start3A_357] : memref<16x16x128xf32, #tpu.memory_space<vmem>> -> memref<1x16x128xf32, #tpu.memory_space<vmem>>
    %dma_start3A_359 = tpu.memref_squeeze %dma_start3A_358 : memref<1x16x128xf32, #tpu.memory_space<vmem>> -> memref<16x128xf32, #tpu.memory_space<vmem>>
    %dma_start3A_360 = arith.constant 0 : i32
    %dma_start3A_361 = tpu.memref_slice %arg4[%dma_start3A_360, %multiple_of3A_354] : memref<16x1000000xf32, #tpu.memory_space<hbm>> -> memref<16x128xf32, #tpu.memory_space<hbm>>
    %dma_start3A_362 = arith.constant 0 : i32
    %dma_start3A_363 = arith.constant 0 : i32
    %dma_start3A_364 = tpu.memref_slice %arg15[%dma_start3A_355, %dma_start3A_362, %dma_start3A_363] : memref<16x16x128xf32, #tpu.memory_space<vmem>> -> memref<1x16x128xf32, #tpu.memory_space<vmem>>
    %dma_start3A_365 = tpu.memref_squeeze %dma_start3A_364 : memref<1x16x128xf32, #tpu.memory_space<vmem>> -> memref<16x128xf32, #tpu.memory_space<vmem>>
    %dma_start3A_366 = arith.constant 0 : i32
    %dma_start3A_367 = tpu.memref_slice %arg4[%dma_start3A_366, %multiple_of3A_354] : memref<16x1000000xf32, #tpu.memory_space<hbm>> -> memref<16x128xf32, #tpu.memory_space<hbm>>
    tpu.enqueue_dma source(%dma_start3A_367 : memref<16x128xf32, #tpu.memory_space<hbm>>) target(%dma_start3A_365 : memref<16x128xf32, #tpu.memory_space<vmem>>) target_semaphore(%arg23 : memref<!tpu.dma_semaphore, #tpu.memory_space<semaphore_mem>>)
    %slice3A_368 = vector.extract_strided_slice %get3A_310 {offsets = [3], sizes = [1], strides = [1]} : vector<16xi32> to vector<1xi32>
    %squeeze3A_369 = vector.extract %slice3A_368[0] : i32 from vector<1xi32>
    %rem3A_370 = arith.constant 128 : i32
    %rem3A_371 = arith.remsi %squeeze3A_369, %rem3A_370 : i32
    %sub3A_372 = arith.subi %squeeze3A_369, %rem3A_371 : i32
    %multiple_of3A_373 = tpu.assume_multiple %sub3A_372, 128 : i32
    %dma_start3A_374 = arith.constant 3 : i32
    %dma_start3A_375 = arith.constant 0 : i32
    %dma_start3A_376 = arith.constant 0 : i32
    %dma_start3A_377 = tpu.memref_slice %arg15[%dma_start3A_374, %dma_start3A_375, %dma_start3A_376] : memref<16x16x128xf32, #tpu.memory_space<vmem>> -> memref<1x16x128xf32, #tpu.memory_space<vmem>>
    %dma_start3A_378 = tpu.memref_squeeze %dma_start3A_377 : memref<1x16x128xf32, #tpu.memory_space<vmem>> -> memref<16x128xf32, #tpu.memory_space<vmem>>
    %dma_start3A_379 = arith.constant 0 : i32
    %dma_start3A_380 = tpu.memref_slice %arg4[%dma_start3A_379, %multiple_of3A_373] : memref<16x1000000xf32, #tpu.memory_space<hbm>> -> memref<16x128xf32, #tpu.memory_space<hbm>>
    %dma_start3A_381 = arith.constant 0 : i32
    %dma_start3A_382 = arith.constant 0 : i32
    %dma_start3A_383 = tpu.memref_slice %arg15[%dma_start3A_374, %dma_start3A_381, %dma_start3A_382] : memref<16x16x128xf32, #tpu.memory_space<vmem>> -> memref<1x16x128xf32, #tpu.memory_space<vmem>>
    %dma_start3A_384 = tpu.memref_squeeze %dma_start3A_383 : memref<1x16x128xf32, #tpu.memory_space<vmem>> -> memref<16x128xf32, #tpu.memory_space<vmem>>
    %dma_start3A_385 = arith.constant 0 : i32
    %dma_start3A_386 = tpu.memref_slice %arg4[%dma_start3A_385, %multiple_of3A_373] : memref<16x1000000xf32, #tpu.memory_space<hbm>> -> memref<16x128xf32, #tpu.memory_space<hbm>>
    tpu.enqueue_dma source(%dma_start3A_386 : memref<16x128xf32, #tpu.memory_space<hbm>>) target(%dma_start3A_384 : memref<16x128xf32, #tpu.memory_space<vmem>>) target_semaphore(%arg23 : memref<!tpu.dma_semaphore, #tpu.memory_space<semaphore_mem>>)
    %slice3A_387 = vector.extract_strided_slice %get3A_310 {offsets = [4], sizes = [1], strides = [1]} : vector<16xi32> to vector<1xi32>
    %squeeze3A_388 = vector.extract %slice3A_387[0] : i32 from vector<1xi32>
    %rem3A_389 = arith.constant 128 : i32
    %rem3A_390 = arith.remsi %squeeze3A_388, %rem3A_389 : i32
    %sub3A_391 = arith.subi %squeeze3A_388, %rem3A_390 : i32
    %multiple_of3A_392 = tpu.assume_multiple %sub3A_391, 128 : i32
    %dma_start3A_393 = arith.constant 4 : i32
    %dma_start3A_394 = arith.constant 0 : i32
    %dma_start3A_395 = arith.constant 0 : i32
    %dma_start3A_396 = tpu.memref_slice %arg15[%dma_start3A_393, %dma_start3A_394, %dma_start3A_395] : memref<16x16x128xf32, #tpu.memory_space<vmem>> -> memref<1x16x128xf32, #tpu.memory_space<vmem>>
    %dma_start3A_397 = tpu.memref_squeeze %dma_start3A_396 : memref<1x16x128xf32, #tpu.memory_space<vmem>> -> memref<16x128xf32, #tpu.memory_space<vmem>>
    %dma_start3A_398 = arith.constant 0 : i32
    %dma_start3A_399 = tpu.memref_slice %arg4[%dma_start3A_398, %multiple_of3A_392] : memref<16x1000000xf32, #tpu.memory_space<hbm>> -> memref<16x128xf32, #tpu.memory_space<hbm>>
    %dma_start3A_400 = arith.constant 0 : i32
    %dma_start3A_401 = arith.constant 0 : i32
    %dma_start3A_402 = tpu.memref_slice %arg15[%dma_start3A_393, %dma_start3A_400, %dma_start3A_401] : memref<16x16x128xf32, #tpu.memory_space<vmem>> -> memref<1x16x128xf32, #tpu.memory_space<vmem>>
    %dma_start3A_403 = tpu.memref_squeeze %dma_start3A_402 : memref<1x16x128xf32, #tpu.memory_space<vmem>> -> memref<16x128xf32, #tpu.memory_space<vmem>>
    %dma_start3A_404 = arith.constant 0 : i32
    %dma_start3A_405 = tpu.memref_slice %arg4[%dma_start3A_404, %multiple_of3A_392] : memref<16x1000000xf32, #tpu.memory_space<hbm>> -> memref<16x128xf32, #tpu.memory_space<hbm>>
    tpu.enqueue_dma source(%dma_start3A_405 : memref<16x128xf32, #tpu.memory_space<hbm>>) target(%dma_start3A_403 : memref<16x128xf32, #tpu.memory_space<vmem>>) target_semaphore(%arg23 : memref<!tpu.dma_semaphore, #tpu.memory_space<semaphore_mem>>)
    %slice3A_406 = vector.extract_strided_slice %get3A_310 {offsets = [5], sizes = [1], strides = [1]} : vector<16xi32> to vector<1xi32>
    %squeeze3A_407 = vector.extract %slice3A_406[0] : i32 from vector<1xi32>
    %rem3A_408 = arith.constant 128 : i32
    %rem3A_409 = arith.remsi %squeeze3A_407, %rem3A_408 : i32
    %sub3A_410 = arith.subi %squeeze3A_407, %rem3A_409 : i32
    %multiple_of3A_411 = tpu.assume_multiple %sub3A_410, 128 : i32
    %dma_start3A_412 = arith.constant 5 : i32
    %dma_start3A_413 = arith.constant 0 : i32
    %dma_start3A_414 = arith.constant 0 : i32
    %dma_start3A_415 = tpu.memref_slice %arg15[%dma_start3A_412, %dma_start3A_413, %dma_start3A_414] : memref<16x16x128xf32, #tpu.memory_space<vmem>> -> memref<1x16x128xf32, #tpu.memory_space<vmem>>
    %dma_start3A_416 = tpu.memref_squeeze %dma_start3A_415 : memref<1x16x128xf32, #tpu.memory_space<vmem>> -> memref<16x128xf32, #tpu.memory_space<vmem>>
    %dma_start3A_417 = arith.constant 0 : i32
    %dma_start3A_418 = tpu.memref_slice %arg4[%dma_start3A_417, %multiple_of3A_411] : memref<16x1000000xf32, #tpu.memory_space<hbm>> -> memref<16x128xf32, #tpu.memory_space<hbm>>
    %dma_start3A_419 = arith.constant 0 : i32
    %dma_start3A_420 = arith.constant 0 : i32
    %dma_start3A_421 = tpu.memref_slice %arg15[%dma_start3A_412, %dma_start3A_419, %dma_start3A_420] : memref<16x16x128xf32, #tpu.memory_space<vmem>> -> memref<1x16x128xf32, #tpu.memory_space<vmem>>
    %dma_start3A_422 = tpu.memref_squeeze %dma_start3A_421 : memref<1x16x128xf32, #tpu.memory_space<vmem>> -> memref<16x128xf32, #tpu.memory_space<vmem>>
    %dma_start3A_423 = arith.constant 0 : i32
    %dma_start3A_424 = tpu.memref_slice %arg4[%dma_start3A_423, %multiple_of3A_411] : memref<16x1000000xf32, #tpu.memory_space<hbm>> -> memref<16x128xf32, #tpu.memory_space<hbm>>
    tpu.enqueue_dma source(%dma_start3A_424 : memref<16x128xf32, #tpu.memory_space<hbm>>) target(%dma_start3A_422 : memref<16x128xf32, #tpu.memory_space<vmem>>) target_semaphore(%arg23 : memref<!tpu.dma_semaphore, #tpu.memory_space<semaphore_mem>>)
    %slice3A_425 = vector.extract_strided_slice %get3A_310 {offsets = [6], sizes = [1], strides = [1]} : vector<16xi32> to vector<1xi32>
    %squeeze3A_426 = vector.extract %slice3A_425[0] : i32 from vector<1xi32>
    %rem3A_427 = arith.constant 128 : i32
    %rem3A_428 = arith.remsi %squeeze3A_426, %rem3A_427 : i32
    %sub3A_429 = arith.subi %squeeze3A_426, %rem3A_428 : i32
    %multiple_of3A_430 = tpu.assume_multiple %sub3A_429, 128 : i32
    %dma_start3A_431 = arith.constant 6 : i32
    %dma_start3A_432 = arith.constant 0 : i32
    %dma_start3A_433 = arith.constant 0 : i32
    %dma_start3A_434 = tpu.memref_slice %arg15[%dma_start3A_431, %dma_start3A_432, %dma_start3A_433] : memref<16x16x128xf32, #tpu.memory_space<vmem>> -> memref<1x16x128xf32, #tpu.memory_space<vmem>>
    %dma_start3A_435 = tpu.memref_squeeze %dma_start3A_434 : memref<1x16x128xf32, #tpu.memory_space<vmem>> -> memref<16x128xf32, #tpu.memory_space<vmem>>
    %dma_start3A_436 = arith.constant 0 : i32
    %dma_start3A_437 = tpu.memref_slice %arg4[%dma_start3A_436, %multiple_of3A_430] : memref<16x1000000xf32, #tpu.memory_space<hbm>> -> memref<16x128xf32, #tpu.memory_space<hbm>>
    %dma_start3A_438 = arith.constant 0 : i32
    %dma_start3A_439 = arith.constant 0 : i32
    %dma_start3A_440 = tpu.memref_slice %arg15[%dma_start3A_431, %dma_start3A_438, %dma_start3A_439] : memref<16x16x128xf32, #tpu.memory_space<vmem>> -> memref<1x16x128xf32, #tpu.memory_space<vmem>>
    %dma_start3A_441 = tpu.memref_squeeze %dma_start3A_440 : memref<1x16x128xf32, #tpu.memory_space<vmem>> -> memref<16x128xf32, #tpu.memory_space<vmem>>
    %dma_start3A_442 = arith.constant 0 : i32
    %dma_start3A_443 = tpu.memref_slice %arg4[%dma_start3A_442, %multiple_of3A_430] : memref<16x1000000xf32, #tpu.memory_space<hbm>> -> memref<16x128xf32, #tpu.memory_space<hbm>>
    tpu.enqueue_dma source(%dma_start3A_443 : memref<16x128xf32, #tpu.memory_space<hbm>>) target(%dma_start3A_441 : memref<16x128xf32, #tpu.memory_space<vmem>>) target_semaphore(%arg23 : memref<!tpu.dma_semaphore, #tpu.memory_space<semaphore_mem>>)
    %slice3A_444 = vector.extract_strided_slice %get3A_310 {offsets = [7], sizes = [1], strides = [1]} : vector<16xi32> to vector<1xi32>
    %squeeze3A_445 = vector.extract %slice3A_444[0] : i32 from vector<1xi32>
    %rem3A_446 = arith.constant 128 : i32
    %rem3A_447 = arith.remsi %squeeze3A_445, %rem3A_446 : i32
    %sub3A_448 = arith.subi %squeeze3A_445, %rem3A_447 : i32
    %multiple_of3A_449 = tpu.assume_multiple %sub3A_448, 128 : i32
    %dma_start3A_450 = arith.constant 7 : i32
    %dma_start3A_451 = arith.constant 0 : i32
    %dma_start3A_452 = arith.constant 0 : i32
    %dma_start3A_453 = tpu.memref_slice %arg15[%dma_start3A_450, %dma_start3A_451, %dma_start3A_452] : memref<16x16x128xf32, #tpu.memory_space<vmem>> -> memref<1x16x128xf32, #tpu.memory_space<vmem>>
    %dma_start3A_454 = tpu.memref_squeeze %dma_start3A_453 : memref<1x16x128xf32, #tpu.memory_space<vmem>> -> memref<16x128xf32, #tpu.memory_space<vmem>>
    %dma_start3A_455 = arith.constant 0 : i32
    %dma_start3A_456 = tpu.memref_slice %arg4[%dma_start3A_455, %multiple_of3A_449] : memref<16x1000000xf32, #tpu.memory_space<hbm>> -> memref<16x128xf32, #tpu.memory_space<hbm>>
    %dma_start3A_457 = arith.constant 0 : i32
    %dma_start3A_458 = arith.constant 0 : i32
    %dma_start3A_459 = tpu.memref_slice %arg15[%dma_start3A_450, %dma_start3A_457, %dma_start3A_458] : memref<16x16x128xf32, #tpu.memory_space<vmem>> -> memref<1x16x128xf32, #tpu.memory_space<vmem>>
    %dma_start3A_460 = tpu.memref_squeeze %dma_start3A_459 : memref<1x16x128xf32, #tpu.memory_space<vmem>> -> memref<16x128xf32, #tpu.memory_space<vmem>>
    %dma_start3A_461 = arith.constant 0 : i32
    %dma_start3A_462 = tpu.memref_slice %arg4[%dma_start3A_461, %multiple_of3A_449] : memref<16x1000000xf32, #tpu.memory_space<hbm>> -> memref<16x128xf32, #tpu.memory_space<hbm>>
    tpu.enqueue_dma source(%dma_start3A_462 : memref<16x128xf32, #tpu.memory_space<hbm>>) target(%dma_start3A_460 : memref<16x128xf32, #tpu.memory_space<vmem>>) target_semaphore(%arg23 : memref<!tpu.dma_semaphore, #tpu.memory_space<semaphore_mem>>)
    %slice3A_463 = vector.extract_strided_slice %get3A_310 {offsets = [8], sizes = [1], strides = [1]} : vector<16xi32> to vector<1xi32>
    %squeeze3A_464 = vector.extract %slice3A_463[0] : i32 from vector<1xi32>
    %rem3A_465 = arith.constant 128 : i32
    %rem3A_466 = arith.remsi %squeeze3A_464, %rem3A_465 : i32
    %sub3A_467 = arith.subi %squeeze3A_464, %rem3A_466 : i32
    %multiple_of3A_468 = tpu.assume_multiple %sub3A_467, 128 : i32
    %dma_start3A_469 = arith.constant 8 : i32
    %dma_start3A_470 = arith.constant 0 : i32
    %dma_start3A_471 = arith.constant 0 : i32
    %dma_start3A_472 = tpu.memref_slice %arg15[%dma_start3A_469, %dma_start3A_470, %dma_start3A_471] : memref<16x16x128xf32, #tpu.memory_space<vmem>> -> memref<1x16x128xf32, #tpu.memory_space<vmem>>
    %dma_start3A_473 = tpu.memref_squeeze %dma_start3A_472 : memref<1x16x128xf32, #tpu.memory_space<vmem>> -> memref<16x128xf32, #tpu.memory_space<vmem>>
    %dma_start3A_474 = arith.constant 0 : i32
    %dma_start3A_475 = tpu.memref_slice %arg4[%dma_start3A_474, %multiple_of3A_468] : memref<16x1000000xf32, #tpu.memory_space<hbm>> -> memref<16x128xf32, #tpu.memory_space<hbm>>
    %dma_start3A_476 = arith.constant 0 : i32
    %dma_start3A_477 = arith.constant 0 : i32
    %dma_start3A_478 = tpu.memref_slice %arg15[%dma_start3A_469, %dma_start3A_476, %dma_start3A_477] : memref<16x16x128xf32, #tpu.memory_space<vmem>> -> memref<1x16x128xf32, #tpu.memory_space<vmem>>
    %dma_start3A_479 = tpu.memref_squeeze %dma_start3A_478 : memref<1x16x128xf32, #tpu.memory_space<vmem>> -> memref<16x128xf32, #tpu.memory_space<vmem>>
    %dma_start3A_480 = arith.constant 0 : i32
    %dma_start3A_481 = tpu.memref_slice %arg4[%dma_start3A_480, %multiple_of3A_468] : memref<16x1000000xf32, #tpu.memory_space<hbm>> -> memref<16x128xf32, #tpu.memory_space<hbm>>
    tpu.enqueue_dma source(%dma_start3A_481 : memref<16x128xf32, #tpu.memory_space<hbm>>) target(%dma_start3A_479 : memref<16x128xf32, #tpu.memory_space<vmem>>) target_semaphore(%arg23 : memref<!tpu.dma_semaphore, #tpu.memory_space<semaphore_mem>>)
    %slice3A_482 = vector.extract_strided_slice %get3A_310 {offsets = [9], sizes = [1], strides = [1]} : vector<16xi32> to vector<1xi32>
    %squeeze3A_483 = vector.extract %slice3A_482[0] : i32 from vector<1xi32>
    %rem3A_484 = arith.constant 128 : i32
    %rem3A_485 = arith.remsi %squeeze3A_483, %rem3A_484 : i32
    %sub3A_486 = arith.subi %squeeze3A_483, %rem3A_485 : i32
    %multiple_of3A_487 = tpu.assume_multiple %sub3A_486, 128 : i32
    %dma_start3A_488 = arith.constant 9 : i32
    %dma_start3A_489 = arith.constant 0 : i32
    %dma_start3A_490 = arith.constant 0 : i32
    %dma_start3A_491 = tpu.memref_slice %arg15[%dma_start3A_488, %dma_start3A_489, %dma_start3A_490] : memref<16x16x128xf32, #tpu.memory_space<vmem>> -> memref<1x16x128xf32, #tpu.memory_space<vmem>>
    %dma_start3A_492 = tpu.memref_squeeze %dma_start3A_491 : memref<1x16x128xf32, #tpu.memory_space<vmem>> -> memref<16x128xf32, #tpu.memory_space<vmem>>
    %dma_start3A_493 = arith.constant 0 : i32
    %dma_start3A_494 = tpu.memref_slice %arg4[%dma_start3A_493, %multiple_of3A_487] : memref<16x1000000xf32, #tpu.memory_space<hbm>> -> memref<16x128xf32, #tpu.memory_space<hbm>>
    %dma_start3A_495 = arith.constant 0 : i32
    %dma_start3A_496 = arith.constant 0 : i32
    %dma_start3A_497 = tpu.memref_slice %arg15[%dma_start3A_488, %dma_start3A_495, %dma_start3A_496] : memref<16x16x128xf32, #tpu.memory_space<vmem>> -> memref<1x16x128xf32, #tpu.memory_space<vmem>>
    %dma_start3A_498 = tpu.memref_squeeze %dma_start3A_497 : memref<1x16x128xf32, #tpu.memory_space<vmem>> -> memref<16x128xf32, #tpu.memory_space<vmem>>
    %dma_start3A_499 = arith.constant 0 : i32
    %dma_start3A_500 = tpu.memref_slice %arg4[%dma_start3A_499, %multiple_of3A_487] : memref<16x1000000xf32, #tpu.memory_space<hbm>> -> memref<16x128xf32, #tpu.memory_space<hbm>>
    tpu.enqueue_dma source(%dma_start3A_500 : memref<16x128xf32, #tpu.memory_space<hbm>>) target(%dma_start3A_498 : memref<16x128xf32, #tpu.memory_space<vmem>>) target_semaphore(%arg23 : memref<!tpu.dma_semaphore, #tpu.memory_space<semaphore_mem>>)
    %slice3A_501 = vector.extract_strided_slice %get3A_310 {offsets = [10], sizes = [1], strides = [1]} : vector<16xi32> to vector<1xi32>
    %squeeze3A_502 = vector.extract %slice3A_501[0] : i32 from vector<1xi32>
    %rem3A_503 = arith.constant 128 : i32
    %rem3A_504 = arith.remsi %squeeze3A_502, %rem3A_503 : i32
    %sub3A_505 = arith.subi %squeeze3A_502, %rem3A_504 : i32
    %multiple_of3A_506 = tpu.assume_multiple %sub3A_505, 128 : i32
    %dma_start3A_507 = arith.constant 10 : i32
    %dma_start3A_508 = arith.constant 0 : i32
    %dma_start3A_509 = arith.constant 0 : i32
    %dma_start3A_510 = tpu.memref_slice %arg15[%dma_start3A_507, %dma_start3A_508, %dma_start3A_509] : memref<16x16x128xf32, #tpu.memory_space<vmem>> -> memref<1x16x128xf32, #tpu.memory_space<vmem>>
    %dma_start3A_511 = tpu.memref_squeeze %dma_start3A_510 : memref<1x16x128xf32, #tpu.memory_space<vmem>> -> memref<16x128xf32, #tpu.memory_space<vmem>>
    %dma_start3A_512 = arith.constant 0 : i32
    %dma_start3A_513 = tpu.memref_slice %arg4[%dma_start3A_512, %multiple_of3A_506] : memref<16x1000000xf32, #tpu.memory_space<hbm>> -> memref<16x128xf32, #tpu.memory_space<hbm>>
    %dma_start3A_514 = arith.constant 0 : i32
    %dma_start3A_515 = arith.constant 0 : i32
    %dma_start3A_516 = tpu.memref_slice %arg15[%dma_start3A_507, %dma_start3A_514, %dma_start3A_515] : memref<16x16x128xf32, #tpu.memory_space<vmem>> -> memref<1x16x128xf32, #tpu.memory_space<vmem>>
    %dma_start3A_517 = tpu.memref_squeeze %dma_start3A_516 : memref<1x16x128xf32, #tpu.memory_space<vmem>> -> memref<16x128xf32, #tpu.memory_space<vmem>>
    %dma_start3A_518 = arith.constant 0 : i32
    %dma_start3A_519 = tpu.memref_slice %arg4[%dma_start3A_518, %multiple_of3A_506] : memref<16x1000000xf32, #tpu.memory_space<hbm>> -> memref<16x128xf32, #tpu.memory_space<hbm>>
    tpu.enqueue_dma source(%dma_start3A_519 : memref<16x128xf32, #tpu.memory_space<hbm>>) target(%dma_start3A_517 : memref<16x128xf32, #tpu.memory_space<vmem>>) target_semaphore(%arg23 : memref<!tpu.dma_semaphore, #tpu.memory_space<semaphore_mem>>)
    %slice3A_520 = vector.extract_strided_slice %get3A_310 {offsets = [11], sizes = [1], strides = [1]} : vector<16xi32> to vector<1xi32>
    %squeeze3A_521 = vector.extract %slice3A_520[0] : i32 from vector<1xi32>
    %rem3A_522 = arith.constant 128 : i32
    %rem3A_523 = arith.remsi %squeeze3A_521, %rem3A_522 : i32
    %sub3A_524 = arith.subi %squeeze3A_521, %rem3A_523 : i32
    %multiple_of3A_525 = tpu.assume_multiple %sub3A_524, 128 : i32
    %dma_start3A_526 = arith.constant 11 : i32
    %dma_start3A_527 = arith.constant 0 : i32
    %dma_start3A_528 = arith.constant 0 : i32
    %dma_start3A_529 = tpu.memref_slice %arg15[%dma_start3A_526, %dma_start3A_527, %dma_start3A_528] : memref<16x16x128xf32, #tpu.memory_space<vmem>> -> memref<1x16x128xf32, #tpu.memory_space<vmem>>
    %dma_start3A_530 = tpu.memref_squeeze %dma_start3A_529 : memref<1x16x128xf32, #tpu.memory_space<vmem>> -> memref<16x128xf32, #tpu.memory_space<vmem>>
    %dma_start3A_531 = arith.constant 0 : i32
    %dma_start3A_532 = tpu.memref_slice %arg4[%dma_start3A_531, %multiple_of3A_525] : memref<16x1000000xf32, #tpu.memory_space<hbm>> -> memref<16x128xf32, #tpu.memory_space<hbm>>
    %dma_start3A_533 = arith.constant 0 : i32
    %dma_start3A_534 = arith.constant 0 : i32
    %dma_start3A_535 = tpu.memref_slice %arg15[%dma_start3A_526, %dma_start3A_533, %dma_start3A_534] : memref<16x16x128xf32, #tpu.memory_space<vmem>> -> memref<1x16x128xf32, #tpu.memory_space<vmem>>
    %dma_start3A_536 = tpu.memref_squeeze %dma_start3A_535 : memref<1x16x128xf32, #tpu.memory_space<vmem>> -> memref<16x128xf32, #tpu.memory_space<vmem>>
    %dma_start3A_537 = arith.constant 0 : i32
    %dma_start3A_538 = tpu.memref_slice %arg4[%dma_start3A_537, %multiple_of3A_525] : memref<16x1000000xf32, #tpu.memory_space<hbm>> -> memref<16x128xf32, #tpu.memory_space<hbm>>
    tpu.enqueue_dma source(%dma_start3A_538 : memref<16x128xf32, #tpu.memory_space<hbm>>) target(%dma_start3A_536 : memref<16x128xf32, #tpu.memory_space<vmem>>) target_semaphore(%arg23 : memref<!tpu.dma_semaphore, #tpu.memory_space<semaphore_mem>>)
    %slice3A_539 = vector.extract_strided_slice %get3A_310 {offsets = [12], sizes = [1], strides = [1]} : vector<16xi32> to vector<1xi32>
    %squeeze3A_540 = vector.extract %slice3A_539[0] : i32 from vector<1xi32>
    %rem3A_541 = arith.constant 128 : i32
    %rem3A_542 = arith.remsi %squeeze3A_540, %rem3A_541 : i32
    %sub3A_543 = arith.subi %squeeze3A_540, %rem3A_542 : i32
    %multiple_of3A_544 = tpu.assume_multiple %sub3A_543, 128 : i32
    %dma_start3A_545 = arith.constant 12 : i32
    %dma_start3A_546 = arith.constant 0 : i32
    %dma_start3A_547 = arith.constant 0 : i32
    %dma_start3A_548 = tpu.memref_slice %arg15[%dma_start3A_545, %dma_start3A_546, %dma_start3A_547] : memref<16x16x128xf32, #tpu.memory_space<vmem>> -> memref<1x16x128xf32, #tpu.memory_space<vmem>>
    %dma_start3A_549 = tpu.memref_squeeze %dma_start3A_548 : memref<1x16x128xf32, #tpu.memory_space<vmem>> -> memref<16x128xf32, #tpu.memory_space<vmem>>
    %dma_start3A_550 = arith.constant 0 : i32
    %dma_start3A_551 = tpu.memref_slice %arg4[%dma_start3A_550, %multiple_of3A_544] : memref<16x1000000xf32, #tpu.memory_space<hbm>> -> memref<16x128xf32, #tpu.memory_space<hbm>>
    %dma_start3A_552 = arith.constant 0 : i32
    %dma_start3A_553 = arith.constant 0 : i32
    %dma_start3A_554 = tpu.memref_slice %arg15[%dma_start3A_545, %dma_start3A_552, %dma_start3A_553] : memref<16x16x128xf32, #tpu.memory_space<vmem>> -> memref<1x16x128xf32, #tpu.memory_space<vmem>>
    %dma_start3A_555 = tpu.memref_squeeze %dma_start3A_554 : memref<1x16x128xf32, #tpu.memory_space<vmem>> -> memref<16x128xf32, #tpu.memory_space<vmem>>
    %dma_start3A_556 = arith.constant 0 : i32
    %dma_start3A_557 = tpu.memref_slice %arg4[%dma_start3A_556, %multiple_of3A_544] : memref<16x1000000xf32, #tpu.memory_space<hbm>> -> memref<16x128xf32, #tpu.memory_space<hbm>>
    tpu.enqueue_dma source(%dma_start3A_557 : memref<16x128xf32, #tpu.memory_space<hbm>>) target(%dma_start3A_555 : memref<16x128xf32, #tpu.memory_space<vmem>>) target_semaphore(%arg23 : memref<!tpu.dma_semaphore, #tpu.memory_space<semaphore_mem>>)
    %slice3A_558 = vector.extract_strided_slice %get3A_310 {offsets = [13], sizes = [1], strides = [1]} : vector<16xi32> to vector<1xi32>
    %squeeze3A_559 = vector.extract %slice3A_558[0] : i32 from vector<1xi32>
    %rem3A_560 = arith.constant 128 : i32
    %rem3A_561 = arith.remsi %squeeze3A_559, %rem3A_560 : i32
    %sub3A_562 = arith.subi %squeeze3A_559, %rem3A_561 : i32
    %multiple_of3A_563 = tpu.assume_multiple %sub3A_562, 128 : i32
    %dma_start3A_564 = arith.constant 13 : i32
    %dma_start3A_565 = arith.constant 0 : i32
    %dma_start3A_566 = arith.constant 0 : i32
    %dma_start3A_567 = tpu.memref_slice %arg15[%dma_start3A_564, %dma_start3A_565, %dma_start3A_566] : memref<16x16x128xf32, #tpu.memory_space<vmem>> -> memref<1x16x128xf32, #tpu.memory_space<vmem>>
    %dma_start3A_568 = tpu.memref_squeeze %dma_start3A_567 : memref<1x16x128xf32, #tpu.memory_space<vmem>> -> memref<16x128xf32, #tpu.memory_space<vmem>>
    %dma_start3A_569 = arith.constant 0 : i32
    %dma_start3A_570 = tpu.memref_slice %arg4[%dma_start3A_569, %multiple_of3A_563] : memref<16x1000000xf32, #tpu.memory_space<hbm>> -> memref<16x128xf32, #tpu.memory_space<hbm>>
    %dma_start3A_571 = arith.constant 0 : i32
    %dma_start3A_572 = arith.constant 0 : i32
    %dma_start3A_573 = tpu.memref_slice %arg15[%dma_start3A_564, %dma_start3A_571, %dma_start3A_572] : memref<16x16x128xf32, #tpu.memory_space<vmem>> -> memref<1x16x128xf32, #tpu.memory_space<vmem>>
    %dma_start3A_574 = tpu.memref_squeeze %dma_start3A_573 : memref<1x16x128xf32, #tpu.memory_space<vmem>> -> memref<16x128xf32, #tpu.memory_space<vmem>>
    %dma_start3A_575 = arith.constant 0 : i32
    %dma_start3A_576 = tpu.memref_slice %arg4[%dma_start3A_575, %multiple_of3A_563] : memref<16x1000000xf32, #tpu.memory_space<hbm>> -> memref<16x128xf32, #tpu.memory_space<hbm>>
    tpu.enqueue_dma source(%dma_start3A_576 : memref<16x128xf32, #tpu.memory_space<hbm>>) target(%dma_start3A_574 : memref<16x128xf32, #tpu.memory_space<vmem>>) target_semaphore(%arg23 : memref<!tpu.dma_semaphore, #tpu.memory_space<semaphore_mem>>)
    %slice3A_577 = vector.extract_strided_slice %get3A_310 {offsets = [14], sizes = [1], strides = [1]} : vector<16xi32> to vector<1xi32>
    %squeeze3A_578 = vector.extract %slice3A_577[0] : i32 from vector<1xi32>
    %rem3A_579 = arith.constant 128 : i32
    %rem3A_580 = arith.remsi %squeeze3A_578, %rem3A_579 : i32
    %sub3A_581 = arith.subi %squeeze3A_578, %rem3A_580 : i32
    %multiple_of3A_582 = tpu.assume_multiple %sub3A_581, 128 : i32
    %dma_start3A_583 = arith.constant 14 : i32
    %dma_start3A_584 = arith.constant 0 : i32
    %dma_start3A_585 = arith.constant 0 : i32
    %dma_start3A_586 = tpu.memref_slice %arg15[%dma_start3A_583, %dma_start3A_584, %dma_start3A_585] : memref<16x16x128xf32, #tpu.memory_space<vmem>> -> memref<1x16x128xf32, #tpu.memory_space<vmem>>
    %dma_start3A_587 = tpu.memref_squeeze %dma_start3A_586 : memref<1x16x128xf32, #tpu.memory_space<vmem>> -> memref<16x128xf32, #tpu.memory_space<vmem>>
    %dma_start3A_588 = arith.constant 0 : i32
    %dma_start3A_589 = tpu.memref_slice %arg4[%dma_start3A_588, %multiple_of3A_582] : memref<16x1000000xf32, #tpu.memory_space<hbm>> -> memref<16x128xf32, #tpu.memory_space<hbm>>
    %dma_start3A_590 = arith.constant 0 : i32
    %dma_start3A_591 = arith.constant 0 : i32
    %dma_start3A_592 = tpu.memref_slice %arg15[%dma_start3A_583, %dma_start3A_590, %dma_start3A_591] : memref<16x16x128xf32, #tpu.memory_space<vmem>> -> memref<1x16x128xf32, #tpu.memory_space<vmem>>
    %dma_start3A_593 = tpu.memref_squeeze %dma_start3A_592 : memref<1x16x128xf32, #tpu.memory_space<vmem>> -> memref<16x128xf32, #tpu.memory_space<vmem>>
    %dma_start3A_594 = arith.constant 0 : i32
    %dma_start3A_595 = tpu.memref_slice %arg4[%dma_start3A_594, %multiple_of3A_582] : memref<16x1000000xf32, #tpu.memory_space<hbm>> -> memref<16x128xf32, #tpu.memory_space<hbm>>
    tpu.enqueue_dma source(%dma_start3A_595 : memref<16x128xf32, #tpu.memory_space<hbm>>) target(%dma_start3A_593 : memref<16x128xf32, #tpu.memory_space<vmem>>) target_semaphore(%arg23 : memref<!tpu.dma_semaphore, #tpu.memory_space<semaphore_mem>>)
    %slice3A_596 = vector.extract_strided_slice %get3A_310 {offsets = [15], sizes = [1], strides = [1]} : vector<16xi32> to vector<1xi32>
    %squeeze3A_597 = vector.extract %slice3A_596[0] : i32 from vector<1xi32>
    %rem3A_598 = arith.constant 128 : i32
    %rem3A_599 = arith.remsi %squeeze3A_597, %rem3A_598 : i32
    %sub3A_600 = arith.subi %squeeze3A_597, %rem3A_599 : i32
    %multiple_of3A_601 = tpu.assume_multiple %sub3A_600, 128 : i32
    %dma_start3A_602 = arith.constant 15 : i32
    %dma_start3A_603 = arith.constant 0 : i32
    %dma_start3A_604 = arith.constant 0 : i32
    %dma_start3A_605 = tpu.memref_slice %arg15[%dma_start3A_602, %dma_start3A_603, %dma_start3A_604] : memref<16x16x128xf32, #tpu.memory_space<vmem>> -> memref<1x16x128xf32, #tpu.memory_space<vmem>>
    %dma_start3A_606 = tpu.memref_squeeze %dma_start3A_605 : memref<1x16x128xf32, #tpu.memory_space<vmem>> -> memref<16x128xf32, #tpu.memory_space<vmem>>
    %dma_start3A_607 = arith.constant 0 : i32
    %dma_start3A_608 = tpu.memref_slice %arg4[%dma_start3A_607, %multiple_of3A_601] : memref<16x1000000xf32, #tpu.memory_space<hbm>> -> memref<16x128xf32, #tpu.memory_space<hbm>>
    %dma_start3A_609 = arith.constant 0 : i32
    %dma_start3A_610 = arith.constant 0 : i32
    %dma_start3A_611 = tpu.memref_slice %arg15[%dma_start3A_602, %dma_start3A_609, %dma_start3A_610] : memref<16x16x128xf32, #tpu.memory_space<vmem>> -> memref<1x16x128xf32, #tpu.memory_space<vmem>>
    %dma_start3A_612 = tpu.memref_squeeze %dma_start3A_611 : memref<1x16x128xf32, #tpu.memory_space<vmem>> -> memref<16x128xf32, #tpu.memory_space<vmem>>
    %dma_start3A_613 = arith.constant 0 : i32
    %dma_start3A_614 = tpu.memref_slice %arg4[%dma_start3A_613, %multiple_of3A_601] : memref<16x1000000xf32, #tpu.memory_space<hbm>> -> memref<16x128xf32, #tpu.memory_space<hbm>>
    tpu.enqueue_dma source(%dma_start3A_614 : memref<16x128xf32, #tpu.memory_space<hbm>>) target(%dma_start3A_612 : memref<16x128xf32, #tpu.memory_space<vmem>>) target_semaphore(%arg23 : memref<!tpu.dma_semaphore, #tpu.memory_space<semaphore_mem>>)
    tpu.wait_dma2 semaphore(%arg24 : memref<!tpu.dma_semaphore, #tpu.memory_space<semaphore_mem>>) src(%arg5 : memref<16x1000xf32, #tpu.memory_space<hbm>>) dst(%arg16 : memref<16x1000xf32, #tpu.memory_space<vmem>>)
    tpu.wait_dma2 semaphore(%arg24 : memref<!tpu.dma_semaphore, #tpu.memory_space<semaphore_mem>>) src(%arg7 : memref<16x1000xf32, #tpu.memory_space<hbm>>) dst(%arg17 : memref<16x1000xf32, #tpu.memory_space<vmem>>)
    %get3A_615 = arith.constant 0 : index
    %get3A_616 = tpu.vector_load %arg13[%get3A_615] {strides = array<i32>} : memref<32xi32, #tpu.memory_space<vmem>>, vector<16xi32>,
    %add3A_617 = arith.constant 0 : i32
    %add3A_618 = vector.broadcast %add3A_617 : i32 to vector<16xi32>
    %add3A_619 = arith.addi %iota3A, %add3A_618 : vector<16xi32>
    %broadcast_in_dim3A = arith.constant 0 : i32
    %broadcast_in_dim3A_620 = vector.broadcast %broadcast_in_dim3A : i32 to vector<16xi32>
    %gather3A = tpu.vector_load_idx %arg16[%broadcast_in_dim3A_620, %get3A_616] : memref<16x1000xf32, #tpu.memory_space<vmem>>[vector<16xi32>, vector<16xi32>], vector<16xf32>,
    tpu.vector_store_idx %arg19[%add3A_619, %broadcast_in_dim3A_620], %gather3A : memref<32x16xf32, #tpu.memory_space<vmem>>[vector<16xi32>, vector<16xi32>], vector<16xf32>,
    %gather3A_621 = tpu.vector_load_idx %arg17[%broadcast_in_dim3A_620, %get3A_616] : memref<16x1000xf32, #tpu.memory_space<vmem>>[vector<16xi32>, vector<16xi32>], vector<16xf32>,
    tpu.vector_store_idx %arg21[%add3A_619, %broadcast_in_dim3A_620], %gather3A_621 : memref<32x16xf32, #tpu.memory_space<vmem>>[vector<16xi32>, vector<16xi32>], vector<16xf32>,
    %broadcast_in_dim3A_622 = arith.constant 1 : i32
    %broadcast_in_dim3A_623 = vector.broadcast %broadcast_in_dim3A_622 : i32 to vector<16xi32>
    %gather3A_624 = tpu.vector_load_idx %arg16[%broadcast_in_dim3A_623, %get3A_616] : memref<16x1000xf32, #tpu.memory_space<vmem>>[vector<16xi32>, vector<16xi32>], vector<16xf32>,
    tpu.vector_store_idx %arg19[%add3A_619, %broadcast_in_dim3A_623], %gather3A_624 : memref<32x16xf32, #tpu.memory_space<vmem>>[vector<16xi32>, vector<16xi32>], vector<16xf32>,
    %gather3A_625 = tpu.vector_load_idx %arg17[%broadcast_in_dim3A_623, %get3A_616] : memref<16x1000xf32, #tpu.memory_space<vmem>>[vector<16xi32>, vector<16xi32>], vector<16xf32>,
    tpu.vector_store_idx %arg21[%add3A_619, %broadcast_in_dim3A_623], %gather3A_625 : memref<32x16xf32, #tpu.memory_space<vmem>>[vector<16xi32>, vector<16xi32>], vector<16xf32>,
    %broadcast_in_dim3A_626 = arith.constant 2 : i32
    %broadcast_in_dim3A_627 = vector.broadcast %broadcast_in_dim3A_626 : i32 to vector<16xi32>
    %gather3A_628 = tpu.vector_load_idx %arg16[%broadcast_in_dim3A_627, %get3A_616] : memref<16x1000xf32, #tpu.memory_space<vmem>>[vector<16xi32>, vector<16xi32>], vector<16xf32>,
    tpu.vector_store_idx %arg19[%add3A_619, %broadcast_in_dim3A_627], %gather3A_628 : memref<32x16xf32, #tpu.memory_space<vmem>>[vector<16xi32>, vector<16xi32>], vector<16xf32>,
    %gather3A_629 = tpu.vector_load_idx %arg17[%broadcast_in_dim3A_627, %get3A_616] : memref<16x1000xf32, #tpu.memory_space<vmem>>[vector<16xi32>, vector<16xi32>], vector<16xf32>,
    tpu.vector_store_idx %arg21[%add3A_619, %broadcast_in_dim3A_627], %gather3A_629 : memref<32x16xf32, #tpu.memory_space<vmem>>[vector<16xi32>, vector<16xi32>], vector<16xf32>,
    %broadcast_in_dim3A_630 = arith.constant 3 : i32
    %broadcast_in_dim3A_631 = vector.broadcast %broadcast_in_dim3A_630 : i32 to vector<16xi32>
    %gather3A_632 = tpu.vector_load_idx %arg16[%broadcast_in_dim3A_631, %get3A_616] : memref<16x1000xf32, #tpu.memory_space<vmem>>[vector<16xi32>, vector<16xi32>], vector<16xf32>,
    tpu.vector_store_idx %arg19[%add3A_619, %broadcast_in_dim3A_631], %gather3A_632 : memref<32x16xf32, #tpu.memory_space<vmem>>[vector<16xi32>, vector<16xi32>], vector<16xf32>,
    %gather3A_633 = tpu.vector_load_idx %arg17[%broadcast_in_dim3A_631, %get3A_616] : memref<16x1000xf32, #tpu.memory_space<vmem>>[vector<16xi32>, vector<16xi32>], vector<16xf32>,
    tpu.vector_store_idx %arg21[%add3A_619, %broadcast_in_dim3A_631], %gather3A_633 : memref<32x16xf32, #tpu.memory_space<vmem>>[vector<16xi32>, vector<16xi32>], vector<16xf32>,
    %broadcast_in_dim3A_634 = arith.constant 4 : i32
    %broadcast_in_dim3A_635 = vector.broadcast %broadcast_in_dim3A_634 : i32 to vector<16xi32>
    %gather3A_636 = tpu.vector_load_idx %arg16[%broadcast_in_dim3A_635, %get3A_616] : memref<16x1000xf32, #tpu.memory_space<vmem>>[vector<16xi32>, vector<16xi32>], vector<16xf32>,
    tpu.vector_store_idx %arg19[%add3A_619, %broadcast_in_dim3A_635], %gather3A_636 : memref<32x16xf32, #tpu.memory_space<vmem>>[vector<16xi32>, vector<16xi32>], vector<16xf32>,
    %gather3A_637 = tpu.vector_load_idx %arg17[%broadcast_in_dim3A_635, %get3A_616] : memref<16x1000xf32, #tpu.memory_space<vmem>>[vector<16xi32>, vector<16xi32>], vector<16xf32>,
    tpu.vector_store_idx %arg21[%add3A_619, %broadcast_in_dim3A_635], %gather3A_637 : memref<32x16xf32, #tpu.memory_space<vmem>>[vector<16xi32>, vector<16xi32>], vector<16xf32>,
    %broadcast_in_dim3A_638 = arith.constant 5 : i32
    %broadcast_in_dim3A_639 = vector.broadcast %broadcast_in_dim3A_638 : i32 to vector<16xi32>
    %gather3A_640 = tpu.vector_load_idx %arg16[%broadcast_in_dim3A_639, %get3A_616] : memref<16x1000xf32, #tpu.memory_space<vmem>>[vector<16xi32>, vector<16xi32>], vector<16xf32>,
    tpu.vector_store_idx %arg19[%add3A_619, %broadcast_in_dim3A_639], %gather3A_640 : memref<32x16xf32, #tpu.memory_space<vmem>>[vector<16xi32>, vector<16xi32>], vector<16xf32>,
    %gather3A_641 = tpu.vector_load_idx %arg17[%broadcast_in_dim3A_639, %get3A_616] : memref<16x1000xf32, #tpu.memory_space<vmem>>[vector<16xi32>, vector<16xi32>], vector<16xf32>,
    tpu.vector_store_idx %arg21[%add3A_619, %broadcast_in_dim3A_639], %gather3A_641 : memref<32x16xf32, #tpu.memory_space<vmem>>[vector<16xi32>, vector<16xi32>], vector<16xf32>,
    %broadcast_in_dim3A_642 = arith.constant 6 : i32
    %broadcast_in_dim3A_643 = vector.broadcast %broadcast_in_dim3A_642 : i32 to vector<16xi32>
    %gather3A_644 = tpu.vector_load_idx %arg16[%broadcast_in_dim3A_643, %get3A_616] : memref<16x1000xf32, #tpu.memory_space<vmem>>[vector<16xi32>, vector<16xi32>], vector<16xf32>,
    tpu.vector_store_idx %arg19[%add3A_619, %broadcast_in_dim3A_643], %gather3A_644 : memref<32x16xf32, #tpu.memory_space<vmem>>[vector<16xi32>, vector<16xi32>], vector<16xf32>,
    %gather3A_645 = tpu.vector_load_idx %arg17[%broadcast_in_dim3A_643, %get3A_616] : memref<16x1000xf32, #tpu.memory_space<vmem>>[vector<16xi32>, vector<16xi32>], vector<16xf32>,
    tpu.vector_store_idx %arg21[%add3A_619, %broadcast_in_dim3A_643], %gather3A_645 : memref<32x16xf32, #tpu.memory_space<vmem>>[vector<16xi32>, vector<16xi32>], vector<16xf32>,
    %broadcast_in_dim3A_646 = arith.constant 7 : i32
    %broadcast_in_dim3A_647 = vector.broadcast %broadcast_in_dim3A_646 : i32 to vector<16xi32>
    %gather3A_648 = tpu.vector_load_idx %arg16[%broadcast_in_dim3A_647, %get3A_616] : memref<16x1000xf32, #tpu.memory_space<vmem>>[vector<16xi32>, vector<16xi32>], vector<16xf32>,
    tpu.vector_store_idx %arg19[%add3A_619, %broadcast_in_dim3A_647], %gather3A_648 : memref<32x16xf32, #tpu.memory_space<vmem>>[vector<16xi32>, vector<16xi32>], vector<16xf32>,
    %gather3A_649 = tpu.vector_load_idx %arg17[%broadcast_in_dim3A_647, %get3A_616] : memref<16x1000xf32, #tpu.memory_space<vmem>>[vector<16xi32>, vector<16xi32>], vector<16xf32>,
    tpu.vector_store_idx %arg21[%add3A_619, %broadcast_in_dim3A_647], %gather3A_649 : memref<32x16xf32, #tpu.memory_space<vmem>>[vector<16xi32>, vector<16xi32>], vector<16xf32>,
    %broadcast_in_dim3A_650 = arith.constant 8 : i32
    %broadcast_in_dim3A_651 = vector.broadcast %broadcast_in_dim3A_650 : i32 to vector<16xi32>
    %gather3A_652 = tpu.vector_load_idx %arg16[%broadcast_in_dim3A_651, %get3A_616] : memref<16x1000xf32, #tpu.memory_space<vmem>>[vector<16xi32>, vector<16xi32>], vector<16xf32>,
    tpu.vector_store_idx %arg19[%add3A_619, %broadcast_in_dim3A_651], %gather3A_652 : memref<32x16xf32, #tpu.memory_space<vmem>>[vector<16xi32>, vector<16xi32>], vector<16xf32>,
    %gather3A_653 = tpu.vector_load_idx %arg17[%broadcast_in_dim3A_651, %get3A_616] : memref<16x1000xf32, #tpu.memory_space<vmem>>[vector<16xi32>, vector<16xi32>], vector<16xf32>,
    tpu.vector_store_idx %arg21[%add3A_619, %broadcast_in_dim3A_651], %gather3A_653 : memref<32x16xf32, #tpu.memory_space<vmem>>[vector<16xi32>, vector<16xi32>], vector<16xf32>,
    %broadcast_in_dim3A_654 = arith.constant 9 : i32
    %broadcast_in_dim3A_655 = vector.broadcast %broadcast_in_dim3A_654 : i32 to vector<16xi32>
    %gather3A_656 = tpu.vector_load_idx %arg16[%broadcast_in_dim3A_655, %get3A_616] : memref<16x1000xf32, #tpu.memory_space<vmem>>[vector<16xi32>, vector<16xi32>], vector<16xf32>,
    tpu.vector_store_idx %arg19[%add3A_619, %broadcast_in_dim3A_655], %gather3A_656 : memref<32x16xf32, #tpu.memory_space<vmem>>[vector<16xi32>, vector<16xi32>], vector<16xf32>,
    %gather3A_657 = tpu.vector_load_idx %arg17[%broadcast_in_dim3A_655, %get3A_616] : memref<16x1000xf32, #tpu.memory_space<vmem>>[vector<16xi32>, vector<16xi32>], vector<16xf32>,
    tpu.vector_store_idx %arg21[%add3A_619, %broadcast_in_dim3A_655], %gather3A_657 : memref<32x16xf32, #tpu.memory_space<vmem>>[vector<16xi32>, vector<16xi32>], vector<16xf32>,
    %broadcast_in_dim3A_658 = arith.constant 10 : i32
    %broadcast_in_dim3A_659 = vector.broadcast %broadcast_in_dim3A_658 : i32 to vector<16xi32>
    %gather3A_660 = tpu.vector_load_idx %arg16[%broadcast_in_dim3A_659, %get3A_616] : memref<16x1000xf32, #tpu.memory_space<vmem>>[vector<16xi32>, vector<16xi32>], vector<16xf32>,
    tpu.vector_store_idx %arg19[%add3A_619, %broadcast_in_dim3A_659], %gather3A_660 : memref<32x16xf32, #tpu.memory_space<vmem>>[vector<16xi32>, vector<16xi32>], vector<16xf32>,
    %gather3A_661 = tpu.vector_load_idx %arg17[%broadcast_in_dim3A_659, %get3A_616] : memref<16x1000xf32, #tpu.memory_space<vmem>>[vector<16xi32>, vector<16xi32>], vector<16xf32>,
    tpu.vector_store_idx %arg21[%add3A_619, %broadcast_in_dim3A_659], %gather3A_661 : memref<32x16xf32, #tpu.memory_space<vmem>>[vector<16xi32>, vector<16xi32>], vector<16xf32>,
    %broadcast_in_dim3A_662 = arith.constant 11 : i32
    %broadcast_in_dim3A_663 = vector.broadcast %broadcast_in_dim3A_662 : i32 to vector<16xi32>
    %gather3A_664 = tpu.vector_load_idx %arg16[%broadcast_in_dim3A_663, %get3A_616] : memref<16x1000xf32, #tpu.memory_space<vmem>>[vector<16xi32>, vector<16xi32>], vector<16xf32>,
    tpu.vector_store_idx %arg19[%add3A_619, %broadcast_in_dim3A_663], %gather3A_664 : memref<32x16xf32, #tpu.memory_space<vmem>>[vector<16xi32>, vector<16xi32>], vector<16xf32>,
    %gather3A_665 = tpu.vector_load_idx %arg17[%broadcast_in_dim3A_663, %get3A_616] : memref<16x1000xf32, #tpu.memory_space<vmem>>[vector<16xi32>, vector<16xi32>], vector<16xf32>,
    tpu.vector_store_idx %arg21[%add3A_619, %broadcast_in_dim3A_663], %gather3A_665 : memref<32x16xf32, #tpu.memory_space<vmem>>[vector<16xi32>, vector<16xi32>], vector<16xf32>,
    %broadcast_in_dim3A_666 = arith.constant 12 : i32
    %broadcast_in_dim3A_667 = vector.broadcast %broadcast_in_dim3A_666 : i32 to vector<16xi32>
    %gather3A_668 = tpu.vector_load_idx %arg16[%broadcast_in_dim3A_667, %get3A_616] : memref<16x1000xf32, #tpu.memory_space<vmem>>[vector<16xi32>, vector<16xi32>], vector<16xf32>,
    tpu.vector_store_idx %arg19[%add3A_619, %broadcast_in_dim3A_667], %gather3A_668 : memref<32x16xf32, #tpu.memory_space<vmem>>[vector<16xi32>, vector<16xi32>], vector<16xf32>,
    %gather3A_669 = tpu.vector_load_idx %arg17[%broadcast_in_dim3A_667, %get3A_616] : memref<16x1000xf32, #tpu.memory_space<vmem>>[vector<16xi32>, vector<16xi32>], vector<16xf32>,
    tpu.vector_store_idx %arg21[%add3A_619, %broadcast_in_dim3A_667], %gather3A_669 : memref<32x16xf32, #tpu.memory_space<vmem>>[vector<16xi32>, vector<16xi32>], vector<16xf32>,
    %broadcast_in_dim3A_670 = arith.constant 13 : i32
    %broadcast_in_dim3A_671 = vector.broadcast %broadcast_in_dim3A_670 : i32 to vector<16xi32>
    %gather3A_672 = tpu.vector_load_idx %arg16[%broadcast_in_dim3A_671, %get3A_616] : memref<16x1000xf32, #tpu.memory_space<vmem>>[vector<16xi32>, vector<16xi32>], vector<16xf32>,
    tpu.vector_store_idx %arg19[%add3A_619, %broadcast_in_dim3A_671], %gather3A_672 : memref<32x16xf32, #tpu.memory_space<vmem>>[vector<16xi32>, vector<16xi32>], vector<16xf32>,
    %gather3A_673 = tpu.vector_load_idx %arg17[%broadcast_in_dim3A_671, %get3A_616] : memref<16x1000xf32, #tpu.memory_space<vmem>>[vector<16xi32>, vector<16xi32>], vector<16xf32>,
    tpu.vector_store_idx %arg21[%add3A_619, %broadcast_in_dim3A_671], %gather3A_673 : memref<32x16xf32, #tpu.memory_space<vmem>>[vector<16xi32>, vector<16xi32>], vector<16xf32>,
    %broadcast_in_dim3A_674 = arith.constant 14 : i32
    %broadcast_in_dim3A_675 = vector.broadcast %broadcast_in_dim3A_674 : i32 to vector<16xi32>
    %gather3A_676 = tpu.vector_load_idx %arg16[%broadcast_in_dim3A_675, %get3A_616] : memref<16x1000xf32, #tpu.memory_space<vmem>>[vector<16xi32>, vector<16xi32>], vector<16xf32>,
    tpu.vector_store_idx %arg19[%add3A_619, %broadcast_in_dim3A_675], %gather3A_676 : memref<32x16xf32, #tpu.memory_space<vmem>>[vector<16xi32>, vector<16xi32>], vector<16xf32>,
    %gather3A_677 = tpu.vector_load_idx %arg17[%broadcast_in_dim3A_675, %get3A_616] : memref<16x1000xf32, #tpu.memory_space<vmem>>[vector<16xi32>, vector<16xi32>], vector<16xf32>,
    tpu.vector_store_idx %arg21[%add3A_619, %broadcast_in_dim3A_675], %gather3A_677 : memref<32x16xf32, #tpu.memory_space<vmem>>[vector<16xi32>, vector<16xi32>], vector<16xf32>,
    %broadcast_in_dim3A_678 = arith.constant 15 : i32
    %broadcast_in_dim3A_679 = vector.broadcast %broadcast_in_dim3A_678 : i32 to vector<16xi32>
    %gather3A_680 = tpu.vector_load_idx %arg16[%broadcast_in_dim3A_679, %get3A_616] : memref<16x1000xf32, #tpu.memory_space<vmem>>[vector<16xi32>, vector<16xi32>], vector<16xf32>,
    tpu.vector_store_idx %arg19[%add3A_619, %broadcast_in_dim3A_679], %gather3A_680 : memref<32x16xf32, #tpu.memory_space<vmem>>[vector<16xi32>, vector<16xi32>], vector<16xf32>,
    %gather3A_681 = tpu.vector_load_idx %arg17[%broadcast_in_dim3A_679, %get3A_616] : memref<16x1000xf32, #tpu.memory_space<vmem>>[vector<16xi32>, vector<16xi32>], vector<16xf32>,
    tpu.vector_store_idx %arg21[%add3A_619, %broadcast_in_dim3A_679], %gather3A_681 : memref<32x16xf32, #tpu.memory_space<vmem>>[vector<16xi32>, vector<16xi32>], vector<16xf32>,
    %get3A_682 = arith.constant 16 : index
    %get3A_683 = tpu.vector_load %arg13[%get3A_682] {strides = array<i32>} : memref<32xi32, #tpu.memory_space<vmem>>, vector<16xi32>,
    %add3A_684 = arith.constant 16 : i32
    %add3A_685 = vector.broadcast %add3A_684 : i32 to vector<16xi32>
    %add3A_686 = arith.addi %iota3A, %add3A_685 : vector<16xi32>
    %broadcast_in_dim3A_687 = arith.constant 0 : i32
    %broadcast_in_dim3A_688 = vector.broadcast %broadcast_in_dim3A_687 : i32 to vector<16xi32>
    %gather3A_689 = tpu.vector_load_idx %arg16[%broadcast_in_dim3A_688, %get3A_683] : memref<16x1000xf32, #tpu.memory_space<vmem>>[vector<16xi32>, vector<16xi32>], vector<16xf32>,
    tpu.vector_store_idx %arg19[%add3A_686, %broadcast_in_dim3A_688], %gather3A_689 : memref<32x16xf32, #tpu.memory_space<vmem>>[vector<16xi32>, vector<16xi32>], vector<16xf32>,
    %gather3A_690 = tpu.vector_load_idx %arg17[%broadcast_in_dim3A_688, %get3A_683] : memref<16x1000xf32, #tpu.memory_space<vmem>>[vector<16xi32>, vector<16xi32>], vector<16xf32>,
    tpu.vector_store_idx %arg21[%add3A_686, %broadcast_in_dim3A_688], %gather3A_690 : memref<32x16xf32, #tpu.memory_space<vmem>>[vector<16xi32>, vector<16xi32>], vector<16xf32>,
    %broadcast_in_dim3A_691 = arith.constant 1 : i32
    %broadcast_in_dim3A_692 = vector.broadcast %broadcast_in_dim3A_691 : i32 to vector<16xi32>
    %gather3A_693 = tpu.vector_load_idx %arg16[%broadcast_in_dim3A_692, %get3A_683] : memref<16x1000xf32, #tpu.memory_space<vmem>>[vector<16xi32>, vector<16xi32>], vector<16xf32>,
    tpu.vector_store_idx %arg19[%add3A_686, %broadcast_in_dim3A_692], %gather3A_693 : memref<32x16xf32, #tpu.memory_space<vmem>>[vector<16xi32>, vector<16xi32>], vector<16xf32>,
    %gather3A_694 = tpu.vector_load_idx %arg17[%broadcast_in_dim3A_692, %get3A_683] : memref<16x1000xf32, #tpu.memory_space<vmem>>[vector<16xi32>, vector<16xi32>], vector<16xf32>,
    tpu.vector_store_idx %arg21[%add3A_686, %broadcast_in_dim3A_692], %gather3A_694 : memref<32x16xf32, #tpu.memory_space<vmem>>[vector<16xi32>, vector<16xi32>], vector<16xf32>,
    %broadcast_in_dim3A_695 = arith.constant 2 : i32
    %broadcast_in_dim3A_696 = vector.broadcast %broadcast_in_dim3A_695 : i32 to vector<16xi32>
    %gather3A_697 = tpu.vector_load_idx %arg16[%broadcast_in_dim3A_696, %get3A_683] : memref<16x1000xf32, #tpu.memory_space<vmem>>[vector<16xi32>, vector<16xi32>], vector<16xf32>,
    tpu.vector_store_idx %arg19[%add3A_686, %broadcast_in_dim3A_696], %gather3A_697 : memref<32x16xf32, #tpu.memory_space<vmem>>[vector<16xi32>, vector<16xi32>], vector<16xf32>,
    %gather3A_698 = tpu.vector_load_idx %arg17[%broadcast_in_dim3A_696, %get3A_683] : memref<16x1000xf32, #tpu.memory_space<vmem>>[vector<16xi32>, vector<16xi32>], vector<16xf32>,
    tpu.vector_store_idx %arg21[%add3A_686, %broadcast_in_dim3A_696], %gather3A_698 : memref<32x16xf32, #tpu.memory_space<vmem>>[vector<16xi32>, vector<16xi32>], vector<16xf32>,
    %broadcast_in_dim3A_699 = arith.constant 3 : i32
    %broadcast_in_dim3A_700 = vector.broadcast %broadcast_in_dim3A_699 : i32 to vector<16xi32>
    %gather3A_701 = tpu.vector_load_idx %arg16[%broadcast_in_dim3A_700, %get3A_683] : memref<16x1000xf32, #tpu.memory_space<vmem>>[vector<16xi32>, vector<16xi32>], vector<16xf32>,
    tpu.vector_store_idx %arg19[%add3A_686, %broadcast_in_dim3A_700], %gather3A_701 : memref<32x16xf32, #tpu.memory_space<vmem>>[vector<16xi32>, vector<16xi32>], vector<16xf32>,
    %gather3A_702 = tpu.vector_load_idx %arg17[%broadcast_in_dim3A_700, %get3A_683] : memref<16x1000xf32, #tpu.memory_space<vmem>>[vector<16xi32>, vector<16xi32>], vector<16xf32>,
    tpu.vector_store_idx %arg21[%add3A_686, %broadcast_in_dim3A_700], %gather3A_702 : memref<32x16xf32, #tpu.memory_space<vmem>>[vector<16xi32>, vector<16xi32>], vector<16xf32>,
    %broadcast_in_dim3A_703 = arith.constant 4 : i32
    %broadcast_in_dim3A_704 = vector.broadcast %broadcast_in_dim3A_703 : i32 to vector<16xi32>
    %gather3A_705 = tpu.vector_load_idx %arg16[%broadcast_in_dim3A_704, %get3A_683] : memref<16x1000xf32, #tpu.memory_space<vmem>>[vector<16xi32>, vector<16xi32>], vector<16xf32>,
    tpu.vector_store_idx %arg19[%add3A_686, %broadcast_in_dim3A_704], %gather3A_705 : memref<32x16xf32, #tpu.memory_space<vmem>>[vector<16xi32>, vector<16xi32>], vector<16xf32>,
    %gather3A_706 = tpu.vector_load_idx %arg17[%broadcast_in_dim3A_704, %get3A_683] : memref<16x1000xf32, #tpu.memory_space<vmem>>[vector<16xi32>, vector<16xi32>], vector<16xf32>,
    tpu.vector_store_idx %arg21[%add3A_686, %broadcast_in_dim3A_704], %gather3A_706 : memref<32x16xf32, #tpu.memory_space<vmem>>[vector<16xi32>, vector<16xi32>], vector<16xf32>,
    %broadcast_in_dim3A_707 = arith.constant 5 : i32
    %broadcast_in_dim3A_708 = vector.broadcast %broadcast_in_dim3A_707 : i32 to vector<16xi32>
    %gather3A_709 = tpu.vector_load_idx %arg16[%broadcast_in_dim3A_708, %get3A_683] : memref<16x1000xf32, #tpu.memory_space<vmem>>[vector<16xi32>, vector<16xi32>], vector<16xf32>,
    tpu.vector_store_idx %arg19[%add3A_686, %broadcast_in_dim3A_708], %gather3A_709 : memref<32x16xf32, #tpu.memory_space<vmem>>[vector<16xi32>, vector<16xi32>], vector<16xf32>,
    %gather3A_710 = tpu.vector_load_idx %arg17[%broadcast_in_dim3A_708, %get3A_683] : memref<16x1000xf32, #tpu.memory_space<vmem>>[vector<16xi32>, vector<16xi32>], vector<16xf32>,
    tpu.vector_store_idx %arg21[%add3A_686, %broadcast_in_dim3A_708], %gather3A_710 : memref<32x16xf32, #tpu.memory_space<vmem>>[vector<16xi32>, vector<16xi32>], vector<16xf32>,
    %broadcast_in_dim3A_711 = arith.constant 6 : i32
    %broadcast_in_dim3A_712 = vector.broadcast %broadcast_in_dim3A_711 : i32 to vector<16xi32>
    %gather3A_713 = tpu.vector_load_idx %arg16[%broadcast_in_dim3A_712, %get3A_683] : memref<16x1000xf32, #tpu.memory_space<vmem>>[vector<16xi32>, vector<16xi32>], vector<16xf32>,
    tpu.vector_store_idx %arg19[%add3A_686, %broadcast_in_dim3A_712], %gather3A_713 : memref<32x16xf32, #tpu.memory_space<vmem>>[vector<16xi32>, vector<16xi32>], vector<16xf32>,
    %gather3A_714 = tpu.vector_load_idx %arg17[%broadcast_in_dim3A_712, %get3A_683] : memref<16x1000xf32, #tpu.memory_space<vmem>>[vector<16xi32>, vector<16xi32>], vector<16xf32>,
    tpu.vector_store_idx %arg21[%add3A_686, %broadcast_in_dim3A_712], %gather3A_714 : memref<32x16xf32, #tpu.memory_space<vmem>>[vector<16xi32>, vector<16xi32>], vector<16xf32>,
    %broadcast_in_dim3A_715 = arith.constant 7 : i32
    %broadcast_in_dim3A_716 = vector.broadcast %broadcast_in_dim3A_715 : i32 to vector<16xi32>
    %gather3A_717 = tpu.vector_load_idx %arg16[%broadcast_in_dim3A_716, %get3A_683] : memref<16x1000xf32, #tpu.memory_space<vmem>>[vector<16xi32>, vector<16xi32>], vector<16xf32>,
    tpu.vector_store_idx %arg19[%add3A_686, %broadcast_in_dim3A_716], %gather3A_717 : memref<32x16xf32, #tpu.memory_space<vmem>>[vector<16xi32>, vector<16xi32>], vector<16xf32>,
    %gather3A_718 = tpu.vector_load_idx %arg17[%broadcast_in_dim3A_716, %get3A_683] : memref<16x1000xf32, #tpu.memory_space<vmem>>[vector<16xi32>, vector<16xi32>], vector<16xf32>,
    tpu.vector_store_idx %arg21[%add3A_686, %broadcast_in_dim3A_716], %gather3A_718 : memref<32x16xf32, #tpu.memory_space<vmem>>[vector<16xi32>, vector<16xi32>], vector<16xf32>,
    %broadcast_in_dim3A_719 = arith.constant 8 : i32
    %broadcast_in_dim3A_720 = vector.broadcast %broadcast_in_dim3A_719 : i32 to vector<16xi32>
    %gather3A_721 = tpu.vector_load_idx %arg16[%broadcast_in_dim3A_720, %get3A_683] : memref<16x1000xf32, #tpu.memory_space<vmem>>[vector<16xi32>, vector<16xi32>], vector<16xf32>,
    tpu.vector_store_idx %arg19[%add3A_686, %broadcast_in_dim3A_720], %gather3A_721 : memref<32x16xf32, #tpu.memory_space<vmem>>[vector<16xi32>, vector<16xi32>], vector<16xf32>,
    %gather3A_722 = tpu.vector_load_idx %arg17[%broadcast_in_dim3A_720, %get3A_683] : memref<16x1000xf32, #tpu.memory_space<vmem>>[vector<16xi32>, vector<16xi32>], vector<16xf32>,
    tpu.vector_store_idx %arg21[%add3A_686, %broadcast_in_dim3A_720], %gather3A_722 : memref<32x16xf32, #tpu.memory_space<vmem>>[vector<16xi32>, vector<16xi32>], vector<16xf32>,
    %broadcast_in_dim3A_723 = arith.constant 9 : i32
    %broadcast_in_dim3A_724 = vector.broadcast %broadcast_in_dim3A_723 : i32 to vector<16xi32>
    %gather3A_725 = tpu.vector_load_idx %arg16[%broadcast_in_dim3A_724, %get3A_683] : memref<16x1000xf32, #tpu.memory_space<vmem>>[vector<16xi32>, vector<16xi32>], vector<16xf32>,
    tpu.vector_store_idx %arg19[%add3A_686, %broadcast_in_dim3A_724], %gather3A_725 : memref<32x16xf32, #tpu.memory_space<vmem>>[vector<16xi32>, vector<16xi32>], vector<16xf32>,
    %gather3A_726 = tpu.vector_load_idx %arg17[%broadcast_in_dim3A_724, %get3A_683] : memref<16x1000xf32, #tpu.memory_space<vmem>>[vector<16xi32>, vector<16xi32>], vector<16xf32>,
    tpu.vector_store_idx %arg21[%add3A_686, %broadcast_in_dim3A_724], %gather3A_726 : memref<32x16xf32, #tpu.memory_space<vmem>>[vector<16xi32>, vector<16xi32>], vector<16xf32>,
    %broadcast_in_dim3A_727 = arith.constant 10 : i32
    %broadcast_in_dim3A_728 = vector.broadcast %broadcast_in_dim3A_727 : i32 to vector<16xi32>
    %gather3A_729 = tpu.vector_load_idx %arg16[%broadcast_in_dim3A_728, %get3A_683] : memref<16x1000xf32, #tpu.memory_space<vmem>>[vector<16xi32>, vector<16xi32>], vector<16xf32>,
    tpu.vector_store_idx %arg19[%add3A_686, %broadcast_in_dim3A_728], %gather3A_729 : memref<32x16xf32, #tpu.memory_space<vmem>>[vector<16xi32>, vector<16xi32>], vector<16xf32>,
    %gather3A_730 = tpu.vector_load_idx %arg17[%broadcast_in_dim3A_728, %get3A_683] : memref<16x1000xf32, #tpu.memory_space<vmem>>[vector<16xi32>, vector<16xi32>], vector<16xf32>,
    tpu.vector_store_idx %arg21[%add3A_686, %broadcast_in_dim3A_728], %gather3A_730 : memref<32x16xf32, #tpu.memory_space<vmem>>[vector<16xi32>, vector<16xi32>], vector<16xf32>,
    %broadcast_in_dim3A_731 = arith.constant 11 : i32
    %broadcast_in_dim3A_732 = vector.broadcast %broadcast_in_dim3A_731 : i32 to vector<16xi32>
    %gather3A_733 = tpu.vector_load_idx %arg16[%broadcast_in_dim3A_732, %get3A_683] : memref<16x1000xf32, #tpu.memory_space<vmem>>[vector<16xi32>, vector<16xi32>], vector<16xf32>,
    tpu.vector_store_idx %arg19[%add3A_686, %broadcast_in_dim3A_732], %gather3A_733 : memref<32x16xf32, #tpu.memory_space<vmem>>[vector<16xi32>, vector<16xi32>], vector<16xf32>,
    %gather3A_734 = tpu.vector_load_idx %arg17[%broadcast_in_dim3A_732, %get3A_683] : memref<16x1000xf32, #tpu.memory_space<vmem>>[vector<16xi32>, vector<16xi32>], vector<16xf32>,
    tpu.vector_store_idx %arg21[%add3A_686, %broadcast_in_dim3A_732], %gather3A_734 : memref<32x16xf32, #tpu.memory_space<vmem>>[vector<16xi32>, vector<16xi32>], vector<16xf32>,
    %broadcast_in_dim3A_735 = arith.constant 12 : i32
    %broadcast_in_dim3A_736 = vector.broadcast %broadcast_in_dim3A_735 : i32 to vector<16xi32>
    %gather3A_737 = tpu.vector_load_idx %arg16[%broadcast_in_dim3A_736, %get3A_683] : memref<16x1000xf32, #tpu.memory_space<vmem>>[vector<16xi32>, vector<16xi32>], vector<16xf32>,
    tpu.vector_store_idx %arg19[%add3A_686, %broadcast_in_dim3A_736], %gather3A_737 : memref<32x16xf32, #tpu.memory_space<vmem>>[vector<16xi32>, vector<16xi32>], vector<16xf32>,
    %gather3A_738 = tpu.vector_load_idx %arg17[%broadcast_in_dim3A_736, %get3A_683] : memref<16x1000xf32, #tpu.memory_space<vmem>>[vector<16xi32>, vector<16xi32>], vector<16xf32>,
    tpu.vector_store_idx %arg21[%add3A_686, %broadcast_in_dim3A_736], %gather3A_738 : memref<32x16xf32, #tpu.memory_space<vmem>>[vector<16xi32>, vector<16xi32>], vector<16xf32>,
    %broadcast_in_dim3A_739 = arith.constant 13 : i32
    %broadcast_in_dim3A_740 = vector.broadcast %broadcast_in_dim3A_739 : i32 to vector<16xi32>
    %gather3A_741 = tpu.vector_load_idx %arg16[%broadcast_in_dim3A_740, %get3A_683] : memref<16x1000xf32, #tpu.memory_space<vmem>>[vector<16xi32>, vector<16xi32>], vector<16xf32>,
    tpu.vector_store_idx %arg19[%add3A_686, %broadcast_in_dim3A_740], %gather3A_741 : memref<32x16xf32, #tpu.memory_space<vmem>>[vector<16xi32>, vector<16xi32>], vector<16xf32>,
    %gather3A_742 = tpu.vector_load_idx %arg17[%broadcast_in_dim3A_740, %get3A_683] : memref<16x1000xf32, #tpu.memory_space<vmem>>[vector<16xi32>, vector<16xi32>], vector<16xf32>,
    tpu.vector_store_idx %arg21[%add3A_686, %broadcast_in_dim3A_740], %gather3A_742 : memref<32x16xf32, #tpu.memory_space<vmem>>[vector<16xi32>, vector<16xi32>], vector<16xf32>,
    %broadcast_in_dim3A_743 = arith.constant 14 : i32
    %broadcast_in_dim3A_744 = vector.broadcast %broadcast_in_dim3A_743 : i32 to vector<16xi32>
    %gather3A_745 = tpu.vector_load_idx %arg16[%broadcast_in_dim3A_744, %get3A_683] : memref<16x1000xf32, #tpu.memory_space<vmem>>[vector<16xi32>, vector<16xi32>], vector<16xf32>,
    tpu.vector_store_idx %arg19[%add3A_686, %broadcast_in_dim3A_744], %gather3A_745 : memref<32x16xf32, #tpu.memory_space<vmem>>[vector<16xi32>, vector<16xi32>], vector<16xf32>,
    %gather3A_746 = tpu.vector_load_idx %arg17[%broadcast_in_dim3A_744, %get3A_683] : memref<16x1000xf32, #tpu.memory_space<vmem>>[vector<16xi32>, vector<16xi32>], vector<16xf32>,
    tpu.vector_store_idx %arg21[%add3A_686, %broadcast_in_dim3A_744], %gather3A_746 : memref<32x16xf32, #tpu.memory_space<vmem>>[vector<16xi32>, vector<16xi32>], vector<16xf32>,
    %broadcast_in_dim3A_747 = arith.constant 15 : i32
    %broadcast_in_dim3A_748 = vector.broadcast %broadcast_in_dim3A_747 : i32 to vector<16xi32>
    %gather3A_749 = tpu.vector_load_idx %arg16[%broadcast_in_dim3A_748, %get3A_683] : memref<16x1000xf32, #tpu.memory_space<vmem>>[vector<16xi32>, vector<16xi32>], vector<16xf32>,
    tpu.vector_store_idx %arg19[%add3A_686, %broadcast_in_dim3A_748], %gather3A_749 : memref<32x16xf32, #tpu.memory_space<vmem>>[vector<16xi32>, vector<16xi32>], vector<16xf32>,
    %gather3A_750 = tpu.vector_load_idx %arg17[%broadcast_in_dim3A_748, %get3A_683] : memref<16x1000xf32, #tpu.memory_space<vmem>>[vector<16xi32>, vector<16xi32>], vector<16xf32>,
    tpu.vector_store_idx %arg21[%add3A_686, %broadcast_in_dim3A_748], %gather3A_750 : memref<32x16xf32, #tpu.memory_space<vmem>>[vector<16xi32>, vector<16xi32>], vector<16xf32>,
    %dma_start3A_751 = arith.constant 0 : i32
    %dma_start3A_752 = arith.constant 0 : i32
    %dma_start3A_753 = tpu.memref_slice %arg9[%add3A, %dma_start3A_751, %dma_start3A_752] : memref<32x32x16xf32, #tpu.memory_space<hbm>> -> memref<1x32x16xf32, #tpu.memory_space<hbm>>
    %dma_start3A_754 = tpu.memref_squeeze %dma_start3A_753 : memref<1x32x16xf32, #tpu.memory_space<hbm>> -> memref<32x16xf32, #tpu.memory_space<hbm>>
    %dma_start3A_755 = arith.constant 0 : i32
    %dma_start3A_756 = arith.constant 0 : i32
    %dma_start3A_757 = tpu.memref_slice %arg9[%add3A, %dma_start3A_755, %dma_start3A_756] : memref<32x32x16xf32, #tpu.memory_space<hbm>> -> memref<1x32x16xf32, #tpu.memory_space<hbm>>
    %dma_start3A_758 = tpu.memref_squeeze %dma_start3A_757 : memref<1x32x16xf32, #tpu.memory_space<hbm>> -> memref<32x16xf32, #tpu.memory_space<hbm>>
    tpu.enqueue_dma source(%arg19 : memref<32x16xf32, #tpu.memory_space<vmem>>) target(%dma_start3A_758 : memref<32x16xf32, #tpu.memory_space<hbm>>) target_semaphore(%arg25 : memref<!tpu.dma_semaphore, #tpu.memory_space<semaphore_mem>>)
    %dma_start3A_759 = arith.constant 0 : i32
    %dma_start3A_760 = arith.constant 0 : i32
    %dma_start3A_761 = tpu.memref_slice %arg11[%add3A, %dma_start3A_759, %dma_start3A_760] : memref<32x32x16xf32, #tpu.memory_space<hbm>> -> memref<1x32x16xf32, #tpu.memory_space<hbm>>
    %dma_start3A_762 = tpu.memref_squeeze %dma_start3A_761 : memref<1x32x16xf32, #tpu.memory_space<hbm>> -> memref<32x16xf32, #tpu.memory_space<hbm>>
    %dma_start3A_763 = arith.constant 0 : i32
    %dma_start3A_764 = arith.constant 0 : i32
    %dma_start3A_765 = tpu.memref_slice %arg11[%add3A, %dma_start3A_763, %dma_start3A_764] : memref<32x32x16xf32, #tpu.memory_space<hbm>> -> memref<1x32x16xf32, #tpu.memory_space<hbm>>
    %dma_start3A_766 = tpu.memref_squeeze %dma_start3A_765 : memref<1x32x16xf32, #tpu.memory_space<hbm>> -> memref<32x16xf32, #tpu.memory_space<hbm>>
    tpu.enqueue_dma source(%arg21 : memref<32x16xf32, #tpu.memory_space<vmem>>) target(%dma_start3A_766 : memref<32x16xf32, #tpu.memory_space<hbm>>) target_semaphore(%arg25 : memref<!tpu.dma_semaphore, #tpu.memory_space<semaphore_mem>>)
    %dma_wait3A_767 = arith.constant 0 : i32
    %dma_wait3A_768 = arith.constant 0 : i32
    %dma_wait3A_769 = arith.constant 0 : i32
    %dma_wait3A_770 = tpu.memref_slice %arg14[%dma_wait3A_767, %dma_wait3A_768, %dma_wait3A_769] : memref<16x16x128xf32, #tpu.memory_space<vmem>> -> memref<1x16x128xf32, #tpu.memory_space<vmem>>
    %dma_wait3A_771 = tpu.memref_squeeze %dma_wait3A_770 : memref<1x16x128xf32, #tpu.memory_space<vmem>> -> memref<16x128xf32, #tpu.memory_space<vmem>>
    %dma_wait3A_772 = arith.constant 0 : i32
    %dma_wait3A_773 = tpu.memref_slice %arg4[%dma_wait3A_772, %multiple_of3A] : memref<16x1000000xf32, #tpu.memory_space<hbm>> -> memref<16x128xf32, #tpu.memory_space<hbm>>
    %dma_wait3A_774 = arith.constant 0 : i32
    %dma_wait3A_775 = arith.constant 0 : i32
    %dma_wait3A_776 = tpu.memref_slice %arg14[%dma_wait3A_767, %dma_wait3A_774, %dma_wait3A_775] : memref<16x16x128xf32, #tpu.memory_space<vmem>> -> memref<1x16x128xf32, #tpu.memory_space<vmem>>
    %dma_wait3A_777 = tpu.memref_squeeze %dma_wait3A_776 : memref<1x16x128xf32, #tpu.memory_space<vmem>> -> memref<16x128xf32, #tpu.memory_space<vmem>>
    %dma_wait3A_778 = arith.constant 0 : i32
    %dma_wait3A_779 = tpu.memref_slice %arg4[%dma_wait3A_778, %multiple_of3A] : memref<16x1000000xf32, #tpu.memory_space<hbm>> -> memref<16x128xf32, #tpu.memory_space<hbm>>
    tpu.wait_dma2 semaphore(%arg22 : memref<!tpu.dma_semaphore, #tpu.memory_space<semaphore_mem>>) src(%dma_wait3A_779 : memref<16x128xf32, #tpu.memory_space<hbm>>) dst(%dma_wait3A_777 : memref<16x128xf32, #tpu.memory_space<vmem>>)
    %dma_wait3A_780 = arith.constant 1 : i32
    %dma_wait3A_781 = arith.constant 0 : i32
    %dma_wait3A_782 = arith.constant 0 : i32
    %dma_wait3A_783 = tpu.memref_slice %arg14[%dma_wait3A_780, %dma_wait3A_781, %dma_wait3A_782] : memref<16x16x128xf32, #tpu.memory_space<vmem>> -> memref<1x16x128xf32, #tpu.memory_space<vmem>>
    %dma_wait3A_784 = tpu.memref_squeeze %dma_wait3A_783 : memref<1x16x128xf32, #tpu.memory_space<vmem>> -> memref<16x128xf32, #tpu.memory_space<vmem>>
    %dma_wait3A_785 = arith.constant 0 : i32
    %dma_wait3A_786 = tpu.memref_slice %arg4[%dma_wait3A_785, %multiple_of3A_29] : memref<16x1000000xf32, #tpu.memory_space<hbm>> -> memref<16x128xf32, #tpu.memory_space<hbm>>
    %dma_wait3A_787 = arith.constant 0 : i32
    %dma_wait3A_788 = arith.constant 0 : i32
    %dma_wait3A_789 = tpu.memref_slice %arg14[%dma_wait3A_780, %dma_wait3A_787, %dma_wait3A_788] : memref<16x16x128xf32, #tpu.memory_space<vmem>> -> memref<1x16x128xf32, #tpu.memory_space<vmem>>
    %dma_wait3A_790 = tpu.memref_squeeze %dma_wait3A_789 : memref<1x16x128xf32, #tpu.memory_space<vmem>> -> memref<16x128xf32, #tpu.memory_space<vmem>>
    %dma_wait3A_791 = arith.constant 0 : i32
    %dma_wait3A_792 = tpu.memref_slice %arg4[%dma_wait3A_791, %multiple_of3A_29] : memref<16x1000000xf32, #tpu.memory_space<hbm>> -> memref<16x128xf32, #tpu.memory_space<hbm>>
    tpu.wait_dma2 semaphore(%arg22 : memref<!tpu.dma_semaphore, #tpu.memory_space<semaphore_mem>>) src(%dma_wait3A_792 : memref<16x128xf32, #tpu.memory_space<hbm>>) dst(%dma_wait3A_790 : memref<16x128xf32, #tpu.memory_space<vmem>>)
    %dma_wait3A_793 = arith.constant 2 : i32
    %dma_wait3A_794 = arith.constant 0 : i32
    %dma_wait3A_795 = arith.constant 0 : i32
    %dma_wait3A_796 = tpu.memref_slice %arg14[%dma_wait3A_793, %dma_wait3A_794, %dma_wait3A_795] : memref<16x16x128xf32, #tpu.memory_space<vmem>> -> memref<1x16x128xf32, #tpu.memory_space<vmem>>
    %dma_wait3A_797 = tpu.memref_squeeze %dma_wait3A_796 : memref<1x16x128xf32, #tpu.memory_space<vmem>> -> memref<16x128xf32, #tpu.memory_space<vmem>>
    %dma_wait3A_798 = arith.constant 0 : i32
    %dma_wait3A_799 = tpu.memref_slice %arg4[%dma_wait3A_798, %multiple_of3A_48] : memref<16x1000000xf32, #tpu.memory_space<hbm>> -> memref<16x128xf32, #tpu.memory_space<hbm>>
    %dma_wait3A_800 = arith.constant 0 : i32
    %dma_wait3A_801 = arith.constant 0 : i32
    %dma_wait3A_802 = tpu.memref_slice %arg14[%dma_wait3A_793, %dma_wait3A_800, %dma_wait3A_801] : memref<16x16x128xf32, #tpu.memory_space<vmem>> -> memref<1x16x128xf32, #tpu.memory_space<vmem>>
    %dma_wait3A_803 = tpu.memref_squeeze %dma_wait3A_802 : memref<1x16x128xf32, #tpu.memory_space<vmem>> -> memref<16x128xf32, #tpu.memory_space<vmem>>
    %dma_wait3A_804 = arith.constant 0 : i32
    %dma_wait3A_805 = tpu.memref_slice %arg4[%dma_wait3A_804, %multiple_of3A_48] : memref<16x1000000xf32, #tpu.memory_space<hbm>> -> memref<16x128xf32, #tpu.memory_space<hbm>>
    tpu.wait_dma2 semaphore(%arg22 : memref<!tpu.dma_semaphore, #tpu.memory_space<semaphore_mem>>) src(%dma_wait3A_805 : memref<16x128xf32, #tpu.memory_space<hbm>>) dst(%dma_wait3A_803 : memref<16x128xf32, #tpu.memory_space<vmem>>)
    %dma_wait3A_806 = arith.constant 3 : i32
    %dma_wait3A_807 = arith.constant 0 : i32
    %dma_wait3A_808 = arith.constant 0 : i32
    %dma_wait3A_809 = tpu.memref_slice %arg14[%dma_wait3A_806, %dma_wait3A_807, %dma_wait3A_808] : memref<16x16x128xf32, #tpu.memory_space<vmem>> -> memref<1x16x128xf32, #tpu.memory_space<vmem>>
    %dma_wait3A_810 = tpu.memref_squeeze %dma_wait3A_809 : memref<1x16x128xf32, #tpu.memory_space<vmem>> -> memref<16x128xf32, #tpu.memory_space<vmem>>
    %dma_wait3A_811 = arith.constant 0 : i32
    %dma_wait3A_812 = tpu.memref_slice %arg4[%dma_wait3A_811, %multiple_of3A_67] : memref<16x1000000xf32, #tpu.memory_space<hbm>> -> memref<16x128xf32, #tpu.memory_space<hbm>>
    %dma_wait3A_813 = arith.constant 0 : i32
    %dma_wait3A_814 = arith.constant 0 : i32
    %dma_wait3A_815 = tpu.memref_slice %arg14[%dma_wait3A_806, %dma_wait3A_813, %dma_wait3A_814] : memref<16x16x128xf32, #tpu.memory_space<vmem>> -> memref<1x16x128xf32, #tpu.memory_space<vmem>>
    %dma_wait3A_816 = tpu.memref_squeeze %dma_wait3A_815 : memref<1x16x128xf32, #tpu.memory_space<vmem>> -> memref<16x128xf32, #tpu.memory_space<vmem>>
    %dma_wait3A_817 = arith.constant 0 : i32
    %dma_wait3A_818 = tpu.memref_slice %arg4[%dma_wait3A_817, %multiple_of3A_67] : memref<16x1000000xf32, #tpu.memory_space<hbm>> -> memref<16x128xf32, #tpu.memory_space<hbm>>
    tpu.wait_dma2 semaphore(%arg22 : memref<!tpu.dma_semaphore, #tpu.memory_space<semaphore_mem>>) src(%dma_wait3A_818 : memref<16x128xf32, #tpu.memory_space<hbm>>) dst(%dma_wait3A_816 : memref<16x128xf32, #tpu.memory_space<vmem>>)
    %dma_wait3A_819 = arith.constant 4 : i32
    %dma_wait3A_820 = arith.constant 0 : i32
    %dma_wait3A_821 = arith.constant 0 : i32
    %dma_wait3A_822 = tpu.memref_slice %arg14[%dma_wait3A_819, %dma_wait3A_820, %dma_wait3A_821] : memref<16x16x128xf32, #tpu.memory_space<vmem>> -> memref<1x16x128xf32, #tpu.memory_space<vmem>>
    %dma_wait3A_823 = tpu.memref_squeeze %dma_wait3A_822 : memref<1x16x128xf32, #tpu.memory_space<vmem>> -> memref<16x128xf32, #tpu.memory_space<vmem>>
    %dma_wait3A_824 = arith.constant 0 : i32
    %dma_wait3A_825 = tpu.memref_slice %arg4[%dma_wait3A_824, %multiple_of3A_86] : memref<16x1000000xf32, #tpu.memory_space<hbm>> -> memref<16x128xf32, #tpu.memory_space<hbm>>
    %dma_wait3A_826 = arith.constant 0 : i32
    %dma_wait3A_827 = arith.constant 0 : i32
    %dma_wait3A_828 = tpu.memref_slice %arg14[%dma_wait3A_819, %dma_wait3A_826, %dma_wait3A_827] : memref<16x16x128xf32, #tpu.memory_space<vmem>> -> memref<1x16x128xf32, #tpu.memory_space<vmem>>
    %dma_wait3A_829 = tpu.memref_squeeze %dma_wait3A_828 : memref<1x16x128xf32, #tpu.memory_space<vmem>> -> memref<16x128xf32, #tpu.memory_space<vmem>>
    %dma_wait3A_830 = arith.constant 0 : i32
    %dma_wait3A_831 = tpu.memref_slice %arg4[%dma_wait3A_830, %multiple_of3A_86] : memref<16x1000000xf32, #tpu.memory_space<hbm>> -> memref<16x128xf32, #tpu.memory_space<hbm>>
    tpu.wait_dma2 semaphore(%arg22 : memref<!tpu.dma_semaphore, #tpu.memory_space<semaphore_mem>>) src(%dma_wait3A_831 : memref<16x128xf32, #tpu.memory_space<hbm>>) dst(%dma_wait3A_829 : memref<16x128xf32, #tpu.memory_space<vmem>>)
    %dma_wait3A_832 = arith.constant 5 : i32
    %dma_wait3A_833 = arith.constant 0 : i32
    %dma_wait3A_834 = arith.constant 0 : i32
    %dma_wait3A_835 = tpu.memref_slice %arg14[%dma_wait3A_832, %dma_wait3A_833, %dma_wait3A_834] : memref<16x16x128xf32, #tpu.memory_space<vmem>> -> memref<1x16x128xf32, #tpu.memory_space<vmem>>
    %dma_wait3A_836 = tpu.memref_squeeze %dma_wait3A_835 : memref<1x16x128xf32, #tpu.memory_space<vmem>> -> memref<16x128xf32, #tpu.memory_space<vmem>>
    %dma_wait3A_837 = arith.constant 0 : i32
    %dma_wait3A_838 = tpu.memref_slice %arg4[%dma_wait3A_837, %multiple_of3A_105] : memref<16x1000000xf32, #tpu.memory_space<hbm>> -> memref<16x128xf32, #tpu.memory_space<hbm>>
    %dma_wait3A_839 = arith.constant 0 : i32
    %dma_wait3A_840 = arith.constant 0 : i32
    %dma_wait3A_841 = tpu.memref_slice %arg14[%dma_wait3A_832, %dma_wait3A_839, %dma_wait3A_840] : memref<16x16x128xf32, #tpu.memory_space<vmem>> -> memref<1x16x128xf32, #tpu.memory_space<vmem>>
    %dma_wait3A_842 = tpu.memref_squeeze %dma_wait3A_841 : memref<1x16x128xf32, #tpu.memory_space<vmem>> -> memref<16x128xf32, #tpu.memory_space<vmem>>
    %dma_wait3A_843 = arith.constant 0 : i32
    %dma_wait3A_844 = tpu.memref_slice %arg4[%dma_wait3A_843, %multiple_of3A_105] : memref<16x1000000xf32, #tpu.memory_space<hbm>> -> memref<16x128xf32, #tpu.memory_space<hbm>>
    tpu.wait_dma2 semaphore(%arg22 : memref<!tpu.dma_semaphore, #tpu.memory_space<semaphore_mem>>) src(%dma_wait3A_844 : memref<16x128xf32, #tpu.memory_space<hbm>>) dst(%dma_wait3A_842 : memref<16x128xf32, #tpu.memory_space<vmem>>)
    %dma_wait3A_845 = arith.constant 6 : i32
    %dma_wait3A_846 = arith.constant 0 : i32
    %dma_wait3A_847 = arith.constant 0 : i32
    %dma_wait3A_848 = tpu.memref_slice %arg14[%dma_wait3A_845, %dma_wait3A_846, %dma_wait3A_847] : memref<16x16x128xf32, #tpu.memory_space<vmem>> -> memref<1x16x128xf32, #tpu.memory_space<vmem>>
    %dma_wait3A_849 = tpu.memref_squeeze %dma_wait3A_848 : memref<1x16x128xf32, #tpu.memory_space<vmem>> -> memref<16x128xf32, #tpu.memory_space<vmem>>
    %dma_wait3A_850 = arith.constant 0 : i32
    %dma_wait3A_851 = tpu.memref_slice %arg4[%dma_wait3A_850, %multiple_of3A_124] : memref<16x1000000xf32, #tpu.memory_space<hbm>> -> memref<16x128xf32, #tpu.memory_space<hbm>>
    %dma_wait3A_852 = arith.constant 0 : i32
    %dma_wait3A_853 = arith.constant 0 : i32
    %dma_wait3A_854 = tpu.memref_slice %arg14[%dma_wait3A_845, %dma_wait3A_852, %dma_wait3A_853] : memref<16x16x128xf32, #tpu.memory_space<vmem>> -> memref<1x16x128xf32, #tpu.memory_space<vmem>>
    %dma_wait3A_855 = tpu.memref_squeeze %dma_wait3A_854 : memref<1x16x128xf32, #tpu.memory_space<vmem>> -> memref<16x128xf32, #tpu.memory_space<vmem>>
    %dma_wait3A_856 = arith.constant 0 : i32
    %dma_wait3A_857 = tpu.memref_slice %arg4[%dma_wait3A_856, %multiple_of3A_124] : memref<16x1000000xf32, #tpu.memory_space<hbm>> -> memref<16x128xf32, #tpu.memory_space<hbm>>
    tpu.wait_dma2 semaphore(%arg22 : memref<!tpu.dma_semaphore, #tpu.memory_space<semaphore_mem>>) src(%dma_wait3A_857 : memref<16x128xf32, #tpu.memory_space<hbm>>) dst(%dma_wait3A_855 : memref<16x128xf32, #tpu.memory_space<vmem>>)
    %dma_wait3A_858 = arith.constant 7 : i32
    %dma_wait3A_859 = arith.constant 0 : i32
    %dma_wait3A_860 = arith.constant 0 : i32
    %dma_wait3A_861 = tpu.memref_slice %arg14[%dma_wait3A_858, %dma_wait3A_859, %dma_wait3A_860] : memref<16x16x128xf32, #tpu.memory_space<vmem>> -> memref<1x16x128xf32, #tpu.memory_space<vmem>>
    %dma_wait3A_862 = tpu.memref_squeeze %dma_wait3A_861 : memref<1x16x128xf32, #tpu.memory_space<vmem>> -> memref<16x128xf32, #tpu.memory_space<vmem>>
    %dma_wait3A_863 = arith.constant 0 : i32
    %dma_wait3A_864 = tpu.memref_slice %arg4[%dma_wait3A_863, %multiple_of3A_143] : memref<16x1000000xf32, #tpu.memory_space<hbm>> -> memref<16x128xf32, #tpu.memory_space<hbm>>
    %dma_wait3A_865 = arith.constant 0 : i32
    %dma_wait3A_866 = arith.constant 0 : i32
    %dma_wait3A_867 = tpu.memref_slice %arg14[%dma_wait3A_858, %dma_wait3A_865, %dma_wait3A_866] : memref<16x16x128xf32, #tpu.memory_space<vmem>> -> memref<1x16x128xf32, #tpu.memory_space<vmem>>
    %dma_wait3A_868 = tpu.memref_squeeze %dma_wait3A_867 : memref<1x16x128xf32, #tpu.memory_space<vmem>> -> memref<16x128xf32, #tpu.memory_space<vmem>>
    %dma_wait3A_869 = arith.constant 0 : i32
    %dma_wait3A_870 = tpu.memref_slice %arg4[%dma_wait3A_869, %multiple_of3A_143] : memref<16x1000000xf32, #tpu.memory_space<hbm>> -> memref<16x128xf32, #tpu.memory_space<hbm>>
    tpu.wait_dma2 semaphore(%arg22 : memref<!tpu.dma_semaphore, #tpu.memory_space<semaphore_mem>>) src(%dma_wait3A_870 : memref<16x128xf32, #tpu.memory_space<hbm>>) dst(%dma_wait3A_868 : memref<16x128xf32, #tpu.memory_space<vmem>>)
    %dma_wait3A_871 = arith.constant 8 : i32
    %dma_wait3A_872 = arith.constant 0 : i32
    %dma_wait3A_873 = arith.constant 0 : i32
    %dma_wait3A_874 = tpu.memref_slice %arg14[%dma_wait3A_871, %dma_wait3A_872, %dma_wait3A_873] : memref<16x16x128xf32, #tpu.memory_space<vmem>> -> memref<1x16x128xf32, #tpu.memory_space<vmem>>
    %dma_wait3A_875 = tpu.memref_squeeze %dma_wait3A_874 : memref<1x16x128xf32, #tpu.memory_space<vmem>> -> memref<16x128xf32, #tpu.memory_space<vmem>>
    %dma_wait3A_876 = arith.constant 0 : i32
    %dma_wait3A_877 = tpu.memref_slice %arg4[%dma_wait3A_876, %multiple_of3A_162] : memref<16x1000000xf32, #tpu.memory_space<hbm>> -> memref<16x128xf32, #tpu.memory_space<hbm>>
    %dma_wait3A_878 = arith.constant 0 : i32
    %dma_wait3A_879 = arith.constant 0 : i32
    %dma_wait3A_880 = tpu.memref_slice %arg14[%dma_wait3A_871, %dma_wait3A_878, %dma_wait3A_879] : memref<16x16x128xf32, #tpu.memory_space<vmem>> -> memref<1x16x128xf32, #tpu.memory_space<vmem>>
    %dma_wait3A_881 = tpu.memref_squeeze %dma_wait3A_880 : memref<1x16x128xf32, #tpu.memory_space<vmem>> -> memref<16x128xf32, #tpu.memory_space<vmem>>
    %dma_wait3A_882 = arith.constant 0 : i32
    %dma_wait3A_883 = tpu.memref_slice %arg4[%dma_wait3A_882, %multiple_of3A_162] : memref<16x1000000xf32, #tpu.memory_space<hbm>> -> memref<16x128xf32, #tpu.memory_space<hbm>>
    tpu.wait_dma2 semaphore(%arg22 : memref<!tpu.dma_semaphore, #tpu.memory_space<semaphore_mem>>) src(%dma_wait3A_883 : memref<16x128xf32, #tpu.memory_space<hbm>>) dst(%dma_wait3A_881 : memref<16x128xf32, #tpu.memory_space<vmem>>)
    %dma_wait3A_884 = arith.constant 9 : i32
    %dma_wait3A_885 = arith.constant 0 : i32
    %dma_wait3A_886 = arith.constant 0 : i32
    %dma_wait3A_887 = tpu.memref_slice %arg14[%dma_wait3A_884, %dma_wait3A_885, %dma_wait3A_886] : memref<16x16x128xf32, #tpu.memory_space<vmem>> -> memref<1x16x128xf32, #tpu.memory_space<vmem>>
    %dma_wait3A_888 = tpu.memref_squeeze %dma_wait3A_887 : memref<1x16x128xf32, #tpu.memory_space<vmem>> -> memref<16x128xf32, #tpu.memory_space<vmem>>
    %dma_wait3A_889 = arith.constant 0 : i32
    %dma_wait3A_890 = tpu.memref_slice %arg4[%dma_wait3A_889, %multiple_of3A_181] : memref<16x1000000xf32, #tpu.memory_space<hbm>> -> memref<16x128xf32, #tpu.memory_space<hbm>>
    %dma_wait3A_891 = arith.constant 0 : i32
    %dma_wait3A_892 = arith.constant 0 : i32
    %dma_wait3A_893 = tpu.memref_slice %arg14[%dma_wait3A_884, %dma_wait3A_891, %dma_wait3A_892] : memref<16x16x128xf32, #tpu.memory_space<vmem>> -> memref<1x16x128xf32, #tpu.memory_space<vmem>>
    %dma_wait3A_894 = tpu.memref_squeeze %dma_wait3A_893 : memref<1x16x128xf32, #tpu.memory_space<vmem>> -> memref<16x128xf32, #tpu.memory_space<vmem>>
    %dma_wait3A_895 = arith.constant 0 : i32
    %dma_wait3A_896 = tpu.memref_slice %arg4[%dma_wait3A_895, %multiple_of3A_181] : memref<16x1000000xf32, #tpu.memory_space<hbm>> -> memref<16x128xf32, #tpu.memory_space<hbm>>
    tpu.wait_dma2 semaphore(%arg22 : memref<!tpu.dma_semaphore, #tpu.memory_space<semaphore_mem>>) src(%dma_wait3A_896 : memref<16x128xf32, #tpu.memory_space<hbm>>) dst(%dma_wait3A_894 : memref<16x128xf32, #tpu.memory_space<vmem>>)
    %dma_wait3A_897 = arith.constant 10 : i32
    %dma_wait3A_898 = arith.constant 0 : i32
    %dma_wait3A_899 = arith.constant 0 : i32
    %dma_wait3A_900 = tpu.memref_slice %arg14[%dma_wait3A_897, %dma_wait3A_898, %dma_wait3A_899] : memref<16x16x128xf32, #tpu.memory_space<vmem>> -> memref<1x16x128xf32, #tpu.memory_space<vmem>>
    %dma_wait3A_901 = tpu.memref_squeeze %dma_wait3A_900 : memref<1x16x128xf32, #tpu.memory_space<vmem>> -> memref<16x128xf32, #tpu.memory_space<vmem>>
    %dma_wait3A_902 = arith.constant 0 : i32
    %dma_wait3A_903 = tpu.memref_slice %arg4[%dma_wait3A_902, %multiple_of3A_200] : memref<16x1000000xf32, #tpu.memory_space<hbm>> -> memref<16x128xf32, #tpu.memory_space<hbm>>
    %dma_wait3A_904 = arith.constant 0 : i32
    %dma_wait3A_905 = arith.constant 0 : i32
    %dma_wait3A_906 = tpu.memref_slice %arg14[%dma_wait3A_897, %dma_wait3A_904, %dma_wait3A_905] : memref<16x16x128xf32, #tpu.memory_space<vmem>> -> memref<1x16x128xf32, #tpu.memory_space<vmem>>
    %dma_wait3A_907 = tpu.memref_squeeze %dma_wait3A_906 : memref<1x16x128xf32, #tpu.memory_space<vmem>> -> memref<16x128xf32, #tpu.memory_space<vmem>>
    %dma_wait3A_908 = arith.constant 0 : i32
    %dma_wait3A_909 = tpu.memref_slice %arg4[%dma_wait3A_908, %multiple_of3A_200] : memref<16x1000000xf32, #tpu.memory_space<hbm>> -> memref<16x128xf32, #tpu.memory_space<hbm>>
    tpu.wait_dma2 semaphore(%arg22 : memref<!tpu.dma_semaphore, #tpu.memory_space<semaphore_mem>>) src(%dma_wait3A_909 : memref<16x128xf32, #tpu.memory_space<hbm>>) dst(%dma_wait3A_907 : memref<16x128xf32, #tpu.memory_space<vmem>>)
    %dma_wait3A_910 = arith.constant 11 : i32
    %dma_wait3A_911 = arith.constant 0 : i32
    %dma_wait3A_912 = arith.constant 0 : i32
    %dma_wait3A_913 = tpu.memref_slice %arg14[%dma_wait3A_910, %dma_wait3A_911, %dma_wait3A_912] : memref<16x16x128xf32, #tpu.memory_space<vmem>> -> memref<1x16x128xf32, #tpu.memory_space<vmem>>
    %dma_wait3A_914 = tpu.memref_squeeze %dma_wait3A_913 : memref<1x16x128xf32, #tpu.memory_space<vmem>> -> memref<16x128xf32, #tpu.memory_space<vmem>>
    %dma_wait3A_915 = arith.constant 0 : i32
    %dma_wait3A_916 = tpu.memref_slice %arg4[%dma_wait3A_915, %multiple_of3A_219] : memref<16x1000000xf32, #tpu.memory_space<hbm>> -> memref<16x128xf32, #tpu.memory_space<hbm>>
    %dma_wait3A_917 = arith.constant 0 : i32
    %dma_wait3A_918 = arith.constant 0 : i32
    %dma_wait3A_919 = tpu.memref_slice %arg14[%dma_wait3A_910, %dma_wait3A_917, %dma_wait3A_918] : memref<16x16x128xf32, #tpu.memory_space<vmem>> -> memref<1x16x128xf32, #tpu.memory_space<vmem>>
    %dma_wait3A_920 = tpu.memref_squeeze %dma_wait3A_919 : memref<1x16x128xf32, #tpu.memory_space<vmem>> -> memref<16x128xf32, #tpu.memory_space<vmem>>
    %dma_wait3A_921 = arith.constant 0 : i32
    %dma_wait3A_922 = tpu.memref_slice %arg4[%dma_wait3A_921, %multiple_of3A_219] : memref<16x1000000xf32, #tpu.memory_space<hbm>> -> memref<16x128xf32, #tpu.memory_space<hbm>>
    tpu.wait_dma2 semaphore(%arg22 : memref<!tpu.dma_semaphore, #tpu.memory_space<semaphore_mem>>) src(%dma_wait3A_922 : memref<16x128xf32, #tpu.memory_space<hbm>>) dst(%dma_wait3A_920 : memref<16x128xf32, #tpu.memory_space<vmem>>)
    %dma_wait3A_923 = arith.constant 12 : i32
    %dma_wait3A_924 = arith.constant 0 : i32
    %dma_wait3A_925 = arith.constant 0 : i32
    %dma_wait3A_926 = tpu.memref_slice %arg14[%dma_wait3A_923, %dma_wait3A_924, %dma_wait3A_925] : memref<16x16x128xf32, #tpu.memory_space<vmem>> -> memref<1x16x128xf32, #tpu.memory_space<vmem>>
    %dma_wait3A_927 = tpu.memref_squeeze %dma_wait3A_926 : memref<1x16x128xf32, #tpu.memory_space<vmem>> -> memref<16x128xf32, #tpu.memory_space<vmem>>
    %dma_wait3A_928 = arith.constant 0 : i32
    %dma_wait3A_929 = tpu.memref_slice %arg4[%dma_wait3A_928, %multiple_of3A_238] : memref<16x1000000xf32, #tpu.memory_space<hbm>> -> memref<16x128xf32, #tpu.memory_space<hbm>>
    %dma_wait3A_930 = arith.constant 0 : i32
    %dma_wait3A_931 = arith.constant 0 : i32
    %dma_wait3A_932 = tpu.memref_slice %arg14[%dma_wait3A_923, %dma_wait3A_930, %dma_wait3A_931] : memref<16x16x128xf32, #tpu.memory_space<vmem>> -> memref<1x16x128xf32, #tpu.memory_space<vmem>>
    %dma_wait3A_933 = tpu.memref_squeeze %dma_wait3A_932 : memref<1x16x128xf32, #tpu.memory_space<vmem>> -> memref<16x128xf32, #tpu.memory_space<vmem>>
    %dma_wait3A_934 = arith.constant 0 : i32
    %dma_wait3A_935 = tpu.memref_slice %arg4[%dma_wait3A_934, %multiple_of3A_238] : memref<16x1000000xf32, #tpu.memory_space<hbm>> -> memref<16x128xf32, #tpu.memory_space<hbm>>
    tpu.wait_dma2 semaphore(%arg22 : memref<!tpu.dma_semaphore, #tpu.memory_space<semaphore_mem>>) src(%dma_wait3A_935 : memref<16x128xf32, #tpu.memory_space<hbm>>) dst(%dma_wait3A_933 : memref<16x128xf32, #tpu.memory_space<vmem>>)
    %dma_wait3A_936 = arith.constant 13 : i32
    %dma_wait3A_937 = arith.constant 0 : i32
    %dma_wait3A_938 = arith.constant 0 : i32
    %dma_wait3A_939 = tpu.memref_slice %arg14[%dma_wait3A_936, %dma_wait3A_937, %dma_wait3A_938] : memref<16x16x128xf32, #tpu.memory_space<vmem>> -> memref<1x16x128xf32, #tpu.memory_space<vmem>>
    %dma_wait3A_940 = tpu.memref_squeeze %dma_wait3A_939 : memref<1x16x128xf32, #tpu.memory_space<vmem>> -> memref<16x128xf32, #tpu.memory_space<vmem>>
    %dma_wait3A_941 = arith.constant 0 : i32
    %dma_wait3A_942 = tpu.memref_slice %arg4[%dma_wait3A_941, %multiple_of3A_257] : memref<16x1000000xf32, #tpu.memory_space<hbm>> -> memref<16x128xf32, #tpu.memory_space<hbm>>
    %dma_wait3A_943 = arith.constant 0 : i32
    %dma_wait3A_944 = arith.constant 0 : i32
    %dma_wait3A_945 = tpu.memref_slice %arg14[%dma_wait3A_936, %dma_wait3A_943, %dma_wait3A_944] : memref<16x16x128xf32, #tpu.memory_space<vmem>> -> memref<1x16x128xf32, #tpu.memory_space<vmem>>
    %dma_wait3A_946 = tpu.memref_squeeze %dma_wait3A_945 : memref<1x16x128xf32, #tpu.memory_space<vmem>> -> memref<16x128xf32, #tpu.memory_space<vmem>>
    %dma_wait3A_947 = arith.constant 0 : i32
    %dma_wait3A_948 = tpu.memref_slice %arg4[%dma_wait3A_947, %multiple_of3A_257] : memref<16x1000000xf32, #tpu.memory_space<hbm>> -> memref<16x128xf32, #tpu.memory_space<hbm>>
    tpu.wait_dma2 semaphore(%arg22 : memref<!tpu.dma_semaphore, #tpu.memory_space<semaphore_mem>>) src(%dma_wait3A_948 : memref<16x128xf32, #tpu.memory_space<hbm>>) dst(%dma_wait3A_946 : memref<16x128xf32, #tpu.memory_space<vmem>>)
    %dma_wait3A_949 = arith.constant 14 : i32
    %dma_wait3A_950 = arith.constant 0 : i32
    %dma_wait3A_951 = arith.constant 0 : i32
    %dma_wait3A_952 = tpu.memref_slice %arg14[%dma_wait3A_949, %dma_wait3A_950, %dma_wait3A_951] : memref<16x16x128xf32, #tpu.memory_space<vmem>> -> memref<1x16x128xf32, #tpu.memory_space<vmem>>
    %dma_wait3A_953 = tpu.memref_squeeze %dma_wait3A_952 : memref<1x16x128xf32, #tpu.memory_space<vmem>> -> memref<16x128xf32, #tpu.memory_space<vmem>>
    %dma_wait3A_954 = arith.constant 0 : i32
    %dma_wait3A_955 = tpu.memref_slice %arg4[%dma_wait3A_954, %multiple_of3A_276] : memref<16x1000000xf32, #tpu.memory_space<hbm>> -> memref<16x128xf32, #tpu.memory_space<hbm>>
    %dma_wait3A_956 = arith.constant 0 : i32
    %dma_wait3A_957 = arith.constant 0 : i32
    %dma_wait3A_958 = tpu.memref_slice %arg14[%dma_wait3A_949, %dma_wait3A_956, %dma_wait3A_957] : memref<16x16x128xf32, #tpu.memory_space<vmem>> -> memref<1x16x128xf32, #tpu.memory_space<vmem>>
    %dma_wait3A_959 = tpu.memref_squeeze %dma_wait3A_958 : memref<1x16x128xf32, #tpu.memory_space<vmem>> -> memref<16x128xf32, #tpu.memory_space<vmem>>
    %dma_wait3A_960 = arith.constant 0 : i32
    %dma_wait3A_961 = tpu.memref_slice %arg4[%dma_wait3A_960, %multiple_of3A_276] : memref<16x1000000xf32, #tpu.memory_space<hbm>> -> memref<16x128xf32, #tpu.memory_space<hbm>>
    tpu.wait_dma2 semaphore(%arg22 : memref<!tpu.dma_semaphore, #tpu.memory_space<semaphore_mem>>) src(%dma_wait3A_961 : memref<16x128xf32, #tpu.memory_space<hbm>>) dst(%dma_wait3A_959 : memref<16x128xf32, #tpu.memory_space<vmem>>)
    %dma_wait3A_962 = arith.constant 15 : i32
    %dma_wait3A_963 = arith.constant 0 : i32
    %dma_wait3A_964 = arith.constant 0 : i32
    %dma_wait3A_965 = tpu.memref_slice %arg14[%dma_wait3A_962, %dma_wait3A_963, %dma_wait3A_964] : memref<16x16x128xf32, #tpu.memory_space<vmem>> -> memref<1x16x128xf32, #tpu.memory_space<vmem>>
    %dma_wait3A_966 = tpu.memref_squeeze %dma_wait3A_965 : memref<1x16x128xf32, #tpu.memory_space<vmem>> -> memref<16x128xf32, #tpu.memory_space<vmem>>
    %dma_wait3A_967 = arith.constant 0 : i32
    %dma_wait3A_968 = tpu.memref_slice %arg4[%dma_wait3A_967, %multiple_of3A_295] : memref<16x1000000xf32, #tpu.memory_space<hbm>> -> memref<16x128xf32, #tpu.memory_space<hbm>>
    %dma_wait3A_969 = arith.constant 0 : i32
    %dma_wait3A_970 = arith.constant 0 : i32
    %dma_wait3A_971 = tpu.memref_slice %arg14[%dma_wait3A_962, %dma_wait3A_969, %dma_wait3A_970] : memref<16x16x128xf32, #tpu.memory_space<vmem>> -> memref<1x16x128xf32, #tpu.memory_space<vmem>>
    %dma_wait3A_972 = tpu.memref_squeeze %dma_wait3A_971 : memref<1x16x128xf32, #tpu.memory_space<vmem>> -> memref<16x128xf32, #tpu.memory_space<vmem>>
    %dma_wait3A_973 = arith.constant 0 : i32
    %dma_wait3A_974 = tpu.memref_slice %arg4[%dma_wait3A_973, %multiple_of3A_295] : memref<16x1000000xf32, #tpu.memory_space<hbm>> -> memref<16x128xf32, #tpu.memory_space<hbm>>
    tpu.wait_dma2 semaphore(%arg22 : memref<!tpu.dma_semaphore, #tpu.memory_space<semaphore_mem>>) src(%dma_wait3A_974 : memref<16x128xf32, #tpu.memory_space<hbm>>) dst(%dma_wait3A_972 : memref<16x128xf32, #tpu.memory_space<vmem>>)
    %get3A_975 = arith.constant 0 : index
    %get3A_976 = tpu.vector_load %arg12[%get3A_975] {strides = array<i32>} : memref<32xi32, #tpu.memory_space<vmem>>, vector<16xi32>,
    %jit3A = arith.constant 128 : i32
    %eq3A = arith.constant 0 : i32
    %eq3A_977 = arith.cmpi eq, %jit3A, %eq3A : i32
    %jit3A_978 = arith.constant 1 : i32
    %select_n3A = arith.select %eq3A_977, %jit3A_978, %jit3A : i32
    %rem3A_979 = vector.broadcast %select_n3A : i32 to vector<16xi32>
    %rem3A_980 = arith.remsi %get3A_976, %rem3A_979 : vector<16xi32>
    %ne3A = arith.constant 0 : i32
    %ne3A_981 = vector.broadcast %ne3A : i32 to vector<16xi32>
    %ne3A_982 = arith.cmpi ne, %rem3A_980, %ne3A_981 : vector<16xi32>
    %lt3A = arith.constant 0 : i32
    %lt3A_983 = vector.broadcast %lt3A : i32 to vector<16xi32>
    %lt3A_984 = arith.cmpi slt, %rem3A_980, %lt3A_983 : vector<16xi32>
    %lt3A_985 = arith.constant 0 : i32
    %lt3A_986 = arith.cmpi slt, %select_n3A, %lt3A_985 : i32
    %ne3A_987 = vector.broadcast %lt3A_986 : i1 to vector<16xi1>
    %ne3A_988 = vector.broadcast %ne3A_987 : vector<16xi1> to vector<16xi1>
    %ne3A_989 = arith.xori %lt3A_984, %ne3A_988 : vector<16xi1>
    %and3A = arith.andi %ne3A_989, %ne3A_982 : vector<16xi1>
    %add3A_990 = vector.broadcast %select_n3A : i32 to vector<16xi32>
    %add3A_991 = arith.addi %rem3A_980, %add3A_990 : vector<16xi32>
    %select_n3A_992 = arith.select %and3A, %add3A_991, %rem3A_980 : vector<16xi1>, vector<16xi32>
    %add3A_993 = arith.constant 0 : i32
    %add3A_994 = vector.broadcast %add3A_993 : i32 to vector<16xi32>
    %add3A_995 = arith.addi %iota3A, %add3A_994 : vector<16xi32>
    %broadcast_in_dim3A_996 = arith.constant 0 : i32
    %broadcast_in_dim3A_997 = vector.broadcast %broadcast_in_dim3A_996 : i32 to vector<16xi32>
    %gather3A_998 = tpu.vector_load_idx %arg14[%iota3A, %broadcast_in_dim3A_997, %select_n3A_992] : memref<16x16x128xf32, #tpu.memory_space<vmem>>[vector<16xi32>, vector<16xi32>, vector<16xi32>], vector<16xf32>,
    tpu.vector_store_idx %arg18[%add3A_995, %broadcast_in_dim3A_997], %gather3A_998 : memref<32x16xf32, #tpu.memory_space<vmem>>[vector<16xi32>, vector<16xi32>], vector<16xf32>,
    %broadcast_in_dim3A_999 = arith.constant 1 : i32
    %broadcast_in_dim3A_1000 = vector.broadcast %broadcast_in_dim3A_999 : i32 to vector<16xi32>
    %gather3A_1001 = tpu.vector_load_idx %arg14[%iota3A, %broadcast_in_dim3A_1000, %select_n3A_992] : memref<16x16x128xf32, #tpu.memory_space<vmem>>[vector<16xi32>, vector<16xi32>, vector<16xi32>], vector<16xf32>,
    tpu.vector_store_idx %arg18[%add3A_995, %broadcast_in_dim3A_1000], %gather3A_1001 : memref<32x16xf32, #tpu.memory_space<vmem>>[vector<16xi32>, vector<16xi32>], vector<16xf32>,
    %broadcast_in_dim3A_1002 = arith.constant 2 : i32
    %broadcast_in_dim3A_1003 = vector.broadcast %broadcast_in_dim3A_1002 : i32 to vector<16xi32>
    %gather3A_1004 = tpu.vector_load_idx %arg14[%iota3A, %broadcast_in_dim3A_1003, %select_n3A_992] : memref<16x16x128xf32, #tpu.memory_space<vmem>>[vector<16xi32>, vector<16xi32>, vector<16xi32>], vector<16xf32>,
    tpu.vector_store_idx %arg18[%add3A_995, %broadcast_in_dim3A_1003], %gather3A_1004 : memref<32x16xf32, #tpu.memory_space<vmem>>[vector<16xi32>, vector<16xi32>], vector<16xf32>,
    %broadcast_in_dim3A_1005 = arith.constant 3 : i32
    %broadcast_in_dim3A_1006 = vector.broadcast %broadcast_in_dim3A_1005 : i32 to vector<16xi32>
    %gather3A_1007 = tpu.vector_load_idx %arg14[%iota3A, %broadcast_in_dim3A_1006, %select_n3A_992] : memref<16x16x128xf32, #tpu.memory_space<vmem>>[vector<16xi32>, vector<16xi32>, vector<16xi32>], vector<16xf32>,
    tpu.vector_store_idx %arg18[%add3A_995, %broadcast_in_dim3A_1006], %gather3A_1007 : memref<32x16xf32, #tpu.memory_space<vmem>>[vector<16xi32>, vector<16xi32>], vector<16xf32>,
    %broadcast_in_dim3A_1008 = arith.constant 4 : i32
    %broadcast_in_dim3A_1009 = vector.broadcast %broadcast_in_dim3A_1008 : i32 to vector<16xi32>
    %gather3A_1010 = tpu.vector_load_idx %arg14[%iota3A, %broadcast_in_dim3A_1009, %select_n3A_992] : memref<16x16x128xf32, #tpu.memory_space<vmem>>[vector<16xi32>, vector<16xi32>, vector<16xi32>], vector<16xf32>,
    tpu.vector_store_idx %arg18[%add3A_995, %broadcast_in_dim3A_1009], %gather3A_1010 : memref<32x16xf32, #tpu.memory_space<vmem>>[vector<16xi32>, vector<16xi32>], vector<16xf32>,
    %broadcast_in_dim3A_1011 = arith.constant 5 : i32
    %broadcast_in_dim3A_1012 = vector.broadcast %broadcast_in_dim3A_1011 : i32 to vector<16xi32>
    %gather3A_1013 = tpu.vector_load_idx %arg14[%iota3A, %broadcast_in_dim3A_1012, %select_n3A_992] : memref<16x16x128xf32, #tpu.memory_space<vmem>>[vector<16xi32>, vector<16xi32>, vector<16xi32>], vector<16xf32>,
    tpu.vector_store_idx %arg18[%add3A_995, %broadcast_in_dim3A_1012], %gather3A_1013 : memref<32x16xf32, #tpu.memory_space<vmem>>[vector<16xi32>, vector<16xi32>], vector<16xf32>,
    %broadcast_in_dim3A_1014 = arith.constant 6 : i32
    %broadcast_in_dim3A_1015 = vector.broadcast %broadcast_in_dim3A_1014 : i32 to vector<16xi32>
    %gather3A_1016 = tpu.vector_load_idx %arg14[%iota3A, %broadcast_in_dim3A_1015, %select_n3A_992] : memref<16x16x128xf32, #tpu.memory_space<vmem>>[vector<16xi32>, vector<16xi32>, vector<16xi32>], vector<16xf32>,
    tpu.vector_store_idx %arg18[%add3A_995, %broadcast_in_dim3A_1015], %gather3A_1016 : memref<32x16xf32, #tpu.memory_space<vmem>>[vector<16xi32>, vector<16xi32>], vector<16xf32>,
    %broadcast_in_dim3A_1017 = arith.constant 7 : i32
    %broadcast_in_dim3A_1018 = vector.broadcast %broadcast_in_dim3A_1017 : i32 to vector<16xi32>
    %gather3A_1019 = tpu.vector_load_idx %arg14[%iota3A, %broadcast_in_dim3A_1018, %select_n3A_992] : memref<16x16x128xf32, #tpu.memory_space<vmem>>[vector<16xi32>, vector<16xi32>, vector<16xi32>], vector<16xf32>,
    tpu.vector_store_idx %arg18[%add3A_995, %broadcast_in_dim3A_1018], %gather3A_1019 : memref<32x16xf32, #tpu.memory_space<vmem>>[vector<16xi32>, vector<16xi32>], vector<16xf32>,
    %broadcast_in_dim3A_1020 = arith.constant 8 : i32
    %broadcast_in_dim3A_1021 = vector.broadcast %broadcast_in_dim3A_1020 : i32 to vector<16xi32>
    %gather3A_1022 = tpu.vector_load_idx %arg14[%iota3A, %broadcast_in_dim3A_1021, %select_n3A_992] : memref<16x16x128xf32, #tpu.memory_space<vmem>>[vector<16xi32>, vector<16xi32>, vector<16xi32>], vector<16xf32>,
    tpu.vector_store_idx %arg18[%add3A_995, %broadcast_in_dim3A_1021], %gather3A_1022 : memref<32x16xf32, #tpu.memory_space<vmem>>[vector<16xi32>, vector<16xi32>], vector<16xf32>,
    %broadcast_in_dim3A_1023 = arith.constant 9 : i32
    %broadcast_in_dim3A_1024 = vector.broadcast %broadcast_in_dim3A_1023 : i32 to vector<16xi32>
    %gather3A_1025 = tpu.vector_load_idx %arg14[%iota3A, %broadcast_in_dim3A_1024, %select_n3A_992] : memref<16x16x128xf32, #tpu.memory_space<vmem>>[vector<16xi32>, vector<16xi32>, vector<16xi32>], vector<16xf32>,
    tpu.vector_store_idx %arg18[%add3A_995, %broadcast_in_dim3A_1024], %gather3A_1025 : memref<32x16xf32, #tpu.memory_space<vmem>>[vector<16xi32>, vector<16xi32>], vector<16xf32>,
    %broadcast_in_dim3A_1026 = arith.constant 10 : i32
    %broadcast_in_dim3A_1027 = vector.broadcast %broadcast_in_dim3A_1026 : i32 to vector<16xi32>
    %gather3A_1028 = tpu.vector_load_idx %arg14[%iota3A, %broadcast_in_dim3A_1027, %select_n3A_992] : memref<16x16x128xf32, #tpu.memory_space<vmem>>[vector<16xi32>, vector<16xi32>, vector<16xi32>], vector<16xf32>,
    tpu.vector_store_idx %arg18[%add3A_995, %broadcast_in_dim3A_1027], %gather3A_1028 : memref<32x16xf32, #tpu.memory_space<vmem>>[vector<16xi32>, vector<16xi32>], vector<16xf32>,
    %broadcast_in_dim3A_1029 = arith.constant 11 : i32
    %broadcast_in_dim3A_1030 = vector.broadcast %broadcast_in_dim3A_1029 : i32 to vector<16xi32>
    %gather3A_1031 = tpu.vector_load_idx %arg14[%iota3A, %broadcast_in_dim3A_1030, %select_n3A_992] : memref<16x16x128xf32, #tpu.memory_space<vmem>>[vector<16xi32>, vector<16xi32>, vector<16xi32>], vector<16xf32>,
    tpu.vector_store_idx %arg18[%add3A_995, %broadcast_in_dim3A_1030], %gather3A_1031 : memref<32x16xf32, #tpu.memory_space<vmem>>[vector<16xi32>, vector<16xi32>], vector<16xf32>,
    %broadcast_in_dim3A_1032 = arith.constant 12 : i32
    %broadcast_in_dim3A_1033 = vector.broadcast %broadcast_in_dim3A_1032 : i32 to vector<16xi32>
    %gather3A_1034 = tpu.vector_load_idx %arg14[%iota3A, %broadcast_in_dim3A_1033, %select_n3A_992] : memref<16x16x128xf32, #tpu.memory_space<vmem>>[vector<16xi32>, vector<16xi32>, vector<16xi32>], vector<16xf32>,
    tpu.vector_store_idx %arg18[%add3A_995, %broadcast_in_dim3A_1033], %gather3A_1034 : memref<32x16xf32, #tpu.memory_space<vmem>>[vector<16xi32>, vector<16xi32>], vector<16xf32>,
    %broadcast_in_dim3A_1035 = arith.constant 13 : i32
    %broadcast_in_dim3A_1036 = vector.broadcast %broadcast_in_dim3A_1035 : i32 to vector<16xi32>
    %gather3A_1037 = tpu.vector_load_idx %arg14[%iota3A, %broadcast_in_dim3A_1036, %select_n3A_992] : memref<16x16x128xf32, #tpu.memory_space<vmem>>[vector<16xi32>, vector<16xi32>, vector<16xi32>], vector<16xf32>,
    tpu.vector_store_idx %arg18[%add3A_995, %broadcast_in_dim3A_1036], %gather3A_1037 : memref<32x16xf32, #tpu.memory_space<vmem>>[vector<16xi32>, vector<16xi32>], vector<16xf32>,
    %broadcast_in_dim3A_1038 = arith.constant 14 : i32
    %broadcast_in_dim3A_1039 = vector.broadcast %broadcast_in_dim3A_1038 : i32 to vector<16xi32>
    %gather3A_1040 = tpu.vector_load_idx %arg14[%iota3A, %broadcast_in_dim3A_1039, %select_n3A_992] : memref<16x16x128xf32, #tpu.memory_space<vmem>>[vector<16xi32>, vector<16xi32>, vector<16xi32>], vector<16xf32>,
    tpu.vector_store_idx %arg18[%add3A_995, %broadcast_in_dim3A_1039], %gather3A_1040 : memref<32x16xf32, #tpu.memory_space<vmem>>[vector<16xi32>, vector<16xi32>], vector<16xf32>,
    %broadcast_in_dim3A_1041 = arith.constant 15 : i32
    %broadcast_in_dim3A_1042 = vector.broadcast %broadcast_in_dim3A_1041 : i32 to vector<16xi32>
    %gather3A_1043 = tpu.vector_load_idx %arg14[%iota3A, %broadcast_in_dim3A_1042, %select_n3A_992] : memref<16x16x128xf32, #tpu.memory_space<vmem>>[vector<16xi32>, vector<16xi32>, vector<16xi32>], vector<16xf32>,
    tpu.vector_store_idx %arg18[%add3A_995, %broadcast_in_dim3A_1042], %gather3A_1043 : memref<32x16xf32, #tpu.memory_space<vmem>>[vector<16xi32>, vector<16xi32>], vector<16xf32>,
    %get3A_1044 = arith.constant 0 : index
    %get3A_1045 = tpu.vector_load %arg12[%get3A_1044] {strides = array<i32>} : memref<32xi32, #tpu.memory_space<vmem>>, vector<16xi32>,
    %slice3A_1046 = vector.extract_strided_slice %get3A_1045 {offsets = [0], sizes = [1], strides = [1]} : vector<16xi32> to vector<1xi32>
    %squeeze3A_1047 = vector.extract %slice3A_1046[0] : i32 from vector<1xi32>
    %rem3A_1048 = arith.constant 128 : i32
    %rem3A_1049 = arith.remsi %squeeze3A_1047, %rem3A_1048 : i32
    %sub3A_1050 = arith.subi %squeeze3A_1047, %rem3A_1049 : i32
    %multiple_of3A_1051 = tpu.assume_multiple %sub3A_1050, 128 : i32
    %dma_start3A_1052 = arith.constant 0 : i32
    %dma_start3A_1053 = arith.constant 0 : i32
    %dma_start3A_1054 = arith.constant 0 : i32
    %dma_start3A_1055 = tpu.memref_slice %arg14[%dma_start3A_1052, %dma_start3A_1053, %dma_start3A_1054] : memref<16x16x128xf32, #tpu.memory_space<vmem>> -> memref<1x16x128xf32, #tpu.memory_space<vmem>>
    %dma_start3A_1056 = tpu.memref_squeeze %dma_start3A_1055 : memref<1x16x128xf32, #tpu.memory_space<vmem>> -> memref<16x128xf32, #tpu.memory_space<vmem>>
    %dma_start3A_1057 = arith.constant 0 : i32
    %dma_start3A_1058 = tpu.memref_slice %arg6[%dma_start3A_1057, %multiple_of3A_1051] : memref<16x1000000xf32, #tpu.memory_space<hbm>> -> memref<16x128xf32, #tpu.memory_space<hbm>>
    %dma_start3A_1059 = arith.constant 0 : i32
    %dma_start3A_1060 = arith.constant 0 : i32
    %dma_start3A_1061 = tpu.memref_slice %arg14[%dma_start3A_1052, %dma_start3A_1059, %dma_start3A_1060] : memref<16x16x128xf32, #tpu.memory_space<vmem>> -> memref<1x16x128xf32, #tpu.memory_space<vmem>>
    %dma_start3A_1062 = tpu.memref_squeeze %dma_start3A_1061 : memref<1x16x128xf32, #tpu.memory_space<vmem>> -> memref<16x128xf32, #tpu.memory_space<vmem>>
    %dma_start3A_1063 = arith.constant 0 : i32
    %dma_start3A_1064 = tpu.memref_slice %arg6[%dma_start3A_1063, %multiple_of3A_1051] : memref<16x1000000xf32, #tpu.memory_space<hbm>> -> memref<16x128xf32, #tpu.memory_space<hbm>>
    tpu.enqueue_dma source(%dma_start3A_1064 : memref<16x128xf32, #tpu.memory_space<hbm>>) target(%dma_start3A_1062 : memref<16x128xf32, #tpu.memory_space<vmem>>) target_semaphore(%arg22 : memref<!tpu.dma_semaphore, #tpu.memory_space<semaphore_mem>>)
    %slice3A_1065 = vector.extract_strided_slice %get3A_1045 {offsets = [1], sizes = [1], strides = [1]} : vector<16xi32> to vector<1xi32>
    %squeeze3A_1066 = vector.extract %slice3A_1065[0] : i32 from vector<1xi32>
    %rem3A_1067 = arith.constant 128 : i32
    %rem3A_1068 = arith.remsi %squeeze3A_1066, %rem3A_1067 : i32
    %sub3A_1069 = arith.subi %squeeze3A_1066, %rem3A_1068 : i32
    %multiple_of3A_1070 = tpu.assume_multiple %sub3A_1069, 128 : i32
    %dma_start3A_1071 = arith.constant 1 : i32
    %dma_start3A_1072 = arith.constant 0 : i32
    %dma_start3A_1073 = arith.constant 0 : i32
    %dma_start3A_1074 = tpu.memref_slice %arg14[%dma_start3A_1071, %dma_start3A_1072, %dma_start3A_1073] : memref<16x16x128xf32, #tpu.memory_space<vmem>> -> memref<1x16x128xf32, #tpu.memory_space<vmem>>
    %dma_start3A_1075 = tpu.memref_squeeze %dma_start3A_1074 : memref<1x16x128xf32, #tpu.memory_space<vmem>> -> memref<16x128xf32, #tpu.memory_space<vmem>>
    %dma_start3A_1076 = arith.constant 0 : i32
    %dma_start3A_1077 = tpu.memref_slice %arg6[%dma_start3A_1076, %multiple_of3A_1070] : memref<16x1000000xf32, #tpu.memory_space<hbm>> -> memref<16x128xf32, #tpu.memory_space<hbm>>
    %dma_start3A_1078 = arith.constant 0 : i32
    %dma_start3A_1079 = arith.constant 0 : i32
    %dma_start3A_1080 = tpu.memref_slice %arg14[%dma_start3A_1071, %dma_start3A_1078, %dma_start3A_1079] : memref<16x16x128xf32, #tpu.memory_space<vmem>> -> memref<1x16x128xf32, #tpu.memory_space<vmem>>
    %dma_start3A_1081 = tpu.memref_squeeze %dma_start3A_1080 : memref<1x16x128xf32, #tpu.memory_space<vmem>> -> memref<16x128xf32, #tpu.memory_space<vmem>>
    %dma_start3A_1082 = arith.constant 0 : i32
    %dma_start3A_1083 = tpu.memref_slice %arg6[%dma_start3A_1082, %multiple_of3A_1070] : memref<16x1000000xf32, #tpu.memory_space<hbm>> -> memref<16x128xf32, #tpu.memory_space<hbm>>
    tpu.enqueue_dma source(%dma_start3A_1083 : memref<16x128xf32, #tpu.memory_space<hbm>>) target(%dma_start3A_1081 : memref<16x128xf32, #tpu.memory_space<vmem>>) target_semaphore(%arg22 : memref<!tpu.dma_semaphore, #tpu.memory_space<semaphore_mem>>)
    %slice3A_1084 = vector.extract_strided_slice %get3A_1045 {offsets = [2], sizes = [1], strides = [1]} : vector<16xi32> to vector<1xi32>
    %squeeze3A_1085 = vector.extract %slice3A_1084[0] : i32 from vector<1xi32>
    %rem3A_1086 = arith.constant 128 : i32
    %rem3A_1087 = arith.remsi %squeeze3A_1085, %rem3A_1086 : i32
    %sub3A_1088 = arith.subi %squeeze3A_1085, %rem3A_1087 : i32
    %multiple_of3A_1089 = tpu.assume_multiple %sub3A_1088, 128 : i32
    %dma_start3A_1090 = arith.constant 2 : i32
    %dma_start3A_1091 = arith.constant 0 : i32
    %dma_start3A_1092 = arith.constant 0 : i32
    %dma_start3A_1093 = tpu.memref_slice %arg14[%dma_start3A_1090, %dma_start3A_1091, %dma_start3A_1092] : memref<16x16x128xf32, #tpu.memory_space<vmem>> -> memref<1x16x128xf32, #tpu.memory_space<vmem>>
    %dma_start3A_1094 = tpu.memref_squeeze %dma_start3A_1093 : memref<1x16x128xf32, #tpu.memory_space<vmem>> -> memref<16x128xf32, #tpu.memory_space<vmem>>
    %dma_start3A_1095 = arith.constant 0 : i32
    %dma_start3A_1096 = tpu.memref_slice %arg6[%dma_start3A_1095, %multiple_of3A_1089] : memref<16x1000000xf32, #tpu.memory_space<hbm>> -> memref<16x128xf32, #tpu.memory_space<hbm>>
    %dma_start3A_1097 = arith.constant 0 : i32
    %dma_start3A_1098 = arith.constant 0 : i32
    %dma_start3A_1099 = tpu.memref_slice %arg14[%dma_start3A_1090, %dma_start3A_1097, %dma_start3A_1098] : memref<16x16x128xf32, #tpu.memory_space<vmem>> -> memref<1x16x128xf32, #tpu.memory_space<vmem>>
    %dma_start3A_1100 = tpu.memref_squeeze %dma_start3A_1099 : memref<1x16x128xf32, #tpu.memory_space<vmem>> -> memref<16x128xf32, #tpu.memory_space<vmem>>
    %dma_start3A_1101 = arith.constant 0 : i32
    %dma_start3A_1102 = tpu.memref_slice %arg6[%dma_start3A_1101, %multiple_of3A_1089] : memref<16x1000000xf32, #tpu.memory_space<hbm>> -> memref<16x128xf32, #tpu.memory_space<hbm>>
    tpu.enqueue_dma source(%dma_start3A_1102 : memref<16x128xf32, #tpu.memory_space<hbm>>) target(%dma_start3A_1100 : memref<16x128xf32, #tpu.memory_space<vmem>>) target_semaphore(%arg22 : memref<!tpu.dma_semaphore, #tpu.memory_space<semaphore_mem>>)
    %slice3A_1103 = vector.extract_strided_slice %get3A_1045 {offsets = [3], sizes = [1], strides = [1]} : vector<16xi32> to vector<1xi32>
    %squeeze3A_1104 = vector.extract %slice3A_1103[0] : i32 from vector<1xi32>
    %rem3A_1105 = arith.constant 128 : i32
    %rem3A_1106 = arith.remsi %squeeze3A_1104, %rem3A_1105 : i32
    %sub3A_1107 = arith.subi %squeeze3A_1104, %rem3A_1106 : i32
    %multiple_of3A_1108 = tpu.assume_multiple %sub3A_1107, 128 : i32
    %dma_start3A_1109 = arith.constant 3 : i32
    %dma_start3A_1110 = arith.constant 0 : i32
    %dma_start3A_1111 = arith.constant 0 : i32
    %dma_start3A_1112 = tpu.memref_slice %arg14[%dma_start3A_1109, %dma_start3A_1110, %dma_start3A_1111] : memref<16x16x128xf32, #tpu.memory_space<vmem>> -> memref<1x16x128xf32, #tpu.memory_space<vmem>>
    %dma_start3A_1113 = tpu.memref_squeeze %dma_start3A_1112 : memref<1x16x128xf32, #tpu.memory_space<vmem>> -> memref<16x128xf32, #tpu.memory_space<vmem>>
    %dma_start3A_1114 = arith.constant 0 : i32
    %dma_start3A_1115 = tpu.memref_slice %arg6[%dma_start3A_1114, %multiple_of3A_1108] : memref<16x1000000xf32, #tpu.memory_space<hbm>> -> memref<16x128xf32, #tpu.memory_space<hbm>>
    %dma_start3A_1116 = arith.constant 0 : i32
    %dma_start3A_1117 = arith.constant 0 : i32
    %dma_start3A_1118 = tpu.memref_slice %arg14[%dma_start3A_1109, %dma_start3A_1116, %dma_start3A_1117] : memref<16x16x128xf32, #tpu.memory_space<vmem>> -> memref<1x16x128xf32, #tpu.memory_space<vmem>>
    %dma_start3A_1119 = tpu.memref_squeeze %dma_start3A_1118 : memref<1x16x128xf32, #tpu.memory_space<vmem>> -> memref<16x128xf32, #tpu.memory_space<vmem>>
    %dma_start3A_1120 = arith.constant 0 : i32
    %dma_start3A_1121 = tpu.memref_slice %arg6[%dma_start3A_1120, %multiple_of3A_1108] : memref<16x1000000xf32, #tpu.memory_space<hbm>> -> memref<16x128xf32, #tpu.memory_space<hbm>>
    tpu.enqueue_dma source(%dma_start3A_1121 : memref<16x128xf32, #tpu.memory_space<hbm>>) target(%dma_start3A_1119 : memref<16x128xf32, #tpu.memory_space<vmem>>) target_semaphore(%arg22 : memref<!tpu.dma_semaphore, #tpu.memory_space<semaphore_mem>>)
    %slice3A_1122 = vector.extract_strided_slice %get3A_1045 {offsets = [4], sizes = [1], strides = [1]} : vector<16xi32> to vector<1xi32>
    %squeeze3A_1123 = vector.extract %slice3A_1122[0] : i32 from vector<1xi32>
    %rem3A_1124 = arith.constant 128 : i32
    %rem3A_1125 = arith.remsi %squeeze3A_1123, %rem3A_1124 : i32
    %sub3A_1126 = arith.subi %squeeze3A_1123, %rem3A_1125 : i32
    %multiple_of3A_1127 = tpu.assume_multiple %sub3A_1126, 128 : i32
    %dma_start3A_1128 = arith.constant 4 : i32
    %dma_start3A_1129 = arith.constant 0 : i32
    %dma_start3A_1130 = arith.constant 0 : i32
    %dma_start3A_1131 = tpu.memref_slice %arg14[%dma_start3A_1128, %dma_start3A_1129, %dma_start3A_1130] : memref<16x16x128xf32, #tpu.memory_space<vmem>> -> memref<1x16x128xf32, #tpu.memory_space<vmem>>
    %dma_start3A_1132 = tpu.memref_squeeze %dma_start3A_1131 : memref<1x16x128xf32, #tpu.memory_space<vmem>> -> memref<16x128xf32, #tpu.memory_space<vmem>>
    %dma_start3A_1133 = arith.constant 0 : i32
    %dma_start3A_1134 = tpu.memref_slice %arg6[%dma_start3A_1133, %multiple_of3A_1127] : memref<16x1000000xf32, #tpu.memory_space<hbm>> -> memref<16x128xf32, #tpu.memory_space<hbm>>
    %dma_start3A_1135 = arith.constant 0 : i32
    %dma_start3A_1136 = arith.constant 0 : i32
    %dma_start3A_1137 = tpu.memref_slice %arg14[%dma_start3A_1128, %dma_start3A_1135, %dma_start3A_1136] : memref<16x16x128xf32, #tpu.memory_space<vmem>> -> memref<1x16x128xf32, #tpu.memory_space<vmem>>
    %dma_start3A_1138 = tpu.memref_squeeze %dma_start3A_1137 : memref<1x16x128xf32, #tpu.memory_space<vmem>> -> memref<16x128xf32, #tpu.memory_space<vmem>>
    %dma_start3A_1139 = arith.constant 0 : i32
    %dma_start3A_1140 = tpu.memref_slice %arg6[%dma_start3A_1139, %multiple_of3A_1127] : memref<16x1000000xf32, #tpu.memory_space<hbm>> -> memref<16x128xf32, #tpu.memory_space<hbm>>
    tpu.enqueue_dma source(%dma_start3A_1140 : memref<16x128xf32, #tpu.memory_space<hbm>>) target(%dma_start3A_1138 : memref<16x128xf32, #tpu.memory_space<vmem>>) target_semaphore(%arg22 : memref<!tpu.dma_semaphore, #tpu.memory_space<semaphore_mem>>)
    %slice3A_1141 = vector.extract_strided_slice %get3A_1045 {offsets = [5], sizes = [1], strides = [1]} : vector<16xi32> to vector<1xi32>
    %squeeze3A_1142 = vector.extract %slice3A_1141[0] : i32 from vector<1xi32>
    %rem3A_1143 = arith.constant 128 : i32
    %rem3A_1144 = arith.remsi %squeeze3A_1142, %rem3A_1143 : i32
    %sub3A_1145 = arith.subi %squeeze3A_1142, %rem3A_1144 : i32
    %multiple_of3A_1146 = tpu.assume_multiple %sub3A_1145, 128 : i32
    %dma_start3A_1147 = arith.constant 5 : i32
    %dma_start3A_1148 = arith.constant 0 : i32
    %dma_start3A_1149 = arith.constant 0 : i32
    %dma_start3A_1150 = tpu.memref_slice %arg14[%dma_start3A_1147, %dma_start3A_1148, %dma_start3A_1149] : memref<16x16x128xf32, #tpu.memory_space<vmem>> -> memref<1x16x128xf32, #tpu.memory_space<vmem>>
    %dma_start3A_1151 = tpu.memref_squeeze %dma_start3A_1150 : memref<1x16x128xf32, #tpu.memory_space<vmem>> -> memref<16x128xf32, #tpu.memory_space<vmem>>
    %dma_start3A_1152 = arith.constant 0 : i32
    %dma_start3A_1153 = tpu.memref_slice %arg6[%dma_start3A_1152, %multiple_of3A_1146] : memref<16x1000000xf32, #tpu.memory_space<hbm>> -> memref<16x128xf32, #tpu.memory_space<hbm>>
    %dma_start3A_1154 = arith.constant 0 : i32
    %dma_start3A_1155 = arith.constant 0 : i32
    %dma_start3A_1156 = tpu.memref_slice %arg14[%dma_start3A_1147, %dma_start3A_1154, %dma_start3A_1155] : memref<16x16x128xf32, #tpu.memory_space<vmem>> -> memref<1x16x128xf32, #tpu.memory_space<vmem>>
    %dma_start3A_1157 = tpu.memref_squeeze %dma_start3A_1156 : memref<1x16x128xf32, #tpu.memory_space<vmem>> -> memref<16x128xf32, #tpu.memory_space<vmem>>
    %dma_start3A_1158 = arith.constant 0 : i32
    %dma_start3A_1159 = tpu.memref_slice %arg6[%dma_start3A_1158, %multiple_of3A_1146] : memref<16x1000000xf32, #tpu.memory_space<hbm>> -> memref<16x128xf32, #tpu.memory_space<hbm>>
    tpu.enqueue_dma source(%dma_start3A_1159 : memref<16x128xf32, #tpu.memory_space<hbm>>) target(%dma_start3A_1157 : memref<16x128xf32, #tpu.memory_space<vmem>>) target_semaphore(%arg22 : memref<!tpu.dma_semaphore, #tpu.memory_space<semaphore_mem>>)
    %slice3A_1160 = vector.extract_strided_slice %get3A_1045 {offsets = [6], sizes = [1], strides = [1]} : vector<16xi32> to vector<1xi32>
    %squeeze3A_1161 = vector.extract %slice3A_1160[0] : i32 from vector<1xi32>
    %rem3A_1162 = arith.constant 128 : i32
    %rem3A_1163 = arith.remsi %squeeze3A_1161, %rem3A_1162 : i32
    %sub3A_1164 = arith.subi %squeeze3A_1161, %rem3A_1163 : i32
    %multiple_of3A_1165 = tpu.assume_multiple %sub3A_1164, 128 : i32
    %dma_start3A_1166 = arith.constant 6 : i32
    %dma_start3A_1167 = arith.constant 0 : i32
    %dma_start3A_1168 = arith.constant 0 : i32
    %dma_start3A_1169 = tpu.memref_slice %arg14[%dma_start3A_1166, %dma_start3A_1167, %dma_start3A_1168] : memref<16x16x128xf32, #tpu.memory_space<vmem>> -> memref<1x16x128xf32, #tpu.memory_space<vmem>>
    %dma_start3A_1170 = tpu.memref_squeeze %dma_start3A_1169 : memref<1x16x128xf32, #tpu.memory_space<vmem>> -> memref<16x128xf32, #tpu.memory_space<vmem>>
    %dma_start3A_1171 = arith.constant 0 : i32
    %dma_start3A_1172 = tpu.memref_slice %arg6[%dma_start3A_1171, %multiple_of3A_1165] : memref<16x1000000xf32, #tpu.memory_space<hbm>> -> memref<16x128xf32, #tpu.memory_space<hbm>>
    %dma_start3A_1173 = arith.constant 0 : i32
    %dma_start3A_1174 = arith.constant 0 : i32
    %dma_start3A_1175 = tpu.memref_slice %arg14[%dma_start3A_1166, %dma_start3A_1173, %dma_start3A_1174] : memref<16x16x128xf32, #tpu.memory_space<vmem>> -> memref<1x16x128xf32, #tpu.memory_space<vmem>>
    %dma_start3A_1176 = tpu.memref_squeeze %dma_start3A_1175 : memref<1x16x128xf32, #tpu.memory_space<vmem>> -> memref<16x128xf32, #tpu.memory_space<vmem>>
    %dma_start3A_1177 = arith.constant 0 : i32
    %dma_start3A_1178 = tpu.memref_slice %arg6[%dma_start3A_1177, %multiple_of3A_1165] : memref<16x1000000xf32, #tpu.memory_space<hbm>> -> memref<16x128xf32, #tpu.memory_space<hbm>>
    tpu.enqueue_dma source(%dma_start3A_1178 : memref<16x128xf32, #tpu.memory_space<hbm>>) target(%dma_start3A_1176 : memref<16x128xf32, #tpu.memory_space<vmem>>) target_semaphore(%arg22 : memref<!tpu.dma_semaphore, #tpu.memory_space<semaphore_mem>>)
    %slice3A_1179 = vector.extract_strided_slice %get3A_1045 {offsets = [7], sizes = [1], strides = [1]} : vector<16xi32> to vector<1xi32>
    %squeeze3A_1180 = vector.extract %slice3A_1179[0] : i32 from vector<1xi32>
    %rem3A_1181 = arith.constant 128 : i32
    %rem3A_1182 = arith.remsi %squeeze3A_1180, %rem3A_1181 : i32
    %sub3A_1183 = arith.subi %squeeze3A_1180, %rem3A_1182 : i32
    %multiple_of3A_1184 = tpu.assume_multiple %sub3A_1183, 128 : i32
    %dma_start3A_1185 = arith.constant 7 : i32
    %dma_start3A_1186 = arith.constant 0 : i32
    %dma_start3A_1187 = arith.constant 0 : i32
    %dma_start3A_1188 = tpu.memref_slice %arg14[%dma_start3A_1185, %dma_start3A_1186, %dma_start3A_1187] : memref<16x16x128xf32, #tpu.memory_space<vmem>> -> memref<1x16x128xf32, #tpu.memory_space<vmem>>
    %dma_start3A_1189 = tpu.memref_squeeze %dma_start3A_1188 : memref<1x16x128xf32, #tpu.memory_space<vmem>> -> memref<16x128xf32, #tpu.memory_space<vmem>>
    %dma_start3A_1190 = arith.constant 0 : i32
    %dma_start3A_1191 = tpu.memref_slice %arg6[%dma_start3A_1190, %multiple_of3A_1184] : memref<16x1000000xf32, #tpu.memory_space<hbm>> -> memref<16x128xf32, #tpu.memory_space<hbm>>
    %dma_start3A_1192 = arith.constant 0 : i32
    %dma_start3A_1193 = arith.constant 0 : i32
    %dma_start3A_1194 = tpu.memref_slice %arg14[%dma_start3A_1185, %dma_start3A_1192, %dma_start3A_1193] : memref<16x16x128xf32, #tpu.memory_space<vmem>> -> memref<1x16x128xf32, #tpu.memory_space<vmem>>
    %dma_start3A_1195 = tpu.memref_squeeze %dma_start3A_1194 : memref<1x16x128xf32, #tpu.memory_space<vmem>> -> memref<16x128xf32, #tpu.memory_space<vmem>>
    %dma_start3A_1196 = arith.constant 0 : i32
    %dma_start3A_1197 = tpu.memref_slice %arg6[%dma_start3A_1196, %multiple_of3A_1184] : memref<16x1000000xf32, #tpu.memory_space<hbm>> -> memref<16x128xf32, #tpu.memory_space<hbm>>
    tpu.enqueue_dma source(%dma_start3A_1197 : memref<16x128xf32, #tpu.memory_space<hbm>>) target(%dma_start3A_1195 : memref<16x128xf32, #tpu.memory_space<vmem>>) target_semaphore(%arg22 : memref<!tpu.dma_semaphore, #tpu.memory_space<semaphore_mem>>)
    %slice3A_1198 = vector.extract_strided_slice %get3A_1045 {offsets = [8], sizes = [1], strides = [1]} : vector<16xi32> to vector<1xi32>
    %squeeze3A_1199 = vector.extract %slice3A_1198[0] : i32 from vector<1xi32>
    %rem3A_1200 = arith.constant 128 : i32
    %rem3A_1201 = arith.remsi %squeeze3A_1199, %rem3A_1200 : i32
    %sub3A_1202 = arith.subi %squeeze3A_1199, %rem3A_1201 : i32
    %multiple_of3A_1203 = tpu.assume_multiple %sub3A_1202, 128 : i32
    %dma_start3A_1204 = arith.constant 8 : i32
    %dma_start3A_1205 = arith.constant 0 : i32
    %dma_start3A_1206 = arith.constant 0 : i32
    %dma_start3A_1207 = tpu.memref_slice %arg14[%dma_start3A_1204, %dma_start3A_1205, %dma_start3A_1206] : memref<16x16x128xf32, #tpu.memory_space<vmem>> -> memref<1x16x128xf32, #tpu.memory_space<vmem>>
    %dma_start3A_1208 = tpu.memref_squeeze %dma_start3A_1207 : memref<1x16x128xf32, #tpu.memory_space<vmem>> -> memref<16x128xf32, #tpu.memory_space<vmem>>
    %dma_start3A_1209 = arith.constant 0 : i32
    %dma_start3A_1210 = tpu.memref_slice %arg6[%dma_start3A_1209, %multiple_of3A_1203] : memref<16x1000000xf32, #tpu.memory_space<hbm>> -> memref<16x128xf32, #tpu.memory_space<hbm>>
    %dma_start3A_1211 = arith.constant 0 : i32
    %dma_start3A_1212 = arith.constant 0 : i32
    %dma_start3A_1213 = tpu.memref_slice %arg14[%dma_start3A_1204, %dma_start3A_1211, %dma_start3A_1212] : memref<16x16x128xf32, #tpu.memory_space<vmem>> -> memref<1x16x128xf32, #tpu.memory_space<vmem>>
    %dma_start3A_1214 = tpu.memref_squeeze %dma_start3A_1213 : memref<1x16x128xf32, #tpu.memory_space<vmem>> -> memref<16x128xf32, #tpu.memory_space<vmem>>
    %dma_start3A_1215 = arith.constant 0 : i32
    %dma_start3A_1216 = tpu.memref_slice %arg6[%dma_start3A_1215, %multiple_of3A_1203] : memref<16x1000000xf32, #tpu.memory_space<hbm>> -> memref<16x128xf32, #tpu.memory_space<hbm>>
    tpu.enqueue_dma source(%dma_start3A_1216 : memref<16x128xf32, #tpu.memory_space<hbm>>) target(%dma_start3A_1214 : memref<16x128xf32, #tpu.memory_space<vmem>>) target_semaphore(%arg22 : memref<!tpu.dma_semaphore, #tpu.memory_space<semaphore_mem>>)
    %slice3A_1217 = vector.extract_strided_slice %get3A_1045 {offsets = [9], sizes = [1], strides = [1]} : vector<16xi32> to vector<1xi32>
    %squeeze3A_1218 = vector.extract %slice3A_1217[0] : i32 from vector<1xi32>
    %rem3A_1219 = arith.constant 128 : i32
    %rem3A_1220 = arith.remsi %squeeze3A_1218, %rem3A_1219 : i32
    %sub3A_1221 = arith.subi %squeeze3A_1218, %rem3A_1220 : i32
    %multiple_of3A_1222 = tpu.assume_multiple %sub3A_1221, 128 : i32
    %dma_start3A_1223 = arith.constant 9 : i32
    %dma_start3A_1224 = arith.constant 0 : i32
    %dma_start3A_1225 = arith.constant 0 : i32
    %dma_start3A_1226 = tpu.memref_slice %arg14[%dma_start3A_1223, %dma_start3A_1224, %dma_start3A_1225] : memref<16x16x128xf32, #tpu.memory_space<vmem>> -> memref<1x16x128xf32, #tpu.memory_space<vmem>>
    %dma_start3A_1227 = tpu.memref_squeeze %dma_start3A_1226 : memref<1x16x128xf32, #tpu.memory_space<vmem>> -> memref<16x128xf32, #tpu.memory_space<vmem>>
    %dma_start3A_1228 = arith.constant 0 : i32
    %dma_start3A_1229 = tpu.memref_slice %arg6[%dma_start3A_1228, %multiple_of3A_1222] : memref<16x1000000xf32, #tpu.memory_space<hbm>> -> memref<16x128xf32, #tpu.memory_space<hbm>>
    %dma_start3A_1230 = arith.constant 0 : i32
    %dma_start3A_1231 = arith.constant 0 : i32
    %dma_start3A_1232 = tpu.memref_slice %arg14[%dma_start3A_1223, %dma_start3A_1230, %dma_start3A_1231] : memref<16x16x128xf32, #tpu.memory_space<vmem>> -> memref<1x16x128xf32, #tpu.memory_space<vmem>>
    %dma_start3A_1233 = tpu.memref_squeeze %dma_start3A_1232 : memref<1x16x128xf32, #tpu.memory_space<vmem>> -> memref<16x128xf32, #tpu.memory_space<vmem>>
    %dma_start3A_1234 = arith.constant 0 : i32
    %dma_start3A_1235 = tpu.memref_slice %arg6[%dma_start3A_1234, %multiple_of3A_1222] : memref<16x1000000xf32, #tpu.memory_space<hbm>> -> memref<16x128xf32, #tpu.memory_space<hbm>>
    tpu.enqueue_dma source(%dma_start3A_1235 : memref<16x128xf32, #tpu.memory_space<hbm>>) target(%dma_start3A_1233 : memref<16x128xf32, #tpu.memory_space<vmem>>) target_semaphore(%arg22 : memref<!tpu.dma_semaphore, #tpu.memory_space<semaphore_mem>>)
    %slice3A_1236 = vector.extract_strided_slice %get3A_1045 {offsets = [10], sizes = [1], strides = [1]} : vector<16xi32> to vector<1xi32>
    %squeeze3A_1237 = vector.extract %slice3A_1236[0] : i32 from vector<1xi32>
    %rem3A_1238 = arith.constant 128 : i32
    %rem3A_1239 = arith.remsi %squeeze3A_1237, %rem3A_1238 : i32
    %sub3A_1240 = arith.subi %squeeze3A_1237, %rem3A_1239 : i32
    %multiple_of3A_1241 = tpu.assume_multiple %sub3A_1240, 128 : i32
    %dma_start3A_1242 = arith.constant 10 : i32
    %dma_start3A_1243 = arith.constant 0 : i32
    %dma_start3A_1244 = arith.constant 0 : i32
    %dma_start3A_1245 = tpu.memref_slice %arg14[%dma_start3A_1242, %dma_start3A_1243, %dma_start3A_1244] : memref<16x16x128xf32, #tpu.memory_space<vmem>> -> memref<1x16x128xf32, #tpu.memory_space<vmem>>
    %dma_start3A_1246 = tpu.memref_squeeze %dma_start3A_1245 : memref<1x16x128xf32, #tpu.memory_space<vmem>> -> memref<16x128xf32, #tpu.memory_space<vmem>>
    %dma_start3A_1247 = arith.constant 0 : i32
    %dma_start3A_1248 = tpu.memref_slice %arg6[%dma_start3A_1247, %multiple_of3A_1241] : memref<16x1000000xf32, #tpu.memory_space<hbm>> -> memref<16x128xf32, #tpu.memory_space<hbm>>
    %dma_start3A_1249 = arith.constant 0 : i32
    %dma_start3A_1250 = arith.constant 0 : i32
    %dma_start3A_1251 = tpu.memref_slice %arg14[%dma_start3A_1242, %dma_start3A_1249, %dma_start3A_1250] : memref<16x16x128xf32, #tpu.memory_space<vmem>> -> memref<1x16x128xf32, #tpu.memory_space<vmem>>
    %dma_start3A_1252 = tpu.memref_squeeze %dma_start3A_1251 : memref<1x16x128xf32, #tpu.memory_space<vmem>> -> memref<16x128xf32, #tpu.memory_space<vmem>>
    %dma_start3A_1253 = arith.constant 0 : i32
    %dma_start3A_1254 = tpu.memref_slice %arg6[%dma_start3A_1253, %multiple_of3A_1241] : memref<16x1000000xf32, #tpu.memory_space<hbm>> -> memref<16x128xf32, #tpu.memory_space<hbm>>
    tpu.enqueue_dma source(%dma_start3A_1254 : memref<16x128xf32, #tpu.memory_space<hbm>>) target(%dma_start3A_1252 : memref<16x128xf32, #tpu.memory_space<vmem>>) target_semaphore(%arg22 : memref<!tpu.dma_semaphore, #tpu.memory_space<semaphore_mem>>)
    %slice3A_1255 = vector.extract_strided_slice %get3A_1045 {offsets = [11], sizes = [1], strides = [1]} : vector<16xi32> to vector<1xi32>
    %squeeze3A_1256 = vector.extract %slice3A_1255[0] : i32 from vector<1xi32>
    %rem3A_1257 = arith.constant 128 : i32
    %rem3A_1258 = arith.remsi %squeeze3A_1256, %rem3A_1257 : i32
    %sub3A_1259 = arith.subi %squeeze3A_1256, %rem3A_1258 : i32
    %multiple_of3A_1260 = tpu.assume_multiple %sub3A_1259, 128 : i32
    %dma_start3A_1261 = arith.constant 11 : i32
    %dma_start3A_1262 = arith.constant 0 : i32
    %dma_start3A_1263 = arith.constant 0 : i32
    %dma_start3A_1264 = tpu.memref_slice %arg14[%dma_start3A_1261, %dma_start3A_1262, %dma_start3A_1263] : memref<16x16x128xf32, #tpu.memory_space<vmem>> -> memref<1x16x128xf32, #tpu.memory_space<vmem>>
    %dma_start3A_1265 = tpu.memref_squeeze %dma_start3A_1264 : memref<1x16x128xf32, #tpu.memory_space<vmem>> -> memref<16x128xf32, #tpu.memory_space<vmem>>
    %dma_start3A_1266 = arith.constant 0 : i32
    %dma_start3A_1267 = tpu.memref_slice %arg6[%dma_start3A_1266, %multiple_of3A_1260] : memref<16x1000000xf32, #tpu.memory_space<hbm>> -> memref<16x128xf32, #tpu.memory_space<hbm>>
    %dma_start3A_1268 = arith.constant 0 : i32
    %dma_start3A_1269 = arith.constant 0 : i32
    %dma_start3A_1270 = tpu.memref_slice %arg14[%dma_start3A_1261, %dma_start3A_1268, %dma_start3A_1269] : memref<16x16x128xf32, #tpu.memory_space<vmem>> -> memref<1x16x128xf32, #tpu.memory_space<vmem>>
    %dma_start3A_1271 = tpu.memref_squeeze %dma_start3A_1270 : memref<1x16x128xf32, #tpu.memory_space<vmem>> -> memref<16x128xf32, #tpu.memory_space<vmem>>
    %dma_start3A_1272 = arith.constant 0 : i32
    %dma_start3A_1273 = tpu.memref_slice %arg6[%dma_start3A_1272, %multiple_of3A_1260] : memref<16x1000000xf32, #tpu.memory_space<hbm>> -> memref<16x128xf32, #tpu.memory_space<hbm>>
    tpu.enqueue_dma source(%dma_start3A_1273 : memref<16x128xf32, #tpu.memory_space<hbm>>) target(%dma_start3A_1271 : memref<16x128xf32, #tpu.memory_space<vmem>>) target_semaphore(%arg22 : memref<!tpu.dma_semaphore, #tpu.memory_space<semaphore_mem>>)
    %slice3A_1274 = vector.extract_strided_slice %get3A_1045 {offsets = [12], sizes = [1], strides = [1]} : vector<16xi32> to vector<1xi32>
    %squeeze3A_1275 = vector.extract %slice3A_1274[0] : i32 from vector<1xi32>
    %rem3A_1276 = arith.constant 128 : i32
    %rem3A_1277 = arith.remsi %squeeze3A_1275, %rem3A_1276 : i32
    %sub3A_1278 = arith.subi %squeeze3A_1275, %rem3A_1277 : i32
    %multiple_of3A_1279 = tpu.assume_multiple %sub3A_1278, 128 : i32
    %dma_start3A_1280 = arith.constant 12 : i32
    %dma_start3A_1281 = arith.constant 0 : i32
    %dma_start3A_1282 = arith.constant 0 : i32
    %dma_start3A_1283 = tpu.memref_slice %arg14[%dma_start3A_1280, %dma_start3A_1281, %dma_start3A_1282] : memref<16x16x128xf32, #tpu.memory_space<vmem>> -> memref<1x16x128xf32, #tpu.memory_space<vmem>>
    %dma_start3A_1284 = tpu.memref_squeeze %dma_start3A_1283 : memref<1x16x128xf32, #tpu.memory_space<vmem>> -> memref<16x128xf32, #tpu.memory_space<vmem>>
    %dma_start3A_1285 = arith.constant 0 : i32
    %dma_start3A_1286 = tpu.memref_slice %arg6[%dma_start3A_1285, %multiple_of3A_1279] : memref<16x1000000xf32, #tpu.memory_space<hbm>> -> memref<16x128xf32, #tpu.memory_space<hbm>>
    %dma_start3A_1287 = arith.constant 0 : i32
    %dma_start3A_1288 = arith.constant 0 : i32
    %dma_start3A_1289 = tpu.memref_slice %arg14[%dma_start3A_1280, %dma_start3A_1287, %dma_start3A_1288] : memref<16x16x128xf32, #tpu.memory_space<vmem>> -> memref<1x16x128xf32, #tpu.memory_space<vmem>>
    %dma_start3A_1290 = tpu.memref_squeeze %dma_start3A_1289 : memref<1x16x128xf32, #tpu.memory_space<vmem>> -> memref<16x128xf32, #tpu.memory_space<vmem>>
    %dma_start3A_1291 = arith.constant 0 : i32
    %dma_start3A_1292 = tpu.memref_slice %arg6[%dma_start3A_1291, %multiple_of3A_1279] : memref<16x1000000xf32, #tpu.memory_space<hbm>> -> memref<16x128xf32, #tpu.memory_space<hbm>>
    tpu.enqueue_dma source(%dma_start3A_1292 : memref<16x128xf32, #tpu.memory_space<hbm>>) target(%dma_start3A_1290 : memref<16x128xf32, #tpu.memory_space<vmem>>) target_semaphore(%arg22 : memref<!tpu.dma_semaphore, #tpu.memory_space<semaphore_mem>>)
    %slice3A_1293 = vector.extract_strided_slice %get3A_1045 {offsets = [13], sizes = [1], strides = [1]} : vector<16xi32> to vector<1xi32>
    %squeeze3A_1294 = vector.extract %slice3A_1293[0] : i32 from vector<1xi32>
    %rem3A_1295 = arith.constant 128 : i32
    %rem3A_1296 = arith.remsi %squeeze3A_1294, %rem3A_1295 : i32
    %sub3A_1297 = arith.subi %squeeze3A_1294, %rem3A_1296 : i32
    %multiple_of3A_1298 = tpu.assume_multiple %sub3A_1297, 128 : i32
    %dma_start3A_1299 = arith.constant 13 : i32
    %dma_start3A_1300 = arith.constant 0 : i32
    %dma_start3A_1301 = arith.constant 0 : i32
    %dma_start3A_1302 = tpu.memref_slice %arg14[%dma_start3A_1299, %dma_start3A_1300, %dma_start3A_1301] : memref<16x16x128xf32, #tpu.memory_space<vmem>> -> memref<1x16x128xf32, #tpu.memory_space<vmem>>
    %dma_start3A_1303 = tpu.memref_squeeze %dma_start3A_1302 : memref<1x16x128xf32, #tpu.memory_space<vmem>> -> memref<16x128xf32, #tpu.memory_space<vmem>>
    %dma_start3A_1304 = arith.constant 0 : i32
    %dma_start3A_1305 = tpu.memref_slice %arg6[%dma_start3A_1304, %multiple_of3A_1298] : memref<16x1000000xf32, #tpu.memory_space<hbm>> -> memref<16x128xf32, #tpu.memory_space<hbm>>
    %dma_start3A_1306 = arith.constant 0 : i32
    %dma_start3A_1307 = arith.constant 0 : i32
    %dma_start3A_1308 = tpu.memref_slice %arg14[%dma_start3A_1299, %dma_start3A_1306, %dma_start3A_1307] : memref<16x16x128xf32, #tpu.memory_space<vmem>> -> memref<1x16x128xf32, #tpu.memory_space<vmem>>
    %dma_start3A_1309 = tpu.memref_squeeze %dma_start3A_1308 : memref<1x16x128xf32, #tpu.memory_space<vmem>> -> memref<16x128xf32, #tpu.memory_space<vmem>>
    %dma_start3A_1310 = arith.constant 0 : i32
    %dma_start3A_1311 = tpu.memref_slice %arg6[%dma_start3A_1310, %multiple_of3A_1298] : memref<16x1000000xf32, #tpu.memory_space<hbm>> -> memref<16x128xf32, #tpu.memory_space<hbm>>
    tpu.enqueue_dma source(%dma_start3A_1311 : memref<16x128xf32, #tpu.memory_space<hbm>>) target(%dma_start3A_1309 : memref<16x128xf32, #tpu.memory_space<vmem>>) target_semaphore(%arg22 : memref<!tpu.dma_semaphore, #tpu.memory_space<semaphore_mem>>)
    %slice3A_1312 = vector.extract_strided_slice %get3A_1045 {offsets = [14], sizes = [1], strides = [1]} : vector<16xi32> to vector<1xi32>
    %squeeze3A_1313 = vector.extract %slice3A_1312[0] : i32 from vector<1xi32>
    %rem3A_1314 = arith.constant 128 : i32
    %rem3A_1315 = arith.remsi %squeeze3A_1313, %rem3A_1314 : i32
    %sub3A_1316 = arith.subi %squeeze3A_1313, %rem3A_1315 : i32
    %multiple_of3A_1317 = tpu.assume_multiple %sub3A_1316, 128 : i32
    %dma_start3A_1318 = arith.constant 14 : i32
    %dma_start3A_1319 = arith.constant 0 : i32
    %dma_start3A_1320 = arith.constant 0 : i32
    %dma_start3A_1321 = tpu.memref_slice %arg14[%dma_start3A_1318, %dma_start3A_1319, %dma_start3A_1320] : memref<16x16x128xf32, #tpu.memory_space<vmem>> -> memref<1x16x128xf32, #tpu.memory_space<vmem>>
    %dma_start3A_1322 = tpu.memref_squeeze %dma_start3A_1321 : memref<1x16x128xf32, #tpu.memory_space<vmem>> -> memref<16x128xf32, #tpu.memory_space<vmem>>
    %dma_start3A_1323 = arith.constant 0 : i32
    %dma_start3A_1324 = tpu.memref_slice %arg6[%dma_start3A_1323, %multiple_of3A_1317] : memref<16x1000000xf32, #tpu.memory_space<hbm>> -> memref<16x128xf32, #tpu.memory_space<hbm>>
    %dma_start3A_1325 = arith.constant 0 : i32
    %dma_start3A_1326 = arith.constant 0 : i32
    %dma_start3A_1327 = tpu.memref_slice %arg14[%dma_start3A_1318, %dma_start3A_1325, %dma_start3A_1326] : memref<16x16x128xf32, #tpu.memory_space<vmem>> -> memref<1x16x128xf32, #tpu.memory_space<vmem>>
    %dma_start3A_1328 = tpu.memref_squeeze %dma_start3A_1327 : memref<1x16x128xf32, #tpu.memory_space<vmem>> -> memref<16x128xf32, #tpu.memory_space<vmem>>
    %dma_start3A_1329 = arith.constant 0 : i32
    %dma_start3A_1330 = tpu.memref_slice %arg6[%dma_start3A_1329, %multiple_of3A_1317] : memref<16x1000000xf32, #tpu.memory_space<hbm>> -> memref<16x128xf32, #tpu.memory_space<hbm>>
    tpu.enqueue_dma source(%dma_start3A_1330 : memref<16x128xf32, #tpu.memory_space<hbm>>) target(%dma_start3A_1328 : memref<16x128xf32, #tpu.memory_space<vmem>>) target_semaphore(%arg22 : memref<!tpu.dma_semaphore, #tpu.memory_space<semaphore_mem>>)
    %slice3A_1331 = vector.extract_strided_slice %get3A_1045 {offsets = [15], sizes = [1], strides = [1]} : vector<16xi32> to vector<1xi32>
    %squeeze3A_1332 = vector.extract %slice3A_1331[0] : i32 from vector<1xi32>
    %rem3A_1333 = arith.constant 128 : i32
    %rem3A_1334 = arith.remsi %squeeze3A_1332, %rem3A_1333 : i32
    %sub3A_1335 = arith.subi %squeeze3A_1332, %rem3A_1334 : i32
    %multiple_of3A_1336 = tpu.assume_multiple %sub3A_1335, 128 : i32
    %dma_start3A_1337 = arith.constant 15 : i32
    %dma_start3A_1338 = arith.constant 0 : i32
    %dma_start3A_1339 = arith.constant 0 : i32
    %dma_start3A_1340 = tpu.memref_slice %arg14[%dma_start3A_1337, %dma_start3A_1338, %dma_start3A_1339] : memref<16x16x128xf32, #tpu.memory_space<vmem>> -> memref<1x16x128xf32, #tpu.memory_space<vmem>>
    %dma_start3A_1341 = tpu.memref_squeeze %dma_start3A_1340 : memref<1x16x128xf32, #tpu.memory_space<vmem>> -> memref<16x128xf32, #tpu.memory_space<vmem>>
    %dma_start3A_1342 = arith.constant 0 : i32
    %dma_start3A_1343 = tpu.memref_slice %arg6[%dma_start3A_1342, %multiple_of3A_1336] : memref<16x1000000xf32, #tpu.memory_space<hbm>> -> memref<16x128xf32, #tpu.memory_space<hbm>>
    %dma_start3A_1344 = arith.constant 0 : i32
    %dma_start3A_1345 = arith.constant 0 : i32
    %dma_start3A_1346 = tpu.memref_slice %arg14[%dma_start3A_1337, %dma_start3A_1344, %dma_start3A_1345] : memref<16x16x128xf32, #tpu.memory_space<vmem>> -> memref<1x16x128xf32, #tpu.memory_space<vmem>>
    %dma_start3A_1347 = tpu.memref_squeeze %dma_start3A_1346 : memref<1x16x128xf32, #tpu.memory_space<vmem>> -> memref<16x128xf32, #tpu.memory_space<vmem>>
    %dma_start3A_1348 = arith.constant 0 : i32
    %dma_start3A_1349 = tpu.memref_slice %arg6[%dma_start3A_1348, %multiple_of3A_1336] : memref<16x1000000xf32, #tpu.memory_space<hbm>> -> memref<16x128xf32, #tpu.memory_space<hbm>>
    tpu.enqueue_dma source(%dma_start3A_1349 : memref<16x128xf32, #tpu.memory_space<hbm>>) target(%dma_start3A_1347 : memref<16x128xf32, #tpu.memory_space<vmem>>) target_semaphore(%arg22 : memref<!tpu.dma_semaphore, #tpu.memory_space<semaphore_mem>>)
    %dma_wait3A_1350 = arith.constant 0 : i32
    %dma_wait3A_1351 = arith.constant 0 : i32
    %dma_wait3A_1352 = arith.constant 0 : i32
    %dma_wait3A_1353 = tpu.memref_slice %arg15[%dma_wait3A_1350, %dma_wait3A_1351, %dma_wait3A_1352] : memref<16x16x128xf32, #tpu.memory_space<vmem>> -> memref<1x16x128xf32, #tpu.memory_space<vmem>>
    %dma_wait3A_1354 = tpu.memref_squeeze %dma_wait3A_1353 : memref<1x16x128xf32, #tpu.memory_space<vmem>> -> memref<16x128xf32, #tpu.memory_space<vmem>>
    %dma_wait3A_1355 = arith.constant 0 : i32
    %dma_wait3A_1356 = tpu.memref_slice %arg4[%dma_wait3A_1355, %multiple_of3A_316] : memref<16x1000000xf32, #tpu.memory_space<hbm>> -> memref<16x128xf32, #tpu.memory_space<hbm>>
    %dma_wait3A_1357 = arith.constant 0 : i32
    %dma_wait3A_1358 = arith.constant 0 : i32
    %dma_wait3A_1359 = tpu.memref_slice %arg15[%dma_wait3A_1350, %dma_wait3A_1357, %dma_wait3A_1358] : memref<16x16x128xf32, #tpu.memory_space<vmem>> -> memref<1x16x128xf32, #tpu.memory_space<vmem>>
    %dma_wait3A_1360 = tpu.memref_squeeze %dma_wait3A_1359 : memref<1x16x128xf32, #tpu.memory_space<vmem>> -> memref<16x128xf32, #tpu.memory_space<vmem>>
    %dma_wait3A_1361 = arith.constant 0 : i32
    %dma_wait3A_1362 = tpu.memref_slice %arg4[%dma_wait3A_1361, %multiple_of3A_316] : memref<16x1000000xf32, #tpu.memory_space<hbm>> -> memref<16x128xf32, #tpu.memory_space<hbm>>
    tpu.wait_dma2 semaphore(%arg23 : memref<!tpu.dma_semaphore, #tpu.memory_space<semaphore_mem>>) src(%dma_wait3A_1362 : memref<16x128xf32, #tpu.memory_space<hbm>>) dst(%dma_wait3A_1360 : memref<16x128xf32, #tpu.memory_space<vmem>>)
    %dma_wait3A_1363 = arith.constant 1 : i32
    %dma_wait3A_1364 = arith.constant 0 : i32
    %dma_wait3A_1365 = arith.constant 0 : i32
    %dma_wait3A_1366 = tpu.memref_slice %arg15[%dma_wait3A_1363, %dma_wait3A_1364, %dma_wait3A_1365] : memref<16x16x128xf32, #tpu.memory_space<vmem>> -> memref<1x16x128xf32, #tpu.memory_space<vmem>>
    %dma_wait3A_1367 = tpu.memref_squeeze %dma_wait3A_1366 : memref<1x16x128xf32, #tpu.memory_space<vmem>> -> memref<16x128xf32, #tpu.memory_space<vmem>>
    %dma_wait3A_1368 = arith.constant 0 : i32
    %dma_wait3A_1369 = tpu.memref_slice %arg4[%dma_wait3A_1368, %multiple_of3A_335] : memref<16x1000000xf32, #tpu.memory_space<hbm>> -> memref<16x128xf32, #tpu.memory_space<hbm>>
    %dma_wait3A_1370 = arith.constant 0 : i32
    %dma_wait3A_1371 = arith.constant 0 : i32
    %dma_wait3A_1372 = tpu.memref_slice %arg15[%dma_wait3A_1363, %dma_wait3A_1370, %dma_wait3A_1371] : memref<16x16x128xf32, #tpu.memory_space<vmem>> -> memref<1x16x128xf32, #tpu.memory_space<vmem>>
    %dma_wait3A_1373 = tpu.memref_squeeze %dma_wait3A_1372 : memref<1x16x128xf32, #tpu.memory_space<vmem>> -> memref<16x128xf32, #tpu.memory_space<vmem>>
    %dma_wait3A_1374 = arith.constant 0 : i32
    %dma_wait3A_1375 = tpu.memref_slice %arg4[%dma_wait3A_1374, %multiple_of3A_335] : memref<16x1000000xf32, #tpu.memory_space<hbm>> -> memref<16x128xf32, #tpu.memory_space<hbm>>
    tpu.wait_dma2 semaphore(%arg23 : memref<!tpu.dma_semaphore, #tpu.memory_space<semaphore_mem>>) src(%dma_wait3A_1375 : memref<16x128xf32, #tpu.memory_space<hbm>>) dst(%dma_wait3A_1373 : memref<16x128xf32, #tpu.memory_space<vmem>>)
    %dma_wait3A_1376 = arith.constant 2 : i32
    %dma_wait3A_1377 = arith.constant 0 : i32
    %dma_wait3A_1378 = arith.constant 0 : i32
    %dma_wait3A_1379 = tpu.memref_slice %arg15[%dma_wait3A_1376, %dma_wait3A_1377, %dma_wait3A_1378] : memref<16x16x128xf32, #tpu.memory_space<vmem>> -> memref<1x16x128xf32, #tpu.memory_space<vmem>>
    %dma_wait3A_1380 = tpu.memref_squeeze %dma_wait3A_1379 : memref<1x16x128xf32, #tpu.memory_space<vmem>> -> memref<16x128xf32, #tpu.memory_space<vmem>>
    %dma_wait3A_1381 = arith.constant 0 : i32
    %dma_wait3A_1382 = tpu.memref_slice %arg4[%dma_wait3A_1381, %multiple_of3A_354] : memref<16x1000000xf32, #tpu.memory_space<hbm>> -> memref<16x128xf32, #tpu.memory_space<hbm>>
    %dma_wait3A_1383 = arith.constant 0 : i32
    %dma_wait3A_1384 = arith.constant 0 : i32
    %dma_wait3A_1385 = tpu.memref_slice %arg15[%dma_wait3A_1376, %dma_wait3A_1383, %dma_wait3A_1384] : memref<16x16x128xf32, #tpu.memory_space<vmem>> -> memref<1x16x128xf32, #tpu.memory_space<vmem>>
    %dma_wait3A_1386 = tpu.memref_squeeze %dma_wait3A_1385 : memref<1x16x128xf32, #tpu.memory_space<vmem>> -> memref<16x128xf32, #tpu.memory_space<vmem>>
    %dma_wait3A_1387 = arith.constant 0 : i32
    %dma_wait3A_1388 = tpu.memref_slice %arg4[%dma_wait3A_1387, %multiple_of3A_354] : memref<16x1000000xf32, #tpu.memory_space<hbm>> -> memref<16x128xf32, #tpu.memory_space<hbm>>
    tpu.wait_dma2 semaphore(%arg23 : memref<!tpu.dma_semaphore, #tpu.memory_space<semaphore_mem>>) src(%dma_wait3A_1388 : memref<16x128xf32, #tpu.memory_space<hbm>>) dst(%dma_wait3A_1386 : memref<16x128xf32, #tpu.memory_space<vmem>>)
    %dma_wait3A_1389 = arith.constant 3 : i32
    %dma_wait3A_1390 = arith.constant 0 : i32
    %dma_wait3A_1391 = arith.constant 0 : i32
    %dma_wait3A_1392 = tpu.memref_slice %arg15[%dma_wait3A_1389, %dma_wait3A_1390, %dma_wait3A_1391] : memref<16x16x128xf32, #tpu.memory_space<vmem>> -> memref<1x16x128xf32, #tpu.memory_space<vmem>>
    %dma_wait3A_1393 = tpu.memref_squeeze %dma_wait3A_1392 : memref<1x16x128xf32, #tpu.memory_space<vmem>> -> memref<16x128xf32, #tpu.memory_space<vmem>>
    %dma_wait3A_1394 = arith.constant 0 : i32
    %dma_wait3A_1395 = tpu.memref_slice %arg4[%dma_wait3A_1394, %multiple_of3A_373] : memref<16x1000000xf32, #tpu.memory_space<hbm>> -> memref<16x128xf32, #tpu.memory_space<hbm>>
    %dma_wait3A_1396 = arith.constant 0 : i32
    %dma_wait3A_1397 = arith.constant 0 : i32
    %dma_wait3A_1398 = tpu.memref_slice %arg15[%dma_wait3A_1389, %dma_wait3A_1396, %dma_wait3A_1397] : memref<16x16x128xf32, #tpu.memory_space<vmem>> -> memref<1x16x128xf32, #tpu.memory_space<vmem>>
    %dma_wait3A_1399 = tpu.memref_squeeze %dma_wait3A_1398 : memref<1x16x128xf32, #tpu.memory_space<vmem>> -> memref<16x128xf32, #tpu.memory_space<vmem>>
    %dma_wait3A_1400 = arith.constant 0 : i32
    %dma_wait3A_1401 = tpu.memref_slice %arg4[%dma_wait3A_1400, %multiple_of3A_373] : memref<16x1000000xf32, #tpu.memory_space<hbm>> -> memref<16x128xf32, #tpu.memory_space<hbm>>
    tpu.wait_dma2 semaphore(%arg23 : memref<!tpu.dma_semaphore, #tpu.memory_space<semaphore_mem>>) src(%dma_wait3A_1401 : memref<16x128xf32, #tpu.memory_space<hbm>>) dst(%dma_wait3A_1399 : memref<16x128xf32, #tpu.memory_space<vmem>>)
    %dma_wait3A_1402 = arith.constant 4 : i32
    %dma_wait3A_1403 = arith.constant 0 : i32
    %dma_wait3A_1404 = arith.constant 0 : i32
    %dma_wait3A_1405 = tpu.memref_slice %arg15[%dma_wait3A_1402, %dma_wait3A_1403, %dma_wait3A_1404] : memref<16x16x128xf32, #tpu.memory_space<vmem>> -> memref<1x16x128xf32, #tpu.memory_space<vmem>>
    %dma_wait3A_1406 = tpu.memref_squeeze %dma_wait3A_1405 : memref<1x16x128xf32, #tpu.memory_space<vmem>> -> memref<16x128xf32, #tpu.memory_space<vmem>>
    %dma_wait3A_1407 = arith.constant 0 : i32
    %dma_wait3A_1408 = tpu.memref_slice %arg4[%dma_wait3A_1407, %multiple_of3A_392] : memref<16x1000000xf32, #tpu.memory_space<hbm>> -> memref<16x128xf32, #tpu.memory_space<hbm>>
    %dma_wait3A_1409 = arith.constant 0 : i32
    %dma_wait3A_1410 = arith.constant 0 : i32
    %dma_wait3A_1411 = tpu.memref_slice %arg15[%dma_wait3A_1402, %dma_wait3A_1409, %dma_wait3A_1410] : memref<16x16x128xf32, #tpu.memory_space<vmem>> -> memref<1x16x128xf32, #tpu.memory_space<vmem>>
    %dma_wait3A_1412 = tpu.memref_squeeze %dma_wait3A_1411 : memref<1x16x128xf32, #tpu.memory_space<vmem>> -> memref<16x128xf32, #tpu.memory_space<vmem>>
    %dma_wait3A_1413 = arith.constant 0 : i32
    %dma_wait3A_1414 = tpu.memref_slice %arg4[%dma_wait3A_1413, %multiple_of3A_392] : memref<16x1000000xf32, #tpu.memory_space<hbm>> -> memref<16x128xf32, #tpu.memory_space<hbm>>
    tpu.wait_dma2 semaphore(%arg23 : memref<!tpu.dma_semaphore, #tpu.memory_space<semaphore_mem>>) src(%dma_wait3A_1414 : memref<16x128xf32, #tpu.memory_space<hbm>>) dst(%dma_wait3A_1412 : memref<16x128xf32, #tpu.memory_space<vmem>>)
    %dma_wait3A_1415 = arith.constant 5 : i32
    %dma_wait3A_1416 = arith.constant 0 : i32
    %dma_wait3A_1417 = arith.constant 0 : i32
    %dma_wait3A_1418 = tpu.memref_slice %arg15[%dma_wait3A_1415, %dma_wait3A_1416, %dma_wait3A_1417] : memref<16x16x128xf32, #tpu.memory_space<vmem>> -> memref<1x16x128xf32, #tpu.memory_space<vmem>>
    %dma_wait3A_1419 = tpu.memref_squeeze %dma_wait3A_1418 : memref<1x16x128xf32, #tpu.memory_space<vmem>> -> memref<16x128xf32, #tpu.memory_space<vmem>>
    %dma_wait3A_1420 = arith.constant 0 : i32
    %dma_wait3A_1421 = tpu.memref_slice %arg4[%dma_wait3A_1420, %multiple_of3A_411] : memref<16x1000000xf32, #tpu.memory_space<hbm>> -> memref<16x128xf32, #tpu.memory_space<hbm>>
    %dma_wait3A_1422 = arith.constant 0 : i32
    %dma_wait3A_1423 = arith.constant 0 : i32
    %dma_wait3A_1424 = tpu.memref_slice %arg15[%dma_wait3A_1415, %dma_wait3A_1422, %dma_wait3A_1423] : memref<16x16x128xf32, #tpu.memory_space<vmem>> -> memref<1x16x128xf32, #tpu.memory_space<vmem>>
    %dma_wait3A_1425 = tpu.memref_squeeze %dma_wait3A_1424 : memref<1x16x128xf32, #tpu.memory_space<vmem>> -> memref<16x128xf32, #tpu.memory_space<vmem>>
    %dma_wait3A_1426 = arith.constant 0 : i32
    %dma_wait3A_1427 = tpu.memref_slice %arg4[%dma_wait3A_1426, %multiple_of3A_411] : memref<16x1000000xf32, #tpu.memory_space<hbm>> -> memref<16x128xf32, #tpu.memory_space<hbm>>
    tpu.wait_dma2 semaphore(%arg23 : memref<!tpu.dma_semaphore, #tpu.memory_space<semaphore_mem>>) src(%dma_wait3A_1427 : memref<16x128xf32, #tpu.memory_space<hbm>>) dst(%dma_wait3A_1425 : memref<16x128xf32, #tpu.memory_space<vmem>>)
    %dma_wait3A_1428 = arith.constant 6 : i32
    %dma_wait3A_1429 = arith.constant 0 : i32
    %dma_wait3A_1430 = arith.constant 0 : i32
    %dma_wait3A_1431 = tpu.memref_slice %arg15[%dma_wait3A_1428, %dma_wait3A_1429, %dma_wait3A_1430] : memref<16x16x128xf32, #tpu.memory_space<vmem>> -> memref<1x16x128xf32, #tpu.memory_space<vmem>>
    %dma_wait3A_1432 = tpu.memref_squeeze %dma_wait3A_1431 : memref<1x16x128xf32, #tpu.memory_space<vmem>> -> memref<16x128xf32, #tpu.memory_space<vmem>>
    %dma_wait3A_1433 = arith.constant 0 : i32
    %dma_wait3A_1434 = tpu.memref_slice %arg4[%dma_wait3A_1433, %multiple_of3A_430] : memref<16x1000000xf32, #tpu.memory_space<hbm>> -> memref<16x128xf32, #tpu.memory_space<hbm>>
    %dma_wait3A_1435 = arith.constant 0 : i32
    %dma_wait3A_1436 = arith.constant 0 : i32
    %dma_wait3A_1437 = tpu.memref_slice %arg15[%dma_wait3A_1428, %dma_wait3A_1435, %dma_wait3A_1436] : memref<16x16x128xf32, #tpu.memory_space<vmem>> -> memref<1x16x128xf32, #tpu.memory_space<vmem>>
    %dma_wait3A_1438 = tpu.memref_squeeze %dma_wait3A_1437 : memref<1x16x128xf32, #tpu.memory_space<vmem>> -> memref<16x128xf32, #tpu.memory_space<vmem>>
    %dma_wait3A_1439 = arith.constant 0 : i32
    %dma_wait3A_1440 = tpu.memref_slice %arg4[%dma_wait3A_1439, %multiple_of3A_430] : memref<16x1000000xf32, #tpu.memory_space<hbm>> -> memref<16x128xf32, #tpu.memory_space<hbm>>
    tpu.wait_dma2 semaphore(%arg23 : memref<!tpu.dma_semaphore, #tpu.memory_space<semaphore_mem>>) src(%dma_wait3A_1440 : memref<16x128xf32, #tpu.memory_space<hbm>>) dst(%dma_wait3A_1438 : memref<16x128xf32, #tpu.memory_space<vmem>>)
    %dma_wait3A_1441 = arith.constant 7 : i32
    %dma_wait3A_1442 = arith.constant 0 : i32
    %dma_wait3A_1443 = arith.constant 0 : i32
    %dma_wait3A_1444 = tpu.memref_slice %arg15[%dma_wait3A_1441, %dma_wait3A_1442, %dma_wait3A_1443] : memref<16x16x128xf32, #tpu.memory_space<vmem>> -> memref<1x16x128xf32, #tpu.memory_space<vmem>>
    %dma_wait3A_1445 = tpu.memref_squeeze %dma_wait3A_1444 : memref<1x16x128xf32, #tpu.memory_space<vmem>> -> memref<16x128xf32, #tpu.memory_space<vmem>>
    %dma_wait3A_1446 = arith.constant 0 : i32
    %dma_wait3A_1447 = tpu.memref_slice %arg4[%dma_wait3A_1446, %multiple_of3A_449] : memref<16x1000000xf32, #tpu.memory_space<hbm>> -> memref<16x128xf32, #tpu.memory_space<hbm>>
    %dma_wait3A_1448 = arith.constant 0 : i32
    %dma_wait3A_1449 = arith.constant 0 : i32
    %dma_wait3A_1450 = tpu.memref_slice %arg15[%dma_wait3A_1441, %dma_wait3A_1448, %dma_wait3A_1449] : memref<16x16x128xf32, #tpu.memory_space<vmem>> -> memref<1x16x128xf32, #tpu.memory_space<vmem>>
    %dma_wait3A_1451 = tpu.memref_squeeze %dma_wait3A_1450 : memref<1x16x128xf32, #tpu.memory_space<vmem>> -> memref<16x128xf32, #tpu.memory_space<vmem>>
    %dma_wait3A_1452 = arith.constant 0 : i32
    %dma_wait3A_1453 = tpu.memref_slice %arg4[%dma_wait3A_1452, %multiple_of3A_449] : memref<16x1000000xf32, #tpu.memory_space<hbm>> -> memref<16x128xf32, #tpu.memory_space<hbm>>
    tpu.wait_dma2 semaphore(%arg23 : memref<!tpu.dma_semaphore, #tpu.memory_space<semaphore_mem>>) src(%dma_wait3A_1453 : memref<16x128xf32, #tpu.memory_space<hbm>>) dst(%dma_wait3A_1451 : memref<16x128xf32, #tpu.memory_space<vmem>>)
    %dma_wait3A_1454 = arith.constant 8 : i32
    %dma_wait3A_1455 = arith.constant 0 : i32
    %dma_wait3A_1456 = arith.constant 0 : i32
    %dma_wait3A_1457 = tpu.memref_slice %arg15[%dma_wait3A_1454, %dma_wait3A_1455, %dma_wait3A_1456] : memref<16x16x128xf32, #tpu.memory_space<vmem>> -> memref<1x16x128xf32, #tpu.memory_space<vmem>>
    %dma_wait3A_1458 = tpu.memref_squeeze %dma_wait3A_1457 : memref<1x16x128xf32, #tpu.memory_space<vmem>> -> memref<16x128xf32, #tpu.memory_space<vmem>>
    %dma_wait3A_1459 = arith.constant 0 : i32
    %dma_wait3A_1460 = tpu.memref_slice %arg4[%dma_wait3A_1459, %multiple_of3A_468] : memref<16x1000000xf32, #tpu.memory_space<hbm>> -> memref<16x128xf32, #tpu.memory_space<hbm>>
    %dma_wait3A_1461 = arith.constant 0 : i32
    %dma_wait3A_1462 = arith.constant 0 : i32
    %dma_wait3A_1463 = tpu.memref_slice %arg15[%dma_wait3A_1454, %dma_wait3A_1461, %dma_wait3A_1462] : memref<16x16x128xf32, #tpu.memory_space<vmem>> -> memref<1x16x128xf32, #tpu.memory_space<vmem>>
    %dma_wait3A_1464 = tpu.memref_squeeze %dma_wait3A_1463 : memref<1x16x128xf32, #tpu.memory_space<vmem>> -> memref<16x128xf32, #tpu.memory_space<vmem>>
    %dma_wait3A_1465 = arith.constant 0 : i32
    %dma_wait3A_1466 = tpu.memref_slice %arg4[%dma_wait3A_1465, %multiple_of3A_468] : memref<16x1000000xf32, #tpu.memory_space<hbm>> -> memref<16x128xf32, #tpu.memory_space<hbm>>
    tpu.wait_dma2 semaphore(%arg23 : memref<!tpu.dma_semaphore, #tpu.memory_space<semaphore_mem>>) src(%dma_wait3A_1466 : memref<16x128xf32, #tpu.memory_space<hbm>>) dst(%dma_wait3A_1464 : memref<16x128xf32, #tpu.memory_space<vmem>>)
    %dma_wait3A_1467 = arith.constant 9 : i32
    %dma_wait3A_1468 = arith.constant 0 : i32
    %dma_wait3A_1469 = arith.constant 0 : i32
    %dma_wait3A_1470 = tpu.memref_slice %arg15[%dma_wait3A_1467, %dma_wait3A_1468, %dma_wait3A_1469] : memref<16x16x128xf32, #tpu.memory_space<vmem>> -> memref<1x16x128xf32, #tpu.memory_space<vmem>>
    %dma_wait3A_1471 = tpu.memref_squeeze %dma_wait3A_1470 : memref<1x16x128xf32, #tpu.memory_space<vmem>> -> memref<16x128xf32, #tpu.memory_space<vmem>>
    %dma_wait3A_1472 = arith.constant 0 : i32
    %dma_wait3A_1473 = tpu.memref_slice %arg4[%dma_wait3A_1472, %multiple_of3A_487] : memref<16x1000000xf32, #tpu.memory_space<hbm>> -> memref<16x128xf32, #tpu.memory_space<hbm>>
    %dma_wait3A_1474 = arith.constant 0 : i32
    %dma_wait3A_1475 = arith.constant 0 : i32
    %dma_wait3A_1476 = tpu.memref_slice %arg15[%dma_wait3A_1467, %dma_wait3A_1474, %dma_wait3A_1475] : memref<16x16x128xf32, #tpu.memory_space<vmem>> -> memref<1x16x128xf32, #tpu.memory_space<vmem>>
    %dma_wait3A_1477 = tpu.memref_squeeze %dma_wait3A_1476 : memref<1x16x128xf32, #tpu.memory_space<vmem>> -> memref<16x128xf32, #tpu.memory_space<vmem>>
    %dma_wait3A_1478 = arith.constant 0 : i32
    %dma_wait3A_1479 = tpu.memref_slice %arg4[%dma_wait3A_1478, %multiple_of3A_487] : memref<16x1000000xf32, #tpu.memory_space<hbm>> -> memref<16x128xf32, #tpu.memory_space<hbm>>
    tpu.wait_dma2 semaphore(%arg23 : memref<!tpu.dma_semaphore, #tpu.memory_space<semaphore_mem>>) src(%dma_wait3A_1479 : memref<16x128xf32, #tpu.memory_space<hbm>>) dst(%dma_wait3A_1477 : memref<16x128xf32, #tpu.memory_space<vmem>>)
    %dma_wait3A_1480 = arith.constant 10 : i32
    %dma_wait3A_1481 = arith.constant 0 : i32
    %dma_wait3A_1482 = arith.constant 0 : i32
    %dma_wait3A_1483 = tpu.memref_slice %arg15[%dma_wait3A_1480, %dma_wait3A_1481, %dma_wait3A_1482] : memref<16x16x128xf32, #tpu.memory_space<vmem>> -> memref<1x16x128xf32, #tpu.memory_space<vmem>>
    %dma_wait3A_1484 = tpu.memref_squeeze %dma_wait3A_1483 : memref<1x16x128xf32, #tpu.memory_space<vmem>> -> memref<16x128xf32, #tpu.memory_space<vmem>>
    %dma_wait3A_1485 = arith.constant 0 : i32
    %dma_wait3A_1486 = tpu.memref_slice %arg4[%dma_wait3A_1485, %multiple_of3A_506] : memref<16x1000000xf32, #tpu.memory_space<hbm>> -> memref<16x128xf32, #tpu.memory_space<hbm>>
    %dma_wait3A_1487 = arith.constant 0 : i32
    %dma_wait3A_1488 = arith.constant 0 : i32
    %dma_wait3A_1489 = tpu.memref_slice %arg15[%dma_wait3A_1480, %dma_wait3A_1487, %dma_wait3A_1488] : memref<16x16x128xf32, #tpu.memory_space<vmem>> -> memref<1x16x128xf32, #tpu.memory_space<vmem>>
    %dma_wait3A_1490 = tpu.memref_squeeze %dma_wait3A_1489 : memref<1x16x128xf32, #tpu.memory_space<vmem>> -> memref<16x128xf32, #tpu.memory_space<vmem>>
    %dma_wait3A_1491 = arith.constant 0 : i32
    %dma_wait3A_1492 = tpu.memref_slice %arg4[%dma_wait3A_1491, %multiple_of3A_506] : memref<16x1000000xf32, #tpu.memory_space<hbm>> -> memref<16x128xf32, #tpu.memory_space<hbm>>
    tpu.wait_dma2 semaphore(%arg23 : memref<!tpu.dma_semaphore, #tpu.memory_space<semaphore_mem>>) src(%dma_wait3A_1492 : memref<16x128xf32, #tpu.memory_space<hbm>>) dst(%dma_wait3A_1490 : memref<16x128xf32, #tpu.memory_space<vmem>>)
    %dma_wait3A_1493 = arith.constant 11 : i32
    %dma_wait3A_1494 = arith.constant 0 : i32
    %dma_wait3A_1495 = arith.constant 0 : i32
    %dma_wait3A_1496 = tpu.memref_slice %arg15[%dma_wait3A_1493, %dma_wait3A_1494, %dma_wait3A_1495] : memref<16x16x128xf32, #tpu.memory_space<vmem>> -> memref<1x16x128xf32, #tpu.memory_space<vmem>>
    %dma_wait3A_1497 = tpu.memref_squeeze %dma_wait3A_1496 : memref<1x16x128xf32, #tpu.memory_space<vmem>> -> memref<16x128xf32, #tpu.memory_space<vmem>>
    %dma_wait3A_1498 = arith.constant 0 : i32
    %dma_wait3A_1499 = tpu.memref_slice %arg4[%dma_wait3A_1498, %multiple_of3A_525] : memref<16x1000000xf32, #tpu.memory_space<hbm>> -> memref<16x128xf32, #tpu.memory_space<hbm>>
    %dma_wait3A_1500 = arith.constant 0 : i32
    %dma_wait3A_1501 = arith.constant 0 : i32
    %dma_wait3A_1502 = tpu.memref_slice %arg15[%dma_wait3A_1493, %dma_wait3A_1500, %dma_wait3A_1501] : memref<16x16x128xf32, #tpu.memory_space<vmem>> -> memref<1x16x128xf32, #tpu.memory_space<vmem>>
    %dma_wait3A_1503 = tpu.memref_squeeze %dma_wait3A_1502 : memref<1x16x128xf32, #tpu.memory_space<vmem>> -> memref<16x128xf32, #tpu.memory_space<vmem>>
    %dma_wait3A_1504 = arith.constant 0 : i32
    %dma_wait3A_1505 = tpu.memref_slice %arg4[%dma_wait3A_1504, %multiple_of3A_525] : memref<16x1000000xf32, #tpu.memory_space<hbm>> -> memref<16x128xf32, #tpu.memory_space<hbm>>
    tpu.wait_dma2 semaphore(%arg23 : memref<!tpu.dma_semaphore, #tpu.memory_space<semaphore_mem>>) src(%dma_wait3A_1505 : memref<16x128xf32, #tpu.memory_space<hbm>>) dst(%dma_wait3A_1503 : memref<16x128xf32, #tpu.memory_space<vmem>>)
    %dma_wait3A_1506 = arith.constant 12 : i32
    %dma_wait3A_1507 = arith.constant 0 : i32
    %dma_wait3A_1508 = arith.constant 0 : i32
    %dma_wait3A_1509 = tpu.memref_slice %arg15[%dma_wait3A_1506, %dma_wait3A_1507, %dma_wait3A_1508] : memref<16x16x128xf32, #tpu.memory_space<vmem>> -> memref<1x16x128xf32, #tpu.memory_space<vmem>>
    %dma_wait3A_1510 = tpu.memref_squeeze %dma_wait3A_1509 : memref<1x16x128xf32, #tpu.memory_space<vmem>> -> memref<16x128xf32, #tpu.memory_space<vmem>>
    %dma_wait3A_1511 = arith.constant 0 : i32
    %dma_wait3A_1512 = tpu.memref_slice %arg4[%dma_wait3A_1511, %multiple_of3A_544] : memref<16x1000000xf32, #tpu.memory_space<hbm>> -> memref<16x128xf32, #tpu.memory_space<hbm>>
    %dma_wait3A_1513 = arith.constant 0 : i32
    %dma_wait3A_1514 = arith.constant 0 : i32
    %dma_wait3A_1515 = tpu.memref_slice %arg15[%dma_wait3A_1506, %dma_wait3A_1513, %dma_wait3A_1514] : memref<16x16x128xf32, #tpu.memory_space<vmem>> -> memref<1x16x128xf32, #tpu.memory_space<vmem>>
    %dma_wait3A_1516 = tpu.memref_squeeze %dma_wait3A_1515 : memref<1x16x128xf32, #tpu.memory_space<vmem>> -> memref<16x128xf32, #tpu.memory_space<vmem>>
    %dma_wait3A_1517 = arith.constant 0 : i32
    %dma_wait3A_1518 = tpu.memref_slice %arg4[%dma_wait3A_1517, %multiple_of3A_544] : memref<16x1000000xf32, #tpu.memory_space<hbm>> -> memref<16x128xf32, #tpu.memory_space<hbm>>
    tpu.wait_dma2 semaphore(%arg23 : memref<!tpu.dma_semaphore, #tpu.memory_space<semaphore_mem>>) src(%dma_wait3A_1518 : memref<16x128xf32, #tpu.memory_space<hbm>>) dst(%dma_wait3A_1516 : memref<16x128xf32, #tpu.memory_space<vmem>>)
    %dma_wait3A_1519 = arith.constant 13 : i32
    %dma_wait3A_1520 = arith.constant 0 : i32
    %dma_wait3A_1521 = arith.constant 0 : i32
    %dma_wait3A_1522 = tpu.memref_slice %arg15[%dma_wait3A_1519, %dma_wait3A_1520, %dma_wait3A_1521] : memref<16x16x128xf32, #tpu.memory_space<vmem>> -> memref<1x16x128xf32, #tpu.memory_space<vmem>>
    %dma_wait3A_1523 = tpu.memref_squeeze %dma_wait3A_1522 : memref<1x16x128xf32, #tpu.memory_space<vmem>> -> memref<16x128xf32, #tpu.memory_space<vmem>>
    %dma_wait3A_1524 = arith.constant 0 : i32
    %dma_wait3A_1525 = tpu.memref_slice %arg4[%dma_wait3A_1524, %multiple_of3A_563] : memref<16x1000000xf32, #tpu.memory_space<hbm>> -> memref<16x128xf32, #tpu.memory_space<hbm>>
    %dma_wait3A_1526 = arith.constant 0 : i32
    %dma_wait3A_1527 = arith.constant 0 : i32
    %dma_wait3A_1528 = tpu.memref_slice %arg15[%dma_wait3A_1519, %dma_wait3A_1526, %dma_wait3A_1527] : memref<16x16x128xf32, #tpu.memory_space<vmem>> -> memref<1x16x128xf32, #tpu.memory_space<vmem>>
    %dma_wait3A_1529 = tpu.memref_squeeze %dma_wait3A_1528 : memref<1x16x128xf32, #tpu.memory_space<vmem>> -> memref<16x128xf32, #tpu.memory_space<vmem>>
    %dma_wait3A_1530 = arith.constant 0 : i32
    %dma_wait3A_1531 = tpu.memref_slice %arg4[%dma_wait3A_1530, %multiple_of3A_563] : memref<16x1000000xf32, #tpu.memory_space<hbm>> -> memref<16x128xf32, #tpu.memory_space<hbm>>
    tpu.wait_dma2 semaphore(%arg23 : memref<!tpu.dma_semaphore, #tpu.memory_space<semaphore_mem>>) src(%dma_wait3A_1531 : memref<16x128xf32, #tpu.memory_space<hbm>>) dst(%dma_wait3A_1529 : memref<16x128xf32, #tpu.memory_space<vmem>>)
    %dma_wait3A_1532 = arith.constant 14 : i32
    %dma_wait3A_1533 = arith.constant 0 : i32
    %dma_wait3A_1534 = arith.constant 0 : i32
    %dma_wait3A_1535 = tpu.memref_slice %arg15[%dma_wait3A_1532, %dma_wait3A_1533, %dma_wait3A_1534] : memref<16x16x128xf32, #tpu.memory_space<vmem>> -> memref<1x16x128xf32, #tpu.memory_space<vmem>>
    %dma_wait3A_1536 = tpu.memref_squeeze %dma_wait3A_1535 : memref<1x16x128xf32, #tpu.memory_space<vmem>> -> memref<16x128xf32, #tpu.memory_space<vmem>>
    %dma_wait3A_1537 = arith.constant 0 : i32
    %dma_wait3A_1538 = tpu.memref_slice %arg4[%dma_wait3A_1537, %multiple_of3A_582] : memref<16x1000000xf32, #tpu.memory_space<hbm>> -> memref<16x128xf32, #tpu.memory_space<hbm>>
    %dma_wait3A_1539 = arith.constant 0 : i32
    %dma_wait3A_1540 = arith.constant 0 : i32
    %dma_wait3A_1541 = tpu.memref_slice %arg15[%dma_wait3A_1532, %dma_wait3A_1539, %dma_wait3A_1540] : memref<16x16x128xf32, #tpu.memory_space<vmem>> -> memref<1x16x128xf32, #tpu.memory_space<vmem>>
    %dma_wait3A_1542 = tpu.memref_squeeze %dma_wait3A_1541 : memref<1x16x128xf32, #tpu.memory_space<vmem>> -> memref<16x128xf32, #tpu.memory_space<vmem>>
    %dma_wait3A_1543 = arith.constant 0 : i32
    %dma_wait3A_1544 = tpu.memref_slice %arg4[%dma_wait3A_1543, %multiple_of3A_582] : memref<16x1000000xf32, #tpu.memory_space<hbm>> -> memref<16x128xf32, #tpu.memory_space<hbm>>
    tpu.wait_dma2 semaphore(%arg23 : memref<!tpu.dma_semaphore, #tpu.memory_space<semaphore_mem>>) src(%dma_wait3A_1544 : memref<16x128xf32, #tpu.memory_space<hbm>>) dst(%dma_wait3A_1542 : memref<16x128xf32, #tpu.memory_space<vmem>>)
    %dma_wait3A_1545 = arith.constant 15 : i32
    %dma_wait3A_1546 = arith.constant 0 : i32
    %dma_wait3A_1547 = arith.constant 0 : i32
    %dma_wait3A_1548 = tpu.memref_slice %arg15[%dma_wait3A_1545, %dma_wait3A_1546, %dma_wait3A_1547] : memref<16x16x128xf32, #tpu.memory_space<vmem>> -> memref<1x16x128xf32, #tpu.memory_space<vmem>>
    %dma_wait3A_1549 = tpu.memref_squeeze %dma_wait3A_1548 : memref<1x16x128xf32, #tpu.memory_space<vmem>> -> memref<16x128xf32, #tpu.memory_space<vmem>>
    %dma_wait3A_1550 = arith.constant 0 : i32
    %dma_wait3A_1551 = tpu.memref_slice %arg4[%dma_wait3A_1550, %multiple_of3A_601] : memref<16x1000000xf32, #tpu.memory_space<hbm>> -> memref<16x128xf32, #tpu.memory_space<hbm>>
    %dma_wait3A_1552 = arith.constant 0 : i32
    %dma_wait3A_1553 = arith.constant 0 : i32
    %dma_wait3A_1554 = tpu.memref_slice %arg15[%dma_wait3A_1545, %dma_wait3A_1552, %dma_wait3A_1553] : memref<16x16x128xf32, #tpu.memory_space<vmem>> -> memref<1x16x128xf32, #tpu.memory_space<vmem>>
    %dma_wait3A_1555 = tpu.memref_squeeze %dma_wait3A_1554 : memref<1x16x128xf32, #tpu.memory_space<vmem>> -> memref<16x128xf32, #tpu.memory_space<vmem>>
    %dma_wait3A_1556 = arith.constant 0 : i32
    %dma_wait3A_1557 = tpu.memref_slice %arg4[%dma_wait3A_1556, %multiple_of3A_601] : memref<16x1000000xf32, #tpu.memory_space<hbm>> -> memref<16x128xf32, #tpu.memory_space<hbm>>
    tpu.wait_dma2 semaphore(%arg23 : memref<!tpu.dma_semaphore, #tpu.memory_space<semaphore_mem>>) src(%dma_wait3A_1557 : memref<16x128xf32, #tpu.memory_space<hbm>>) dst(%dma_wait3A_1555 : memref<16x128xf32, #tpu.memory_space<vmem>>)
    %get3A_1558 = arith.constant 16 : index
    %get3A_1559 = tpu.vector_load %arg12[%get3A_1558] {strides = array<i32>} : memref<32xi32, #tpu.memory_space<vmem>>, vector<16xi32>,
    %jit3A_1560 = arith.constant 128 : i32
    %eq3A_1561 = arith.constant 0 : i32
    %eq3A_1562 = arith.cmpi eq, %jit3A_1560, %eq3A_1561 : i32
    %jit3A_1563 = arith.constant 1 : i32
    %select_n3A_1564 = arith.select %eq3A_1562, %jit3A_1563, %jit3A_1560 : i32
    %rem3A_1565 = vector.broadcast %select_n3A_1564 : i32 to vector<16xi32>
    %rem3A_1566 = arith.remsi %get3A_1559, %rem3A_1565 : vector<16xi32>
    %ne3A_1567 = arith.constant 0 : i32
    %ne3A_1568 = vector.broadcast %ne3A_1567 : i32 to vector<16xi32>
    %ne3A_1569 = arith.cmpi ne, %rem3A_1566, %ne3A_1568 : vector<16xi32>
    %lt3A_1570 = arith.constant 0 : i32
    %lt3A_1571 = vector.broadcast %lt3A_1570 : i32 to vector<16xi32>
    %lt3A_1572 = arith.cmpi slt, %rem3A_1566, %lt3A_1571 : vector<16xi32>
    %lt3A_1573 = arith.constant 0 : i32
    %lt3A_1574 = arith.cmpi slt, %select_n3A_1564, %lt3A_1573 : i32
    %ne3A_1575 = vector.broadcast %lt3A_1574 : i1 to vector<16xi1>
    %ne3A_1576 = vector.broadcast %ne3A_1575 : vector<16xi1> to vector<16xi1>
    %ne3A_1577 = arith.xori %lt3A_1572, %ne3A_1576 : vector<16xi1>
    %and3A_1578 = arith.andi %ne3A_1577, %ne3A_1569 : vector<16xi1>
    %add3A_1579 = vector.broadcast %select_n3A_1564 : i32 to vector<16xi32>
    %add3A_1580 = arith.addi %rem3A_1566, %add3A_1579 : vector<16xi32>
    %select_n3A_1581 = arith.select %and3A_1578, %add3A_1580, %rem3A_1566 : vector<16xi1>, vector<16xi32>
    %add3A_1582 = arith.constant 16 : i32
    %add3A_1583 = vector.broadcast %add3A_1582 : i32 to vector<16xi32>
    %add3A_1584 = arith.addi %iota3A, %add3A_1583 : vector<16xi32>
    %broadcast_in_dim3A_1585 = arith.constant 0 : i32
    %broadcast_in_dim3A_1586 = vector.broadcast %broadcast_in_dim3A_1585 : i32 to vector<16xi32>
    %gather3A_1587 = tpu.vector_load_idx %arg15[%iota3A, %broadcast_in_dim3A_1586, %select_n3A_1581] : memref<16x16x128xf32, #tpu.memory_space<vmem>>[vector<16xi32>, vector<16xi32>, vector<16xi32>], vector<16xf32>,
    tpu.vector_store_idx %arg18[%add3A_1584, %broadcast_in_dim3A_1586], %gather3A_1587 : memref<32x16xf32, #tpu.memory_space<vmem>>[vector<16xi32>, vector<16xi32>], vector<16xf32>,
    %broadcast_in_dim3A_1588 = arith.constant 1 : i32
    %broadcast_in_dim3A_1589 = vector.broadcast %broadcast_in_dim3A_1588 : i32 to vector<16xi32>
    %gather3A_1590 = tpu.vector_load_idx %arg15[%iota3A, %broadcast_in_dim3A_1589, %select_n3A_1581] : memref<16x16x128xf32, #tpu.memory_space<vmem>>[vector<16xi32>, vector<16xi32>, vector<16xi32>], vector<16xf32>,
    tpu.vector_store_idx %arg18[%add3A_1584, %broadcast_in_dim3A_1589], %gather3A_1590 : memref<32x16xf32, #tpu.memory_space<vmem>>[vector<16xi32>, vector<16xi32>], vector<16xf32>,
    %broadcast_in_dim3A_1591 = arith.constant 2 : i32
    %broadcast_in_dim3A_1592 = vector.broadcast %broadcast_in_dim3A_1591 : i32 to vector<16xi32>
    %gather3A_1593 = tpu.vector_load_idx %arg15[%iota3A, %broadcast_in_dim3A_1592, %select_n3A_1581] : memref<16x16x128xf32, #tpu.memory_space<vmem>>[vector<16xi32>, vector<16xi32>, vector<16xi32>], vector<16xf32>,
    tpu.vector_store_idx %arg18[%add3A_1584, %broadcast_in_dim3A_1592], %gather3A_1593 : memref<32x16xf32, #tpu.memory_space<vmem>>[vector<16xi32>, vector<16xi32>], vector<16xf32>,
    %broadcast_in_dim3A_1594 = arith.constant 3 : i32
    %broadcast_in_dim3A_1595 = vector.broadcast %broadcast_in_dim3A_1594 : i32 to vector<16xi32>
    %gather3A_1596 = tpu.vector_load_idx %arg15[%iota3A, %broadcast_in_dim3A_1595, %select_n3A_1581] : memref<16x16x128xf32, #tpu.memory_space<vmem>>[vector<16xi32>, vector<16xi32>, vector<16xi32>], vector<16xf32>,
    tpu.vector_store_idx %arg18[%add3A_1584, %broadcast_in_dim3A_1595], %gather3A_1596 : memref<32x16xf32, #tpu.memory_space<vmem>>[vector<16xi32>, vector<16xi32>], vector<16xf32>,
    %broadcast_in_dim3A_1597 = arith.constant 4 : i32
    %broadcast_in_dim3A_1598 = vector.broadcast %broadcast_in_dim3A_1597 : i32 to vector<16xi32>
    %gather3A_1599 = tpu.vector_load_idx %arg15[%iota3A, %broadcast_in_dim3A_1598, %select_n3A_1581] : memref<16x16x128xf32, #tpu.memory_space<vmem>>[vector<16xi32>, vector<16xi32>, vector<16xi32>], vector<16xf32>,
    tpu.vector_store_idx %arg18[%add3A_1584, %broadcast_in_dim3A_1598], %gather3A_1599 : memref<32x16xf32, #tpu.memory_space<vmem>>[vector<16xi32>, vector<16xi32>], vector<16xf32>,
    %broadcast_in_dim3A_1600 = arith.constant 5 : i32
    %broadcast_in_dim3A_1601 = vector.broadcast %broadcast_in_dim3A_1600 : i32 to vector<16xi32>
    %gather3A_1602 = tpu.vector_load_idx %arg15[%iota3A, %broadcast_in_dim3A_1601, %select_n3A_1581] : memref<16x16x128xf32, #tpu.memory_space<vmem>>[vector<16xi32>, vector<16xi32>, vector<16xi32>], vector<16xf32>,
    tpu.vector_store_idx %arg18[%add3A_1584, %broadcast_in_dim3A_1601], %gather3A_1602 : memref<32x16xf32, #tpu.memory_space<vmem>>[vector<16xi32>, vector<16xi32>], vector<16xf32>,
    %broadcast_in_dim3A_1603 = arith.constant 6 : i32
    %broadcast_in_dim3A_1604 = vector.broadcast %broadcast_in_dim3A_1603 : i32 to vector<16xi32>
    %gather3A_1605 = tpu.vector_load_idx %arg15[%iota3A, %broadcast_in_dim3A_1604, %select_n3A_1581] : memref<16x16x128xf32, #tpu.memory_space<vmem>>[vector<16xi32>, vector<16xi32>, vector<16xi32>], vector<16xf32>,
    tpu.vector_store_idx %arg18[%add3A_1584, %broadcast_in_dim3A_1604], %gather3A_1605 : memref<32x16xf32, #tpu.memory_space<vmem>>[vector<16xi32>, vector<16xi32>], vector<16xf32>,
    %broadcast_in_dim3A_1606 = arith.constant 7 : i32
    %broadcast_in_dim3A_1607 = vector.broadcast %broadcast_in_dim3A_1606 : i32 to vector<16xi32>
    %gather3A_1608 = tpu.vector_load_idx %arg15[%iota3A, %broadcast_in_dim3A_1607, %select_n3A_1581] : memref<16x16x128xf32, #tpu.memory_space<vmem>>[vector<16xi32>, vector<16xi32>, vector<16xi32>], vector<16xf32>,
    tpu.vector_store_idx %arg18[%add3A_1584, %broadcast_in_dim3A_1607], %gather3A_1608 : memref<32x16xf32, #tpu.memory_space<vmem>>[vector<16xi32>, vector<16xi32>], vector<16xf32>,
    %broadcast_in_dim3A_1609 = arith.constant 8 : i32
    %broadcast_in_dim3A_1610 = vector.broadcast %broadcast_in_dim3A_1609 : i32 to vector<16xi32>
    %gather3A_1611 = tpu.vector_load_idx %arg15[%iota3A, %broadcast_in_dim3A_1610, %select_n3A_1581] : memref<16x16x128xf32, #tpu.memory_space<vmem>>[vector<16xi32>, vector<16xi32>, vector<16xi32>], vector<16xf32>,
    tpu.vector_store_idx %arg18[%add3A_1584, %broadcast_in_dim3A_1610], %gather3A_1611 : memref<32x16xf32, #tpu.memory_space<vmem>>[vector<16xi32>, vector<16xi32>], vector<16xf32>,
    %broadcast_in_dim3A_1612 = arith.constant 9 : i32
    %broadcast_in_dim3A_1613 = vector.broadcast %broadcast_in_dim3A_1612 : i32 to vector<16xi32>
    %gather3A_1614 = tpu.vector_load_idx %arg15[%iota3A, %broadcast_in_dim3A_1613, %select_n3A_1581] : memref<16x16x128xf32, #tpu.memory_space<vmem>>[vector<16xi32>, vector<16xi32>, vector<16xi32>], vector<16xf32>,
    tpu.vector_store_idx %arg18[%add3A_1584, %broadcast_in_dim3A_1613], %gather3A_1614 : memref<32x16xf32, #tpu.memory_space<vmem>>[vector<16xi32>, vector<16xi32>], vector<16xf32>,
    %broadcast_in_dim3A_1615 = arith.constant 10 : i32
    %broadcast_in_dim3A_1616 = vector.broadcast %broadcast_in_dim3A_1615 : i32 to vector<16xi32>
    %gather3A_1617 = tpu.vector_load_idx %arg15[%iota3A, %broadcast_in_dim3A_1616, %select_n3A_1581] : memref<16x16x128xf32, #tpu.memory_space<vmem>>[vector<16xi32>, vector<16xi32>, vector<16xi32>], vector<16xf32>,
    tpu.vector_store_idx %arg18[%add3A_1584, %broadcast_in_dim3A_1616], %gather3A_1617 : memref<32x16xf32, #tpu.memory_space<vmem>>[vector<16xi32>, vector<16xi32>], vector<16xf32>,
    %broadcast_in_dim3A_1618 = arith.constant 11 : i32
    %broadcast_in_dim3A_1619 = vector.broadcast %broadcast_in_dim3A_1618 : i32 to vector<16xi32>
    %gather3A_1620 = tpu.vector_load_idx %arg15[%iota3A, %broadcast_in_dim3A_1619, %select_n3A_1581] : memref<16x16x128xf32, #tpu.memory_space<vmem>>[vector<16xi32>, vector<16xi32>, vector<16xi32>], vector<16xf32>,
    tpu.vector_store_idx %arg18[%add3A_1584, %broadcast_in_dim3A_1619], %gather3A_1620 : memref<32x16xf32, #tpu.memory_space<vmem>>[vector<16xi32>, vector<16xi32>], vector<16xf32>,
    %broadcast_in_dim3A_1621 = arith.constant 12 : i32
    %broadcast_in_dim3A_1622 = vector.broadcast %broadcast_in_dim3A_1621 : i32 to vector<16xi32>
    %gather3A_1623 = tpu.vector_load_idx %arg15[%iota3A, %broadcast_in_dim3A_1622, %select_n3A_1581] : memref<16x16x128xf32, #tpu.memory_space<vmem>>[vector<16xi32>, vector<16xi32>, vector<16xi32>], vector<16xf32>,
    tpu.vector_store_idx %arg18[%add3A_1584, %broadcast_in_dim3A_1622], %gather3A_1623 : memref<32x16xf32, #tpu.memory_space<vmem>>[vector<16xi32>, vector<16xi32>], vector<16xf32>,
    %broadcast_in_dim3A_1624 = arith.constant 13 : i32
    %broadcast_in_dim3A_1625 = vector.broadcast %broadcast_in_dim3A_1624 : i32 to vector<16xi32>
    %gather3A_1626 = tpu.vector_load_idx %arg15[%iota3A, %broadcast_in_dim3A_1625, %select_n3A_1581] : memref<16x16x128xf32, #tpu.memory_space<vmem>>[vector<16xi32>, vector<16xi32>, vector<16xi32>], vector<16xf32>,
    tpu.vector_store_idx %arg18[%add3A_1584, %broadcast_in_dim3A_1625], %gather3A_1626 : memref<32x16xf32, #tpu.memory_space<vmem>>[vector<16xi32>, vector<16xi32>], vector<16xf32>,
    %broadcast_in_dim3A_1627 = arith.constant 14 : i32
    %broadcast_in_dim3A_1628 = vector.broadcast %broadcast_in_dim3A_1627 : i32 to vector<16xi32>
    %gather3A_1629 = tpu.vector_load_idx %arg15[%iota3A, %broadcast_in_dim3A_1628, %select_n3A_1581] : memref<16x16x128xf32, #tpu.memory_space<vmem>>[vector<16xi32>, vector<16xi32>, vector<16xi32>], vector<16xf32>,
    tpu.vector_store_idx %arg18[%add3A_1584, %broadcast_in_dim3A_1628], %gather3A_1629 : memref<32x16xf32, #tpu.memory_space<vmem>>[vector<16xi32>, vector<16xi32>], vector<16xf32>,
    %broadcast_in_dim3A_1630 = arith.constant 15 : i32
    %broadcast_in_dim3A_1631 = vector.broadcast %broadcast_in_dim3A_1630 : i32 to vector<16xi32>
    %gather3A_1632 = tpu.vector_load_idx %arg15[%iota3A, %broadcast_in_dim3A_1631, %select_n3A_1581] : memref<16x16x128xf32, #tpu.memory_space<vmem>>[vector<16xi32>, vector<16xi32>, vector<16xi32>], vector<16xf32>,
    tpu.vector_store_idx %arg18[%add3A_1584, %broadcast_in_dim3A_1631], %gather3A_1632 : memref<32x16xf32, #tpu.memory_space<vmem>>[vector<16xi32>, vector<16xi32>], vector<16xf32>,
    %dma_start3A_1633 = arith.constant 0 : i32
    %dma_start3A_1634 = arith.constant 0 : i32
    %dma_start3A_1635 = tpu.memref_slice %arg8[%add3A, %dma_start3A_1633, %dma_start3A_1634] : memref<32x32x16xf32, #tpu.memory_space<hbm>> -> memref<1x32x16xf32, #tpu.memory_space<hbm>>
    %dma_start3A_1636 = tpu.memref_squeeze %dma_start3A_1635 : memref<1x32x16xf32, #tpu.memory_space<hbm>> -> memref<32x16xf32, #tpu.memory_space<hbm>>
    %dma_start3A_1637 = arith.constant 0 : i32
    %dma_start3A_1638 = arith.constant 0 : i32
    %dma_start3A_1639 = tpu.memref_slice %arg8[%add3A, %dma_start3A_1637, %dma_start3A_1638] : memref<32x32x16xf32, #tpu.memory_space<hbm>> -> memref<1x32x16xf32, #tpu.memory_space<hbm>>
    %dma_start3A_1640 = tpu.memref_squeeze %dma_start3A_1639 : memref<1x32x16xf32, #tpu.memory_space<hbm>> -> memref<32x16xf32, #tpu.memory_space<hbm>>
    tpu.enqueue_dma source(%arg18 : memref<32x16xf32, #tpu.memory_space<vmem>>) target(%dma_start3A_1640 : memref<32x16xf32, #tpu.memory_space<hbm>>) target_semaphore(%arg25 : memref<!tpu.dma_semaphore, #tpu.memory_space<semaphore_mem>>)
    %get3A_1641 = arith.constant 16 : index
    %get3A_1642 = tpu.vector_load %arg12[%get3A_1641] {strides = array<i32>} : memref<32xi32, #tpu.memory_space<vmem>>, vector<16xi32>,
    %slice3A_1643 = vector.extract_strided_slice %get3A_1642 {offsets = [0], sizes = [1], strides = [1]} : vector<16xi32> to vector<1xi32>
    %squeeze3A_1644 = vector.extract %slice3A_1643[0] : i32 from vector<1xi32>
    %rem3A_1645 = arith.constant 128 : i32
    %rem3A_1646 = arith.remsi %squeeze3A_1644, %rem3A_1645 : i32
    %sub3A_1647 = arith.subi %squeeze3A_1644, %rem3A_1646 : i32
    %multiple_of3A_1648 = tpu.assume_multiple %sub3A_1647, 128 : i32
    %dma_start3A_1649 = arith.constant 0 : i32
    %dma_start3A_1650 = arith.constant 0 : i32
    %dma_start3A_1651 = arith.constant 0 : i32
    %dma_start3A_1652 = tpu.memref_slice %arg15[%dma_start3A_1649, %dma_start3A_1650, %dma_start3A_1651] : memref<16x16x128xf32, #tpu.memory_space<vmem>> -> memref<1x16x128xf32, #tpu.memory_space<vmem>>
    %dma_start3A_1653 = tpu.memref_squeeze %dma_start3A_1652 : memref<1x16x128xf32, #tpu.memory_space<vmem>> -> memref<16x128xf32, #tpu.memory_space<vmem>>
    %dma_start3A_1654 = arith.constant 0 : i32
    %dma_start3A_1655 = tpu.memref_slice %arg6[%dma_start3A_1654, %multiple_of3A_1648] : memref<16x1000000xf32, #tpu.memory_space<hbm>> -> memref<16x128xf32, #tpu.memory_space<hbm>>
    %dma_start3A_1656 = arith.constant 0 : i32
    %dma_start3A_1657 = arith.constant 0 : i32
    %dma_start3A_1658 = tpu.memref_slice %arg15[%dma_start3A_1649, %dma_start3A_1656, %dma_start3A_1657] : memref<16x16x128xf32, #tpu.memory_space<vmem>> -> memref<1x16x128xf32, #tpu.memory_space<vmem>>
    %dma_start3A_1659 = tpu.memref_squeeze %dma_start3A_1658 : memref<1x16x128xf32, #tpu.memory_space<vmem>> -> memref<16x128xf32, #tpu.memory_space<vmem>>
    %dma_start3A_1660 = arith.constant 0 : i32
    %dma_start3A_1661 = tpu.memref_slice %arg6[%dma_start3A_1660, %multiple_of3A_1648] : memref<16x1000000xf32, #tpu.memory_space<hbm>> -> memref<16x128xf32, #tpu.memory_space<hbm>>
    tpu.enqueue_dma source(%dma_start3A_1661 : memref<16x128xf32, #tpu.memory_space<hbm>>) target(%dma_start3A_1659 : memref<16x128xf32, #tpu.memory_space<vmem>>) target_semaphore(%arg23 : memref<!tpu.dma_semaphore, #tpu.memory_space<semaphore_mem>>)
    %slice3A_1662 = vector.extract_strided_slice %get3A_1642 {offsets = [1], sizes = [1], strides = [1]} : vector<16xi32> to vector<1xi32>
    %squeeze3A_1663 = vector.extract %slice3A_1662[0] : i32 from vector<1xi32>
    %rem3A_1664 = arith.constant 128 : i32
    %rem3A_1665 = arith.remsi %squeeze3A_1663, %rem3A_1664 : i32
    %sub3A_1666 = arith.subi %squeeze3A_1663, %rem3A_1665 : i32
    %multiple_of3A_1667 = tpu.assume_multiple %sub3A_1666, 128 : i32
    %dma_start3A_1668 = arith.constant 1 : i32
    %dma_start3A_1669 = arith.constant 0 : i32
    %dma_start3A_1670 = arith.constant 0 : i32
    %dma_start3A_1671 = tpu.memref_slice %arg15[%dma_start3A_1668, %dma_start3A_1669, %dma_start3A_1670] : memref<16x16x128xf32, #tpu.memory_space<vmem>> -> memref<1x16x128xf32, #tpu.memory_space<vmem>>
    %dma_start3A_1672 = tpu.memref_squeeze %dma_start3A_1671 : memref<1x16x128xf32, #tpu.memory_space<vmem>> -> memref<16x128xf32, #tpu.memory_space<vmem>>
    %dma_start3A_1673 = arith.constant 0 : i32
    %dma_start3A_1674 = tpu.memref_slice %arg6[%dma_start3A_1673, %multiple_of3A_1667] : memref<16x1000000xf32, #tpu.memory_space<hbm>> -> memref<16x128xf32, #tpu.memory_space<hbm>>
    %dma_start3A_1675 = arith.constant 0 : i32
    %dma_start3A_1676 = arith.constant 0 : i32
    %dma_start3A_1677 = tpu.memref_slice %arg15[%dma_start3A_1668, %dma_start3A_1675, %dma_start3A_1676] : memref<16x16x128xf32, #tpu.memory_space<vmem>> -> memref<1x16x128xf32, #tpu.memory_space<vmem>>
    %dma_start3A_1678 = tpu.memref_squeeze %dma_start3A_1677 : memref<1x16x128xf32, #tpu.memory_space<vmem>> -> memref<16x128xf32, #tpu.memory_space<vmem>>
    %dma_start3A_1679 = arith.constant 0 : i32
    %dma_start3A_1680 = tpu.memref_slice %arg6[%dma_start3A_1679, %multiple_of3A_1667] : memref<16x1000000xf32, #tpu.memory_space<hbm>> -> memref<16x128xf32, #tpu.memory_space<hbm>>
    tpu.enqueue_dma source(%dma_start3A_1680 : memref<16x128xf32, #tpu.memory_space<hbm>>) target(%dma_start3A_1678 : memref<16x128xf32, #tpu.memory_space<vmem>>) target_semaphore(%arg23 : memref<!tpu.dma_semaphore, #tpu.memory_space<semaphore_mem>>)
    %slice3A_1681 = vector.extract_strided_slice %get3A_1642 {offsets = [2], sizes = [1], strides = [1]} : vector<16xi32> to vector<1xi32>
    %squeeze3A_1682 = vector.extract %slice3A_1681[0] : i32 from vector<1xi32>
    %rem3A_1683 = arith.constant 128 : i32
    %rem3A_1684 = arith.remsi %squeeze3A_1682, %rem3A_1683 : i32
    %sub3A_1685 = arith.subi %squeeze3A_1682, %rem3A_1684 : i32
    %multiple_of3A_1686 = tpu.assume_multiple %sub3A_1685, 128 : i32
    %dma_start3A_1687 = arith.constant 2 : i32
    %dma_start3A_1688 = arith.constant 0 : i32
    %dma_start3A_1689 = arith.constant 0 : i32
    %dma_start3A_1690 = tpu.memref_slice %arg15[%dma_start3A_1687, %dma_start3A_1688, %dma_start3A_1689] : memref<16x16x128xf32, #tpu.memory_space<vmem>> -> memref<1x16x128xf32, #tpu.memory_space<vmem>>
    %dma_start3A_1691 = tpu.memref_squeeze %dma_start3A_1690 : memref<1x16x128xf32, #tpu.memory_space<vmem>> -> memref<16x128xf32, #tpu.memory_space<vmem>>
    %dma_start3A_1692 = arith.constant 0 : i32
    %dma_start3A_1693 = tpu.memref_slice %arg6[%dma_start3A_1692, %multiple_of3A_1686] : memref<16x1000000xf32, #tpu.memory_space<hbm>> -> memref<16x128xf32, #tpu.memory_space<hbm>>
    %dma_start3A_1694 = arith.constant 0 : i32
    %dma_start3A_1695 = arith.constant 0 : i32
    %dma_start3A_1696 = tpu.memref_slice %arg15[%dma_start3A_1687, %dma_start3A_1694, %dma_start3A_1695] : memref<16x16x128xf32, #tpu.memory_space<vmem>> -> memref<1x16x128xf32, #tpu.memory_space<vmem>>
    %dma_start3A_1697 = tpu.memref_squeeze %dma_start3A_1696 : memref<1x16x128xf32, #tpu.memory_space<vmem>> -> memref<16x128xf32, #tpu.memory_space<vmem>>
    %dma_start3A_1698 = arith.constant 0 : i32
    %dma_start3A_1699 = tpu.memref_slice %arg6[%dma_start3A_1698, %multiple_of3A_1686] : memref<16x1000000xf32, #tpu.memory_space<hbm>> -> memref<16x128xf32, #tpu.memory_space<hbm>>
    tpu.enqueue_dma source(%dma_start3A_1699 : memref<16x128xf32, #tpu.memory_space<hbm>>) target(%dma_start3A_1697 : memref<16x128xf32, #tpu.memory_space<vmem>>) target_semaphore(%arg23 : memref<!tpu.dma_semaphore, #tpu.memory_space<semaphore_mem>>)
    %slice3A_1700 = vector.extract_strided_slice %get3A_1642 {offsets = [3], sizes = [1], strides = [1]} : vector<16xi32> to vector<1xi32>
    %squeeze3A_1701 = vector.extract %slice3A_1700[0] : i32 from vector<1xi32>
    %rem3A_1702 = arith.constant 128 : i32
    %rem3A_1703 = arith.remsi %squeeze3A_1701, %rem3A_1702 : i32
    %sub3A_1704 = arith.subi %squeeze3A_1701, %rem3A_1703 : i32
    %multiple_of3A_1705 = tpu.assume_multiple %sub3A_1704, 128 : i32
    %dma_start3A_1706 = arith.constant 3 : i32
    %dma_start3A_1707 = arith.constant 0 : i32
    %dma_start3A_1708 = arith.constant 0 : i32
    %dma_start3A_1709 = tpu.memref_slice %arg15[%dma_start3A_1706, %dma_start3A_1707, %dma_start3A_1708] : memref<16x16x128xf32, #tpu.memory_space<vmem>> -> memref<1x16x128xf32, #tpu.memory_space<vmem>>
    %dma_start3A_1710 = tpu.memref_squeeze %dma_start3A_1709 : memref<1x16x128xf32, #tpu.memory_space<vmem>> -> memref<16x128xf32, #tpu.memory_space<vmem>>
    %dma_start3A_1711 = arith.constant 0 : i32
    %dma_start3A_1712 = tpu.memref_slice %arg6[%dma_start3A_1711, %multiple_of3A_1705] : memref<16x1000000xf32, #tpu.memory_space<hbm>> -> memref<16x128xf32, #tpu.memory_space<hbm>>
    %dma_start3A_1713 = arith.constant 0 : i32
    %dma_start3A_1714 = arith.constant 0 : i32
    %dma_start3A_1715 = tpu.memref_slice %arg15[%dma_start3A_1706, %dma_start3A_1713, %dma_start3A_1714] : memref<16x16x128xf32, #tpu.memory_space<vmem>> -> memref<1x16x128xf32, #tpu.memory_space<vmem>>
    %dma_start3A_1716 = tpu.memref_squeeze %dma_start3A_1715 : memref<1x16x128xf32, #tpu.memory_space<vmem>> -> memref<16x128xf32, #tpu.memory_space<vmem>>
    %dma_start3A_1717 = arith.constant 0 : i32
    %dma_start3A_1718 = tpu.memref_slice %arg6[%dma_start3A_1717, %multiple_of3A_1705] : memref<16x1000000xf32, #tpu.memory_space<hbm>> -> memref<16x128xf32, #tpu.memory_space<hbm>>
    tpu.enqueue_dma source(%dma_start3A_1718 : memref<16x128xf32, #tpu.memory_space<hbm>>) target(%dma_start3A_1716 : memref<16x128xf32, #tpu.memory_space<vmem>>) target_semaphore(%arg23 : memref<!tpu.dma_semaphore, #tpu.memory_space<semaphore_mem>>)
    %slice3A_1719 = vector.extract_strided_slice %get3A_1642 {offsets = [4], sizes = [1], strides = [1]} : vector<16xi32> to vector<1xi32>
    %squeeze3A_1720 = vector.extract %slice3A_1719[0] : i32 from vector<1xi32>
    %rem3A_1721 = arith.constant 128 : i32
    %rem3A_1722 = arith.remsi %squeeze3A_1720, %rem3A_1721 : i32
    %sub3A_1723 = arith.subi %squeeze3A_1720, %rem3A_1722 : i32
    %multiple_of3A_1724 = tpu.assume_multiple %sub3A_1723, 128 : i32
    %dma_start3A_1725 = arith.constant 4 : i32
    %dma_start3A_1726 = arith.constant 0 : i32
    %dma_start3A_1727 = arith.constant 0 : i32
    %dma_start3A_1728 = tpu.memref_slice %arg15[%dma_start3A_1725, %dma_start3A_1726, %dma_start3A_1727] : memref<16x16x128xf32, #tpu.memory_space<vmem>> -> memref<1x16x128xf32, #tpu.memory_space<vmem>>
    %dma_start3A_1729 = tpu.memref_squeeze %dma_start3A_1728 : memref<1x16x128xf32, #tpu.memory_space<vmem>> -> memref<16x128xf32, #tpu.memory_space<vmem>>
    %dma_start3A_1730 = arith.constant 0 : i32
    %dma_start3A_1731 = tpu.memref_slice %arg6[%dma_start3A_1730, %multiple_of3A_1724] : memref<16x1000000xf32, #tpu.memory_space<hbm>> -> memref<16x128xf32, #tpu.memory_space<hbm>>
    %dma_start3A_1732 = arith.constant 0 : i32
    %dma_start3A_1733 = arith.constant 0 : i32
    %dma_start3A_1734 = tpu.memref_slice %arg15[%dma_start3A_1725, %dma_start3A_1732, %dma_start3A_1733] : memref<16x16x128xf32, #tpu.memory_space<vmem>> -> memref<1x16x128xf32, #tpu.memory_space<vmem>>
    %dma_start3A_1735 = tpu.memref_squeeze %dma_start3A_1734 : memref<1x16x128xf32, #tpu.memory_space<vmem>> -> memref<16x128xf32, #tpu.memory_space<vmem>>
    %dma_start3A_1736 = arith.constant 0 : i32
    %dma_start3A_1737 = tpu.memref_slice %arg6[%dma_start3A_1736, %multiple_of3A_1724] : memref<16x1000000xf32, #tpu.memory_space<hbm>> -> memref<16x128xf32, #tpu.memory_space<hbm>>
    tpu.enqueue_dma source(%dma_start3A_1737 : memref<16x128xf32, #tpu.memory_space<hbm>>) target(%dma_start3A_1735 : memref<16x128xf32, #tpu.memory_space<vmem>>) target_semaphore(%arg23 : memref<!tpu.dma_semaphore, #tpu.memory_space<semaphore_mem>>)
    %slice3A_1738 = vector.extract_strided_slice %get3A_1642 {offsets = [5], sizes = [1], strides = [1]} : vector<16xi32> to vector<1xi32>
    %squeeze3A_1739 = vector.extract %slice3A_1738[0] : i32 from vector<1xi32>
    %rem3A_1740 = arith.constant 128 : i32
    %rem3A_1741 = arith.remsi %squeeze3A_1739, %rem3A_1740 : i32
    %sub3A_1742 = arith.subi %squeeze3A_1739, %rem3A_1741 : i32
    %multiple_of3A_1743 = tpu.assume_multiple %sub3A_1742, 128 : i32
    %dma_start3A_1744 = arith.constant 5 : i32
    %dma_start3A_1745 = arith.constant 0 : i32
    %dma_start3A_1746 = arith.constant 0 : i32
    %dma_start3A_1747 = tpu.memref_slice %arg15[%dma_start3A_1744, %dma_start3A_1745, %dma_start3A_1746] : memref<16x16x128xf32, #tpu.memory_space<vmem>> -> memref<1x16x128xf32, #tpu.memory_space<vmem>>
    %dma_start3A_1748 = tpu.memref_squeeze %dma_start3A_1747 : memref<1x16x128xf32, #tpu.memory_space<vmem>> -> memref<16x128xf32, #tpu.memory_space<vmem>>
    %dma_start3A_1749 = arith.constant 0 : i32
    %dma_start3A_1750 = tpu.memref_slice %arg6[%dma_start3A_1749, %multiple_of3A_1743] : memref<16x1000000xf32, #tpu.memory_space<hbm>> -> memref<16x128xf32, #tpu.memory_space<hbm>>
    %dma_start3A_1751 = arith.constant 0 : i32
    %dma_start3A_1752 = arith.constant 0 : i32
    %dma_start3A_1753 = tpu.memref_slice %arg15[%dma_start3A_1744, %dma_start3A_1751, %dma_start3A_1752] : memref<16x16x128xf32, #tpu.memory_space<vmem>> -> memref<1x16x128xf32, #tpu.memory_space<vmem>>
    %dma_start3A_1754 = tpu.memref_squeeze %dma_start3A_1753 : memref<1x16x128xf32, #tpu.memory_space<vmem>> -> memref<16x128xf32, #tpu.memory_space<vmem>>
    %dma_start3A_1755 = arith.constant 0 : i32
    %dma_start3A_1756 = tpu.memref_slice %arg6[%dma_start3A_1755, %multiple_of3A_1743] : memref<16x1000000xf32, #tpu.memory_space<hbm>> -> memref<16x128xf32, #tpu.memory_space<hbm>>
    tpu.enqueue_dma source(%dma_start3A_1756 : memref<16x128xf32, #tpu.memory_space<hbm>>) target(%dma_start3A_1754 : memref<16x128xf32, #tpu.memory_space<vmem>>) target_semaphore(%arg23 : memref<!tpu.dma_semaphore, #tpu.memory_space<semaphore_mem>>)
    %slice3A_1757 = vector.extract_strided_slice %get3A_1642 {offsets = [6], sizes = [1], strides = [1]} : vector<16xi32> to vector<1xi32>
    %squeeze3A_1758 = vector.extract %slice3A_1757[0] : i32 from vector<1xi32>
    %rem3A_1759 = arith.constant 128 : i32
    %rem3A_1760 = arith.remsi %squeeze3A_1758, %rem3A_1759 : i32
    %sub3A_1761 = arith.subi %squeeze3A_1758, %rem3A_1760 : i32
    %multiple_of3A_1762 = tpu.assume_multiple %sub3A_1761, 128 : i32
    %dma_start3A_1763 = arith.constant 6 : i32
    %dma_start3A_1764 = arith.constant 0 : i32
    %dma_start3A_1765 = arith.constant 0 : i32
    %dma_start3A_1766 = tpu.memref_slice %arg15[%dma_start3A_1763, %dma_start3A_1764, %dma_start3A_1765] : memref<16x16x128xf32, #tpu.memory_space<vmem>> -> memref<1x16x128xf32, #tpu.memory_space<vmem>>
    %dma_start3A_1767 = tpu.memref_squeeze %dma_start3A_1766 : memref<1x16x128xf32, #tpu.memory_space<vmem>> -> memref<16x128xf32, #tpu.memory_space<vmem>>
    %dma_start3A_1768 = arith.constant 0 : i32
    %dma_start3A_1769 = tpu.memref_slice %arg6[%dma_start3A_1768, %multiple_of3A_1762] : memref<16x1000000xf32, #tpu.memory_space<hbm>> -> memref<16x128xf32, #tpu.memory_space<hbm>>
    %dma_start3A_1770 = arith.constant 0 : i32
    %dma_start3A_1771 = arith.constant 0 : i32
    %dma_start3A_1772 = tpu.memref_slice %arg15[%dma_start3A_1763, %dma_start3A_1770, %dma_start3A_1771] : memref<16x16x128xf32, #tpu.memory_space<vmem>> -> memref<1x16x128xf32, #tpu.memory_space<vmem>>
    %dma_start3A_1773 = tpu.memref_squeeze %dma_start3A_1772 : memref<1x16x128xf32, #tpu.memory_space<vmem>> -> memref<16x128xf32, #tpu.memory_space<vmem>>
    %dma_start3A_1774 = arith.constant 0 : i32
    %dma_start3A_1775 = tpu.memref_slice %arg6[%dma_start3A_1774, %multiple_of3A_1762] : memref<16x1000000xf32, #tpu.memory_space<hbm>> -> memref<16x128xf32, #tpu.memory_space<hbm>>
    tpu.enqueue_dma source(%dma_start3A_1775 : memref<16x128xf32, #tpu.memory_space<hbm>>) target(%dma_start3A_1773 : memref<16x128xf32, #tpu.memory_space<vmem>>) target_semaphore(%arg23 : memref<!tpu.dma_semaphore, #tpu.memory_space<semaphore_mem>>)
    %slice3A_1776 = vector.extract_strided_slice %get3A_1642 {offsets = [7], sizes = [1], strides = [1]} : vector<16xi32> to vector<1xi32>
    %squeeze3A_1777 = vector.extract %slice3A_1776[0] : i32 from vector<1xi32>
    %rem3A_1778 = arith.constant 128 : i32
    %rem3A_1779 = arith.remsi %squeeze3A_1777, %rem3A_1778 : i32
    %sub3A_1780 = arith.subi %squeeze3A_1777, %rem3A_1779 : i32
    %multiple_of3A_1781 = tpu.assume_multiple %sub3A_1780, 128 : i32
    %dma_start3A_1782 = arith.constant 7 : i32
    %dma_start3A_1783 = arith.constant 0 : i32
    %dma_start3A_1784 = arith.constant 0 : i32
    %dma_start3A_1785 = tpu.memref_slice %arg15[%dma_start3A_1782, %dma_start3A_1783, %dma_start3A_1784] : memref<16x16x128xf32, #tpu.memory_space<vmem>> -> memref<1x16x128xf32, #tpu.memory_space<vmem>>
    %dma_start3A_1786 = tpu.memref_squeeze %dma_start3A_1785 : memref<1x16x128xf32, #tpu.memory_space<vmem>> -> memref<16x128xf32, #tpu.memory_space<vmem>>
    %dma_start3A_1787 = arith.constant 0 : i32
    %dma_start3A_1788 = tpu.memref_slice %arg6[%dma_start3A_1787, %multiple_of3A_1781] : memref<16x1000000xf32, #tpu.memory_space<hbm>> -> memref<16x128xf32, #tpu.memory_space<hbm>>
    %dma_start3A_1789 = arith.constant 0 : i32
    %dma_start3A_1790 = arith.constant 0 : i32
    %dma_start3A_1791 = tpu.memref_slice %arg15[%dma_start3A_1782, %dma_start3A_1789, %dma_start3A_1790] : memref<16x16x128xf32, #tpu.memory_space<vmem>> -> memref<1x16x128xf32, #tpu.memory_space<vmem>>
    %dma_start3A_1792 = tpu.memref_squeeze %dma_start3A_1791 : memref<1x16x128xf32, #tpu.memory_space<vmem>> -> memref<16x128xf32, #tpu.memory_space<vmem>>
    %dma_start3A_1793 = arith.constant 0 : i32
    %dma_start3A_1794 = tpu.memref_slice %arg6[%dma_start3A_1793, %multiple_of3A_1781] : memref<16x1000000xf32, #tpu.memory_space<hbm>> -> memref<16x128xf32, #tpu.memory_space<hbm>>
    tpu.enqueue_dma source(%dma_start3A_1794 : memref<16x128xf32, #tpu.memory_space<hbm>>) target(%dma_start3A_1792 : memref<16x128xf32, #tpu.memory_space<vmem>>) target_semaphore(%arg23 : memref<!tpu.dma_semaphore, #tpu.memory_space<semaphore_mem>>)
    %slice3A_1795 = vector.extract_strided_slice %get3A_1642 {offsets = [8], sizes = [1], strides = [1]} : vector<16xi32> to vector<1xi32>
    %squeeze3A_1796 = vector.extract %slice3A_1795[0] : i32 from vector<1xi32>
    %rem3A_1797 = arith.constant 128 : i32
    %rem3A_1798 = arith.remsi %squeeze3A_1796, %rem3A_1797 : i32
    %sub3A_1799 = arith.subi %squeeze3A_1796, %rem3A_1798 : i32
    %multiple_of3A_1800 = tpu.assume_multiple %sub3A_1799, 128 : i32
    %dma_start3A_1801 = arith.constant 8 : i32
    %dma_start3A_1802 = arith.constant 0 : i32
    %dma_start3A_1803 = arith.constant 0 : i32
    %dma_start3A_1804 = tpu.memref_slice %arg15[%dma_start3A_1801, %dma_start3A_1802, %dma_start3A_1803] : memref<16x16x128xf32, #tpu.memory_space<vmem>> -> memref<1x16x128xf32, #tpu.memory_space<vmem>>
    %dma_start3A_1805 = tpu.memref_squeeze %dma_start3A_1804 : memref<1x16x128xf32, #tpu.memory_space<vmem>> -> memref<16x128xf32, #tpu.memory_space<vmem>>
    %dma_start3A_1806 = arith.constant 0 : i32
    %dma_start3A_1807 = tpu.memref_slice %arg6[%dma_start3A_1806, %multiple_of3A_1800] : memref<16x1000000xf32, #tpu.memory_space<hbm>> -> memref<16x128xf32, #tpu.memory_space<hbm>>
    %dma_start3A_1808 = arith.constant 0 : i32
    %dma_start3A_1809 = arith.constant 0 : i32
    %dma_start3A_1810 = tpu.memref_slice %arg15[%dma_start3A_1801, %dma_start3A_1808, %dma_start3A_1809] : memref<16x16x128xf32, #tpu.memory_space<vmem>> -> memref<1x16x128xf32, #tpu.memory_space<vmem>>
    %dma_start3A_1811 = tpu.memref_squeeze %dma_start3A_1810 : memref<1x16x128xf32, #tpu.memory_space<vmem>> -> memref<16x128xf32, #tpu.memory_space<vmem>>
    %dma_start3A_1812 = arith.constant 0 : i32
    %dma_start3A_1813 = tpu.memref_slice %arg6[%dma_start3A_1812, %multiple_of3A_1800] : memref<16x1000000xf32, #tpu.memory_space<hbm>> -> memref<16x128xf32, #tpu.memory_space<hbm>>
    tpu.enqueue_dma source(%dma_start3A_1813 : memref<16x128xf32, #tpu.memory_space<hbm>>) target(%dma_start3A_1811 : memref<16x128xf32, #tpu.memory_space<vmem>>) target_semaphore(%arg23 : memref<!tpu.dma_semaphore, #tpu.memory_space<semaphore_mem>>)
    %slice3A_1814 = vector.extract_strided_slice %get3A_1642 {offsets = [9], sizes = [1], strides = [1]} : vector<16xi32> to vector<1xi32>
    %squeeze3A_1815 = vector.extract %slice3A_1814[0] : i32 from vector<1xi32>
    %rem3A_1816 = arith.constant 128 : i32
    %rem3A_1817 = arith.remsi %squeeze3A_1815, %rem3A_1816 : i32
    %sub3A_1818 = arith.subi %squeeze3A_1815, %rem3A_1817 : i32
    %multiple_of3A_1819 = tpu.assume_multiple %sub3A_1818, 128 : i32
    %dma_start3A_1820 = arith.constant 9 : i32
    %dma_start3A_1821 = arith.constant 0 : i32
    %dma_start3A_1822 = arith.constant 0 : i32
    %dma_start3A_1823 = tpu.memref_slice %arg15[%dma_start3A_1820, %dma_start3A_1821, %dma_start3A_1822] : memref<16x16x128xf32, #tpu.memory_space<vmem>> -> memref<1x16x128xf32, #tpu.memory_space<vmem>>
    %dma_start3A_1824 = tpu.memref_squeeze %dma_start3A_1823 : memref<1x16x128xf32, #tpu.memory_space<vmem>> -> memref<16x128xf32, #tpu.memory_space<vmem>>
    %dma_start3A_1825 = arith.constant 0 : i32
    %dma_start3A_1826 = tpu.memref_slice %arg6[%dma_start3A_1825, %multiple_of3A_1819] : memref<16x1000000xf32, #tpu.memory_space<hbm>> -> memref<16x128xf32, #tpu.memory_space<hbm>>
    %dma_start3A_1827 = arith.constant 0 : i32
    %dma_start3A_1828 = arith.constant 0 : i32
    %dma_start3A_1829 = tpu.memref_slice %arg15[%dma_start3A_1820, %dma_start3A_1827, %dma_start3A_1828] : memref<16x16x128xf32, #tpu.memory_space<vmem>> -> memref<1x16x128xf32, #tpu.memory_space<vmem>>
    %dma_start3A_1830 = tpu.memref_squeeze %dma_start3A_1829 : memref<1x16x128xf32, #tpu.memory_space<vmem>> -> memref<16x128xf32, #tpu.memory_space<vmem>>
    %dma_start3A_1831 = arith.constant 0 : i32
    %dma_start3A_1832 = tpu.memref_slice %arg6[%dma_start3A_1831, %multiple_of3A_1819] : memref<16x1000000xf32, #tpu.memory_space<hbm>> -> memref<16x128xf32, #tpu.memory_space<hbm>>
    tpu.enqueue_dma source(%dma_start3A_1832 : memref<16x128xf32, #tpu.memory_space<hbm>>) target(%dma_start3A_1830 : memref<16x128xf32, #tpu.memory_space<vmem>>) target_semaphore(%arg23 : memref<!tpu.dma_semaphore, #tpu.memory_space<semaphore_mem>>)
    %slice3A_1833 = vector.extract_strided_slice %get3A_1642 {offsets = [10], sizes = [1], strides = [1]} : vector<16xi32> to vector<1xi32>
    %squeeze3A_1834 = vector.extract %slice3A_1833[0] : i32 from vector<1xi32>
    %rem3A_1835 = arith.constant 128 : i32
    %rem3A_1836 = arith.remsi %squeeze3A_1834, %rem3A_1835 : i32
    %sub3A_1837 = arith.subi %squeeze3A_1834, %rem3A_1836 : i32
    %multiple_of3A_1838 = tpu.assume_multiple %sub3A_1837, 128 : i32
    %dma_start3A_1839 = arith.constant 10 : i32
    %dma_start3A_1840 = arith.constant 0 : i32
    %dma_start3A_1841 = arith.constant 0 : i32
    %dma_start3A_1842 = tpu.memref_slice %arg15[%dma_start3A_1839, %dma_start3A_1840, %dma_start3A_1841] : memref<16x16x128xf32, #tpu.memory_space<vmem>> -> memref<1x16x128xf32, #tpu.memory_space<vmem>>
    %dma_start3A_1843 = tpu.memref_squeeze %dma_start3A_1842 : memref<1x16x128xf32, #tpu.memory_space<vmem>> -> memref<16x128xf32, #tpu.memory_space<vmem>>
    %dma_start3A_1844 = arith.constant 0 : i32
    %dma_start3A_1845 = tpu.memref_slice %arg6[%dma_start3A_1844, %multiple_of3A_1838] : memref<16x1000000xf32, #tpu.memory_space<hbm>> -> memref<16x128xf32, #tpu.memory_space<hbm>>
    %dma_start3A_1846 = arith.constant 0 : i32
    %dma_start3A_1847 = arith.constant 0 : i32
    %dma_start3A_1848 = tpu.memref_slice %arg15[%dma_start3A_1839, %dma_start3A_1846, %dma_start3A_1847] : memref<16x16x128xf32, #tpu.memory_space<vmem>> -> memref<1x16x128xf32, #tpu.memory_space<vmem>>
    %dma_start3A_1849 = tpu.memref_squeeze %dma_start3A_1848 : memref<1x16x128xf32, #tpu.memory_space<vmem>> -> memref<16x128xf32, #tpu.memory_space<vmem>>
    %dma_start3A_1850 = arith.constant 0 : i32
    %dma_start3A_1851 = tpu.memref_slice %arg6[%dma_start3A_1850, %multiple_of3A_1838] : memref<16x1000000xf32, #tpu.memory_space<hbm>> -> memref<16x128xf32, #tpu.memory_space<hbm>>
    tpu.enqueue_dma source(%dma_start3A_1851 : memref<16x128xf32, #tpu.memory_space<hbm>>) target(%dma_start3A_1849 : memref<16x128xf32, #tpu.memory_space<vmem>>) target_semaphore(%arg23 : memref<!tpu.dma_semaphore, #tpu.memory_space<semaphore_mem>>)
    %slice3A_1852 = vector.extract_strided_slice %get3A_1642 {offsets = [11], sizes = [1], strides = [1]} : vector<16xi32> to vector<1xi32>
    %squeeze3A_1853 = vector.extract %slice3A_1852[0] : i32 from vector<1xi32>
    %rem3A_1854 = arith.constant 128 : i32
    %rem3A_1855 = arith.remsi %squeeze3A_1853, %rem3A_1854 : i32
    %sub3A_1856 = arith.subi %squeeze3A_1853, %rem3A_1855 : i32
    %multiple_of3A_1857 = tpu.assume_multiple %sub3A_1856, 128 : i32
    %dma_start3A_1858 = arith.constant 11 : i32
    %dma_start3A_1859 = arith.constant 0 : i32
    %dma_start3A_1860 = arith.constant 0 : i32
    %dma_start3A_1861 = tpu.memref_slice %arg15[%dma_start3A_1858, %dma_start3A_1859, %dma_start3A_1860] : memref<16x16x128xf32, #tpu.memory_space<vmem>> -> memref<1x16x128xf32, #tpu.memory_space<vmem>>
    %dma_start3A_1862 = tpu.memref_squeeze %dma_start3A_1861 : memref<1x16x128xf32, #tpu.memory_space<vmem>> -> memref<16x128xf32, #tpu.memory_space<vmem>>
    %dma_start3A_1863 = arith.constant 0 : i32
    %dma_start3A_1864 = tpu.memref_slice %arg6[%dma_start3A_1863, %multiple_of3A_1857] : memref<16x1000000xf32, #tpu.memory_space<hbm>> -> memref<16x128xf32, #tpu.memory_space<hbm>>
    %dma_start3A_1865 = arith.constant 0 : i32
    %dma_start3A_1866 = arith.constant 0 : i32
    %dma_start3A_1867 = tpu.memref_slice %arg15[%dma_start3A_1858, %dma_start3A_1865, %dma_start3A_1866] : memref<16x16x128xf32, #tpu.memory_space<vmem>> -> memref<1x16x128xf32, #tpu.memory_space<vmem>>
    %dma_start3A_1868 = tpu.memref_squeeze %dma_start3A_1867 : memref<1x16x128xf32, #tpu.memory_space<vmem>> -> memref<16x128xf32, #tpu.memory_space<vmem>>
    %dma_start3A_1869 = arith.constant 0 : i32
    %dma_start3A_1870 = tpu.memref_slice %arg6[%dma_start3A_1869, %multiple_of3A_1857] : memref<16x1000000xf32, #tpu.memory_space<hbm>> -> memref<16x128xf32, #tpu.memory_space<hbm>>
    tpu.enqueue_dma source(%dma_start3A_1870 : memref<16x128xf32, #tpu.memory_space<hbm>>) target(%dma_start3A_1868 : memref<16x128xf32, #tpu.memory_space<vmem>>) target_semaphore(%arg23 : memref<!tpu.dma_semaphore, #tpu.memory_space<semaphore_mem>>)
    %slice3A_1871 = vector.extract_strided_slice %get3A_1642 {offsets = [12], sizes = [1], strides = [1]} : vector<16xi32> to vector<1xi32>
    %squeeze3A_1872 = vector.extract %slice3A_1871[0] : i32 from vector<1xi32>
    %rem3A_1873 = arith.constant 128 : i32
    %rem3A_1874 = arith.remsi %squeeze3A_1872, %rem3A_1873 : i32
    %sub3A_1875 = arith.subi %squeeze3A_1872, %rem3A_1874 : i32
    %multiple_of3A_1876 = tpu.assume_multiple %sub3A_1875, 128 : i32
    %dma_start3A_1877 = arith.constant 12 : i32
    %dma_start3A_1878 = arith.constant 0 : i32
    %dma_start3A_1879 = arith.constant 0 : i32
    %dma_start3A_1880 = tpu.memref_slice %arg15[%dma_start3A_1877, %dma_start3A_1878, %dma_start3A_1879] : memref<16x16x128xf32, #tpu.memory_space<vmem>> -> memref<1x16x128xf32, #tpu.memory_space<vmem>>
    %dma_start3A_1881 = tpu.memref_squeeze %dma_start3A_1880 : memref<1x16x128xf32, #tpu.memory_space<vmem>> -> memref<16x128xf32, #tpu.memory_space<vmem>>
    %dma_start3A_1882 = arith.constant 0 : i32
    %dma_start3A_1883 = tpu.memref_slice %arg6[%dma_start3A_1882, %multiple_of3A_1876] : memref<16x1000000xf32, #tpu.memory_space<hbm>> -> memref<16x128xf32, #tpu.memory_space<hbm>>
    %dma_start3A_1884 = arith.constant 0 : i32
    %dma_start3A_1885 = arith.constant 0 : i32
    %dma_start3A_1886 = tpu.memref_slice %arg15[%dma_start3A_1877, %dma_start3A_1884, %dma_start3A_1885] : memref<16x16x128xf32, #tpu.memory_space<vmem>> -> memref<1x16x128xf32, #tpu.memory_space<vmem>>
    %dma_start3A_1887 = tpu.memref_squeeze %dma_start3A_1886 : memref<1x16x128xf32, #tpu.memory_space<vmem>> -> memref<16x128xf32, #tpu.memory_space<vmem>>
    %dma_start3A_1888 = arith.constant 0 : i32
    %dma_start3A_1889 = tpu.memref_slice %arg6[%dma_start3A_1888, %multiple_of3A_1876] : memref<16x1000000xf32, #tpu.memory_space<hbm>> -> memref<16x128xf32, #tpu.memory_space<hbm>>
    tpu.enqueue_dma source(%dma_start3A_1889 : memref<16x128xf32, #tpu.memory_space<hbm>>) target(%dma_start3A_1887 : memref<16x128xf32, #tpu.memory_space<vmem>>) target_semaphore(%arg23 : memref<!tpu.dma_semaphore, #tpu.memory_space<semaphore_mem>>)
    %slice3A_1890 = vector.extract_strided_slice %get3A_1642 {offsets = [13], sizes = [1], strides = [1]} : vector<16xi32> to vector<1xi32>
    %squeeze3A_1891 = vector.extract %slice3A_1890[0] : i32 from vector<1xi32>
    %rem3A_1892 = arith.constant 128 : i32
    %rem3A_1893 = arith.remsi %squeeze3A_1891, %rem3A_1892 : i32
    %sub3A_1894 = arith.subi %squeeze3A_1891, %rem3A_1893 : i32
    %multiple_of3A_1895 = tpu.assume_multiple %sub3A_1894, 128 : i32
    %dma_start3A_1896 = arith.constant 13 : i32
    %dma_start3A_1897 = arith.constant 0 : i32
    %dma_start3A_1898 = arith.constant 0 : i32
    %dma_start3A_1899 = tpu.memref_slice %arg15[%dma_start3A_1896, %dma_start3A_1897, %dma_start3A_1898] : memref<16x16x128xf32, #tpu.memory_space<vmem>> -> memref<1x16x128xf32, #tpu.memory_space<vmem>>
    %dma_start3A_1900 = tpu.memref_squeeze %dma_start3A_1899 : memref<1x16x128xf32, #tpu.memory_space<vmem>> -> memref<16x128xf32, #tpu.memory_space<vmem>>
    %dma_start3A_1901 = arith.constant 0 : i32
    %dma_start3A_1902 = tpu.memref_slice %arg6[%dma_start3A_1901, %multiple_of3A_1895] : memref<16x1000000xf32, #tpu.memory_space<hbm>> -> memref<16x128xf32, #tpu.memory_space<hbm>>
    %dma_start3A_1903 = arith.constant 0 : i32
    %dma_start3A_1904 = arith.constant 0 : i32
    %dma_start3A_1905 = tpu.memref_slice %arg15[%dma_start3A_1896, %dma_start3A_1903, %dma_start3A_1904] : memref<16x16x128xf32, #tpu.memory_space<vmem>> -> memref<1x16x128xf32, #tpu.memory_space<vmem>>
    %dma_start3A_1906 = tpu.memref_squeeze %dma_start3A_1905 : memref<1x16x128xf32, #tpu.memory_space<vmem>> -> memref<16x128xf32, #tpu.memory_space<vmem>>
    %dma_start3A_1907 = arith.constant 0 : i32
    %dma_start3A_1908 = tpu.memref_slice %arg6[%dma_start3A_1907, %multiple_of3A_1895] : memref<16x1000000xf32, #tpu.memory_space<hbm>> -> memref<16x128xf32, #tpu.memory_space<hbm>>
    tpu.enqueue_dma source(%dma_start3A_1908 : memref<16x128xf32, #tpu.memory_space<hbm>>) target(%dma_start3A_1906 : memref<16x128xf32, #tpu.memory_space<vmem>>) target_semaphore(%arg23 : memref<!tpu.dma_semaphore, #tpu.memory_space<semaphore_mem>>)
    %slice3A_1909 = vector.extract_strided_slice %get3A_1642 {offsets = [14], sizes = [1], strides = [1]} : vector<16xi32> to vector<1xi32>
    %squeeze3A_1910 = vector.extract %slice3A_1909[0] : i32 from vector<1xi32>
    %rem3A_1911 = arith.constant 128 : i32
    %rem3A_1912 = arith.remsi %squeeze3A_1910, %rem3A_1911 : i32
    %sub3A_1913 = arith.subi %squeeze3A_1910, %rem3A_1912 : i32
    %multiple_of3A_1914 = tpu.assume_multiple %sub3A_1913, 128 : i32
    %dma_start3A_1915 = arith.constant 14 : i32
    %dma_start3A_1916 = arith.constant 0 : i32
    %dma_start3A_1917 = arith.constant 0 : i32
    %dma_start3A_1918 = tpu.memref_slice %arg15[%dma_start3A_1915, %dma_start3A_1916, %dma_start3A_1917] : memref<16x16x128xf32, #tpu.memory_space<vmem>> -> memref<1x16x128xf32, #tpu.memory_space<vmem>>
    %dma_start3A_1919 = tpu.memref_squeeze %dma_start3A_1918 : memref<1x16x128xf32, #tpu.memory_space<vmem>> -> memref<16x128xf32, #tpu.memory_space<vmem>>
    %dma_start3A_1920 = arith.constant 0 : i32
    %dma_start3A_1921 = tpu.memref_slice %arg6[%dma_start3A_1920, %multiple_of3A_1914] : memref<16x1000000xf32, #tpu.memory_space<hbm>> -> memref<16x128xf32, #tpu.memory_space<hbm>>
    %dma_start3A_1922 = arith.constant 0 : i32
    %dma_start3A_1923 = arith.constant 0 : i32
    %dma_start3A_1924 = tpu.memref_slice %arg15[%dma_start3A_1915, %dma_start3A_1922, %dma_start3A_1923] : memref<16x16x128xf32, #tpu.memory_space<vmem>> -> memref<1x16x128xf32, #tpu.memory_space<vmem>>
    %dma_start3A_1925 = tpu.memref_squeeze %dma_start3A_1924 : memref<1x16x128xf32, #tpu.memory_space<vmem>> -> memref<16x128xf32, #tpu.memory_space<vmem>>
    %dma_start3A_1926 = arith.constant 0 : i32
    %dma_start3A_1927 = tpu.memref_slice %arg6[%dma_start3A_1926, %multiple_of3A_1914] : memref<16x1000000xf32, #tpu.memory_space<hbm>> -> memref<16x128xf32, #tpu.memory_space<hbm>>
    tpu.enqueue_dma source(%dma_start3A_1927 : memref<16x128xf32, #tpu.memory_space<hbm>>) target(%dma_start3A_1925 : memref<16x128xf32, #tpu.memory_space<vmem>>) target_semaphore(%arg23 : memref<!tpu.dma_semaphore, #tpu.memory_space<semaphore_mem>>)
    %slice3A_1928 = vector.extract_strided_slice %get3A_1642 {offsets = [15], sizes = [1], strides = [1]} : vector<16xi32> to vector<1xi32>
    %squeeze3A_1929 = vector.extract %slice3A_1928[0] : i32 from vector<1xi32>
    %rem3A_1930 = arith.constant 128 : i32
    %rem3A_1931 = arith.remsi %squeeze3A_1929, %rem3A_1930 : i32
    %sub3A_1932 = arith.subi %squeeze3A_1929, %rem3A_1931 : i32
    %multiple_of3A_1933 = tpu.assume_multiple %sub3A_1932, 128 : i32
    %dma_start3A_1934 = arith.constant 15 : i32
    %dma_start3A_1935 = arith.constant 0 : i32
    %dma_start3A_1936 = arith.constant 0 : i32
    %dma_start3A_1937 = tpu.memref_slice %arg15[%dma_start3A_1934, %dma_start3A_1935, %dma_start3A_1936] : memref<16x16x128xf32, #tpu.memory_space<vmem>> -> memref<1x16x128xf32, #tpu.memory_space<vmem>>
    %dma_start3A_1938 = tpu.memref_squeeze %dma_start3A_1937 : memref<1x16x128xf32, #tpu.memory_space<vmem>> -> memref<16x128xf32, #tpu.memory_space<vmem>>
    %dma_start3A_1939 = arith.constant 0 : i32
    %dma_start3A_1940 = tpu.memref_slice %arg6[%dma_start3A_1939, %multiple_of3A_1933] : memref<16x1000000xf32, #tpu.memory_space<hbm>> -> memref<16x128xf32, #tpu.memory_space<hbm>>
    %dma_start3A_1941 = arith.constant 0 : i32
    %dma_start3A_1942 = arith.constant 0 : i32
    %dma_start3A_1943 = tpu.memref_slice %arg15[%dma_start3A_1934, %dma_start3A_1941, %dma_start3A_1942] : memref<16x16x128xf32, #tpu.memory_space<vmem>> -> memref<1x16x128xf32, #tpu.memory_space<vmem>>
    %dma_start3A_1944 = tpu.memref_squeeze %dma_start3A_1943 : memref<1x16x128xf32, #tpu.memory_space<vmem>> -> memref<16x128xf32, #tpu.memory_space<vmem>>
    %dma_start3A_1945 = arith.constant 0 : i32
    %dma_start3A_1946 = tpu.memref_slice %arg6[%dma_start3A_1945, %multiple_of3A_1933] : memref<16x1000000xf32, #tpu.memory_space<hbm>> -> memref<16x128xf32, #tpu.memory_space<hbm>>
    tpu.enqueue_dma source(%dma_start3A_1946 : memref<16x128xf32, #tpu.memory_space<hbm>>) target(%dma_start3A_1944 : memref<16x128xf32, #tpu.memory_space<vmem>>) target_semaphore(%arg23 : memref<!tpu.dma_semaphore, #tpu.memory_space<semaphore_mem>>)
    %dma_wait3A_1947 = arith.constant 0 : i32
    %dma_wait3A_1948 = arith.constant 0 : i32
    %dma_wait3A_1949 = arith.constant 0 : i32
    %dma_wait3A_1950 = tpu.memref_slice %arg14[%dma_wait3A_1947, %dma_wait3A_1948, %dma_wait3A_1949] : memref<16x16x128xf32, #tpu.memory_space<vmem>> -> memref<1x16x128xf32, #tpu.memory_space<vmem>>
    %dma_wait3A_1951 = tpu.memref_squeeze %dma_wait3A_1950 : memref<1x16x128xf32, #tpu.memory_space<vmem>> -> memref<16x128xf32, #tpu.memory_space<vmem>>
    %dma_wait3A_1952 = arith.constant 0 : i32
    %dma_wait3A_1953 = tpu.memref_slice %arg6[%dma_wait3A_1952, %multiple_of3A_1051] : memref<16x1000000xf32, #tpu.memory_space<hbm>> -> memref<16x128xf32, #tpu.memory_space<hbm>>
    %dma_wait3A_1954 = arith.constant 0 : i32
    %dma_wait3A_1955 = arith.constant 0 : i32
    %dma_wait3A_1956 = tpu.memref_slice %arg14[%dma_wait3A_1947, %dma_wait3A_1954, %dma_wait3A_1955] : memref<16x16x128xf32, #tpu.memory_space<vmem>> -> memref<1x16x128xf32, #tpu.memory_space<vmem>>
    %dma_wait3A_1957 = tpu.memref_squeeze %dma_wait3A_1956 : memref<1x16x128xf32, #tpu.memory_space<vmem>> -> memref<16x128xf32, #tpu.memory_space<vmem>>
    %dma_wait3A_1958 = arith.constant 0 : i32
    %dma_wait3A_1959 = tpu.memref_slice %arg6[%dma_wait3A_1958, %multiple_of3A_1051] : memref<16x1000000xf32, #tpu.memory_space<hbm>> -> memref<16x128xf32, #tpu.memory_space<hbm>>
    tpu.wait_dma2 semaphore(%arg22 : memref<!tpu.dma_semaphore, #tpu.memory_space<semaphore_mem>>) src(%dma_wait3A_1959 : memref<16x128xf32, #tpu.memory_space<hbm>>) dst(%dma_wait3A_1957 : memref<16x128xf32, #tpu.memory_space<vmem>>)
    %dma_wait3A_1960 = arith.constant 1 : i32
    %dma_wait3A_1961 = arith.constant 0 : i32
    %dma_wait3A_1962 = arith.constant 0 : i32
    %dma_wait3A_1963 = tpu.memref_slice %arg14[%dma_wait3A_1960, %dma_wait3A_1961, %dma_wait3A_1962] : memref<16x16x128xf32, #tpu.memory_space<vmem>> -> memref<1x16x128xf32, #tpu.memory_space<vmem>>
    %dma_wait3A_1964 = tpu.memref_squeeze %dma_wait3A_1963 : memref<1x16x128xf32, #tpu.memory_space<vmem>> -> memref<16x128xf32, #tpu.memory_space<vmem>>
    %dma_wait3A_1965 = arith.constant 0 : i32
    %dma_wait3A_1966 = tpu.memref_slice %arg6[%dma_wait3A_1965, %multiple_of3A_1070] : memref<16x1000000xf32, #tpu.memory_space<hbm>> -> memref<16x128xf32, #tpu.memory_space<hbm>>
    %dma_wait3A_1967 = arith.constant 0 : i32
    %dma_wait3A_1968 = arith.constant 0 : i32
    %dma_wait3A_1969 = tpu.memref_slice %arg14[%dma_wait3A_1960, %dma_wait3A_1967, %dma_wait3A_1968] : memref<16x16x128xf32, #tpu.memory_space<vmem>> -> memref<1x16x128xf32, #tpu.memory_space<vmem>>
    %dma_wait3A_1970 = tpu.memref_squeeze %dma_wait3A_1969 : memref<1x16x128xf32, #tpu.memory_space<vmem>> -> memref<16x128xf32, #tpu.memory_space<vmem>>
    %dma_wait3A_1971 = arith.constant 0 : i32
    %dma_wait3A_1972 = tpu.memref_slice %arg6[%dma_wait3A_1971, %multiple_of3A_1070] : memref<16x1000000xf32, #tpu.memory_space<hbm>> -> memref<16x128xf32, #tpu.memory_space<hbm>>
    tpu.wait_dma2 semaphore(%arg22 : memref<!tpu.dma_semaphore, #tpu.memory_space<semaphore_mem>>) src(%dma_wait3A_1972 : memref<16x128xf32, #tpu.memory_space<hbm>>) dst(%dma_wait3A_1970 : memref<16x128xf32, #tpu.memory_space<vmem>>)
    %dma_wait3A_1973 = arith.constant 2 : i32
    %dma_wait3A_1974 = arith.constant 0 : i32
    %dma_wait3A_1975 = arith.constant 0 : i32
    %dma_wait3A_1976 = tpu.memref_slice %arg14[%dma_wait3A_1973, %dma_wait3A_1974, %dma_wait3A_1975] : memref<16x16x128xf32, #tpu.memory_space<vmem>> -> memref<1x16x128xf32, #tpu.memory_space<vmem>>
    %dma_wait3A_1977 = tpu.memref_squeeze %dma_wait3A_1976 : memref<1x16x128xf32, #tpu.memory_space<vmem>> -> memref<16x128xf32, #tpu.memory_space<vmem>>
    %dma_wait3A_1978 = arith.constant 0 : i32
    %dma_wait3A_1979 = tpu.memref_slice %arg6[%dma_wait3A_1978, %multiple_of3A_1089] : memref<16x1000000xf32, #tpu.memory_space<hbm>> -> memref<16x128xf32, #tpu.memory_space<hbm>>
    %dma_wait3A_1980 = arith.constant 0 : i32
    %dma_wait3A_1981 = arith.constant 0 : i32
    %dma_wait3A_1982 = tpu.memref_slice %arg14[%dma_wait3A_1973, %dma_wait3A_1980, %dma_wait3A_1981] : memref<16x16x128xf32, #tpu.memory_space<vmem>> -> memref<1x16x128xf32, #tpu.memory_space<vmem>>
    %dma_wait3A_1983 = tpu.memref_squeeze %dma_wait3A_1982 : memref<1x16x128xf32, #tpu.memory_space<vmem>> -> memref<16x128xf32, #tpu.memory_space<vmem>>
    %dma_wait3A_1984 = arith.constant 0 : i32
    %dma_wait3A_1985 = tpu.memref_slice %arg6[%dma_wait3A_1984, %multiple_of3A_1089] : memref<16x1000000xf32, #tpu.memory_space<hbm>> -> memref<16x128xf32, #tpu.memory_space<hbm>>
    tpu.wait_dma2 semaphore(%arg22 : memref<!tpu.dma_semaphore, #tpu.memory_space<semaphore_mem>>) src(%dma_wait3A_1985 : memref<16x128xf32, #tpu.memory_space<hbm>>) dst(%dma_wait3A_1983 : memref<16x128xf32, #tpu.memory_space<vmem>>)
    %dma_wait3A_1986 = arith.constant 3 : i32
    %dma_wait3A_1987 = arith.constant 0 : i32
    %dma_wait3A_1988 = arith.constant 0 : i32
    %dma_wait3A_1989 = tpu.memref_slice %arg14[%dma_wait3A_1986, %dma_wait3A_1987, %dma_wait3A_1988] : memref<16x16x128xf32, #tpu.memory_space<vmem>> -> memref<1x16x128xf32, #tpu.memory_space<vmem>>
    %dma_wait3A_1990 = tpu.memref_squeeze %dma_wait3A_1989 : memref<1x16x128xf32, #tpu.memory_space<vmem>> -> memref<16x128xf32, #tpu.memory_space<vmem>>
    %dma_wait3A_1991 = arith.constant 0 : i32
    %dma_wait3A_1992 = tpu.memref_slice %arg6[%dma_wait3A_1991, %multiple_of3A_1108] : memref<16x1000000xf32, #tpu.memory_space<hbm>> -> memref<16x128xf32, #tpu.memory_space<hbm>>
    %dma_wait3A_1993 = arith.constant 0 : i32
    %dma_wait3A_1994 = arith.constant 0 : i32
    %dma_wait3A_1995 = tpu.memref_slice %arg14[%dma_wait3A_1986, %dma_wait3A_1993, %dma_wait3A_1994] : memref<16x16x128xf32, #tpu.memory_space<vmem>> -> memref<1x16x128xf32, #tpu.memory_space<vmem>>
    %dma_wait3A_1996 = tpu.memref_squeeze %dma_wait3A_1995 : memref<1x16x128xf32, #tpu.memory_space<vmem>> -> memref<16x128xf32, #tpu.memory_space<vmem>>
    %dma_wait3A_1997 = arith.constant 0 : i32
    %dma_wait3A_1998 = tpu.memref_slice %arg6[%dma_wait3A_1997, %multiple_of3A_1108] : memref<16x1000000xf32, #tpu.memory_space<hbm>> -> memref<16x128xf32, #tpu.memory_space<hbm>>
    tpu.wait_dma2 semaphore(%arg22 : memref<!tpu.dma_semaphore, #tpu.memory_space<semaphore_mem>>) src(%dma_wait3A_1998 : memref<16x128xf32, #tpu.memory_space<hbm>>) dst(%dma_wait3A_1996 : memref<16x128xf32, #tpu.memory_space<vmem>>)
    %dma_wait3A_1999 = arith.constant 4 : i32
    %dma_wait3A_2000 = arith.constant 0 : i32
    %dma_wait3A_2001 = arith.constant 0 : i32
    %dma_wait3A_2002 = tpu.memref_slice %arg14[%dma_wait3A_1999, %dma_wait3A_2000, %dma_wait3A_2001] : memref<16x16x128xf32, #tpu.memory_space<vmem>> -> memref<1x16x128xf32, #tpu.memory_space<vmem>>
    %dma_wait3A_2003 = tpu.memref_squeeze %dma_wait3A_2002 : memref<1x16x128xf32, #tpu.memory_space<vmem>> -> memref<16x128xf32, #tpu.memory_space<vmem>>
    %dma_wait3A_2004 = arith.constant 0 : i32
    %dma_wait3A_2005 = tpu.memref_slice %arg6[%dma_wait3A_2004, %multiple_of3A_1127] : memref<16x1000000xf32, #tpu.memory_space<hbm>> -> memref<16x128xf32, #tpu.memory_space<hbm>>
    %dma_wait3A_2006 = arith.constant 0 : i32
    %dma_wait3A_2007 = arith.constant 0 : i32
    %dma_wait3A_2008 = tpu.memref_slice %arg14[%dma_wait3A_1999, %dma_wait3A_2006, %dma_wait3A_2007] : memref<16x16x128xf32, #tpu.memory_space<vmem>> -> memref<1x16x128xf32, #tpu.memory_space<vmem>>
    %dma_wait3A_2009 = tpu.memref_squeeze %dma_wait3A_2008 : memref<1x16x128xf32, #tpu.memory_space<vmem>> -> memref<16x128xf32, #tpu.memory_space<vmem>>
    %dma_wait3A_2010 = arith.constant 0 : i32
    %dma_wait3A_2011 = tpu.memref_slice %arg6[%dma_wait3A_2010, %multiple_of3A_1127] : memref<16x1000000xf32, #tpu.memory_space<hbm>> -> memref<16x128xf32, #tpu.memory_space<hbm>>
    tpu.wait_dma2 semaphore(%arg22 : memref<!tpu.dma_semaphore, #tpu.memory_space<semaphore_mem>>) src(%dma_wait3A_2011 : memref<16x128xf32, #tpu.memory_space<hbm>>) dst(%dma_wait3A_2009 : memref<16x128xf32, #tpu.memory_space<vmem>>)
    %dma_wait3A_2012 = arith.constant 5 : i32
    %dma_wait3A_2013 = arith.constant 0 : i32
    %dma_wait3A_2014 = arith.constant 0 : i32
    %dma_wait3A_2015 = tpu.memref_slice %arg14[%dma_wait3A_2012, %dma_wait3A_2013, %dma_wait3A_2014] : memref<16x16x128xf32, #tpu.memory_space<vmem>> -> memref<1x16x128xf32, #tpu.memory_space<vmem>>
    %dma_wait3A_2016 = tpu.memref_squeeze %dma_wait3A_2015 : memref<1x16x128xf32, #tpu.memory_space<vmem>> -> memref<16x128xf32, #tpu.memory_space<vmem>>
    %dma_wait3A_2017 = arith.constant 0 : i32
    %dma_wait3A_2018 = tpu.memref_slice %arg6[%dma_wait3A_2017, %multiple_of3A_1146] : memref<16x1000000xf32, #tpu.memory_space<hbm>> -> memref<16x128xf32, #tpu.memory_space<hbm>>
    %dma_wait3A_2019 = arith.constant 0 : i32
    %dma_wait3A_2020 = arith.constant 0 : i32
    %dma_wait3A_2021 = tpu.memref_slice %arg14[%dma_wait3A_2012, %dma_wait3A_2019, %dma_wait3A_2020] : memref<16x16x128xf32, #tpu.memory_space<vmem>> -> memref<1x16x128xf32, #tpu.memory_space<vmem>>
    %dma_wait3A_2022 = tpu.memref_squeeze %dma_wait3A_2021 : memref<1x16x128xf32, #tpu.memory_space<vmem>> -> memref<16x128xf32, #tpu.memory_space<vmem>>
    %dma_wait3A_2023 = arith.constant 0 : i32
    %dma_wait3A_2024 = tpu.memref_slice %arg6[%dma_wait3A_2023, %multiple_of3A_1146] : memref<16x1000000xf32, #tpu.memory_space<hbm>> -> memref<16x128xf32, #tpu.memory_space<hbm>>
    tpu.wait_dma2 semaphore(%arg22 : memref<!tpu.dma_semaphore, #tpu.memory_space<semaphore_mem>>) src(%dma_wait3A_2024 : memref<16x128xf32, #tpu.memory_space<hbm>>) dst(%dma_wait3A_2022 : memref<16x128xf32, #tpu.memory_space<vmem>>)
    %dma_wait3A_2025 = arith.constant 6 : i32
    %dma_wait3A_2026 = arith.constant 0 : i32
    %dma_wait3A_2027 = arith.constant 0 : i32
    %dma_wait3A_2028 = tpu.memref_slice %arg14[%dma_wait3A_2025, %dma_wait3A_2026, %dma_wait3A_2027] : memref<16x16x128xf32, #tpu.memory_space<vmem>> -> memref<1x16x128xf32, #tpu.memory_space<vmem>>
    %dma_wait3A_2029 = tpu.memref_squeeze %dma_wait3A_2028 : memref<1x16x128xf32, #tpu.memory_space<vmem>> -> memref<16x128xf32, #tpu.memory_space<vmem>>
    %dma_wait3A_2030 = arith.constant 0 : i32
    %dma_wait3A_2031 = tpu.memref_slice %arg6[%dma_wait3A_2030, %multiple_of3A_1165] : memref<16x1000000xf32, #tpu.memory_space<hbm>> -> memref<16x128xf32, #tpu.memory_space<hbm>>
    %dma_wait3A_2032 = arith.constant 0 : i32
    %dma_wait3A_2033 = arith.constant 0 : i32
    %dma_wait3A_2034 = tpu.memref_slice %arg14[%dma_wait3A_2025, %dma_wait3A_2032, %dma_wait3A_2033] : memref<16x16x128xf32, #tpu.memory_space<vmem>> -> memref<1x16x128xf32, #tpu.memory_space<vmem>>
    %dma_wait3A_2035 = tpu.memref_squeeze %dma_wait3A_2034 : memref<1x16x128xf32, #tpu.memory_space<vmem>> -> memref<16x128xf32, #tpu.memory_space<vmem>>
    %dma_wait3A_2036 = arith.constant 0 : i32
    %dma_wait3A_2037 = tpu.memref_slice %arg6[%dma_wait3A_2036, %multiple_of3A_1165] : memref<16x1000000xf32, #tpu.memory_space<hbm>> -> memref<16x128xf32, #tpu.memory_space<hbm>>
    tpu.wait_dma2 semaphore(%arg22 : memref<!tpu.dma_semaphore, #tpu.memory_space<semaphore_mem>>) src(%dma_wait3A_2037 : memref<16x128xf32, #tpu.memory_space<hbm>>) dst(%dma_wait3A_2035 : memref<16x128xf32, #tpu.memory_space<vmem>>)
    %dma_wait3A_2038 = arith.constant 7 : i32
    %dma_wait3A_2039 = arith.constant 0 : i32
    %dma_wait3A_2040 = arith.constant 0 : i32
    %dma_wait3A_2041 = tpu.memref_slice %arg14[%dma_wait3A_2038, %dma_wait3A_2039, %dma_wait3A_2040] : memref<16x16x128xf32, #tpu.memory_space<vmem>> -> memref<1x16x128xf32, #tpu.memory_space<vmem>>
    %dma_wait3A_2042 = tpu.memref_squeeze %dma_wait3A_2041 : memref<1x16x128xf32, #tpu.memory_space<vmem>> -> memref<16x128xf32, #tpu.memory_space<vmem>>
    %dma_wait3A_2043 = arith.constant 0 : i32
    %dma_wait3A_2044 = tpu.memref_slice %arg6[%dma_wait3A_2043, %multiple_of3A_1184] : memref<16x1000000xf32, #tpu.memory_space<hbm>> -> memref<16x128xf32, #tpu.memory_space<hbm>>
    %dma_wait3A_2045 = arith.constant 0 : i32
    %dma_wait3A_2046 = arith.constant 0 : i32
    %dma_wait3A_2047 = tpu.memref_slice %arg14[%dma_wait3A_2038, %dma_wait3A_2045, %dma_wait3A_2046] : memref<16x16x128xf32, #tpu.memory_space<vmem>> -> memref<1x16x128xf32, #tpu.memory_space<vmem>>
    %dma_wait3A_2048 = tpu.memref_squeeze %dma_wait3A_2047 : memref<1x16x128xf32, #tpu.memory_space<vmem>> -> memref<16x128xf32, #tpu.memory_space<vmem>>
    %dma_wait3A_2049 = arith.constant 0 : i32
    %dma_wait3A_2050 = tpu.memref_slice %arg6[%dma_wait3A_2049, %multiple_of3A_1184] : memref<16x1000000xf32, #tpu.memory_space<hbm>> -> memref<16x128xf32, #tpu.memory_space<hbm>>
    tpu.wait_dma2 semaphore(%arg22 : memref<!tpu.dma_semaphore, #tpu.memory_space<semaphore_mem>>) src(%dma_wait3A_2050 : memref<16x128xf32, #tpu.memory_space<hbm>>) dst(%dma_wait3A_2048 : memref<16x128xf32, #tpu.memory_space<vmem>>)
    %dma_wait3A_2051 = arith.constant 8 : i32
    %dma_wait3A_2052 = arith.constant 0 : i32
    %dma_wait3A_2053 = arith.constant 0 : i32
    %dma_wait3A_2054 = tpu.memref_slice %arg14[%dma_wait3A_2051, %dma_wait3A_2052, %dma_wait3A_2053] : memref<16x16x128xf32, #tpu.memory_space<vmem>> -> memref<1x16x128xf32, #tpu.memory_space<vmem>>
    %dma_wait3A_2055 = tpu.memref_squeeze %dma_wait3A_2054 : memref<1x16x128xf32, #tpu.memory_space<vmem>> -> memref<16x128xf32, #tpu.memory_space<vmem>>
    %dma_wait3A_2056 = arith.constant 0 : i32
    %dma_wait3A_2057 = tpu.memref_slice %arg6[%dma_wait3A_2056, %multiple_of3A_1203] : memref<16x1000000xf32, #tpu.memory_space<hbm>> -> memref<16x128xf32, #tpu.memory_space<hbm>>
    %dma_wait3A_2058 = arith.constant 0 : i32
    %dma_wait3A_2059 = arith.constant 0 : i32
    %dma_wait3A_2060 = tpu.memref_slice %arg14[%dma_wait3A_2051, %dma_wait3A_2058, %dma_wait3A_2059] : memref<16x16x128xf32, #tpu.memory_space<vmem>> -> memref<1x16x128xf32, #tpu.memory_space<vmem>>
    %dma_wait3A_2061 = tpu.memref_squeeze %dma_wait3A_2060 : memref<1x16x128xf32, #tpu.memory_space<vmem>> -> memref<16x128xf32, #tpu.memory_space<vmem>>
    %dma_wait3A_2062 = arith.constant 0 : i32
    %dma_wait3A_2063 = tpu.memref_slice %arg6[%dma_wait3A_2062, %multiple_of3A_1203] : memref<16x1000000xf32, #tpu.memory_space<hbm>> -> memref<16x128xf32, #tpu.memory_space<hbm>>
    tpu.wait_dma2 semaphore(%arg22 : memref<!tpu.dma_semaphore, #tpu.memory_space<semaphore_mem>>) src(%dma_wait3A_2063 : memref<16x128xf32, #tpu.memory_space<hbm>>) dst(%dma_wait3A_2061 : memref<16x128xf32, #tpu.memory_space<vmem>>)
    %dma_wait3A_2064 = arith.constant 9 : i32
    %dma_wait3A_2065 = arith.constant 0 : i32
    %dma_wait3A_2066 = arith.constant 0 : i32
    %dma_wait3A_2067 = tpu.memref_slice %arg14[%dma_wait3A_2064, %dma_wait3A_2065, %dma_wait3A_2066] : memref<16x16x128xf32, #tpu.memory_space<vmem>> -> memref<1x16x128xf32, #tpu.memory_space<vmem>>
    %dma_wait3A_2068 = tpu.memref_squeeze %dma_wait3A_2067 : memref<1x16x128xf32, #tpu.memory_space<vmem>> -> memref<16x128xf32, #tpu.memory_space<vmem>>
    %dma_wait3A_2069 = arith.constant 0 : i32
    %dma_wait3A_2070 = tpu.memref_slice %arg6[%dma_wait3A_2069, %multiple_of3A_1222] : memref<16x1000000xf32, #tpu.memory_space<hbm>> -> memref<16x128xf32, #tpu.memory_space<hbm>>
    %dma_wait3A_2071 = arith.constant 0 : i32
    %dma_wait3A_2072 = arith.constant 0 : i32
    %dma_wait3A_2073 = tpu.memref_slice %arg14[%dma_wait3A_2064, %dma_wait3A_2071, %dma_wait3A_2072] : memref<16x16x128xf32, #tpu.memory_space<vmem>> -> memref<1x16x128xf32, #tpu.memory_space<vmem>>
    %dma_wait3A_2074 = tpu.memref_squeeze %dma_wait3A_2073 : memref<1x16x128xf32, #tpu.memory_space<vmem>> -> memref<16x128xf32, #tpu.memory_space<vmem>>
    %dma_wait3A_2075 = arith.constant 0 : i32
    %dma_wait3A_2076 = tpu.memref_slice %arg6[%dma_wait3A_2075, %multiple_of3A_1222] : memref<16x1000000xf32, #tpu.memory_space<hbm>> -> memref<16x128xf32, #tpu.memory_space<hbm>>
    tpu.wait_dma2 semaphore(%arg22 : memref<!tpu.dma_semaphore, #tpu.memory_space<semaphore_mem>>) src(%dma_wait3A_2076 : memref<16x128xf32, #tpu.memory_space<hbm>>) dst(%dma_wait3A_2074 : memref<16x128xf32, #tpu.memory_space<vmem>>)
    %dma_wait3A_2077 = arith.constant 10 : i32
    %dma_wait3A_2078 = arith.constant 0 : i32
    %dma_wait3A_2079 = arith.constant 0 : i32
    %dma_wait3A_2080 = tpu.memref_slice %arg14[%dma_wait3A_2077, %dma_wait3A_2078, %dma_wait3A_2079] : memref<16x16x128xf32, #tpu.memory_space<vmem>> -> memref<1x16x128xf32, #tpu.memory_space<vmem>>
    %dma_wait3A_2081 = tpu.memref_squeeze %dma_wait3A_2080 : memref<1x16x128xf32, #tpu.memory_space<vmem>> -> memref<16x128xf32, #tpu.memory_space<vmem>>
    %dma_wait3A_2082 = arith.constant 0 : i32
    %dma_wait3A_2083 = tpu.memref_slice %arg6[%dma_wait3A_2082, %multiple_of3A_1241] : memref<16x1000000xf32, #tpu.memory_space<hbm>> -> memref<16x128xf32, #tpu.memory_space<hbm>>
    %dma_wait3A_2084 = arith.constant 0 : i32
    %dma_wait3A_2085 = arith.constant 0 : i32
    %dma_wait3A_2086 = tpu.memref_slice %arg14[%dma_wait3A_2077, %dma_wait3A_2084, %dma_wait3A_2085] : memref<16x16x128xf32, #tpu.memory_space<vmem>> -> memref<1x16x128xf32, #tpu.memory_space<vmem>>
    %dma_wait3A_2087 = tpu.memref_squeeze %dma_wait3A_2086 : memref<1x16x128xf32, #tpu.memory_space<vmem>> -> memref<16x128xf32, #tpu.memory_space<vmem>>
    %dma_wait3A_2088 = arith.constant 0 : i32
    %dma_wait3A_2089 = tpu.memref_slice %arg6[%dma_wait3A_2088, %multiple_of3A_1241] : memref<16x1000000xf32, #tpu.memory_space<hbm>> -> memref<16x128xf32, #tpu.memory_space<hbm>>
    tpu.wait_dma2 semaphore(%arg22 : memref<!tpu.dma_semaphore, #tpu.memory_space<semaphore_mem>>) src(%dma_wait3A_2089 : memref<16x128xf32, #tpu.memory_space<hbm>>) dst(%dma_wait3A_2087 : memref<16x128xf32, #tpu.memory_space<vmem>>)
    %dma_wait3A_2090 = arith.constant 11 : i32
    %dma_wait3A_2091 = arith.constant 0 : i32
    %dma_wait3A_2092 = arith.constant 0 : i32
    %dma_wait3A_2093 = tpu.memref_slice %arg14[%dma_wait3A_2090, %dma_wait3A_2091, %dma_wait3A_2092] : memref<16x16x128xf32, #tpu.memory_space<vmem>> -> memref<1x16x128xf32, #tpu.memory_space<vmem>>
    %dma_wait3A_2094 = tpu.memref_squeeze %dma_wait3A_2093 : memref<1x16x128xf32, #tpu.memory_space<vmem>> -> memref<16x128xf32, #tpu.memory_space<vmem>>
    %dma_wait3A_2095 = arith.constant 0 : i32
    %dma_wait3A_2096 = tpu.memref_slice %arg6[%dma_wait3A_2095, %multiple_of3A_1260] : memref<16x1000000xf32, #tpu.memory_space<hbm>> -> memref<16x128xf32, #tpu.memory_space<hbm>>
    %dma_wait3A_2097 = arith.constant 0 : i32
    %dma_wait3A_2098 = arith.constant 0 : i32
    %dma_wait3A_2099 = tpu.memref_slice %arg14[%dma_wait3A_2090, %dma_wait3A_2097, %dma_wait3A_2098] : memref<16x16x128xf32, #tpu.memory_space<vmem>> -> memref<1x16x128xf32, #tpu.memory_space<vmem>>
    %dma_wait3A_2100 = tpu.memref_squeeze %dma_wait3A_2099 : memref<1x16x128xf32, #tpu.memory_space<vmem>> -> memref<16x128xf32, #tpu.memory_space<vmem>>
    %dma_wait3A_2101 = arith.constant 0 : i32
    %dma_wait3A_2102 = tpu.memref_slice %arg6[%dma_wait3A_2101, %multiple_of3A_1260] : memref<16x1000000xf32, #tpu.memory_space<hbm>> -> memref<16x128xf32, #tpu.memory_space<hbm>>
    tpu.wait_dma2 semaphore(%arg22 : memref<!tpu.dma_semaphore, #tpu.memory_space<semaphore_mem>>) src(%dma_wait3A_2102 : memref<16x128xf32, #tpu.memory_space<hbm>>) dst(%dma_wait3A_2100 : memref<16x128xf32, #tpu.memory_space<vmem>>)
    %dma_wait3A_2103 = arith.constant 12 : i32
    %dma_wait3A_2104 = arith.constant 0 : i32
    %dma_wait3A_2105 = arith.constant 0 : i32
    %dma_wait3A_2106 = tpu.memref_slice %arg14[%dma_wait3A_2103, %dma_wait3A_2104, %dma_wait3A_2105] : memref<16x16x128xf32, #tpu.memory_space<vmem>> -> memref<1x16x128xf32, #tpu.memory_space<vmem>>
    %dma_wait3A_2107 = tpu.memref_squeeze %dma_wait3A_2106 : memref<1x16x128xf32, #tpu.memory_space<vmem>> -> memref<16x128xf32, #tpu.memory_space<vmem>>
    %dma_wait3A_2108 = arith.constant 0 : i32
    %dma_wait3A_2109 = tpu.memref_slice %arg6[%dma_wait3A_2108, %multiple_of3A_1279] : memref<16x1000000xf32, #tpu.memory_space<hbm>> -> memref<16x128xf32, #tpu.memory_space<hbm>>
    %dma_wait3A_2110 = arith.constant 0 : i32
    %dma_wait3A_2111 = arith.constant 0 : i32
    %dma_wait3A_2112 = tpu.memref_slice %arg14[%dma_wait3A_2103, %dma_wait3A_2110, %dma_wait3A_2111] : memref<16x16x128xf32, #tpu.memory_space<vmem>> -> memref<1x16x128xf32, #tpu.memory_space<vmem>>
    %dma_wait3A_2113 = tpu.memref_squeeze %dma_wait3A_2112 : memref<1x16x128xf32, #tpu.memory_space<vmem>> -> memref<16x128xf32, #tpu.memory_space<vmem>>
    %dma_wait3A_2114 = arith.constant 0 : i32
    %dma_wait3A_2115 = tpu.memref_slice %arg6[%dma_wait3A_2114, %multiple_of3A_1279] : memref<16x1000000xf32, #tpu.memory_space<hbm>> -> memref<16x128xf32, #tpu.memory_space<hbm>>
    tpu.wait_dma2 semaphore(%arg22 : memref<!tpu.dma_semaphore, #tpu.memory_space<semaphore_mem>>) src(%dma_wait3A_2115 : memref<16x128xf32, #tpu.memory_space<hbm>>) dst(%dma_wait3A_2113 : memref<16x128xf32, #tpu.memory_space<vmem>>)
    %dma_wait3A_2116 = arith.constant 13 : i32
    %dma_wait3A_2117 = arith.constant 0 : i32
    %dma_wait3A_2118 = arith.constant 0 : i32
    %dma_wait3A_2119 = tpu.memref_slice %arg14[%dma_wait3A_2116, %dma_wait3A_2117, %dma_wait3A_2118] : memref<16x16x128xf32, #tpu.memory_space<vmem>> -> memref<1x16x128xf32, #tpu.memory_space<vmem>>
    %dma_wait3A_2120 = tpu.memref_squeeze %dma_wait3A_2119 : memref<1x16x128xf32, #tpu.memory_space<vmem>> -> memref<16x128xf32, #tpu.memory_space<vmem>>
    %dma_wait3A_2121 = arith.constant 0 : i32
    %dma_wait3A_2122 = tpu.memref_slice %arg6[%dma_wait3A_2121, %multiple_of3A_1298] : memref<16x1000000xf32, #tpu.memory_space<hbm>> -> memref<16x128xf32, #tpu.memory_space<hbm>>
    %dma_wait3A_2123 = arith.constant 0 : i32
    %dma_wait3A_2124 = arith.constant 0 : i32
    %dma_wait3A_2125 = tpu.memref_slice %arg14[%dma_wait3A_2116, %dma_wait3A_2123, %dma_wait3A_2124] : memref<16x16x128xf32, #tpu.memory_space<vmem>> -> memref<1x16x128xf32, #tpu.memory_space<vmem>>
    %dma_wait3A_2126 = tpu.memref_squeeze %dma_wait3A_2125 : memref<1x16x128xf32, #tpu.memory_space<vmem>> -> memref<16x128xf32, #tpu.memory_space<vmem>>
    %dma_wait3A_2127 = arith.constant 0 : i32
    %dma_wait3A_2128 = tpu.memref_slice %arg6[%dma_wait3A_2127, %multiple_of3A_1298] : memref<16x1000000xf32, #tpu.memory_space<hbm>> -> memref<16x128xf32, #tpu.memory_space<hbm>>
    tpu.wait_dma2 semaphore(%arg22 : memref<!tpu.dma_semaphore, #tpu.memory_space<semaphore_mem>>) src(%dma_wait3A_2128 : memref<16x128xf32, #tpu.memory_space<hbm>>) dst(%dma_wait3A_2126 : memref<16x128xf32, #tpu.memory_space<vmem>>)
    %dma_wait3A_2129 = arith.constant 14 : i32
    %dma_wait3A_2130 = arith.constant 0 : i32
    %dma_wait3A_2131 = arith.constant 0 : i32
    %dma_wait3A_2132 = tpu.memref_slice %arg14[%dma_wait3A_2129, %dma_wait3A_2130, %dma_wait3A_2131] : memref<16x16x128xf32, #tpu.memory_space<vmem>> -> memref<1x16x128xf32, #tpu.memory_space<vmem>>
    %dma_wait3A_2133 = tpu.memref_squeeze %dma_wait3A_2132 : memref<1x16x128xf32, #tpu.memory_space<vmem>> -> memref<16x128xf32, #tpu.memory_space<vmem>>
    %dma_wait3A_2134 = arith.constant 0 : i32
    %dma_wait3A_2135 = tpu.memref_slice %arg6[%dma_wait3A_2134, %multiple_of3A_1317] : memref<16x1000000xf32, #tpu.memory_space<hbm>> -> memref<16x128xf32, #tpu.memory_space<hbm>>
    %dma_wait3A_2136 = arith.constant 0 : i32
    %dma_wait3A_2137 = arith.constant 0 : i32
    %dma_wait3A_2138 = tpu.memref_slice %arg14[%dma_wait3A_2129, %dma_wait3A_2136, %dma_wait3A_2137] : memref<16x16x128xf32, #tpu.memory_space<vmem>> -> memref<1x16x128xf32, #tpu.memory_space<vmem>>
    %dma_wait3A_2139 = tpu.memref_squeeze %dma_wait3A_2138 : memref<1x16x128xf32, #tpu.memory_space<vmem>> -> memref<16x128xf32, #tpu.memory_space<vmem>>
    %dma_wait3A_2140 = arith.constant 0 : i32
    %dma_wait3A_2141 = tpu.memref_slice %arg6[%dma_wait3A_2140, %multiple_of3A_1317] : memref<16x1000000xf32, #tpu.memory_space<hbm>> -> memref<16x128xf32, #tpu.memory_space<hbm>>
    tpu.wait_dma2 semaphore(%arg22 : memref<!tpu.dma_semaphore, #tpu.memory_space<semaphore_mem>>) src(%dma_wait3A_2141 : memref<16x128xf32, #tpu.memory_space<hbm>>) dst(%dma_wait3A_2139 : memref<16x128xf32, #tpu.memory_space<vmem>>)
    %dma_wait3A_2142 = arith.constant 15 : i32
    %dma_wait3A_2143 = arith.constant 0 : i32
    %dma_wait3A_2144 = arith.constant 0 : i32
    %dma_wait3A_2145 = tpu.memref_slice %arg14[%dma_wait3A_2142, %dma_wait3A_2143, %dma_wait3A_2144] : memref<16x16x128xf32, #tpu.memory_space<vmem>> -> memref<1x16x128xf32, #tpu.memory_space<vmem>>
    %dma_wait3A_2146 = tpu.memref_squeeze %dma_wait3A_2145 : memref<1x16x128xf32, #tpu.memory_space<vmem>> -> memref<16x128xf32, #tpu.memory_space<vmem>>
    %dma_wait3A_2147 = arith.constant 0 : i32
    %dma_wait3A_2148 = tpu.memref_slice %arg6[%dma_wait3A_2147, %multiple_of3A_1336] : memref<16x1000000xf32, #tpu.memory_space<hbm>> -> memref<16x128xf32, #tpu.memory_space<hbm>>
    %dma_wait3A_2149 = arith.constant 0 : i32
    %dma_wait3A_2150 = arith.constant 0 : i32
    %dma_wait3A_2151 = tpu.memref_slice %arg14[%dma_wait3A_2142, %dma_wait3A_2149, %dma_wait3A_2150] : memref<16x16x128xf32, #tpu.memory_space<vmem>> -> memref<1x16x128xf32, #tpu.memory_space<vmem>>
    %dma_wait3A_2152 = tpu.memref_squeeze %dma_wait3A_2151 : memref<1x16x128xf32, #tpu.memory_space<vmem>> -> memref<16x128xf32, #tpu.memory_space<vmem>>
    %dma_wait3A_2153 = arith.constant 0 : i32
    %dma_wait3A_2154 = tpu.memref_slice %arg6[%dma_wait3A_2153, %multiple_of3A_1336] : memref<16x1000000xf32, #tpu.memory_space<hbm>> -> memref<16x128xf32, #tpu.memory_space<hbm>>
    tpu.wait_dma2 semaphore(%arg22 : memref<!tpu.dma_semaphore, #tpu.memory_space<semaphore_mem>>) src(%dma_wait3A_2154 : memref<16x128xf32, #tpu.memory_space<hbm>>) dst(%dma_wait3A_2152 : memref<16x128xf32, #tpu.memory_space<vmem>>)
    %get3A_2155 = arith.constant 0 : index
    %get3A_2156 = tpu.vector_load %arg12[%get3A_2155] {strides = array<i32>} : memref<32xi32, #tpu.memory_space<vmem>>, vector<16xi32>,
    %jit3A_2157 = arith.constant 128 : i32
    %eq3A_2158 = arith.constant 0 : i32
    %eq3A_2159 = arith.cmpi eq, %jit3A_2157, %eq3A_2158 : i32
    %jit3A_2160 = arith.constant 1 : i32
    %select_n3A_2161 = arith.select %eq3A_2159, %jit3A_2160, %jit3A_2157 : i32
    %rem3A_2162 = vector.broadcast %select_n3A_2161 : i32 to vector<16xi32>
    %rem3A_2163 = arith.remsi %get3A_2156, %rem3A_2162 : vector<16xi32>
    %ne3A_2164 = arith.constant 0 : i32
    %ne3A_2165 = vector.broadcast %ne3A_2164 : i32 to vector<16xi32>
    %ne3A_2166 = arith.cmpi ne, %rem3A_2163, %ne3A_2165 : vector<16xi32>
    %lt3A_2167 = arith.constant 0 : i32
    %lt3A_2168 = vector.broadcast %lt3A_2167 : i32 to vector<16xi32>
    %lt3A_2169 = arith.cmpi slt, %rem3A_2163, %lt3A_2168 : vector<16xi32>
    %lt3A_2170 = arith.constant 0 : i32
    %lt3A_2171 = arith.cmpi slt, %select_n3A_2161, %lt3A_2170 : i32
    %ne3A_2172 = vector.broadcast %lt3A_2171 : i1 to vector<16xi1>
    %ne3A_2173 = vector.broadcast %ne3A_2172 : vector<16xi1> to vector<16xi1>
    %ne3A_2174 = arith.xori %lt3A_2169, %ne3A_2173 : vector<16xi1>
    %and3A_2175 = arith.andi %ne3A_2174, %ne3A_2166 : vector<16xi1>
    %add3A_2176 = vector.broadcast %select_n3A_2161 : i32 to vector<16xi32>
    %add3A_2177 = arith.addi %rem3A_2163, %add3A_2176 : vector<16xi32>
    %select_n3A_2178 = arith.select %and3A_2175, %add3A_2177, %rem3A_2163 : vector<16xi1>, vector<16xi32>
    %add3A_2179 = arith.constant 0 : i32
    %add3A_2180 = vector.broadcast %add3A_2179 : i32 to vector<16xi32>
    %add3A_2181 = arith.addi %iota3A, %add3A_2180 : vector<16xi32>
    %broadcast_in_dim3A_2182 = arith.constant 0 : i32
    %broadcast_in_dim3A_2183 = vector.broadcast %broadcast_in_dim3A_2182 : i32 to vector<16xi32>
    %gather3A_2184 = tpu.vector_load_idx %arg14[%iota3A, %broadcast_in_dim3A_2183, %select_n3A_2178] : memref<16x16x128xf32, #tpu.memory_space<vmem>>[vector<16xi32>, vector<16xi32>, vector<16xi32>], vector<16xf32>,
    tpu.vector_store_idx %arg20[%add3A_2181, %broadcast_in_dim3A_2183], %gather3A_2184 : memref<32x16xf32, #tpu.memory_space<vmem>>[vector<16xi32>, vector<16xi32>], vector<16xf32>,
    %broadcast_in_dim3A_2185 = arith.constant 1 : i32
    %broadcast_in_dim3A_2186 = vector.broadcast %broadcast_in_dim3A_2185 : i32 to vector<16xi32>
    %gather3A_2187 = tpu.vector_load_idx %arg14[%iota3A, %broadcast_in_dim3A_2186, %select_n3A_2178] : memref<16x16x128xf32, #tpu.memory_space<vmem>>[vector<16xi32>, vector<16xi32>, vector<16xi32>], vector<16xf32>,
    tpu.vector_store_idx %arg20[%add3A_2181, %broadcast_in_dim3A_2186], %gather3A_2187 : memref<32x16xf32, #tpu.memory_space<vmem>>[vector<16xi32>, vector<16xi32>], vector<16xf32>,
    %broadcast_in_dim3A_2188 = arith.constant 2 : i32
    %broadcast_in_dim3A_2189 = vector.broadcast %broadcast_in_dim3A_2188 : i32 to vector<16xi32>
    %gather3A_2190 = tpu.vector_load_idx %arg14[%iota3A, %broadcast_in_dim3A_2189, %select_n3A_2178] : memref<16x16x128xf32, #tpu.memory_space<vmem>>[vector<16xi32>, vector<16xi32>, vector<16xi32>], vector<16xf32>,
    tpu.vector_store_idx %arg20[%add3A_2181, %broadcast_in_dim3A_2189], %gather3A_2190 : memref<32x16xf32, #tpu.memory_space<vmem>>[vector<16xi32>, vector<16xi32>], vector<16xf32>,
    %broadcast_in_dim3A_2191 = arith.constant 3 : i32
    %broadcast_in_dim3A_2192 = vector.broadcast %broadcast_in_dim3A_2191 : i32 to vector<16xi32>
    %gather3A_2193 = tpu.vector_load_idx %arg14[%iota3A, %broadcast_in_dim3A_2192, %select_n3A_2178] : memref<16x16x128xf32, #tpu.memory_space<vmem>>[vector<16xi32>, vector<16xi32>, vector<16xi32>], vector<16xf32>,
    tpu.vector_store_idx %arg20[%add3A_2181, %broadcast_in_dim3A_2192], %gather3A_2193 : memref<32x16xf32, #tpu.memory_space<vmem>>[vector<16xi32>, vector<16xi32>], vector<16xf32>,
    %broadcast_in_dim3A_2194 = arith.constant 4 : i32
    %broadcast_in_dim3A_2195 = vector.broadcast %broadcast_in_dim3A_2194 : i32 to vector<16xi32>
    %gather3A_2196 = tpu.vector_load_idx %arg14[%iota3A, %broadcast_in_dim3A_2195, %select_n3A_2178] : memref<16x16x128xf32, #tpu.memory_space<vmem>>[vector<16xi32>, vector<16xi32>, vector<16xi32>], vector<16xf32>,
    tpu.vector_store_idx %arg20[%add3A_2181, %broadcast_in_dim3A_2195], %gather3A_2196 : memref<32x16xf32, #tpu.memory_space<vmem>>[vector<16xi32>, vector<16xi32>], vector<16xf32>,
    %broadcast_in_dim3A_2197 = arith.constant 5 : i32
    %broadcast_in_dim3A_2198 = vector.broadcast %broadcast_in_dim3A_2197 : i32 to vector<16xi32>
    %gather3A_2199 = tpu.vector_load_idx %arg14[%iota3A, %broadcast_in_dim3A_2198, %select_n3A_2178] : memref<16x16x128xf32, #tpu.memory_space<vmem>>[vector<16xi32>, vector<16xi32>, vector<16xi32>], vector<16xf32>,
    tpu.vector_store_idx %arg20[%add3A_2181, %broadcast_in_dim3A_2198], %gather3A_2199 : memref<32x16xf32, #tpu.memory_space<vmem>>[vector<16xi32>, vector<16xi32>], vector<16xf32>,
    %broadcast_in_dim3A_2200 = arith.constant 6 : i32
    %broadcast_in_dim3A_2201 = vector.broadcast %broadcast_in_dim3A_2200 : i32 to vector<16xi32>
    %gather3A_2202 = tpu.vector_load_idx %arg14[%iota3A, %broadcast_in_dim3A_2201, %select_n3A_2178] : memref<16x16x128xf32, #tpu.memory_space<vmem>>[vector<16xi32>, vector<16xi32>, vector<16xi32>], vector<16xf32>,
    tpu.vector_store_idx %arg20[%add3A_2181, %broadcast_in_dim3A_2201], %gather3A_2202 : memref<32x16xf32, #tpu.memory_space<vmem>>[vector<16xi32>, vector<16xi32>], vector<16xf32>,
    %broadcast_in_dim3A_2203 = arith.constant 7 : i32
    %broadcast_in_dim3A_2204 = vector.broadcast %broadcast_in_dim3A_2203 : i32 to vector<16xi32>
    %gather3A_2205 = tpu.vector_load_idx %arg14[%iota3A, %broadcast_in_dim3A_2204, %select_n3A_2178] : memref<16x16x128xf32, #tpu.memory_space<vmem>>[vector<16xi32>, vector<16xi32>, vector<16xi32>], vector<16xf32>,
    tpu.vector_store_idx %arg20[%add3A_2181, %broadcast_in_dim3A_2204], %gather3A_2205 : memref<32x16xf32, #tpu.memory_space<vmem>>[vector<16xi32>, vector<16xi32>], vector<16xf32>,
    %broadcast_in_dim3A_2206 = arith.constant 8 : i32
    %broadcast_in_dim3A_2207 = vector.broadcast %broadcast_in_dim3A_2206 : i32 to vector<16xi32>
    %gather3A_2208 = tpu.vector_load_idx %arg14[%iota3A, %broadcast_in_dim3A_2207, %select_n3A_2178] : memref<16x16x128xf32, #tpu.memory_space<vmem>>[vector<16xi32>, vector<16xi32>, vector<16xi32>], vector<16xf32>,
    tpu.vector_store_idx %arg20[%add3A_2181, %broadcast_in_dim3A_2207], %gather3A_2208 : memref<32x16xf32, #tpu.memory_space<vmem>>[vector<16xi32>, vector<16xi32>], vector<16xf32>,
    %broadcast_in_dim3A_2209 = arith.constant 9 : i32
    %broadcast_in_dim3A_2210 = vector.broadcast %broadcast_in_dim3A_2209 : i32 to vector<16xi32>
    %gather3A_2211 = tpu.vector_load_idx %arg14[%iota3A, %broadcast_in_dim3A_2210, %select_n3A_2178] : memref<16x16x128xf32, #tpu.memory_space<vmem>>[vector<16xi32>, vector<16xi32>, vector<16xi32>], vector<16xf32>,
    tpu.vector_store_idx %arg20[%add3A_2181, %broadcast_in_dim3A_2210], %gather3A_2211 : memref<32x16xf32, #tpu.memory_space<vmem>>[vector<16xi32>, vector<16xi32>], vector<16xf32>,
    %broadcast_in_dim3A_2212 = arith.constant 10 : i32
    %broadcast_in_dim3A_2213 = vector.broadcast %broadcast_in_dim3A_2212 : i32 to vector<16xi32>
    %gather3A_2214 = tpu.vector_load_idx %arg14[%iota3A, %broadcast_in_dim3A_2213, %select_n3A_2178] : memref<16x16x128xf32, #tpu.memory_space<vmem>>[vector<16xi32>, vector<16xi32>, vector<16xi32>], vector<16xf32>,
    tpu.vector_store_idx %arg20[%add3A_2181, %broadcast_in_dim3A_2213], %gather3A_2214 : memref<32x16xf32, #tpu.memory_space<vmem>>[vector<16xi32>, vector<16xi32>], vector<16xf32>,
    %broadcast_in_dim3A_2215 = arith.constant 11 : i32
    %broadcast_in_dim3A_2216 = vector.broadcast %broadcast_in_dim3A_2215 : i32 to vector<16xi32>
    %gather3A_2217 = tpu.vector_load_idx %arg14[%iota3A, %broadcast_in_dim3A_2216, %select_n3A_2178] : memref<16x16x128xf32, #tpu.memory_space<vmem>>[vector<16xi32>, vector<16xi32>, vector<16xi32>], vector<16xf32>,
    tpu.vector_store_idx %arg20[%add3A_2181, %broadcast_in_dim3A_2216], %gather3A_2217 : memref<32x16xf32, #tpu.memory_space<vmem>>[vector<16xi32>, vector<16xi32>], vector<16xf32>,
    %broadcast_in_dim3A_2218 = arith.constant 12 : i32
    %broadcast_in_dim3A_2219 = vector.broadcast %broadcast_in_dim3A_2218 : i32 to vector<16xi32>
    %gather3A_2220 = tpu.vector_load_idx %arg14[%iota3A, %broadcast_in_dim3A_2219, %select_n3A_2178] : memref<16x16x128xf32, #tpu.memory_space<vmem>>[vector<16xi32>, vector<16xi32>, vector<16xi32>], vector<16xf32>,
    tpu.vector_store_idx %arg20[%add3A_2181, %broadcast_in_dim3A_2219], %gather3A_2220 : memref<32x16xf32, #tpu.memory_space<vmem>>[vector<16xi32>, vector<16xi32>], vector<16xf32>,
    %broadcast_in_dim3A_2221 = arith.constant 13 : i32
    %broadcast_in_dim3A_2222 = vector.broadcast %broadcast_in_dim3A_2221 : i32 to vector<16xi32>
    %gather3A_2223 = tpu.vector_load_idx %arg14[%iota3A, %broadcast_in_dim3A_2222, %select_n3A_2178] : memref<16x16x128xf32, #tpu.memory_space<vmem>>[vector<16xi32>, vector<16xi32>, vector<16xi32>], vector<16xf32>,
    tpu.vector_store_idx %arg20[%add3A_2181, %broadcast_in_dim3A_2222], %gather3A_2223 : memref<32x16xf32, #tpu.memory_space<vmem>>[vector<16xi32>, vector<16xi32>], vector<16xf32>,
    %broadcast_in_dim3A_2224 = arith.constant 14 : i32
    %broadcast_in_dim3A_2225 = vector.broadcast %broadcast_in_dim3A_2224 : i32 to vector<16xi32>
    %gather3A_2226 = tpu.vector_load_idx %arg14[%iota3A, %broadcast_in_dim3A_2225, %select_n3A_2178] : memref<16x16x128xf32, #tpu.memory_space<vmem>>[vector<16xi32>, vector<16xi32>, vector<16xi32>], vector<16xf32>,
    tpu.vector_store_idx %arg20[%add3A_2181, %broadcast_in_dim3A_2225], %gather3A_2226 : memref<32x16xf32, #tpu.memory_space<vmem>>[vector<16xi32>, vector<16xi32>], vector<16xf32>,
    %broadcast_in_dim3A_2227 = arith.constant 15 : i32
    %broadcast_in_dim3A_2228 = vector.broadcast %broadcast_in_dim3A_2227 : i32 to vector<16xi32>
    %gather3A_2229 = tpu.vector_load_idx %arg14[%iota3A, %broadcast_in_dim3A_2228, %select_n3A_2178] : memref<16x16x128xf32, #tpu.memory_space<vmem>>[vector<16xi32>, vector<16xi32>, vector<16xi32>], vector<16xf32>,
    tpu.vector_store_idx %arg20[%add3A_2181, %broadcast_in_dim3A_2228], %gather3A_2229 : memref<32x16xf32, #tpu.memory_space<vmem>>[vector<16xi32>, vector<16xi32>], vector<16xf32>,
    %dma_wait3A_2230 = arith.constant 0 : i32
    %dma_wait3A_2231 = arith.constant 0 : i32
    %dma_wait3A_2232 = arith.constant 0 : i32
    %dma_wait3A_2233 = tpu.memref_slice %arg15[%dma_wait3A_2230, %dma_wait3A_2231, %dma_wait3A_2232] : memref<16x16x128xf32, #tpu.memory_space<vmem>> -> memref<1x16x128xf32, #tpu.memory_space<vmem>>
    %dma_wait3A_2234 = tpu.memref_squeeze %dma_wait3A_2233 : memref<1x16x128xf32, #tpu.memory_space<vmem>> -> memref<16x128xf32, #tpu.memory_space<vmem>>
    %dma_wait3A_2235 = arith.constant 0 : i32
    %dma_wait3A_2236 = tpu.memref_slice %arg6[%dma_wait3A_2235, %multiple_of3A_1648] : memref<16x1000000xf32, #tpu.memory_space<hbm>> -> memref<16x128xf32, #tpu.memory_space<hbm>>
    %dma_wait3A_2237 = arith.constant 0 : i32
    %dma_wait3A_2238 = arith.constant 0 : i32
    %dma_wait3A_2239 = tpu.memref_slice %arg15[%dma_wait3A_2230, %dma_wait3A_2237, %dma_wait3A_2238] : memref<16x16x128xf32, #tpu.memory_space<vmem>> -> memref<1x16x128xf32, #tpu.memory_space<vmem>>
    %dma_wait3A_2240 = tpu.memref_squeeze %dma_wait3A_2239 : memref<1x16x128xf32, #tpu.memory_space<vmem>> -> memref<16x128xf32, #tpu.memory_space<vmem>>
    %dma_wait3A_2241 = arith.constant 0 : i32
    %dma_wait3A_2242 = tpu.memref_slice %arg6[%dma_wait3A_2241, %multiple_of3A_1648] : memref<16x1000000xf32, #tpu.memory_space<hbm>> -> memref<16x128xf32, #tpu.memory_space<hbm>>
    tpu.wait_dma2 semaphore(%arg23 : memref<!tpu.dma_semaphore, #tpu.memory_space<semaphore_mem>>) src(%dma_wait3A_2242 : memref<16x128xf32, #tpu.memory_space<hbm>>) dst(%dma_wait3A_2240 : memref<16x128xf32, #tpu.memory_space<vmem>>)
    %dma_wait3A_2243 = arith.constant 1 : i32
    %dma_wait3A_2244 = arith.constant 0 : i32
    %dma_wait3A_2245 = arith.constant 0 : i32
    %dma_wait3A_2246 = tpu.memref_slice %arg15[%dma_wait3A_2243, %dma_wait3A_2244, %dma_wait3A_2245] : memref<16x16x128xf32, #tpu.memory_space<vmem>> -> memref<1x16x128xf32, #tpu.memory_space<vmem>>
    %dma_wait3A_2247 = tpu.memref_squeeze %dma_wait3A_2246 : memref<1x16x128xf32, #tpu.memory_space<vmem>> -> memref<16x128xf32, #tpu.memory_space<vmem>>
    %dma_wait3A_2248 = arith.constant 0 : i32
    %dma_wait3A_2249 = tpu.memref_slice %arg6[%dma_wait3A_2248, %multiple_of3A_1667] : memref<16x1000000xf32, #tpu.memory_space<hbm>> -> memref<16x128xf32, #tpu.memory_space<hbm>>
    %dma_wait3A_2250 = arith.constant 0 : i32
    %dma_wait3A_2251 = arith.constant 0 : i32
    %dma_wait3A_2252 = tpu.memref_slice %arg15[%dma_wait3A_2243, %dma_wait3A_2250, %dma_wait3A_2251] : memref<16x16x128xf32, #tpu.memory_space<vmem>> -> memref<1x16x128xf32, #tpu.memory_space<vmem>>
    %dma_wait3A_2253 = tpu.memref_squeeze %dma_wait3A_2252 : memref<1x16x128xf32, #tpu.memory_space<vmem>> -> memref<16x128xf32, #tpu.memory_space<vmem>>
    %dma_wait3A_2254 = arith.constant 0 : i32
    %dma_wait3A_2255 = tpu.memref_slice %arg6[%dma_wait3A_2254, %multiple_of3A_1667] : memref<16x1000000xf32, #tpu.memory_space<hbm>> -> memref<16x128xf32, #tpu.memory_space<hbm>>
    tpu.wait_dma2 semaphore(%arg23 : memref<!tpu.dma_semaphore, #tpu.memory_space<semaphore_mem>>) src(%dma_wait3A_2255 : memref<16x128xf32, #tpu.memory_space<hbm>>) dst(%dma_wait3A_2253 : memref<16x128xf32, #tpu.memory_space<vmem>>)
    %dma_wait3A_2256 = arith.constant 2 : i32
    %dma_wait3A_2257 = arith.constant 0 : i32
    %dma_wait3A_2258 = arith.constant 0 : i32
    %dma_wait3A_2259 = tpu.memref_slice %arg15[%dma_wait3A_2256, %dma_wait3A_2257, %dma_wait3A_2258] : memref<16x16x128xf32, #tpu.memory_space<vmem>> -> memref<1x16x128xf32, #tpu.memory_space<vmem>>
    %dma_wait3A_2260 = tpu.memref_squeeze %dma_wait3A_2259 : memref<1x16x128xf32, #tpu.memory_space<vmem>> -> memref<16x128xf32, #tpu.memory_space<vmem>>
    %dma_wait3A_2261 = arith.constant 0 : i32
    %dma_wait3A_2262 = tpu.memref_slice %arg6[%dma_wait3A_2261, %multiple_of3A_1686] : memref<16x1000000xf32, #tpu.memory_space<hbm>> -> memref<16x128xf32, #tpu.memory_space<hbm>>
    %dma_wait3A_2263 = arith.constant 0 : i32
    %dma_wait3A_2264 = arith.constant 0 : i32
    %dma_wait3A_2265 = tpu.memref_slice %arg15[%dma_wait3A_2256, %dma_wait3A_2263, %dma_wait3A_2264] : memref<16x16x128xf32, #tpu.memory_space<vmem>> -> memref<1x16x128xf32, #tpu.memory_space<vmem>>
    %dma_wait3A_2266 = tpu.memref_squeeze %dma_wait3A_2265 : memref<1x16x128xf32, #tpu.memory_space<vmem>> -> memref<16x128xf32, #tpu.memory_space<vmem>>
    %dma_wait3A_2267 = arith.constant 0 : i32
    %dma_wait3A_2268 = tpu.memref_slice %arg6[%dma_wait3A_2267, %multiple_of3A_1686] : memref<16x1000000xf32, #tpu.memory_space<hbm>> -> memref<16x128xf32, #tpu.memory_space<hbm>>
    tpu.wait_dma2 semaphore(%arg23 : memref<!tpu.dma_semaphore, #tpu.memory_space<semaphore_mem>>) src(%dma_wait3A_2268 : memref<16x128xf32, #tpu.memory_space<hbm>>) dst(%dma_wait3A_2266 : memref<16x128xf32, #tpu.memory_space<vmem>>)
    %dma_wait3A_2269 = arith.constant 3 : i32
    %dma_wait3A_2270 = arith.constant 0 : i32
    %dma_wait3A_2271 = arith.constant 0 : i32
    %dma_wait3A_2272 = tpu.memref_slice %arg15[%dma_wait3A_2269, %dma_wait3A_2270, %dma_wait3A_2271] : memref<16x16x128xf32, #tpu.memory_space<vmem>> -> memref<1x16x128xf32, #tpu.memory_space<vmem>>
    %dma_wait3A_2273 = tpu.memref_squeeze %dma_wait3A_2272 : memref<1x16x128xf32, #tpu.memory_space<vmem>> -> memref<16x128xf32, #tpu.memory_space<vmem>>
    %dma_wait3A_2274 = arith.constant 0 : i32
    %dma_wait3A_2275 = tpu.memref_slice %arg6[%dma_wait3A_2274, %multiple_of3A_1705] : memref<16x1000000xf32, #tpu.memory_space<hbm>> -> memref<16x128xf32, #tpu.memory_space<hbm>>
    %dma_wait3A_2276 = arith.constant 0 : i32
    %dma_wait3A_2277 = arith.constant 0 : i32
    %dma_wait3A_2278 = tpu.memref_slice %arg15[%dma_wait3A_2269, %dma_wait3A_2276, %dma_wait3A_2277] : memref<16x16x128xf32, #tpu.memory_space<vmem>> -> memref<1x16x128xf32, #tpu.memory_space<vmem>>
    %dma_wait3A_2279 = tpu.memref_squeeze %dma_wait3A_2278 : memref<1x16x128xf32, #tpu.memory_space<vmem>> -> memref<16x128xf32, #tpu.memory_space<vmem>>
    %dma_wait3A_2280 = arith.constant 0 : i32
    %dma_wait3A_2281 = tpu.memref_slice %arg6[%dma_wait3A_2280, %multiple_of3A_1705] : memref<16x1000000xf32, #tpu.memory_space<hbm>> -> memref<16x128xf32, #tpu.memory_space<hbm>>
    tpu.wait_dma2 semaphore(%arg23 : memref<!tpu.dma_semaphore, #tpu.memory_space<semaphore_mem>>) src(%dma_wait3A_2281 : memref<16x128xf32, #tpu.memory_space<hbm>>) dst(%dma_wait3A_2279 : memref<16x128xf32, #tpu.memory_space<vmem>>)
    %dma_wait3A_2282 = arith.constant 4 : i32
    %dma_wait3A_2283 = arith.constant 0 : i32
    %dma_wait3A_2284 = arith.constant 0 : i32
    %dma_wait3A_2285 = tpu.memref_slice %arg15[%dma_wait3A_2282, %dma_wait3A_2283, %dma_wait3A_2284] : memref<16x16x128xf32, #tpu.memory_space<vmem>> -> memref<1x16x128xf32, #tpu.memory_space<vmem>>
    %dma_wait3A_2286 = tpu.memref_squeeze %dma_wait3A_2285 : memref<1x16x128xf32, #tpu.memory_space<vmem>> -> memref<16x128xf32, #tpu.memory_space<vmem>>
    %dma_wait3A_2287 = arith.constant 0 : i32
    %dma_wait3A_2288 = tpu.memref_slice %arg6[%dma_wait3A_2287, %multiple_of3A_1724] : memref<16x1000000xf32, #tpu.memory_space<hbm>> -> memref<16x128xf32, #tpu.memory_space<hbm>>
    %dma_wait3A_2289 = arith.constant 0 : i32
    %dma_wait3A_2290 = arith.constant 0 : i32
    %dma_wait3A_2291 = tpu.memref_slice %arg15[%dma_wait3A_2282, %dma_wait3A_2289, %dma_wait3A_2290] : memref<16x16x128xf32, #tpu.memory_space<vmem>> -> memref<1x16x128xf32, #tpu.memory_space<vmem>>
    %dma_wait3A_2292 = tpu.memref_squeeze %dma_wait3A_2291 : memref<1x16x128xf32, #tpu.memory_space<vmem>> -> memref<16x128xf32, #tpu.memory_space<vmem>>
    %dma_wait3A_2293 = arith.constant 0 : i32
    %dma_wait3A_2294 = tpu.memref_slice %arg6[%dma_wait3A_2293, %multiple_of3A_1724] : memref<16x1000000xf32, #tpu.memory_space<hbm>> -> memref<16x128xf32, #tpu.memory_space<hbm>>
    tpu.wait_dma2 semaphore(%arg23 : memref<!tpu.dma_semaphore, #tpu.memory_space<semaphore_mem>>) src(%dma_wait3A_2294 : memref<16x128xf32, #tpu.memory_space<hbm>>) dst(%dma_wait3A_2292 : memref<16x128xf32, #tpu.memory_space<vmem>>)
    %dma_wait3A_2295 = arith.constant 5 : i32
    %dma_wait3A_2296 = arith.constant 0 : i32
    %dma_wait3A_2297 = arith.constant 0 : i32
    %dma_wait3A_2298 = tpu.memref_slice %arg15[%dma_wait3A_2295, %dma_wait3A_2296, %dma_wait3A_2297] : memref<16x16x128xf32, #tpu.memory_space<vmem>> -> memref<1x16x128xf32, #tpu.memory_space<vmem>>
    %dma_wait3A_2299 = tpu.memref_squeeze %dma_wait3A_2298 : memref<1x16x128xf32, #tpu.memory_space<vmem>> -> memref<16x128xf32, #tpu.memory_space<vmem>>
    %dma_wait3A_2300 = arith.constant 0 : i32
    %dma_wait3A_2301 = tpu.memref_slice %arg6[%dma_wait3A_2300, %multiple_of3A_1743] : memref<16x1000000xf32, #tpu.memory_space<hbm>> -> memref<16x128xf32, #tpu.memory_space<hbm>>
    %dma_wait3A_2302 = arith.constant 0 : i32
    %dma_wait3A_2303 = arith.constant 0 : i32
    %dma_wait3A_2304 = tpu.memref_slice %arg15[%dma_wait3A_2295, %dma_wait3A_2302, %dma_wait3A_2303] : memref<16x16x128xf32, #tpu.memory_space<vmem>> -> memref<1x16x128xf32, #tpu.memory_space<vmem>>
    %dma_wait3A_2305 = tpu.memref_squeeze %dma_wait3A_2304 : memref<1x16x128xf32, #tpu.memory_space<vmem>> -> memref<16x128xf32, #tpu.memory_space<vmem>>
    %dma_wait3A_2306 = arith.constant 0 : i32
    %dma_wait3A_2307 = tpu.memref_slice %arg6[%dma_wait3A_2306, %multiple_of3A_1743] : memref<16x1000000xf32, #tpu.memory_space<hbm>> -> memref<16x128xf32, #tpu.memory_space<hbm>>
    tpu.wait_dma2 semaphore(%arg23 : memref<!tpu.dma_semaphore, #tpu.memory_space<semaphore_mem>>) src(%dma_wait3A_2307 : memref<16x128xf32, #tpu.memory_space<hbm>>) dst(%dma_wait3A_2305 : memref<16x128xf32, #tpu.memory_space<vmem>>)
    %dma_wait3A_2308 = arith.constant 6 : i32
    %dma_wait3A_2309 = arith.constant 0 : i32
    %dma_wait3A_2310 = arith.constant 0 : i32
    %dma_wait3A_2311 = tpu.memref_slice %arg15[%dma_wait3A_2308, %dma_wait3A_2309, %dma_wait3A_2310] : memref<16x16x128xf32, #tpu.memory_space<vmem>> -> memref<1x16x128xf32, #tpu.memory_space<vmem>>
    %dma_wait3A_2312 = tpu.memref_squeeze %dma_wait3A_2311 : memref<1x16x128xf32, #tpu.memory_space<vmem>> -> memref<16x128xf32, #tpu.memory_space<vmem>>
    %dma_wait3A_2313 = arith.constant 0 : i32
    %dma_wait3A_2314 = tpu.memref_slice %arg6[%dma_wait3A_2313, %multiple_of3A_1762] : memref<16x1000000xf32, #tpu.memory_space<hbm>> -> memref<16x128xf32, #tpu.memory_space<hbm>>
    %dma_wait3A_2315 = arith.constant 0 : i32
    %dma_wait3A_2316 = arith.constant 0 : i32
    %dma_wait3A_2317 = tpu.memref_slice %arg15[%dma_wait3A_2308, %dma_wait3A_2315, %dma_wait3A_2316] : memref<16x16x128xf32, #tpu.memory_space<vmem>> -> memref<1x16x128xf32, #tpu.memory_space<vmem>>
    %dma_wait3A_2318 = tpu.memref_squeeze %dma_wait3A_2317 : memref<1x16x128xf32, #tpu.memory_space<vmem>> -> memref<16x128xf32, #tpu.memory_space<vmem>>
    %dma_wait3A_2319 = arith.constant 0 : i32
    %dma_wait3A_2320 = tpu.memref_slice %arg6[%dma_wait3A_2319, %multiple_of3A_1762] : memref<16x1000000xf32, #tpu.memory_space<hbm>> -> memref<16x128xf32, #tpu.memory_space<hbm>>
    tpu.wait_dma2 semaphore(%arg23 : memref<!tpu.dma_semaphore, #tpu.memory_space<semaphore_mem>>) src(%dma_wait3A_2320 : memref<16x128xf32, #tpu.memory_space<hbm>>) dst(%dma_wait3A_2318 : memref<16x128xf32, #tpu.memory_space<vmem>>)
    %dma_wait3A_2321 = arith.constant 7 : i32
    %dma_wait3A_2322 = arith.constant 0 : i32
    %dma_wait3A_2323 = arith.constant 0 : i32
    %dma_wait3A_2324 = tpu.memref_slice %arg15[%dma_wait3A_2321, %dma_wait3A_2322, %dma_wait3A_2323] : memref<16x16x128xf32, #tpu.memory_space<vmem>> -> memref<1x16x128xf32, #tpu.memory_space<vmem>>
    %dma_wait3A_2325 = tpu.memref_squeeze %dma_wait3A_2324 : memref<1x16x128xf32, #tpu.memory_space<vmem>> -> memref<16x128xf32, #tpu.memory_space<vmem>>
    %dma_wait3A_2326 = arith.constant 0 : i32
    %dma_wait3A_2327 = tpu.memref_slice %arg6[%dma_wait3A_2326, %multiple_of3A_1781] : memref<16x1000000xf32, #tpu.memory_space<hbm>> -> memref<16x128xf32, #tpu.memory_space<hbm>>
    %dma_wait3A_2328 = arith.constant 0 : i32
    %dma_wait3A_2329 = arith.constant 0 : i32
    %dma_wait3A_2330 = tpu.memref_slice %arg15[%dma_wait3A_2321, %dma_wait3A_2328, %dma_wait3A_2329] : memref<16x16x128xf32, #tpu.memory_space<vmem>> -> memref<1x16x128xf32, #tpu.memory_space<vmem>>
    %dma_wait3A_2331 = tpu.memref_squeeze %dma_wait3A_2330 : memref<1x16x128xf32, #tpu.memory_space<vmem>> -> memref<16x128xf32, #tpu.memory_space<vmem>>
    %dma_wait3A_2332 = arith.constant 0 : i32
    %dma_wait3A_2333 = tpu.memref_slice %arg6[%dma_wait3A_2332, %multiple_of3A_1781] : memref<16x1000000xf32, #tpu.memory_space<hbm>> -> memref<16x128xf32, #tpu.memory_space<hbm>>
    tpu.wait_dma2 semaphore(%arg23 : memref<!tpu.dma_semaphore, #tpu.memory_space<semaphore_mem>>) src(%dma_wait3A_2333 : memref<16x128xf32, #tpu.memory_space<hbm>>) dst(%dma_wait3A_2331 : memref<16x128xf32, #tpu.memory_space<vmem>>)
    %dma_wait3A_2334 = arith.constant 8 : i32
    %dma_wait3A_2335 = arith.constant 0 : i32
    %dma_wait3A_2336 = arith.constant 0 : i32
    %dma_wait3A_2337 = tpu.memref_slice %arg15[%dma_wait3A_2334, %dma_wait3A_2335, %dma_wait3A_2336] : memref<16x16x128xf32, #tpu.memory_space<vmem>> -> memref<1x16x128xf32, #tpu.memory_space<vmem>>
    %dma_wait3A_2338 = tpu.memref_squeeze %dma_wait3A_2337 : memref<1x16x128xf32, #tpu.memory_space<vmem>> -> memref<16x128xf32, #tpu.memory_space<vmem>>
    %dma_wait3A_2339 = arith.constant 0 : i32
    %dma_wait3A_2340 = tpu.memref_slice %arg6[%dma_wait3A_2339, %multiple_of3A_1800] : memref<16x1000000xf32, #tpu.memory_space<hbm>> -> memref<16x128xf32, #tpu.memory_space<hbm>>
    %dma_wait3A_2341 = arith.constant 0 : i32
    %dma_wait3A_2342 = arith.constant 0 : i32
    %dma_wait3A_2343 = tpu.memref_slice %arg15[%dma_wait3A_2334, %dma_wait3A_2341, %dma_wait3A_2342] : memref<16x16x128xf32, #tpu.memory_space<vmem>> -> memref<1x16x128xf32, #tpu.memory_space<vmem>>
    %dma_wait3A_2344 = tpu.memref_squeeze %dma_wait3A_2343 : memref<1x16x128xf32, #tpu.memory_space<vmem>> -> memref<16x128xf32, #tpu.memory_space<vmem>>
    %dma_wait3A_2345 = arith.constant 0 : i32
    %dma_wait3A_2346 = tpu.memref_slice %arg6[%dma_wait3A_2345, %multiple_of3A_1800] : memref<16x1000000xf32, #tpu.memory_space<hbm>> -> memref<16x128xf32, #tpu.memory_space<hbm>>
    tpu.wait_dma2 semaphore(%arg23 : memref<!tpu.dma_semaphore, #tpu.memory_space<semaphore_mem>>) src(%dma_wait3A_2346 : memref<16x128xf32, #tpu.memory_space<hbm>>) dst(%dma_wait3A_2344 : memref<16x128xf32, #tpu.memory_space<vmem>>)
    %dma_wait3A_2347 = arith.constant 9 : i32
    %dma_wait3A_2348 = arith.constant 0 : i32
    %dma_wait3A_2349 = arith.constant 0 : i32
    %dma_wait3A_2350 = tpu.memref_slice %arg15[%dma_wait3A_2347, %dma_wait3A_2348, %dma_wait3A_2349] : memref<16x16x128xf32, #tpu.memory_space<vmem>> -> memref<1x16x128xf32, #tpu.memory_space<vmem>>
    %dma_wait3A_2351 = tpu.memref_squeeze %dma_wait3A_2350 : memref<1x16x128xf32, #tpu.memory_space<vmem>> -> memref<16x128xf32, #tpu.memory_space<vmem>>
    %dma_wait3A_2352 = arith.constant 0 : i32
    %dma_wait3A_2353 = tpu.memref_slice %arg6[%dma_wait3A_2352, %multiple_of3A_1819] : memref<16x1000000xf32, #tpu.memory_space<hbm>> -> memref<16x128xf32, #tpu.memory_space<hbm>>
    %dma_wait3A_2354 = arith.constant 0 : i32
    %dma_wait3A_2355 = arith.constant 0 : i32
    %dma_wait3A_2356 = tpu.memref_slice %arg15[%dma_wait3A_2347, %dma_wait3A_2354, %dma_wait3A_2355] : memref<16x16x128xf32, #tpu.memory_space<vmem>> -> memref<1x16x128xf32, #tpu.memory_space<vmem>>
    %dma_wait3A_2357 = tpu.memref_squeeze %dma_wait3A_2356 : memref<1x16x128xf32, #tpu.memory_space<vmem>> -> memref<16x128xf32, #tpu.memory_space<vmem>>
    %dma_wait3A_2358 = arith.constant 0 : i32
    %dma_wait3A_2359 = tpu.memref_slice %arg6[%dma_wait3A_2358, %multiple_of3A_1819] : memref<16x1000000xf32, #tpu.memory_space<hbm>> -> memref<16x128xf32, #tpu.memory_space<hbm>>
    tpu.wait_dma2 semaphore(%arg23 : memref<!tpu.dma_semaphore, #tpu.memory_space<semaphore_mem>>) src(%dma_wait3A_2359 : memref<16x128xf32, #tpu.memory_space<hbm>>) dst(%dma_wait3A_2357 : memref<16x128xf32, #tpu.memory_space<vmem>>)
    %dma_wait3A_2360 = arith.constant 10 : i32
    %dma_wait3A_2361 = arith.constant 0 : i32
    %dma_wait3A_2362 = arith.constant 0 : i32
    %dma_wait3A_2363 = tpu.memref_slice %arg15[%dma_wait3A_2360, %dma_wait3A_2361, %dma_wait3A_2362] : memref<16x16x128xf32, #tpu.memory_space<vmem>> -> memref<1x16x128xf32, #tpu.memory_space<vmem>>
    %dma_wait3A_2364 = tpu.memref_squeeze %dma_wait3A_2363 : memref<1x16x128xf32, #tpu.memory_space<vmem>> -> memref<16x128xf32, #tpu.memory_space<vmem>>
    %dma_wait3A_2365 = arith.constant 0 : i32
    %dma_wait3A_2366 = tpu.memref_slice %arg6[%dma_wait3A_2365, %multiple_of3A_1838] : memref<16x1000000xf32, #tpu.memory_space<hbm>> -> memref<16x128xf32, #tpu.memory_space<hbm>>
    %dma_wait3A_2367 = arith.constant 0 : i32
    %dma_wait3A_2368 = arith.constant 0 : i32
    %dma_wait3A_2369 = tpu.memref_slice %arg15[%dma_wait3A_2360, %dma_wait3A_2367, %dma_wait3A_2368] : memref<16x16x128xf32, #tpu.memory_space<vmem>> -> memref<1x16x128xf32, #tpu.memory_space<vmem>>
    %dma_wait3A_2370 = tpu.memref_squeeze %dma_wait3A_2369 : memref<1x16x128xf32, #tpu.memory_space<vmem>> -> memref<16x128xf32, #tpu.memory_space<vmem>>
    %dma_wait3A_2371 = arith.constant 0 : i32
    %dma_wait3A_2372 = tpu.memref_slice %arg6[%dma_wait3A_2371, %multiple_of3A_1838] : memref<16x1000000xf32, #tpu.memory_space<hbm>> -> memref<16x128xf32, #tpu.memory_space<hbm>>
    tpu.wait_dma2 semaphore(%arg23 : memref<!tpu.dma_semaphore, #tpu.memory_space<semaphore_mem>>) src(%dma_wait3A_2372 : memref<16x128xf32, #tpu.memory_space<hbm>>) dst(%dma_wait3A_2370 : memref<16x128xf32, #tpu.memory_space<vmem>>)
    %dma_wait3A_2373 = arith.constant 11 : i32
    %dma_wait3A_2374 = arith.constant 0 : i32
    %dma_wait3A_2375 = arith.constant 0 : i32
    %dma_wait3A_2376 = tpu.memref_slice %arg15[%dma_wait3A_2373, %dma_wait3A_2374, %dma_wait3A_2375] : memref<16x16x128xf32, #tpu.memory_space<vmem>> -> memref<1x16x128xf32, #tpu.memory_space<vmem>>
    %dma_wait3A_2377 = tpu.memref_squeeze %dma_wait3A_2376 : memref<1x16x128xf32, #tpu.memory_space<vmem>> -> memref<16x128xf32, #tpu.memory_space<vmem>>
    %dma_wait3A_2378 = arith.constant 0 : i32
    %dma_wait3A_2379 = tpu.memref_slice %arg6[%dma_wait3A_2378, %multiple_of3A_1857] : memref<16x1000000xf32, #tpu.memory_space<hbm>> -> memref<16x128xf32, #tpu.memory_space<hbm>>
    %dma_wait3A_2380 = arith.constant 0 : i32
    %dma_wait3A_2381 = arith.constant 0 : i32
    %dma_wait3A_2382 = tpu.memref_slice %arg15[%dma_wait3A_2373, %dma_wait3A_2380, %dma_wait3A_2381] : memref<16x16x128xf32, #tpu.memory_space<vmem>> -> memref<1x16x128xf32, #tpu.memory_space<vmem>>
    %dma_wait3A_2383 = tpu.memref_squeeze %dma_wait3A_2382 : memref<1x16x128xf32, #tpu.memory_space<vmem>> -> memref<16x128xf32, #tpu.memory_space<vmem>>
    %dma_wait3A_2384 = arith.constant 0 : i32
    %dma_wait3A_2385 = tpu.memref_slice %arg6[%dma_wait3A_2384, %multiple_of3A_1857] : memref<16x1000000xf32, #tpu.memory_space<hbm>> -> memref<16x128xf32, #tpu.memory_space<hbm>>
    tpu.wait_dma2 semaphore(%arg23 : memref<!tpu.dma_semaphore, #tpu.memory_space<semaphore_mem>>) src(%dma_wait3A_2385 : memref<16x128xf32, #tpu.memory_space<hbm>>) dst(%dma_wait3A_2383 : memref<16x128xf32, #tpu.memory_space<vmem>>)
    %dma_wait3A_2386 = arith.constant 12 : i32
    %dma_wait3A_2387 = arith.constant 0 : i32
    %dma_wait3A_2388 = arith.constant 0 : i32
    %dma_wait3A_2389 = tpu.memref_slice %arg15[%dma_wait3A_2386, %dma_wait3A_2387, %dma_wait3A_2388] : memref<16x16x128xf32, #tpu.memory_space<vmem>> -> memref<1x16x128xf32, #tpu.memory_space<vmem>>
    %dma_wait3A_2390 = tpu.memref_squeeze %dma_wait3A_2389 : memref<1x16x128xf32, #tpu.memory_space<vmem>> -> memref<16x128xf32, #tpu.memory_space<vmem>>
    %dma_wait3A_2391 = arith.constant 0 : i32
    %dma_wait3A_2392 = tpu.memref_slice %arg6[%dma_wait3A_2391, %multiple_of3A_1876] : memref<16x1000000xf32, #tpu.memory_space<hbm>> -> memref<16x128xf32, #tpu.memory_space<hbm>>
    %dma_wait3A_2393 = arith.constant 0 : i32
    %dma_wait3A_2394 = arith.constant 0 : i32
    %dma_wait3A_2395 = tpu.memref_slice %arg15[%dma_wait3A_2386, %dma_wait3A_2393, %dma_wait3A_2394] : memref<16x16x128xf32, #tpu.memory_space<vmem>> -> memref<1x16x128xf32, #tpu.memory_space<vmem>>
    %dma_wait3A_2396 = tpu.memref_squeeze %dma_wait3A_2395 : memref<1x16x128xf32, #tpu.memory_space<vmem>> -> memref<16x128xf32, #tpu.memory_space<vmem>>
    %dma_wait3A_2397 = arith.constant 0 : i32
    %dma_wait3A_2398 = tpu.memref_slice %arg6[%dma_wait3A_2397, %multiple_of3A_1876] : memref<16x1000000xf32, #tpu.memory_space<hbm>> -> memref<16x128xf32, #tpu.memory_space<hbm>>
    tpu.wait_dma2 semaphore(%arg23 : memref<!tpu.dma_semaphore, #tpu.memory_space<semaphore_mem>>) src(%dma_wait3A_2398 : memref<16x128xf32, #tpu.memory_space<hbm>>) dst(%dma_wait3A_2396 : memref<16x128xf32, #tpu.memory_space<vmem>>)
    %dma_wait3A_2399 = arith.constant 13 : i32
    %dma_wait3A_2400 = arith.constant 0 : i32
    %dma_wait3A_2401 = arith.constant 0 : i32
    %dma_wait3A_2402 = tpu.memref_slice %arg15[%dma_wait3A_2399, %dma_wait3A_2400, %dma_wait3A_2401] : memref<16x16x128xf32, #tpu.memory_space<vmem>> -> memref<1x16x128xf32, #tpu.memory_space<vmem>>
    %dma_wait3A_2403 = tpu.memref_squeeze %dma_wait3A_2402 : memref<1x16x128xf32, #tpu.memory_space<vmem>> -> memref<16x128xf32, #tpu.memory_space<vmem>>
    %dma_wait3A_2404 = arith.constant 0 : i32
    %dma_wait3A_2405 = tpu.memref_slice %arg6[%dma_wait3A_2404, %multiple_of3A_1895] : memref<16x1000000xf32, #tpu.memory_space<hbm>> -> memref<16x128xf32, #tpu.memory_space<hbm>>
    %dma_wait3A_2406 = arith.constant 0 : i32
    %dma_wait3A_2407 = arith.constant 0 : i32
    %dma_wait3A_2408 = tpu.memref_slice %arg15[%dma_wait3A_2399, %dma_wait3A_2406, %dma_wait3A_2407] : memref<16x16x128xf32, #tpu.memory_space<vmem>> -> memref<1x16x128xf32, #tpu.memory_space<vmem>>
    %dma_wait3A_2409 = tpu.memref_squeeze %dma_wait3A_2408 : memref<1x16x128xf32, #tpu.memory_space<vmem>> -> memref<16x128xf32, #tpu.memory_space<vmem>>
    %dma_wait3A_2410 = arith.constant 0 : i32
    %dma_wait3A_2411 = tpu.memref_slice %arg6[%dma_wait3A_2410, %multiple_of3A_1895] : memref<16x1000000xf32, #tpu.memory_space<hbm>> -> memref<16x128xf32, #tpu.memory_space<hbm>>
    tpu.wait_dma2 semaphore(%arg23 : memref<!tpu.dma_semaphore, #tpu.memory_space<semaphore_mem>>) src(%dma_wait3A_2411 : memref<16x128xf32, #tpu.memory_space<hbm>>) dst(%dma_wait3A_2409 : memref<16x128xf32, #tpu.memory_space<vmem>>)
    %dma_wait3A_2412 = arith.constant 14 : i32
    %dma_wait3A_2413 = arith.constant 0 : i32
    %dma_wait3A_2414 = arith.constant 0 : i32
    %dma_wait3A_2415 = tpu.memref_slice %arg15[%dma_wait3A_2412, %dma_wait3A_2413, %dma_wait3A_2414] : memref<16x16x128xf32, #tpu.memory_space<vmem>> -> memref<1x16x128xf32, #tpu.memory_space<vmem>>
    %dma_wait3A_2416 = tpu.memref_squeeze %dma_wait3A_2415 : memref<1x16x128xf32, #tpu.memory_space<vmem>> -> memref<16x128xf32, #tpu.memory_space<vmem>>
    %dma_wait3A_2417 = arith.constant 0 : i32
    %dma_wait3A_2418 = tpu.memref_slice %arg6[%dma_wait3A_2417, %multiple_of3A_1914] : memref<16x1000000xf32, #tpu.memory_space<hbm>> -> memref<16x128xf32, #tpu.memory_space<hbm>>
    %dma_wait3A_2419 = arith.constant 0 : i32
    %dma_wait3A_2420 = arith.constant 0 : i32
    %dma_wait3A_2421 = tpu.memref_slice %arg15[%dma_wait3A_2412, %dma_wait3A_2419, %dma_wait3A_2420] : memref<16x16x128xf32, #tpu.memory_space<vmem>> -> memref<1x16x128xf32, #tpu.memory_space<vmem>>
    %dma_wait3A_2422 = tpu.memref_squeeze %dma_wait3A_2421 : memref<1x16x128xf32, #tpu.memory_space<vmem>> -> memref<16x128xf32, #tpu.memory_space<vmem>>
    %dma_wait3A_2423 = arith.constant 0 : i32
    %dma_wait3A_2424 = tpu.memref_slice %arg6[%dma_wait3A_2423, %multiple_of3A_1914] : memref<16x1000000xf32, #tpu.memory_space<hbm>> -> memref<16x128xf32, #tpu.memory_space<hbm>>
    tpu.wait_dma2 semaphore(%arg23 : memref<!tpu.dma_semaphore, #tpu.memory_space<semaphore_mem>>) src(%dma_wait3A_2424 : memref<16x128xf32, #tpu.memory_space<hbm>>) dst(%dma_wait3A_2422 : memref<16x128xf32, #tpu.memory_space<vmem>>)
    %dma_wait3A_2425 = arith.constant 15 : i32
    %dma_wait3A_2426 = arith.constant 0 : i32
    %dma_wait3A_2427 = arith.constant 0 : i32
    %dma_wait3A_2428 = tpu.memref_slice %arg15[%dma_wait3A_2425, %dma_wait3A_2426, %dma_wait3A_2427] : memref<16x16x128xf32, #tpu.memory_space<vmem>> -> memref<1x16x128xf32, #tpu.memory_space<vmem>>
    %dma_wait3A_2429 = tpu.memref_squeeze %dma_wait3A_2428 : memref<1x16x128xf32, #tpu.memory_space<vmem>> -> memref<16x128xf32, #tpu.memory_space<vmem>>
    %dma_wait3A_2430 = arith.constant 0 : i32
    %dma_wait3A_2431 = tpu.memref_slice %arg6[%dma_wait3A_2430, %multiple_of3A_1933] : memref<16x1000000xf32, #tpu.memory_space<hbm>> -> memref<16x128xf32, #tpu.memory_space<hbm>>
    %dma_wait3A_2432 = arith.constant 0 : i32
    %dma_wait3A_2433 = arith.constant 0 : i32
    %dma_wait3A_2434 = tpu.memref_slice %arg15[%dma_wait3A_2425, %dma_wait3A_2432, %dma_wait3A_2433] : memref<16x16x128xf32, #tpu.memory_space<vmem>> -> memref<1x16x128xf32, #tpu.memory_space<vmem>>
    %dma_wait3A_2435 = tpu.memref_squeeze %dma_wait3A_2434 : memref<1x16x128xf32, #tpu.memory_space<vmem>> -> memref<16x128xf32, #tpu.memory_space<vmem>>
    %dma_wait3A_2436 = arith.constant 0 : i32
    %dma_wait3A_2437 = tpu.memref_slice %arg6[%dma_wait3A_2436, %multiple_of3A_1933] : memref<16x1000000xf32, #tpu.memory_space<hbm>> -> memref<16x128xf32, #tpu.memory_space<hbm>>
    tpu.wait_dma2 semaphore(%arg23 : memref<!tpu.dma_semaphore, #tpu.memory_space<semaphore_mem>>) src(%dma_wait3A_2437 : memref<16x128xf32, #tpu.memory_space<hbm>>) dst(%dma_wait3A_2435 : memref<16x128xf32, #tpu.memory_space<vmem>>)
    %get3A_2438 = arith.constant 16 : index
    %get3A_2439 = tpu.vector_load %arg12[%get3A_2438] {strides = array<i32>} : memref<32xi32, #tpu.memory_space<vmem>>, vector<16xi32>,
    %jit3A_2440 = arith.constant 128 : i32
    %eq3A_2441 = arith.constant 0 : i32
    %eq3A_2442 = arith.cmpi eq, %jit3A_2440, %eq3A_2441 : i32
    %jit3A_2443 = arith.constant 1 : i32
    %select_n3A_2444 = arith.select %eq3A_2442, %jit3A_2443, %jit3A_2440 : i32
    %rem3A_2445 = vector.broadcast %select_n3A_2444 : i32 to vector<16xi32>
    %rem3A_2446 = arith.remsi %get3A_2439, %rem3A_2445 : vector<16xi32>
    %ne3A_2447 = arith.constant 0 : i32
    %ne3A_2448 = vector.broadcast %ne3A_2447 : i32 to vector<16xi32>
    %ne3A_2449 = arith.cmpi ne, %rem3A_2446, %ne3A_2448 : vector<16xi32>
    %lt3A_2450 = arith.constant 0 : i32
    %lt3A_2451 = vector.broadcast %lt3A_2450 : i32 to vector<16xi32>
    %lt3A_2452 = arith.cmpi slt, %rem3A_2446, %lt3A_2451 : vector<16xi32>
    %lt3A_2453 = arith.constant 0 : i32
    %lt3A_2454 = arith.cmpi slt, %select_n3A_2444, %lt3A_2453 : i32
    %ne3A_2455 = vector.broadcast %lt3A_2454 : i1 to vector<16xi1>
    %ne3A_2456 = vector.broadcast %ne3A_2455 : vector<16xi1> to vector<16xi1>
    %ne3A_2457 = arith.xori %lt3A_2452, %ne3A_2456 : vector<16xi1>
    %and3A_2458 = arith.andi %ne3A_2457, %ne3A_2449 : vector<16xi1>
    %add3A_2459 = vector.broadcast %select_n3A_2444 : i32 to vector<16xi32>
    %add3A_2460 = arith.addi %rem3A_2446, %add3A_2459 : vector<16xi32>
    %select_n3A_2461 = arith.select %and3A_2458, %add3A_2460, %rem3A_2446 : vector<16xi1>, vector<16xi32>
    %add3A_2462 = arith.constant 16 : i32
    %add3A_2463 = vector.broadcast %add3A_2462 : i32 to vector<16xi32>
    %add3A_2464 = arith.addi %iota3A, %add3A_2463 : vector<16xi32>
    %broadcast_in_dim3A_2465 = arith.constant 0 : i32
    %broadcast_in_dim3A_2466 = vector.broadcast %broadcast_in_dim3A_2465 : i32 to vector<16xi32>
    %gather3A_2467 = tpu.vector_load_idx %arg15[%iota3A, %broadcast_in_dim3A_2466, %select_n3A_2461] : memref<16x16x128xf32, #tpu.memory_space<vmem>>[vector<16xi32>, vector<16xi32>, vector<16xi32>], vector<16xf32>,
    tpu.vector_store_idx %arg20[%add3A_2464, %broadcast_in_dim3A_2466], %gather3A_2467 : memref<32x16xf32, #tpu.memory_space<vmem>>[vector<16xi32>, vector<16xi32>], vector<16xf32>,
    %broadcast_in_dim3A_2468 = arith.constant 1 : i32
    %broadcast_in_dim3A_2469 = vector.broadcast %broadcast_in_dim3A_2468 : i32 to vector<16xi32>
    %gather3A_2470 = tpu.vector_load_idx %arg15[%iota3A, %broadcast_in_dim3A_2469, %select_n3A_2461] : memref<16x16x128xf32, #tpu.memory_space<vmem>>[vector<16xi32>, vector<16xi32>, vector<16xi32>], vector<16xf32>,
    tpu.vector_store_idx %arg20[%add3A_2464, %broadcast_in_dim3A_2469], %gather3A_2470 : memref<32x16xf32, #tpu.memory_space<vmem>>[vector<16xi32>, vector<16xi32>], vector<16xf32>,
    %broadcast_in_dim3A_2471 = arith.constant 2 : i32
    %broadcast_in_dim3A_2472 = vector.broadcast %broadcast_in_dim3A_2471 : i32 to vector<16xi32>
    %gather3A_2473 = tpu.vector_load_idx %arg15[%iota3A, %broadcast_in_dim3A_2472, %select_n3A_2461] : memref<16x16x128xf32, #tpu.memory_space<vmem>>[vector<16xi32>, vector<16xi32>, vector<16xi32>], vector<16xf32>,
    tpu.vector_store_idx %arg20[%add3A_2464, %broadcast_in_dim3A_2472], %gather3A_2473 : memref<32x16xf32, #tpu.memory_space<vmem>>[vector<16xi32>, vector<16xi32>], vector<16xf32>,
    %broadcast_in_dim3A_2474 = arith.constant 3 : i32
    %broadcast_in_dim3A_2475 = vector.broadcast %broadcast_in_dim3A_2474 : i32 to vector<16xi32>
    %gather3A_2476 = tpu.vector_load_idx %arg15[%iota3A, %broadcast_in_dim3A_2475, %select_n3A_2461] : memref<16x16x128xf32, #tpu.memory_space<vmem>>[vector<16xi32>, vector<16xi32>, vector<16xi32>], vector<16xf32>,
    tpu.vector_store_idx %arg20[%add3A_2464, %broadcast_in_dim3A_2475], %gather3A_2476 : memref<32x16xf32, #tpu.memory_space<vmem>>[vector<16xi32>, vector<16xi32>], vector<16xf32>,
    %broadcast_in_dim3A_2477 = arith.constant 4 : i32
    %broadcast_in_dim3A_2478 = vector.broadcast %broadcast_in_dim3A_2477 : i32 to vector<16xi32>
    %gather3A_2479 = tpu.vector_load_idx %arg15[%iota3A, %broadcast_in_dim3A_2478, %select_n3A_2461] : memref<16x16x128xf32, #tpu.memory_space<vmem>>[vector<16xi32>, vector<16xi32>, vector<16xi32>], vector<16xf32>,
    tpu.vector_store_idx %arg20[%add3A_2464, %broadcast_in_dim3A_2478], %gather3A_2479 : memref<32x16xf32, #tpu.memory_space<vmem>>[vector<16xi32>, vector<16xi32>], vector<16xf32>,
    %broadcast_in_dim3A_2480 = arith.constant 5 : i32
    %broadcast_in_dim3A_2481 = vector.broadcast %broadcast_in_dim3A_2480 : i32 to vector<16xi32>
    %gather3A_2482 = tpu.vector_load_idx %arg15[%iota3A, %broadcast_in_dim3A_2481, %select_n3A_2461] : memref<16x16x128xf32, #tpu.memory_space<vmem>>[vector<16xi32>, vector<16xi32>, vector<16xi32>], vector<16xf32>,
    tpu.vector_store_idx %arg20[%add3A_2464, %broadcast_in_dim3A_2481], %gather3A_2482 : memref<32x16xf32, #tpu.memory_space<vmem>>[vector<16xi32>, vector<16xi32>], vector<16xf32>,
    %broadcast_in_dim3A_2483 = arith.constant 6 : i32
    %broadcast_in_dim3A_2484 = vector.broadcast %broadcast_in_dim3A_2483 : i32 to vector<16xi32>
    %gather3A_2485 = tpu.vector_load_idx %arg15[%iota3A, %broadcast_in_dim3A_2484, %select_n3A_2461] : memref<16x16x128xf32, #tpu.memory_space<vmem>>[vector<16xi32>, vector<16xi32>, vector<16xi32>], vector<16xf32>,
    tpu.vector_store_idx %arg20[%add3A_2464, %broadcast_in_dim3A_2484], %gather3A_2485 : memref<32x16xf32, #tpu.memory_space<vmem>>[vector<16xi32>, vector<16xi32>], vector<16xf32>,
    %broadcast_in_dim3A_2486 = arith.constant 7 : i32
    %broadcast_in_dim3A_2487 = vector.broadcast %broadcast_in_dim3A_2486 : i32 to vector<16xi32>
    %gather3A_2488 = tpu.vector_load_idx %arg15[%iota3A, %broadcast_in_dim3A_2487, %select_n3A_2461] : memref<16x16x128xf32, #tpu.memory_space<vmem>>[vector<16xi32>, vector<16xi32>, vector<16xi32>], vector<16xf32>,
    tpu.vector_store_idx %arg20[%add3A_2464, %broadcast_in_dim3A_2487], %gather3A_2488 : memref<32x16xf32, #tpu.memory_space<vmem>>[vector<16xi32>, vector<16xi32>], vector<16xf32>,
    %broadcast_in_dim3A_2489 = arith.constant 8 : i32
    %broadcast_in_dim3A_2490 = vector.broadcast %broadcast_in_dim3A_2489 : i32 to vector<16xi32>
    %gather3A_2491 = tpu.vector_load_idx %arg15[%iota3A, %broadcast_in_dim3A_2490, %select_n3A_2461] : memref<16x16x128xf32, #tpu.memory_space<vmem>>[vector<16xi32>, vector<16xi32>, vector<16xi32>], vector<16xf32>,
    tpu.vector_store_idx %arg20[%add3A_2464, %broadcast_in_dim3A_2490], %gather3A_2491 : memref<32x16xf32, #tpu.memory_space<vmem>>[vector<16xi32>, vector<16xi32>], vector<16xf32>,
    %broadcast_in_dim3A_2492 = arith.constant 9 : i32
    %broadcast_in_dim3A_2493 = vector.broadcast %broadcast_in_dim3A_2492 : i32 to vector<16xi32>
    %gather3A_2494 = tpu.vector_load_idx %arg15[%iota3A, %broadcast_in_dim3A_2493, %select_n3A_2461] : memref<16x16x128xf32, #tpu.memory_space<vmem>>[vector<16xi32>, vector<16xi32>, vector<16xi32>], vector<16xf32>,
    tpu.vector_store_idx %arg20[%add3A_2464, %broadcast_in_dim3A_2493], %gather3A_2494 : memref<32x16xf32, #tpu.memory_space<vmem>>[vector<16xi32>, vector<16xi32>], vector<16xf32>,
    %broadcast_in_dim3A_2495 = arith.constant 10 : i32
    %broadcast_in_dim3A_2496 = vector.broadcast %broadcast_in_dim3A_2495 : i32 to vector<16xi32>
    %gather3A_2497 = tpu.vector_load_idx %arg15[%iota3A, %broadcast_in_dim3A_2496, %select_n3A_2461] : memref<16x16x128xf32, #tpu.memory_space<vmem>>[vector<16xi32>, vector<16xi32>, vector<16xi32>], vector<16xf32>,
    tpu.vector_store_idx %arg20[%add3A_2464, %broadcast_in_dim3A_2496], %gather3A_2497 : memref<32x16xf32, #tpu.memory_space<vmem>>[vector<16xi32>, vector<16xi32>], vector<16xf32>,
    %broadcast_in_dim3A_2498 = arith.constant 11 : i32
    %broadcast_in_dim3A_2499 = vector.broadcast %broadcast_in_dim3A_2498 : i32 to vector<16xi32>
    %gather3A_2500 = tpu.vector_load_idx %arg15[%iota3A, %broadcast_in_dim3A_2499, %select_n3A_2461] : memref<16x16x128xf32, #tpu.memory_space<vmem>>[vector<16xi32>, vector<16xi32>, vector<16xi32>], vector<16xf32>,
    tpu.vector_store_idx %arg20[%add3A_2464, %broadcast_in_dim3A_2499], %gather3A_2500 : memref<32x16xf32, #tpu.memory_space<vmem>>[vector<16xi32>, vector<16xi32>], vector<16xf32>,
    %broadcast_in_dim3A_2501 = arith.constant 12 : i32
    %broadcast_in_dim3A_2502 = vector.broadcast %broadcast_in_dim3A_2501 : i32 to vector<16xi32>
    %gather3A_2503 = tpu.vector_load_idx %arg15[%iota3A, %broadcast_in_dim3A_2502, %select_n3A_2461] : memref<16x16x128xf32, #tpu.memory_space<vmem>>[vector<16xi32>, vector<16xi32>, vector<16xi32>], vector<16xf32>,
    tpu.vector_store_idx %arg20[%add3A_2464, %broadcast_in_dim3A_2502], %gather3A_2503 : memref<32x16xf32, #tpu.memory_space<vmem>>[vector<16xi32>, vector<16xi32>], vector<16xf32>,
    %broadcast_in_dim3A_2504 = arith.constant 13 : i32
    %broadcast_in_dim3A_2505 = vector.broadcast %broadcast_in_dim3A_2504 : i32 to vector<16xi32>
    %gather3A_2506 = tpu.vector_load_idx %arg15[%iota3A, %broadcast_in_dim3A_2505, %select_n3A_2461] : memref<16x16x128xf32, #tpu.memory_space<vmem>>[vector<16xi32>, vector<16xi32>, vector<16xi32>], vector<16xf32>,
    tpu.vector_store_idx %arg20[%add3A_2464, %broadcast_in_dim3A_2505], %gather3A_2506 : memref<32x16xf32, #tpu.memory_space<vmem>>[vector<16xi32>, vector<16xi32>], vector<16xf32>,
    %broadcast_in_dim3A_2507 = arith.constant 14 : i32
    %broadcast_in_dim3A_2508 = vector.broadcast %broadcast_in_dim3A_2507 : i32 to vector<16xi32>
    %gather3A_2509 = tpu.vector_load_idx %arg15[%iota3A, %broadcast_in_dim3A_2508, %select_n3A_2461] : memref<16x16x128xf32, #tpu.memory_space<vmem>>[vector<16xi32>, vector<16xi32>, vector<16xi32>], vector<16xf32>,
    tpu.vector_store_idx %arg20[%add3A_2464, %broadcast_in_dim3A_2508], %gather3A_2509 : memref<32x16xf32, #tpu.memory_space<vmem>>[vector<16xi32>, vector<16xi32>], vector<16xf32>,
    %broadcast_in_dim3A_2510 = arith.constant 15 : i32
    %broadcast_in_dim3A_2511 = vector.broadcast %broadcast_in_dim3A_2510 : i32 to vector<16xi32>
    %gather3A_2512 = tpu.vector_load_idx %arg15[%iota3A, %broadcast_in_dim3A_2511, %select_n3A_2461] : memref<16x16x128xf32, #tpu.memory_space<vmem>>[vector<16xi32>, vector<16xi32>, vector<16xi32>], vector<16xf32>,
    tpu.vector_store_idx %arg20[%add3A_2464, %broadcast_in_dim3A_2511], %gather3A_2512 : memref<32x16xf32, #tpu.memory_space<vmem>>[vector<16xi32>, vector<16xi32>], vector<16xf32>,
    %dma_start3A_2513 = arith.constant 0 : i32
    %dma_start3A_2514 = arith.constant 0 : i32
    %dma_start3A_2515 = tpu.memref_slice %arg10[%add3A, %dma_start3A_2513, %dma_start3A_2514] : memref<32x32x16xf32, #tpu.memory_space<hbm>> -> memref<1x32x16xf32, #tpu.memory_space<hbm>>
    %dma_start3A_2516 = tpu.memref_squeeze %dma_start3A_2515 : memref<1x32x16xf32, #tpu.memory_space<hbm>> -> memref<32x16xf32, #tpu.memory_space<hbm>>
    %dma_start3A_2517 = arith.constant 0 : i32
    %dma_start3A_2518 = arith.constant 0 : i32
    %dma_start3A_2519 = tpu.memref_slice %arg10[%add3A, %dma_start3A_2517, %dma_start3A_2518] : memref<32x32x16xf32, #tpu.memory_space<hbm>> -> memref<1x32x16xf32, #tpu.memory_space<hbm>>
    %dma_start3A_2520 = tpu.memref_squeeze %dma_start3A_2519 : memref<1x32x16xf32, #tpu.memory_space<hbm>> -> memref<32x16xf32, #tpu.memory_space<hbm>>
    tpu.enqueue_dma source(%arg20 : memref<32x16xf32, #tpu.memory_space<vmem>>) target(%dma_start3A_2520 : memref<32x16xf32, #tpu.memory_space<hbm>>) target_semaphore(%arg25 : memref<!tpu.dma_semaphore, #tpu.memory_space<semaphore_mem>>)
    %dma_wait3A_2521 = arith.constant 0 : i32
    %dma_wait3A_2522 = arith.constant 0 : i32
    %dma_wait3A_2523 = tpu.memref_slice %arg9[%add3A, %dma_wait3A_2521, %dma_wait3A_2522] : memref<32x32x16xf32, #tpu.memory_space<hbm>> -> memref<1x32x16xf32, #tpu.memory_space<hbm>>
    %dma_wait3A_2524 = tpu.memref_squeeze %dma_wait3A_2523 : memref<1x32x16xf32, #tpu.memory_space<hbm>> -> memref<32x16xf32, #tpu.memory_space<hbm>>
    %dma_wait3A_2525 = arith.constant 0 : i32
    %dma_wait3A_2526 = arith.constant 0 : i32
    %dma_wait3A_2527 = tpu.memref_slice %arg9[%add3A, %dma_wait3A_2525, %dma_wait3A_2526] : memref<32x32x16xf32, #tpu.memory_space<hbm>> -> memref<1x32x16xf32, #tpu.memory_space<hbm>>
    %dma_wait3A_2528 = tpu.memref_squeeze %dma_wait3A_2527 : memref<1x32x16xf32, #tpu.memory_space<hbm>> -> memref<32x16xf32, #tpu.memory_space<hbm>>
    tpu.wait_dma2 semaphore(%arg25 : memref<!tpu.dma_semaphore, #tpu.memory_space<semaphore_mem>>) src(%arg19 : memref<32x16xf32, #tpu.memory_space<vmem>>) dst(%dma_wait3A_2528 : memref<32x16xf32, #tpu.memory_space<hbm>>)
    %dma_wait3A_2529 = arith.constant 0 : i32
    %dma_wait3A_2530 = arith.constant 0 : i32
    %dma_wait3A_2531 = tpu.memref_slice %arg11[%add3A, %dma_wait3A_2529, %dma_wait3A_2530] : memref<32x32x16xf32, #tpu.memory_space<hbm>> -> memref<1x32x16xf32, #tpu.memory_space<hbm>>
    %dma_wait3A_2532 = tpu.memref_squeeze %dma_wait3A_2531 : memref<1x32x16xf32, #tpu.memory_space<hbm>> -> memref<32x16xf32, #tpu.memory_space<hbm>>
    %dma_wait3A_2533 = arith.constant 0 : i32
    %dma_wait3A_2534 = arith.constant 0 : i32
    %dma_wait3A_2535 = tpu.memref_slice %arg11[%add3A, %dma_wait3A_2533, %dma_wait3A_2534] : memref<32x32x16xf32, #tpu.memory_space<hbm>> -> memref<1x32x16xf32, #tpu.memory_space<hbm>>
    %dma_wait3A_2536 = tpu.memref_squeeze %dma_wait3A_2535 : memref<1x32x16xf32, #tpu.memory_space<hbm>> -> memref<32x16xf32, #tpu.memory_space<hbm>>
    tpu.wait_dma2 semaphore(%arg25 : memref<!tpu.dma_semaphore, #tpu.memory_space<semaphore_mem>>) src(%arg21 : memref<32x16xf32, #tpu.memory_space<vmem>>) dst(%dma_wait3A_2536 : memref<32x16xf32, #tpu.memory_space<hbm>>)
    %dma_wait3A_2537 = arith.constant 0 : i32
    %dma_wait3A_2538 = arith.constant 0 : i32
    %dma_wait3A_2539 = tpu.memref_slice %arg8[%add3A, %dma_wait3A_2537, %dma_wait3A_2538] : memref<32x32x16xf32, #tpu.memory_space<hbm>> -> memref<1x32x16xf32, #tpu.memory_space<hbm>>
    %dma_wait3A_2540 = tpu.memref_squeeze %dma_wait3A_2539 : memref<1x32x16xf32, #tpu.memory_space<hbm>> -> memref<32x16xf32, #tpu.memory_space<hbm>>
    %dma_wait3A_2541 = arith.constant 0 : i32
    %dma_wait3A_2542 = arith.constant 0 : i32
    %dma_wait3A_2543 = tpu.memref_slice %arg8[%add3A, %dma_wait3A_2541, %dma_wait3A_2542] : memref<32x32x16xf32, #tpu.memory_space<hbm>> -> memref<1x32x16xf32, #tpu.memory_space<hbm>>
    %dma_wait3A_2544 = tpu.memref_squeeze %dma_wait3A_2543 : memref<1x32x16xf32, #tpu.memory_space<hbm>> -> memref<32x16xf32, #tpu.memory_space<hbm>>
    tpu.wait_dma2 semaphore(%arg25 : memref<!tpu.dma_semaphore, #tpu.memory_space<semaphore_mem>>) src(%arg18 : memref<32x16xf32, #tpu.memory_space<vmem>>) dst(%dma_wait3A_2544 : memref<32x16xf32, #tpu.memory_space<hbm>>)
    %dma_wait3A_2545 = arith.constant 0 : i32
    %dma_wait3A_2546 = arith.constant 0 : i32
    %dma_wait3A_2547 = tpu.memref_slice %arg10[%add3A, %dma_wait3A_2545, %dma_wait3A_2546] : memref<32x32x16xf32, #tpu.memory_space<hbm>> -> memref<1x32x16xf32, #tpu.memory_space<hbm>>
    %dma_wait3A_2548 = tpu.memref_squeeze %dma_wait3A_2547 : memref<1x32x16xf32, #tpu.memory_space<hbm>> -> memref<32x16xf32, #tpu.memory_space<hbm>>
    %dma_wait3A_2549 = arith.constant 0 : i32
    %dma_wait3A_2550 = arith.constant 0 : i32
    %dma_wait3A_2551 = tpu.memref_slice %arg10[%add3A, %dma_wait3A_2549, %dma_wait3A_2550] : memref<32x32x16xf32, #tpu.memory_space<hbm>> -> memref<1x32x16xf32, #tpu.memory_space<hbm>>
    %dma_wait3A_2552 = tpu.memref_squeeze %dma_wait3A_2551 : memref<1x32x16xf32, #tpu.memory_space<hbm>> -> memref<32x16xf32, #tpu.memory_space<hbm>>
    tpu.wait_dma2 semaphore(%arg25 : memref<!tpu.dma_semaphore, #tpu.memory_space<semaphore_mem>>) src(%arg20 : memref<32x16xf32, #tpu.memory_space<vmem>>) dst(%dma_wait3A_2552 : memref<32x16xf32, #tpu.memory_space<hbm>>)
    return
  }
}

module attributes {stable_mosaic.version = 14 : i64} {
  func.func @_score_body(%arg0: i32, %arg1: memref<16x32x16xf32, #tpu.memory_space<vmem>>, %arg2: memref<16x32x16xf32, #tpu.memory_space<vmem>>, %arg3: memref<32x32x16xf32, #tpu.memory_space<vmem>>, %arg4: memref<32x32x16xf32, #tpu.memory_space<vmem>>, %arg5: memref<512x1024xf32, #tpu.memory_space<vmem>>) attributes {dimension_semantics = [#tpu.dimension_semantics<arbitrary>], iteration_bounds = array<i64: 2>, scalar_prefetch = 0 : i64, scratch_operands = 0 : i64, tpu.core_type = #tpu.core_type<tc>, window_params = [{transform_indices = @transform_0, window_bounds = array<i64: 16, 32, 16>}, {transform_indices = @transform_1, window_bounds = array<i64: 16, 32, 16>}, {pipeline_mode = #tpu.pipeline_mode<synchronous>, transform_indices = @transform_2, window_bounds = array<i64: 32, 32, 16>}, {pipeline_mode = #tpu.pipeline_mode<synchronous>, transform_indices = @transform_3, window_bounds = array<i64: 32, 32, 16>}, {transform_indices = @transform_4, window_bounds = array<i64: 512, 1024>}]} {
    %get3A = arith.constant 0 : index
    %get3A_0 = arith.constant 0 : index
    %get3A_1 = arith.constant 0 : index
    %get3A_2 = vector.load %arg1[%get3A, %get3A_0, %get3A_1] : memref<16x32x16xf32, #tpu.memory_space<vmem>>, vector<16x32x16xf32>
    %reshape3A = vector.shape_cast %get3A_2 : vector<16x32x16xf32> to vector<512x16xf32>
    %convert_element_type3A = arith.truncf %reshape3A : vector<512x16xf32> to vector<512x16xbf16>
    %get3A_3 = arith.constant 0 : index
    %get3A_4 = arith.constant 0 : index
    %get3A_5 = arith.constant 0 : index
    %get3A_6 = vector.load %arg2[%get3A_3, %get3A_4, %get3A_5] : memref<16x32x16xf32, #tpu.memory_space<vmem>>, vector<16x32x16xf32>
    %reshape3A_7 = vector.shape_cast %get3A_6 : vector<16x32x16xf32> to vector<512x16xf32>
    %convert_element_type3A_8 = arith.truncf %reshape3A_7 : vector<512x16xf32> to vector<512x16xbf16>
    %get3A_9 = arith.constant 0 : index
    %get3A_10 = arith.constant 0 : index
    %get3A_11 = arith.constant 0 : index
    %get3A_12 = vector.load %arg3[%get3A_9, %get3A_10, %get3A_11] : memref<32x32x16xf32, #tpu.memory_space<vmem>>, vector<32x32x16xf32>
    %reshape3A_13 = vector.shape_cast %get3A_12 : vector<32x32x16xf32> to vector<1024x16xf32>
    %convert_element_type3A_14 = arith.truncf %reshape3A_13 : vector<1024x16xf32> to vector<1024x16xbf16>
    %get3A_15 = arith.constant 0 : index
    %get3A_16 = arith.constant 0 : index
    %get3A_17 = arith.constant 0 : index
    %get3A_18 = vector.load %arg4[%get3A_15, %get3A_16, %get3A_17] : memref<32x32x16xf32, #tpu.memory_space<vmem>>, vector<32x32x16xf32>
    %reshape3A_19 = vector.shape_cast %get3A_18 : vector<32x32x16xf32> to vector<1024x16xf32>
    %convert_element_type3A_20 = arith.truncf %reshape3A_19 : vector<1024x16xf32> to vector<1024x16xbf16>
    %iota3A = tpu.iota {dimensions = array<i32: 0>} : vector<16x16xi32>
    %iota3A_21 = tpu.iota {dimensions = array<i32: 1>} : vector<16x16xi32>
    %eq3A = arith.cmpi eq, %iota3A, %iota3A_21 : vector<16x16xi32>
    %convert_element_type3A_22 = arith.extui %eq3A : vector<16x16xi1> to vector<16x16xi32>
    %convert_element_type3A_23 = arith.sitofp %convert_element_type3A_22 : vector<16x16xi32> to vector<16x16xf32>
    %convert_element_type3A_24 = arith.truncf %convert_element_type3A_23 : vector<16x16xf32> to vector<16x16xbf16>
    %dot_general3A = arith.constant dense<0.000000e+00> : vector<16x1024xf32>
    %dot_general3A_25 = tpu.matmul %convert_element_type3A_24, %convert_element_type3A_14, %dot_general3A {dimension_numbers = #tpu.dot_dimension_numbers<[1], [1], [0], [0], [0, 0, 1, 0], [], []>, transpose_lhs_hint = false} : vector<16x16xbf16>, vector<1024x16xbf16>, vector<16x1024xf32> -> vector<16x1024xf32>
    %convert_element_type3A_26 = arith.truncf %dot_general3A_25 : vector<16x1024xf32> to vector<16x1024xbf16>
    %dot_general3A_27 = arith.constant dense<0.000000e+00> : vector<16x1024xf32>
    %dot_general3A_28 = tpu.matmul %convert_element_type3A_24, %convert_element_type3A_20, %dot_general3A_27 {dimension_numbers = #tpu.dot_dimension_numbers<[1], [1], [0], [0], [0, 0, 1, 0], [], []>, transpose_lhs_hint = false} : vector<16x16xbf16>, vector<1024x16xbf16>, vector<16x1024xf32> -> vector<16x1024xf32>
    %convert_element_type3A_29 = arith.truncf %dot_general3A_28 : vector<16x1024xf32> to vector<16x1024xbf16>
    %dot_general3A_30 = arith.constant dense<0.000000e+00> : vector<512x1024xf32>
    %dot_general3A_31 = tpu.matmul %convert_element_type3A, %convert_element_type3A_26, %dot_general3A_30 {dimension_numbers = #tpu.dot_dimension_numbers<[1], [0], [0], [1], [0, 0, 1, 1], [], []>, transpose_lhs_hint = false} : vector<512x16xbf16>, vector<16x1024xbf16>, vector<512x1024xf32> -> vector<512x1024xf32>
    %convert_element_type3A_32 = arith.truncf %dot_general3A_31 : vector<512x1024xf32> to vector<512x1024xbf16>
    %dot_general3A_33 = arith.constant dense<0.000000e+00> : vector<512x1024xf32>
    %dot_general3A_34 = tpu.matmul %convert_element_type3A_8, %convert_element_type3A_29, %dot_general3A_33 {dimension_numbers = #tpu.dot_dimension_numbers<[1], [0], [0], [1], [0, 0, 1, 1], [], []>, transpose_lhs_hint = false} : vector<512x16xbf16>, vector<16x1024xbf16>, vector<512x1024xf32> -> vector<512x1024xf32>
    %convert_element_type3A_35 = arith.truncf %dot_general3A_34 : vector<512x1024xf32> to vector<512x1024xbf16>
    %sub3A = arith.subf %convert_element_type3A, %convert_element_type3A_8 : vector<512x16xbf16>
    %broadcast_in_dim3A = arith.constant 0.000000e+00 : f32
    %broadcast_in_dim3A_36 = vector.broadcast %broadcast_in_dim3A : f32 to vector<512x1024xf32>
    %broadcast_in_dim3A_37 = arith.constant 0.000000e+00 : bf16
    %broadcast_in_dim3A_38 = vector.broadcast %broadcast_in_dim3A_37 : bf16 to vector<512x1024xbf16>
    %slice3A = vector.extract_strided_slice %sub3A {offsets = [0, 0], sizes = [512, 1], strides = [1, 1]} : vector<512x16xbf16> to vector<512x1xbf16>
    %slice3A_39 = vector.extract_strided_slice %convert_element_type3A_26 {offsets = [0, 0], sizes = [1, 1024], strides = [1, 1]} : vector<16x1024xbf16> to vector<1x1024xbf16>
    %mul3A = vector.broadcast %slice3A_39 : vector<1x1024xbf16> to vector<512x1024xbf16>
    %mul3A_40 = arith.mulf %convert_element_type3A_32, %mul3A : vector<512x1024xbf16>
    %add3A = vector.broadcast %slice3A : vector<512x1xbf16> to vector<512x1024xbf16>
    %add3A_41 = arith.addf %add3A, %mul3A_40 : vector<512x1024xbf16>
    %slice3A_42 = vector.extract_strided_slice %convert_element_type3A_29 {offsets = [0, 0], sizes = [1, 1024], strides = [1, 1]} : vector<16x1024xbf16> to vector<1x1024xbf16>
    %mul3A_43 = vector.broadcast %slice3A_42 : vector<1x1024xbf16> to vector<512x1024xbf16>
    %mul3A_44 = arith.mulf %convert_element_type3A_35, %mul3A_43 : vector<512x1024xbf16>
    %sub3A_45 = arith.subf %add3A_41, %mul3A_44 : vector<512x1024xbf16>
    %abs3A = math.absf %sub3A_45 : vector<512x1024xbf16>
    %add3A_46 = arith.addf %broadcast_in_dim3A_38, %abs3A : vector<512x1024xbf16>
    %slice3A_47 = vector.extract_strided_slice %sub3A {offsets = [0, 1], sizes = [512, 1], strides = [1, 1]} : vector<512x16xbf16> to vector<512x1xbf16>
    %slice3A_48 = vector.extract_strided_slice %convert_element_type3A_26 {offsets = [1, 0], sizes = [1, 1024], strides = [1, 1]} : vector<16x1024xbf16> to vector<1x1024xbf16>
    %mul3A_49 = vector.broadcast %slice3A_48 : vector<1x1024xbf16> to vector<512x1024xbf16>
    %mul3A_50 = arith.mulf %convert_element_type3A_32, %mul3A_49 : vector<512x1024xbf16>
    %add3A_51 = vector.broadcast %slice3A_47 : vector<512x1xbf16> to vector<512x1024xbf16>
    %add3A_52 = arith.addf %add3A_51, %mul3A_50 : vector<512x1024xbf16>
    %slice3A_53 = vector.extract_strided_slice %convert_element_type3A_29 {offsets = [1, 0], sizes = [1, 1024], strides = [1, 1]} : vector<16x1024xbf16> to vector<1x1024xbf16>
    %mul3A_54 = vector.broadcast %slice3A_53 : vector<1x1024xbf16> to vector<512x1024xbf16>
    %mul3A_55 = arith.mulf %convert_element_type3A_35, %mul3A_54 : vector<512x1024xbf16>
    %sub3A_56 = arith.subf %add3A_52, %mul3A_55 : vector<512x1024xbf16>
    %abs3A_57 = math.absf %sub3A_56 : vector<512x1024xbf16>
    %add3A_58 = arith.addf %add3A_46, %abs3A_57 : vector<512x1024xbf16>
    %slice3A_59 = vector.extract_strided_slice %sub3A {offsets = [0, 2], sizes = [512, 1], strides = [1, 1]} : vector<512x16xbf16> to vector<512x1xbf16>
    %slice3A_60 = vector.extract_strided_slice %convert_element_type3A_26 {offsets = [2, 0], sizes = [1, 1024], strides = [1, 1]} : vector<16x1024xbf16> to vector<1x1024xbf16>
    %mul3A_61 = vector.broadcast %slice3A_60 : vector<1x1024xbf16> to vector<512x1024xbf16>
    %mul3A_62 = arith.mulf %convert_element_type3A_32, %mul3A_61 : vector<512x1024xbf16>
    %add3A_63 = vector.broadcast %slice3A_59 : vector<512x1xbf16> to vector<512x1024xbf16>
    %add3A_64 = arith.addf %add3A_63, %mul3A_62 : vector<512x1024xbf16>
    %slice3A_65 = vector.extract_strided_slice %convert_element_type3A_29 {offsets = [2, 0], sizes = [1, 1024], strides = [1, 1]} : vector<16x1024xbf16> to vector<1x1024xbf16>
    %mul3A_66 = vector.broadcast %slice3A_65 : vector<1x1024xbf16> to vector<512x1024xbf16>
    %mul3A_67 = arith.mulf %convert_element_type3A_35, %mul3A_66 : vector<512x1024xbf16>
    %sub3A_68 = arith.subf %add3A_64, %mul3A_67 : vector<512x1024xbf16>
    %abs3A_69 = math.absf %sub3A_68 : vector<512x1024xbf16>
    %add3A_70 = arith.addf %add3A_58, %abs3A_69 : vector<512x1024xbf16>
    %slice3A_71 = vector.extract_strided_slice %sub3A {offsets = [0, 3], sizes = [512, 1], strides = [1, 1]} : vector<512x16xbf16> to vector<512x1xbf16>
    %slice3A_72 = vector.extract_strided_slice %convert_element_type3A_26 {offsets = [3, 0], sizes = [1, 1024], strides = [1, 1]} : vector<16x1024xbf16> to vector<1x1024xbf16>
    %mul3A_73 = vector.broadcast %slice3A_72 : vector<1x1024xbf16> to vector<512x1024xbf16>
    %mul3A_74 = arith.mulf %convert_element_type3A_32, %mul3A_73 : vector<512x1024xbf16>
    %add3A_75 = vector.broadcast %slice3A_71 : vector<512x1xbf16> to vector<512x1024xbf16>
    %add3A_76 = arith.addf %add3A_75, %mul3A_74 : vector<512x1024xbf16>
    %slice3A_77 = vector.extract_strided_slice %convert_element_type3A_29 {offsets = [3, 0], sizes = [1, 1024], strides = [1, 1]} : vector<16x1024xbf16> to vector<1x1024xbf16>
    %mul3A_78 = vector.broadcast %slice3A_77 : vector<1x1024xbf16> to vector<512x1024xbf16>
    %mul3A_79 = arith.mulf %convert_element_type3A_35, %mul3A_78 : vector<512x1024xbf16>
    %sub3A_80 = arith.subf %add3A_76, %mul3A_79 : vector<512x1024xbf16>
    %abs3A_81 = math.absf %sub3A_80 : vector<512x1024xbf16>
    %add3A_82 = arith.addf %add3A_70, %abs3A_81 : vector<512x1024xbf16>
    %convert_element_type3A_83 = arith.extf %add3A_82 : vector<512x1024xbf16> to vector<512x1024xf32>
    %add3A_84 = arith.addf %broadcast_in_dim3A_36, %convert_element_type3A_83 : vector<512x1024xf32>
    %broadcast_in_dim3A_85 = arith.constant 0.000000e+00 : bf16
    %broadcast_in_dim3A_86 = vector.broadcast %broadcast_in_dim3A_85 : bf16 to vector<512x1024xbf16>
    %slice3A_87 = vector.extract_strided_slice %sub3A {offsets = [0, 4], sizes = [512, 1], strides = [1, 1]} : vector<512x16xbf16> to vector<512x1xbf16>
    %slice3A_88 = vector.extract_strided_slice %convert_element_type3A_26 {offsets = [4, 0], sizes = [1, 1024], strides = [1, 1]} : vector<16x1024xbf16> to vector<1x1024xbf16>
    %mul3A_89 = vector.broadcast %slice3A_88 : vector<1x1024xbf16> to vector<512x1024xbf16>
    %mul3A_90 = arith.mulf %convert_element_type3A_32, %mul3A_89 : vector<512x1024xbf16>
    %add3A_91 = vector.broadcast %slice3A_87 : vector<512x1xbf16> to vector<512x1024xbf16>
    %add3A_92 = arith.addf %add3A_91, %mul3A_90 : vector<512x1024xbf16>
    %slice3A_93 = vector.extract_strided_slice %convert_element_type3A_29 {offsets = [4, 0], sizes = [1, 1024], strides = [1, 1]} : vector<16x1024xbf16> to vector<1x1024xbf16>
    %mul3A_94 = vector.broadcast %slice3A_93 : vector<1x1024xbf16> to vector<512x1024xbf16>
    %mul3A_95 = arith.mulf %convert_element_type3A_35, %mul3A_94 : vector<512x1024xbf16>
    %sub3A_96 = arith.subf %add3A_92, %mul3A_95 : vector<512x1024xbf16>
    %abs3A_97 = math.absf %sub3A_96 : vector<512x1024xbf16>
    %add3A_98 = arith.addf %broadcast_in_dim3A_86, %abs3A_97 : vector<512x1024xbf16>
    %slice3A_99 = vector.extract_strided_slice %sub3A {offsets = [0, 5], sizes = [512, 1], strides = [1, 1]} : vector<512x16xbf16> to vector<512x1xbf16>
    %slice3A_100 = vector.extract_strided_slice %convert_element_type3A_26 {offsets = [5, 0], sizes = [1, 1024], strides = [1, 1]} : vector<16x1024xbf16> to vector<1x1024xbf16>
    %mul3A_101 = vector.broadcast %slice3A_100 : vector<1x1024xbf16> to vector<512x1024xbf16>
    %mul3A_102 = arith.mulf %convert_element_type3A_32, %mul3A_101 : vector<512x1024xbf16>
    %add3A_103 = vector.broadcast %slice3A_99 : vector<512x1xbf16> to vector<512x1024xbf16>
    %add3A_104 = arith.addf %add3A_103, %mul3A_102 : vector<512x1024xbf16>
    %slice3A_105 = vector.extract_strided_slice %convert_element_type3A_29 {offsets = [5, 0], sizes = [1, 1024], strides = [1, 1]} : vector<16x1024xbf16> to vector<1x1024xbf16>
    %mul3A_106 = vector.broadcast %slice3A_105 : vector<1x1024xbf16> to vector<512x1024xbf16>
    %mul3A_107 = arith.mulf %convert_element_type3A_35, %mul3A_106 : vector<512x1024xbf16>
    %sub3A_108 = arith.subf %add3A_104, %mul3A_107 : vector<512x1024xbf16>
    %abs3A_109 = math.absf %sub3A_108 : vector<512x1024xbf16>
    %add3A_110 = arith.addf %add3A_98, %abs3A_109 : vector<512x1024xbf16>
    %slice3A_111 = vector.extract_strided_slice %sub3A {offsets = [0, 6], sizes = [512, 1], strides = [1, 1]} : vector<512x16xbf16> to vector<512x1xbf16>
    %slice3A_112 = vector.extract_strided_slice %convert_element_type3A_26 {offsets = [6, 0], sizes = [1, 1024], strides = [1, 1]} : vector<16x1024xbf16> to vector<1x1024xbf16>
    %mul3A_113 = vector.broadcast %slice3A_112 : vector<1x1024xbf16> to vector<512x1024xbf16>
    %mul3A_114 = arith.mulf %convert_element_type3A_32, %mul3A_113 : vector<512x1024xbf16>
    %add3A_115 = vector.broadcast %slice3A_111 : vector<512x1xbf16> to vector<512x1024xbf16>
    %add3A_116 = arith.addf %add3A_115, %mul3A_114 : vector<512x1024xbf16>
    %slice3A_117 = vector.extract_strided_slice %convert_element_type3A_29 {offsets = [6, 0], sizes = [1, 1024], strides = [1, 1]} : vector<16x1024xbf16> to vector<1x1024xbf16>
    %mul3A_118 = vector.broadcast %slice3A_117 : vector<1x1024xbf16> to vector<512x1024xbf16>
    %mul3A_119 = arith.mulf %convert_element_type3A_35, %mul3A_118 : vector<512x1024xbf16>
    %sub3A_120 = arith.subf %add3A_116, %mul3A_119 : vector<512x1024xbf16>
    %abs3A_121 = math.absf %sub3A_120 : vector<512x1024xbf16>
    %add3A_122 = arith.addf %add3A_110, %abs3A_121 : vector<512x1024xbf16>
    %slice3A_123 = vector.extract_strided_slice %sub3A {offsets = [0, 7], sizes = [512, 1], strides = [1, 1]} : vector<512x16xbf16> to vector<512x1xbf16>
    %slice3A_124 = vector.extract_strided_slice %convert_element_type3A_26 {offsets = [7, 0], sizes = [1, 1024], strides = [1, 1]} : vector<16x1024xbf16> to vector<1x1024xbf16>
    %mul3A_125 = vector.broadcast %slice3A_124 : vector<1x1024xbf16> to vector<512x1024xbf16>
    %mul3A_126 = arith.mulf %convert_element_type3A_32, %mul3A_125 : vector<512x1024xbf16>
    %add3A_127 = vector.broadcast %slice3A_123 : vector<512x1xbf16> to vector<512x1024xbf16>
    %add3A_128 = arith.addf %add3A_127, %mul3A_126 : vector<512x1024xbf16>
    %slice3A_129 = vector.extract_strided_slice %convert_element_type3A_29 {offsets = [7, 0], sizes = [1, 1024], strides = [1, 1]} : vector<16x1024xbf16> to vector<1x1024xbf16>
    %mul3A_130 = vector.broadcast %slice3A_129 : vector<1x1024xbf16> to vector<512x1024xbf16>
    %mul3A_131 = arith.mulf %convert_element_type3A_35, %mul3A_130 : vector<512x1024xbf16>
    %sub3A_132 = arith.subf %add3A_128, %mul3A_131 : vector<512x1024xbf16>
    %abs3A_133 = math.absf %sub3A_132 : vector<512x1024xbf16>
    %add3A_134 = arith.addf %add3A_122, %abs3A_133 : vector<512x1024xbf16>
    %convert_element_type3A_135 = arith.extf %add3A_134 : vector<512x1024xbf16> to vector<512x1024xf32>
    %add3A_136 = arith.addf %add3A_84, %convert_element_type3A_135 : vector<512x1024xf32>
    %broadcast_in_dim3A_137 = arith.constant 0.000000e+00 : bf16
    %broadcast_in_dim3A_138 = vector.broadcast %broadcast_in_dim3A_137 : bf16 to vector<512x1024xbf16>
    %slice3A_139 = vector.extract_strided_slice %sub3A {offsets = [0, 8], sizes = [512, 1], strides = [1, 1]} : vector<512x16xbf16> to vector<512x1xbf16>
    %slice3A_140 = vector.extract_strided_slice %convert_element_type3A_26 {offsets = [8, 0], sizes = [1, 1024], strides = [1, 1]} : vector<16x1024xbf16> to vector<1x1024xbf16>
    %mul3A_141 = vector.broadcast %slice3A_140 : vector<1x1024xbf16> to vector<512x1024xbf16>
    %mul3A_142 = arith.mulf %convert_element_type3A_32, %mul3A_141 : vector<512x1024xbf16>
    %add3A_143 = vector.broadcast %slice3A_139 : vector<512x1xbf16> to vector<512x1024xbf16>
    %add3A_144 = arith.addf %add3A_143, %mul3A_142 : vector<512x1024xbf16>
    %slice3A_145 = vector.extract_strided_slice %convert_element_type3A_29 {offsets = [8, 0], sizes = [1, 1024], strides = [1, 1]} : vector<16x1024xbf16> to vector<1x1024xbf16>
    %mul3A_146 = vector.broadcast %slice3A_145 : vector<1x1024xbf16> to vector<512x1024xbf16>
    %mul3A_147 = arith.mulf %convert_element_type3A_35, %mul3A_146 : vector<512x1024xbf16>
    %sub3A_148 = arith.subf %add3A_144, %mul3A_147 : vector<512x1024xbf16>
    %abs3A_149 = math.absf %sub3A_148 : vector<512x1024xbf16>
    %add3A_150 = arith.addf %broadcast_in_dim3A_138, %abs3A_149 : vector<512x1024xbf16>
    %slice3A_151 = vector.extract_strided_slice %sub3A {offsets = [0, 9], sizes = [512, 1], strides = [1, 1]} : vector<512x16xbf16> to vector<512x1xbf16>
    %slice3A_152 = vector.extract_strided_slice %convert_element_type3A_26 {offsets = [9, 0], sizes = [1, 1024], strides = [1, 1]} : vector<16x1024xbf16> to vector<1x1024xbf16>
    %mul3A_153 = vector.broadcast %slice3A_152 : vector<1x1024xbf16> to vector<512x1024xbf16>
    %mul3A_154 = arith.mulf %convert_element_type3A_32, %mul3A_153 : vector<512x1024xbf16>
    %add3A_155 = vector.broadcast %slice3A_151 : vector<512x1xbf16> to vector<512x1024xbf16>
    %add3A_156 = arith.addf %add3A_155, %mul3A_154 : vector<512x1024xbf16>
    %slice3A_157 = vector.extract_strided_slice %convert_element_type3A_29 {offsets = [9, 0], sizes = [1, 1024], strides = [1, 1]} : vector<16x1024xbf16> to vector<1x1024xbf16>
    %mul3A_158 = vector.broadcast %slice3A_157 : vector<1x1024xbf16> to vector<512x1024xbf16>
    %mul3A_159 = arith.mulf %convert_element_type3A_35, %mul3A_158 : vector<512x1024xbf16>
    %sub3A_160 = arith.subf %add3A_156, %mul3A_159 : vector<512x1024xbf16>
    %abs3A_161 = math.absf %sub3A_160 : vector<512x1024xbf16>
    %add3A_162 = arith.addf %add3A_150, %abs3A_161 : vector<512x1024xbf16>
    %slice3A_163 = vector.extract_strided_slice %sub3A {offsets = [0, 10], sizes = [512, 1], strides = [1, 1]} : vector<512x16xbf16> to vector<512x1xbf16>
    %slice3A_164 = vector.extract_strided_slice %convert_element_type3A_26 {offsets = [10, 0], sizes = [1, 1024], strides = [1, 1]} : vector<16x1024xbf16> to vector<1x1024xbf16>
    %mul3A_165 = vector.broadcast %slice3A_164 : vector<1x1024xbf16> to vector<512x1024xbf16>
    %mul3A_166 = arith.mulf %convert_element_type3A_32, %mul3A_165 : vector<512x1024xbf16>
    %add3A_167 = vector.broadcast %slice3A_163 : vector<512x1xbf16> to vector<512x1024xbf16>
    %add3A_168 = arith.addf %add3A_167, %mul3A_166 : vector<512x1024xbf16>
    %slice3A_169 = vector.extract_strided_slice %convert_element_type3A_29 {offsets = [10, 0], sizes = [1, 1024], strides = [1, 1]} : vector<16x1024xbf16> to vector<1x1024xbf16>
    %mul3A_170 = vector.broadcast %slice3A_169 : vector<1x1024xbf16> to vector<512x1024xbf16>
    %mul3A_171 = arith.mulf %convert_element_type3A_35, %mul3A_170 : vector<512x1024xbf16>
    %sub3A_172 = arith.subf %add3A_168, %mul3A_171 : vector<512x1024xbf16>
    %abs3A_173 = math.absf %sub3A_172 : vector<512x1024xbf16>
    %add3A_174 = arith.addf %add3A_162, %abs3A_173 : vector<512x1024xbf16>
    %slice3A_175 = vector.extract_strided_slice %sub3A {offsets = [0, 11], sizes = [512, 1], strides = [1, 1]} : vector<512x16xbf16> to vector<512x1xbf16>
    %slice3A_176 = vector.extract_strided_slice %convert_element_type3A_26 {offsets = [11, 0], sizes = [1, 1024], strides = [1, 1]} : vector<16x1024xbf16> to vector<1x1024xbf16>
    %mul3A_177 = vector.broadcast %slice3A_176 : vector<1x1024xbf16> to vector<512x1024xbf16>
    %mul3A_178 = arith.mulf %convert_element_type3A_32, %mul3A_177 : vector<512x1024xbf16>
    %add3A_179 = vector.broadcast %slice3A_175 : vector<512x1xbf16> to vector<512x1024xbf16>
    %add3A_180 = arith.addf %add3A_179, %mul3A_178 : vector<512x1024xbf16>
    %slice3A_181 = vector.extract_strided_slice %convert_element_type3A_29 {offsets = [11, 0], sizes = [1, 1024], strides = [1, 1]} : vector<16x1024xbf16> to vector<1x1024xbf16>
    %mul3A_182 = vector.broadcast %slice3A_181 : vector<1x1024xbf16> to vector<512x1024xbf16>
    %mul3A_183 = arith.mulf %convert_element_type3A_35, %mul3A_182 : vector<512x1024xbf16>
    %sub3A_184 = arith.subf %add3A_180, %mul3A_183 : vector<512x1024xbf16>
    %abs3A_185 = math.absf %sub3A_184 : vector<512x1024xbf16>
    %add3A_186 = arith.addf %add3A_174, %abs3A_185 : vector<512x1024xbf16>
    %convert_element_type3A_187 = arith.extf %add3A_186 : vector<512x1024xbf16> to vector<512x1024xf32>
    %add3A_188 = arith.addf %add3A_136, %convert_element_type3A_187 : vector<512x1024xf32>
    %broadcast_in_dim3A_189 = arith.constant 0.000000e+00 : bf16
    %broadcast_in_dim3A_190 = vector.broadcast %broadcast_in_dim3A_189 : bf16 to vector<512x1024xbf16>
    %slice3A_191 = vector.extract_strided_slice %sub3A {offsets = [0, 12], sizes = [512, 1], strides = [1, 1]} : vector<512x16xbf16> to vector<512x1xbf16>
    %slice3A_192 = vector.extract_strided_slice %convert_element_type3A_26 {offsets = [12, 0], sizes = [1, 1024], strides = [1, 1]} : vector<16x1024xbf16> to vector<1x1024xbf16>
    %mul3A_193 = vector.broadcast %slice3A_192 : vector<1x1024xbf16> to vector<512x1024xbf16>
    %mul3A_194 = arith.mulf %convert_element_type3A_32, %mul3A_193 : vector<512x1024xbf16>
    %add3A_195 = vector.broadcast %slice3A_191 : vector<512x1xbf16> to vector<512x1024xbf16>
    %add3A_196 = arith.addf %add3A_195, %mul3A_194 : vector<512x1024xbf16>
    %slice3A_197 = vector.extract_strided_slice %convert_element_type3A_29 {offsets = [12, 0], sizes = [1, 1024], strides = [1, 1]} : vector<16x1024xbf16> to vector<1x1024xbf16>
    %mul3A_198 = vector.broadcast %slice3A_197 : vector<1x1024xbf16> to vector<512x1024xbf16>
    %mul3A_199 = arith.mulf %convert_element_type3A_35, %mul3A_198 : vector<512x1024xbf16>
    %sub3A_200 = arith.subf %add3A_196, %mul3A_199 : vector<512x1024xbf16>
    %abs3A_201 = math.absf %sub3A_200 : vector<512x1024xbf16>
    %add3A_202 = arith.addf %broadcast_in_dim3A_190, %abs3A_201 : vector<512x1024xbf16>
    %slice3A_203 = vector.extract_strided_slice %sub3A {offsets = [0, 13], sizes = [512, 1], strides = [1, 1]} : vector<512x16xbf16> to vector<512x1xbf16>
    %slice3A_204 = vector.extract_strided_slice %convert_element_type3A_26 {offsets = [13, 0], sizes = [1, 1024], strides = [1, 1]} : vector<16x1024xbf16> to vector<1x1024xbf16>
    %mul3A_205 = vector.broadcast %slice3A_204 : vector<1x1024xbf16> to vector<512x1024xbf16>
    %mul3A_206 = arith.mulf %convert_element_type3A_32, %mul3A_205 : vector<512x1024xbf16>
    %add3A_207 = vector.broadcast %slice3A_203 : vector<512x1xbf16> to vector<512x1024xbf16>
    %add3A_208 = arith.addf %add3A_207, %mul3A_206 : vector<512x1024xbf16>
    %slice3A_209 = vector.extract_strided_slice %convert_element_type3A_29 {offsets = [13, 0], sizes = [1, 1024], strides = [1, 1]} : vector<16x1024xbf16> to vector<1x1024xbf16>
    %mul3A_210 = vector.broadcast %slice3A_209 : vector<1x1024xbf16> to vector<512x1024xbf16>
    %mul3A_211 = arith.mulf %convert_element_type3A_35, %mul3A_210 : vector<512x1024xbf16>
    %sub3A_212 = arith.subf %add3A_208, %mul3A_211 : vector<512x1024xbf16>
    %abs3A_213 = math.absf %sub3A_212 : vector<512x1024xbf16>
    %add3A_214 = arith.addf %add3A_202, %abs3A_213 : vector<512x1024xbf16>
    %slice3A_215 = vector.extract_strided_slice %sub3A {offsets = [0, 14], sizes = [512, 1], strides = [1, 1]} : vector<512x16xbf16> to vector<512x1xbf16>
    %slice3A_216 = vector.extract_strided_slice %convert_element_type3A_26 {offsets = [14, 0], sizes = [1, 1024], strides = [1, 1]} : vector<16x1024xbf16> to vector<1x1024xbf16>
    %mul3A_217 = vector.broadcast %slice3A_216 : vector<1x1024xbf16> to vector<512x1024xbf16>
    %mul3A_218 = arith.mulf %convert_element_type3A_32, %mul3A_217 : vector<512x1024xbf16>
    %add3A_219 = vector.broadcast %slice3A_215 : vector<512x1xbf16> to vector<512x1024xbf16>
    %add3A_220 = arith.addf %add3A_219, %mul3A_218 : vector<512x1024xbf16>
    %slice3A_221 = vector.extract_strided_slice %convert_element_type3A_29 {offsets = [14, 0], sizes = [1, 1024], strides = [1, 1]} : vector<16x1024xbf16> to vector<1x1024xbf16>
    %mul3A_222 = vector.broadcast %slice3A_221 : vector<1x1024xbf16> to vector<512x1024xbf16>
    %mul3A_223 = arith.mulf %convert_element_type3A_35, %mul3A_222 : vector<512x1024xbf16>
    %sub3A_224 = arith.subf %add3A_220, %mul3A_223 : vector<512x1024xbf16>
    %abs3A_225 = math.absf %sub3A_224 : vector<512x1024xbf16>
    %add3A_226 = arith.addf %add3A_214, %abs3A_225 : vector<512x1024xbf16>
    %slice3A_227 = vector.extract_strided_slice %sub3A {offsets = [0, 15], sizes = [512, 1], strides = [1, 1]} : vector<512x16xbf16> to vector<512x1xbf16>
    %slice3A_228 = vector.extract_strided_slice %convert_element_type3A_26 {offsets = [15, 0], sizes = [1, 1024], strides = [1, 1]} : vector<16x1024xbf16> to vector<1x1024xbf16>
    %mul3A_229 = vector.broadcast %slice3A_228 : vector<1x1024xbf16> to vector<512x1024xbf16>
    %mul3A_230 = arith.mulf %convert_element_type3A_32, %mul3A_229 : vector<512x1024xbf16>
    %add3A_231 = vector.broadcast %slice3A_227 : vector<512x1xbf16> to vector<512x1024xbf16>
    %add3A_232 = arith.addf %add3A_231, %mul3A_230 : vector<512x1024xbf16>
    %slice3A_233 = vector.extract_strided_slice %convert_element_type3A_29 {offsets = [15, 0], sizes = [1, 1024], strides = [1, 1]} : vector<16x1024xbf16> to vector<1x1024xbf16>
    %mul3A_234 = vector.broadcast %slice3A_233 : vector<1x1024xbf16> to vector<512x1024xbf16>
    %mul3A_235 = arith.mulf %convert_element_type3A_35, %mul3A_234 : vector<512x1024xbf16>
    %sub3A_236 = arith.subf %add3A_232, %mul3A_235 : vector<512x1024xbf16>
    %abs3A_237 = math.absf %sub3A_236 : vector<512x1024xbf16>
    %add3A_238 = arith.addf %add3A_226, %abs3A_237 : vector<512x1024xbf16>
    %convert_element_type3A_239 = arith.extf %add3A_238 : vector<512x1024xbf16> to vector<512x1024xf32>
    %add3A_240 = arith.addf %add3A_188, %convert_element_type3A_239 : vector<512x1024xf32>
    %swap3A = arith.constant 0 : index
    %swap3A_241 = arith.constant 0 : index
    %swap3A_242 = vector.load %arg5[%swap3A, %swap3A_241] : memref<512x1024xf32, #tpu.memory_space<vmem>>, vector<512x1024xf32>
    tpu.vector_store %arg5[%swap3A, %swap3A_241], %add3A_240 {strides = array<i32>} : memref<512x1024xf32, #tpu.memory_space<vmem>>, vector<512x1024xf32>,
    return
  }
  func.func @transform_0(%arg0: i32) -> (i32, i32, i32) {
    %c0_i32 = arith.constant 0 : i32
    %c0_i32_0 = arith.constant 0 : i32
    %c0_i32_1 = arith.constant 0 : i32
    return %arg0, %c0_i32, %c0_i32_0 : i32, i32, i32
  }
  func.func @transform_1(%arg0: i32) -> (i32, i32, i32) {
    %c0_i32 = arith.constant 0 : i32
    %c0_i32_0 = arith.constant 0 : i32
    %c0_i32_1 = arith.constant 0 : i32
    return %arg0, %c0_i32, %c0_i32_0 : i32, i32, i32
  }
  func.func @transform_2(%arg0: i32) -> (i32, i32, i32) {
    %c0_i32 = arith.constant 0 : i32
    %c0_i32_0 = arith.constant 0 : i32
    %c0_i32_1 = arith.constant 0 : i32
    %c0_i32_2 = arith.constant 0 : i32
    return %c0_i32, %c0_i32_0, %c0_i32_1 : i32, i32, i32
  }
  func.func @transform_3(%arg0: i32) -> (i32, i32, i32) {
    %c0_i32 = arith.constant 0 : i32
    %c0_i32_0 = arith.constant 0 : i32
    %c0_i32_1 = arith.constant 0 : i32
    %c0_i32_2 = arith.constant 0 : i32
    return %c0_i32, %c0_i32_0, %c0_i32_1 : i32, i32, i32
  }
  func.func @transform_4(%arg0: i32) -> (i32, i32) {
    %c0_i32 = arith.constant 0 : i32
    %c0_i32_0 = arith.constant 0 : i32
    return %arg0, %c0_i32 : i32, i32
  }
}

</mosaic_0001>

<sc_bundles>
// kernel: kernel.4.cloned.1.call-start
scs
__scs_entry_jumppad:
0x0: {  	(pc) =	sbr.rel $0x88, $3  }
0x1: {  	(tag) =	ssettag $0x0;
	lr =	simm.s32 $0x1  }
0x2: {  	[smem:$0x3F9B] =	sst lr;
	_ =	strace $0xD0000000  }
0x3: {  	_ = 	snop  }
0x4: {  	_ = 	snop  }
0x5: {  	_ = 	snop  }
0x6: {  	_ = 	snop  }
0x7: {  	_ = 	snop  }
__scs_overlays_trampoline_lowered:
0x8: {  	[smem:$0x3FAA] =	sst s0  }
0x9: {  	[smem:$0x3FAB] =	sst s1  }
0xa: {  	[smem:$0x3FAC] =	sst s2  }
0xb: {  	[smem:$0x3FAD] =	sst s3  }
0xc: {  	[smem:$0x3FAE] =	sst s4  }
0xd: {  	[smem:$0x3FAF] =	sst s5  }
0xe: {  	[smem:$0x3FB0] =	sst s6  }
0xf: {  	[smem:$0x3FB1] =	sst s7  }
0x10: {  	[smem:$0x3FB2] =	sst s8  }
0x11: {  	[smem:$0x3FB3] =	sst s9;
	s0 =	simm.s32 @!p0 $0x0  }
0x12: {  	s1 =	sld [smem:$0x3F99];
	s0 =	simm.s32 @p0 $0x1  }
0x13: {  	[smem:$0x3FB4] =	sst s0;
	s0 =	simm.s32 @!p1 $0x0  }
0x14: {  	s2 =	sld [smem:$0x3F98];
	s0 =	simm.s32 @p1 $0x1  }
0x15: {  	[smem:$0x3FB5] =	sst s0;
	s0 =	simm.s32 @!p2 $0x0  }
0x16: {  	s3 =	sld [smem:$0x3FDB];
	s0 =	simm.s32 @p2 $0x1  }
0x17: {  	s4 =	simm.s32 $0x1BF5;
	[smem:$0x3FB7] =	sst s0  }
0x18: {  	s0 =	sld [smem:$0x3F9A];
	_ =	swait.ge [sflag:s4], $0x0  }
0x19: {  	s7 =	sld [smem:$0x3F9B]  }
0x1a: {  	s8 =	sadd.s32 $0xFFFFE003, lr  }
0x1b: {  	s9 =	sadd.s32 $0xFFFFFEF7, lr;
	s5 =	simm.s32 $0xFFFFFFFF;
	p2 =	slt.u32 s8, $0xFFFFF086  }
0x1c: {  	p1 =	slt.u32 s9, $0xF7A;
	s5 =	simm.s32 @!p2 $0x0  }
0x1d: {  	s5 =	simm.s32 @p1 $0x1;
	p0 =	seq.s32 s7, s2  }
0x1e: {  	s7 =	smul.u32 @!p0 $0xF7A, s2;
	p2 =	seq.s32 @!p0 s5, $0x0  }
0x1f: {  	s9 =	smul.u32 $0xF7A, s1;
	s8 =	simm.s32 @!p0 $0x1BF5;
	p2 =	por !p2, p0  }
0x20: {  	[sflag:s8] =	ssyncset.s32 @!p0 $0xFFFFF086;
	s6 =	sadd.s32 @!p0 s3, s7;
	s7 =	simm.s32 @!p0 $0x108  }
0x21: {  	s3 =	sadd.s32 s3, s9;
	s6 =	sadd.s32 @!p0 $0x88, s6;
	s7 =	simm.s32 @p2 $0x1082  }
0x22: {  	[simem:s7], [sflag:s8] =	dma.local @!p0 [hbm:s6], $0xF7A  }
0x23: {  	s9 =	sor.u32 $0xD0000000, s2;
	s6 =	simm.s32 $0x108;
	_ =	swait.ge @!p0 [sflag:s8], $0x0  }
0x24: {  	s3 =	sadd.s32 $0x88, s3;
	s6 =	simm.s32 @!p1 $0x1082;
	[sflag:s4] =	ssyncset.s32 $0xFFFFF086  }
0x25: {  	[simem:s6], [sflag:s4] =	dma.local [hbm:s3], $0xF7A  }
0x26: {  	[smem:$0x3F9B] =	sst s1;
	(tag) =	ssettag s2;
	_ =	strace s9  }
0x27: {  	s1 =	sld [smem:$0x3FAB]  }
0x28: {  	s2 =	sld [smem:$0x3FAC]  }
0x29: {  	s4 =	sld [smem:$0x3FAE]  }
0x2a: {  	p0 =	seq.s32 s5, $0x0;
	s5 =	sld [smem:$0x3FAF]  }
0x2b: {  	s6 =	sld [smem:$0x3FB0]  }
0x2c: {  	s7 =	sld [smem:$0x3FB1]  }
0x2d: {  	s3 =	simm.s32 $0x108;
	s8 =	sld [smem:$0x3FB2]  }
0x2e: {  	s3 =	simm.s32 @!p0 $0x1082;
	s9 =	sld [smem:$0x3FB3]  }
0x2f: {  	lr =	sadd.s32 s0, s3;
	s0 =	sld [smem:$0x3FAA]  }
0x30: {  	s3 =	sld [smem:$0x3FAD]  }
0x31: {  	[smem:$0x3FB6] =	sst s10  }
0x32: {  	s10 =	sld [smem:$0x3FB4];
	_ =	sdelay $0x3  }
0x33: {  	p0 =	seq.s32 s10, $0x1;
	s10 =	sld [smem:$0x3FB6];
	_ =	sdelay $0x3  }
0x34: {  	[smem:$0x3FB6] =	sst s10  }
0x35: {  	s10 =	sld [smem:$0x3FB5];
	_ =	sdelay $0x3  }
0x36: {  	p1 =	seq.s32 s10, $0x1;
	s10 =	sld [smem:$0x3FB6];
	_ =	sdelay $0x3  }
0x37: {  	[smem:$0x3FB6] =	sst s10  }
0x38: {  	s10 =	sld [smem:$0x3FB7]  }
0x39: {  	_ = 	snop;
	(pc) =	sbr.ind lr, $3  }
0x3a: {  	_ = 	snop  }
0x3b: {  	_ = 	snop  }
0x3c: {  	p2 =	seq.s32 s10, $0x1;
	s10 =	sld [smem:$0x3FB6]  }
0x3d: {  	_ =	shalt  }
0x3e: {  	_ =	shalt  }
0x3f: {  	_ =	shalt  }
0x40: {  	_ =	shalt  }
0x41: {  	_ =	shalt  }
0x42: {  	_ =	shalt  }
0x43: {  	_ =	shalt  }
0x44: {  	_ =	shalt  }
0x45: {  	_ =	shalt  }
0x46: {  	_ =	shalt  }
0x47: {  	_ =	shalt  }
0x48: {  	_ =	shalt  }
0x49: {  	_ =	shalt  }
0x4a: {  	_ =	shalt  }
0x4b: {  	_ =	shalt  }
0x4c: {  	_ =	shalt  }
0x4d: {  	_ =	shalt  }
0x4e: {  	_ =	shalt  }
0x4f: {  	_ =	shalt  }
0x50: {  	_ =	shalt  }
0x51: {  	_ =	shalt  }
0x52: {  	_ =	shalt  }
0x53: {  	_ =	shalt  }
0x54: {  	_ =	shalt  }
0x55: {  	_ =	shalt  }
0x56: {  	_ =	shalt  }
0x57: {  	_ =	shalt  }
0x58: {  	_ =	shalt  }
0x59: {  	_ =	shalt  }
0x5a: {  	_ =	shalt  }
0x5b: {  	_ =	shalt  }
0x5c: {  	_ =	shalt  }
0x5d: {  	_ =	shalt  }
0x5e: {  	_ =	shalt  }
0x5f: {  	_ =	shalt  }
0x60: {  	_ =	shalt  }
0x61: {  	_ =	shalt  }
0x62: {  	_ =	shalt  }
0x63: {  	_ =	shalt  }
0x64: {  	_ =	shalt  }
0x65: {  	_ =	shalt  }
0x66: {  	_ =	shalt  }
0x67: {  	_ =	shalt  }
0x68: {  	_ =	shalt  }
0x69: {  	_ =	shalt  }
0x6a: {  	_ =	shalt  }
0x6b: {  	_ =	shalt  }
0x6c: {  	_ =	shalt  }
0x6d: {  	_ =	shalt  }
0x6e: {  	_ =	shalt  }
0x6f: {  	_ =	shalt  }
0x70: {  	_ =	shalt  }
0x71: {  	_ =	shalt  }
0x72: {  	_ =	shalt  }
0x73: {  	_ =	shalt  }
0x74: {  	_ =	shalt  }
0x75: {  	_ =	shalt  }
0x76: {  	_ =	shalt  }
0x77: {  	_ =	shalt  }
0x78: {  	_ =	shalt  }
0x79: {  	_ =	shalt  }
0x7a: {  	_ =	shalt  }
0x7b: {  	_ =	shalt  }
0x7c: {  	_ =	shalt  }
0x7d: {  	_ =	shalt  }
0x7e: {  	_ =	shalt  }
0x7f: {  	_ =	shalt  }
0x80: {  	_ =	shalt  }
0x81: {  	_ =	shalt  }
0x82: {  	_ =	shalt  }
0x83: {  	_ =	shalt  }
0x84: {  	_ =	shalt  }
0x85: {  	_ =	shalt  }
0x86: {  	_ =	shalt  }
0x87: {  	_ =	shalt  }
.Lfunc_end0:
.L_simem_size_0:
called_computation_lowered:
.L_overlay_start_0:
0x88: {  	s2 =	sld [smem:$0x3FD9]  }
0x89: {  	s3 =	sld [smem:$0x3FFE];
	_ =	sdelay $0x1  }
0x8a: {  	s1 =	srdreg.scid  }
0x8b: {  	s0 =	sand.u32 $0x1, s1  }
0x8c: {  	s17 =	sshll.u32 s0, $0xA;
	s2 =	sadd.s32 s3, s2  }
0x8d: {  	s2 =	sadd.s32 s2, s17  }
0x8e: {  	[smem:$0x3FC2] =	sst s2  }
0x8f: {  	_ = 	snop  }
0x90: {  	s2 =	sld [smem:$0x3FC9]  }
0x91: {  	s18 =	sld [smem:$0x3FC8]  }
0x92: {  	s4 =	sld [smem:$0x3FC7]  }
0x93: {  	s5 =	sld [smem:$0x3FC6]  }
0x94: {  	s6 =	sld [smem:$0x3FC5]  }
0x95: {  	s7 =	sld [smem:$0x3FC4]  }
0x96: {  	s8 =	sld [smem:$0x3FD0];
	(tm) =	ssettm $0x1  }
0x97: {  	s9 =	sld [smem:$0x3FFB];
	_ =	sdelay $0x3  }
0x98: {  	_ =	strace s9  }
0x99: {  	s9 =	sld [smem:$0x3FFC];
	_ =	sdelay $0x3  }
0x9a: {  	_ =	strace s9  }
0x9b: {  	s9 =	sld [smem:$0x3FFD];
	_ =	sdelay $0x3  }
0x9c: {  	_ =	strace s9  }
0x9d: {  	_ =	strace $0x8FFFFFFF  }
0x9e: {  	s19 =	sld [smem:$0x3FDB];
	_ =	sdelay $0x1  }
0x9f: {  	s10 =	simm.s32 $_scs_section_size  }
0xa0: {  	s11 =	simm.s32 $_size__tile_overlayer_lowered;
	s12 =	simm.s32 $_tile_overlayer_lowered  }
0xa1: {  	s22 =	simm.s32 $0x1BFF;
	s21 =	sshll.u32 s12, $0x1;
	s9 =	sadd.s32 s10, s19  }
0xa2: {  	s13 =	simm.s32 $0x0;
	s20 =	sshll.u32 s11, $0x1;
	s11 =	sadd.s32 s21, s9  }
0xa3: {  	[timem:s13], [sflag:s22] =	dma.local [hbm:s11], s20  }
0xa4: {  	_ =	swait.ge [sflag:s22], s20  }
0xa5: {  	s10 =	ssub.s32 $0x0, s20;
	[sflag:s22] =	ssyncset.done $0x0  }
0xa6: {  	[sflag:s22] =	ssyncadd.s32 s10;
	_ =	sdelay $0x1  }
0xa7: {  	s23 =	simm.s32 $0x1B8B  }
0xa8: {  	_ =	swait.ge [sflag:s23], $0x1  }
0xa9: {  	[sflag:s23] =	ssyncset.done $0x0  }
0xaa: {  	s25 =	simm.s32 $0x1B8E;
	s24 =	sld [smem:$0x3FFE];
	[sflag:s23] =	ssyncadd.s32 $0xFFFFFFFF  }
0xab: {  	s26 =	simm.s32 $execute0_lowered;
	[smem:$0x3FD2] =	sst s25  }
0xac: {  	s11 =	sshll.u32 s26, $0x1;
	_ =	strace $0x80000046;
	[dreg:$0x1] =	wrdreg $0xFFFFFFFF  }
0xad: {  	s28 =	simm.s32 $_size_execute0_lowered;
	s9 =	sadd.s32 s9, s11;
	[dreg:$0x0] =	wrdreg $0x0  }
0xae: {  	s11 =	sshll.u32 s28, $0x1;
	[dreg:$0x2] =	wrdreg s9  }
0xaf: {  	[dreg:$0x3] =	wrdreg s11  }
0xb0: {  	[dreg:$0x4] =	wrdreg $0xC0  }
0xb1: {  	_ =	task [dreg:s13], $0x5FFFF  }
0xb2: {  	[dreg:$0x1] =	wrdreg $0xFFFFFFFF  }
0xb3: {  	[dreg:$0x0] =	wrdreg $0x60  }
0xb4: {  	[dreg:$0x2] =	wrdreg s2  }
0xb5: {  	[dreg:$0x3] =	wrdreg s18  }
0xb6: {  	[dreg:$0x4] =	wrdreg s4  }
0xb7: {  	[dreg:$0x5] =	wrdreg s5  }
0xb8: {  	[dreg:$0x6] =	wrdreg s6  }
0xb9: {  	[dreg:$0x7] =	wrdreg s7  }
0xba: {  	[dreg:$0x8] =	wrdreg s8  }
0xbb: {  	[dreg:$0x9] =	wrdreg s24  }
0xbc: {  	[dreg:$0xa] =	wrdreg $0x9  }
0xbd: {  	_ =	task.clear_ibuf [dreg:s13], $0xBFFFF;
	_ =	strace $0x90000046  }
0xbe: {  	s29 =	simm.s32 $0x9;
	_ =	strace $0x80000048  }
0xbf: {  	_ =	swait.ge [sflag:s29], $0x1  }
0xc0: {  	[sflag:s29] =	ssyncadd.s32 $0xFFFFFFFF  }
0xc1: {  	_ =	strace $0x90000048  }
0xc2: {  	_ =	sfence  }
0xc3: {  	s30 =	sld [smem:$0x0];
	_ =	sdelay $0x2  }
0xc4: {  	s31 =	sshll.u32 s1, $0xD;
	s1 =	sshrl.u32 s1, $0x2  }
0xc5: {  	s3 =	sand.u32 $0x4000, s31;
	s1 =	sadd.s32 s1, s30  }
0xc6: {  	s0 =	sor.u32 s3, s0;
	s1 =	sshll.u32 s1, $0x11  }
0xc7: {  	s0 =	sor.u32 s1, s0  }
0xc8: {  	s0 =	sadd.s32 $0x8F2B, s0  }
0xc9: {  	[sflag:s0] =	ssyncadd.remote.s32 $0x1  }
0xca: {  	_ =	sfence.sel $0xFFFF  }
0xcb: {  	[dreg:$0x0] =	wrdreg $0xFFFFFFFF;
	(pc) =	sbr.abs _section_cstart, $3  }
0xcc: {  	[dreg:$0x1] =	wrdreg $0xFFFFFFFF  }
0xcd: {  	_ =	task.clear_ibuf [dreg:s13], $0x2FFFF;
	_ =	strace $0x9FFFFFFF  }
0xce: {  	(tm) =	ssettm $0x7FFFFFFF  }
0xcf: {  	_ =	shalt  }
tec
execute0_lowered:
.L_overlay_start_1:
0x0: {  	(tag) =	ssettag $0x1  }
0x1: {  	s2 =	rddreg [dreg:$0x0]  }
0x2: {  	s3 =	rddreg [dreg:$0x1]  }
0x3: {  	s0 =	rddreg [dreg:$0x2]  }
0x4: {  	s1 =	rddreg [dreg:$0x3]  }
0x5: {  	s4 =	rddreg [dreg:$0x5]  }
0x6: {  	s5 =	rddreg [dreg:$0x6]  }
0x7: {  	s20 =	srdreg.scid;
	s8 =	stileid.u32;
	v29 =	vlaneseq.u32  }
0x8: {  	s6 =	rddreg [dreg:$0x7];
	s31 =	simm.s32 $0x80;
	s10 =	simm.s32 $0x7A1400;
	v0 =	vmul.u32 $0x80, v29  }
0x9: {  	s11 =	simm.s32 $0x100;
	s28 =	simm.s32 $0x8100;
	s29 =	simm.s32 $0x2  }
0xa: {  	s30 =	simm.s32 $0x1A100;
	s13 =	simm.s32 $0x1900;
	s14 =	simm.s32 $0x2100;
	v29 =	vmul.u32 $0x800, v29;
	v1 =	vor.u32 $0x1, v0  }
0xb: {  	s15 =	simm.s32 $0x2900;
	s16 =	simm.s32 $0x3100;
	[dreg:$0x9] =	wrdreg s1;
	v2 =	vor.u32 $0x2, v0;
	v3 =	vor.u32 $0x3, v0;
	v4 =	vor.u32 $0x4, v0  }
0xc: {  	s17 =	simm.s32 $0x3900;
	s18 =	simm.s32 $0x4100;
	s1 =	rddreg [dreg:$0x4];
	v5 =	vor.u32 $0x5, v0;
	v6 =	vor.u32 $0x6, v0;
	v7 =	vor.u32 $0x7, v0  }
0xd: {  	s19 =	simm.s32 $0x4900;
	[dreg:$0xa] =	wrdreg s4;
	s7 =	sand.u32 $0x1, s20;
	v8 =	vor.u32 $0x8, v0;
	v9 =	vor.u32 $0x9, v0;
	v10 =	vor.u32 $0xA, v0  }
0xe: {  	s8 =	sshll.u32 s8, $0x1;
	s4 =	simm.s32 $0x0;
	s20 =	simm.s32 $0x5100;
	v11 =	vor.u32 $0xB, v0;
	v12 =	vor.u32 $0xC, v0;
	v13 =	vor.u32 $0xD, v0  }
0xf: {  	s8 =	sor.u32 s7, s8;
	[smem:$0x7FF] =	sst s4;
	s23 =	ssub.s32 $0x2, s7;
	v14 =	vor.u32 $0xE, v0;
	v15 =	vor.u32 $0xF, v0;
	v16 =	vor.u32 $0x800, v0  }
0x10: {  	s9 =	sshll.u32 s8, $0x2;
	_ =	strace $0x80000047;
	s8 =	sshll.u32 s8, $0x9;
	v17 =	vor.u32 $0x801, v0;
	v18 =	vor.u32 $0x802, v0;
	v19 =	vor.u32 $0x803, v0  }
0x11: {  	s7 =	sshrl.u32 s23, $0x1;
	[dreg:$0x11] =	wrdreg s31;
	v20 =	vor.u32 $0x804, v0;
	v21 =	vor.u32 $0x805, v0;
	v22 =	vor.u32 $0x806, v0;
	s2 =	sadd.s32 s2, s9  }
0x12: {  	v23 =	vor.u32 $0x807, v0;
	v24 =	vor.u32 $0x808, v0;
	v25 =	vor.u32 $0x809, v0;
	s6 =	sadd.s32 s8, s6;
	s21 =	sadd.s32 s3, s9;
	s25 =	sadd.s32 s5, s8  }
0x13: {  	v26 =	vor.u32 $0x80A, v0;
	v27 =	vor.u32 $0x80B, v0;
	v28 =	vor.u32 $0x80C, v0;
	s3 =	ssub.s32 s23, s7;
	s7 =	simm.s32 $0x14100;
	[dreg:$0xb] =	wrdreg s2  }
0x14: {  	v30 =	vor.u32 $0x80D, v0;
	v31 =	vor.u32 $0x80E, v0;
	v32 =	vor.u32 $0x80F, v0;
	s8 =	simm.s32 $0x4;
	s9 =	simm.s32 $0x400;
	[dreg:$0xc] =	wrdreg s21  }
0x15: {  	v33 =	vor.u32 $0x80, v29;
	v34 =	vor.u32 $0x100, v29;
	v35 =	vor.u32 $0x180, v29;
	s23 =	simm.s32 $0x19100;
	s22 =	sadd.s32 $0x1000, s6;
	[dreg:$0xf] =	wrdreg s25  }
0x16: {  	v36 =	vor.u32 $0x200, v29;
	v37 =	vor.u32 $0x280, v29;
	v38 =	vor.u32 $0x300, v29;
	s24 =	sadd.s32 $0x9000, s6;
	s26 =	sadd.s32 $0x5000, s6;
	[dreg:$0xd] =	wrdreg s22  }
0x17: {  	v39 =	vor.u32 $0x380, v29;
	v40 =	vor.u32 $0x400, v29;
	v41 =	vor.u32 $0x480, v29;
	s5 =	smax.u32 s3, $0x1;
	s6 =	simm.s32 $0x10100;
	[dreg:$0xe] =	wrdreg s24  }
0x18: {  	v42 =	vor.u32 $0x500, v29;
	v43 =	vor.u32 $0x580, v29;
	v44 =	vor.u32 $0x600, v29;
	s25 =	simm.s32 $0x1;
	s21 =	simm.s32 $0x5900;
	[dreg:$0x10] =	wrdreg s26  }
0x19: {  	v45 =	vor.u32 $0x680, v29;
	v46 =	vor.u32 $0x700, v29;
	v47 =	vor.u32 $0x780, v29;
	s24 =	simm.s32 $0x1B100;
	s26 =	simm.s32 $0x18100;
	s22 =	simm.s32 $0x6100  }
.LBB2_1:
0x1a: {  	s31 =	rddreg [dreg:$0xb]  }
0x1b: {  	s3 =	rddreg [dreg:$0xc]  }
0x1c: {  	[tilespmem:s4], [sflag:$0x4] =	stream.linear.gather [hbm4b:s31+s4], $0x20, $0x38;
	[tilespmem:$0x1C100] =	vst v63  }
0x1d: {  	s2 =	rddreg [dreg:$0x11]  }
0x1e: {  	[tilespmem:s2], [sflag:$0x4] =	stream.linear.gather [hbm4b:s3+s4], $0x20, $0x38;
	[tilespmem:$0x1C100] =	vst v63  }
0x1f: {  	s12 =	rddreg [dreg:$0x9]  }
0x20: {  	[tilespmem:s6], [sflag:$0x3] =	stream.linear.gather [hbm4b:s12+s4], $0x4000, $0x38;
	[tilespmem:$0x1C100] =	vst v63  }
0x21: {  	s3 =	rddreg [dreg:$0xa]  }
0x22: {  	[tilespmem:s7], [sflag:$0x3] =	stream.linear.gather [hbm4b:s3+s4], $0x4000, $0x38;
	[tilespmem:$0x1C100] =	vst v63  }
0x23: {  	_ =	swait.ge [sflag:s8], $0x20  }
0x24: {  	[sflag:s8] =	ssyncset.done $0x0  }
0x25: {  	[sflag:s8] =	ssyncadd.s32 $0xFFFFFFE0  }
0x26: {  	_ =	swait.ge [sflag:s8], $0x20  }
0x27: {  	[sflag:s8] =	ssyncset.done $0x0  }
0x28: {  	[sflag:s8] =	ssyncadd.s32 $0xFFFFFFE0  }
0x29: {  	v48 =	vld [tilespmem:$0x0];
	_ =	sdelay $0x4  }
0x2a: {  	(v2sf) =	vpush v48, $0x0;
	_ =	sdelay $0x2  }
0x2b: {  	(v2sf) =	vpush v48, $0x1;
	_ =	sdelay $0x7  }
0x2c: {  	(v2sf) =	vpush v48, $0x2;
	_ =	sdelay $0x3  }
0x2d: {  	s12 =	spop (v2sf)  }
0x2e: {  	s31 =	sshra.s32 s12, $0x1F  }
0x2f: {  	s3 =	sshrl.u32 s31, $0x19  }
0x30: {  	(v2sf) =	vpush v48, $0x3;
	s2 =	sadd.s32 s3, s12;
	s12 =	spop (v2sf)  }
0x31: {  	s2 =	sand.u32 $0xFFFFF80, s2;
	s31 =	sshra.s32 s12, $0x1F  }
0x32: {  	s2 =	sadd.s32 s0, s2;
	s3 =	sshrl.u32 s31, $0x19  }
0x33: {  	[tilespmem:s11], [sflag:$0x1] =	stream.strided.gather [hbm4b:s2+s9], $0x800, s10, s9, $0x38;
	[tilespmem:$0x1C100] =	vst v63  }
0x34: {  	s2 =	sadd.s32 s3, s12  }
0x35: {  	s2 =	sand.u32 $0xFFFFF80, s2  }
0x36: {  	s31 =	simm.s32 $0x900;
	s2 =	sadd.s32 s0, s2  }
0x37: {  	(v2sf) =	vpush v48, $0x4;
	[tilespmem:s31], [sflag:$0x1] =	stream.strided.gather [hbm4b:s2+s9], $0x800, s10, s9, $0x38;
	[tilespmem:$0x1C100] =	vst v63  }
0x38: {  	s2 =	spop (v2sf)  }
0x39: {  	s12 =	sshra.s32 s2, $0x1F  }
0x3a: {  	s3 =	sshrl.u32 s12, $0x19  }
0x3b: {  	s2 =	sadd.s32 s3, s2  }
0x3c: {  	s2 =	sand.u32 $0xFFFFF80, s2  }
0x3d: {  	s12 =	simm.s32 $0x1100;
	s2 =	sadd.s32 s0, s2  }
0x3e: {  	(v2sf) =	vpush v48, $0x5;
	[tilespmem:s12], [sflag:$0x1] =	stream.strided.gather [hbm4b:s2+s9], $0x800, s10, s9, $0x38;
	[tilespmem:$0x1C100] =	vst v63  }
0x3f: {  	s2 =	spop (v2sf)  }
0x40: {  	s3 =	sshra.s32 s2, $0x1F  }
0x41: {  	s3 =	sshrl.u32 s3, $0x19  }
0x42: {  	s2 =	sadd.s32 s3, s2  }
0x43: {  	s2 =	sand.u32 $0xFFFFF80, s2  }
0x44: {  	s2 =	sadd.s32 s0, s2  }
0x45: {  	(v2sf) =	vpush v48, $0x6;
	[tilespmem:s13], [sflag:$0x1] =	stream.strided.gather [hbm4b:s2+s9], $0x800, s10, s9, $0x38;
	[tilespmem:$0x1C100] =	vst v63  }
0x46: {  	s2 =	spop (v2sf)  }
0x47: {  	s3 =	sshra.s32 s2, $0x1F  }
0x48: {  	s3 =	sshrl.u32 s3, $0x19  }
0x49: {  	s2 =	sadd.s32 s3, s2  }
0x4a: {  	s2 =	sand.u32 $0xFFFFF80, s2  }
0x4b: {  	s2 =	sadd.s32 s0, s2  }
0x4c: {  	(v2sf) =	vpush v48, $0x7;
	[tilespmem:s14], [sflag:$0x1] =	stream.strided.gather [hbm4b:s2+s9], $0x800, s10, s9, $0x38;
	[tilespmem:$0x1C100] =	vst v63  }
0x4d: {  	s2 =	spop (v2sf)  }
0x4e: {  	s3 =	sshra.s32 s2, $0x1F  }
0x4f: {  	s3 =	sshrl.u32 s3, $0x19  }
0x50: {  	s2 =	sadd.s32 s3, s2  }
0x51: {  	s2 =	sand.u32 $0xFFFFF80, s2  }
0x52: {  	s2 =	sadd.s32 s0, s2  }
0x53: {  	(v2sf) =	vpush v48, $0x8;
	[tilespmem:s15], [sflag:$0x1] =	stream.strided.gather [hbm4b:s2+s9], $0x800, s10, s9, $0x38;
	[tilespmem:$0x1C100] =	vst v63  }
0x54: {  	s2 =	spop (v2sf)  }
0x55: {  	s3 =	sshra.s32 s2, $0x1F  }
0x56: {  	s3 =	sshrl.u32 s3, $0x19  }
0x57: {  	s2 =	sadd.s32 s3, s2  }
0x58: {  	s2 =	sand.u32 $0xFFFFF80, s2  }
0x59: {  	s2 =	sadd.s32 s0, s2  }
0x5a: {  	(v2sf) =	vpush v48, $0x9;
	[tilespmem:s16], [sflag:$0x1] =	stream.strided.gather [hbm4b:s2+s9], $0x800, s10, s9, $0x38;
	[tilespmem:$0x1C100] =	vst v63  }
0x5b: {  	s2 =	spop (v2sf)  }
0x5c: {  	s3 =	sshra.s32 s2, $0x1F  }
0x5d: {  	s3 =	sshrl.u32 s3, $0x19  }
0x5e: {  	s2 =	sadd.s32 s3, s2  }
0x5f: {  	s2 =	sand.u32 $0xFFFFF80, s2  }
0x60: {  	s2 =	sadd.s32 s0, s2  }
0x61: {  	(v2sf) =	vpush v48, $0xA;
	[tilespmem:s17], [sflag:$0x1] =	stream.strided.gather [hbm4b:s2+s9], $0x800, s10, s9, $0x38;
	[tilespmem:$0x1C100] =	vst v63  }
0x62: {  	s2 =	spop (v2sf)  }
0x63: {  	s3 =	sshra.s32 s2, $0x1F  }
0x64: {  	s3 =	sshrl.u32 s3, $0x19  }
0x65: {  	s2 =	sadd.s32 s3, s2  }
0x66: {  	s2 =	sand.u32 $0xFFFFF80, s2  }
0x67: {  	s2 =	sadd.s32 s0, s2  }
0x68: {  	(v2sf) =	vpush v48, $0xB;
	[tilespmem:s18], [sflag:$0x1] =	stream.strided.gather [hbm4b:s2+s9], $0x800, s10, s9, $0x38;
	[tilespmem:$0x1C100] =	vst v63  }
0x69: {  	s2 =	spop (v2sf)  }
0x6a: {  	s3 =	sshra.s32 s2, $0x1F  }
0x6b: {  	s3 =	sshrl.u32 s3, $0x19  }
0x6c: {  	s2 =	sadd.s32 s3, s2  }
0x6d: {  	s2 =	sand.u32 $0xFFFFF80, s2  }
0x6e: {  	s2 =	sadd.s32 s0, s2  }
0x6f: {  	(v2sf) =	vpush v48, $0xC;
	[tilespmem:s19], [sflag:$0x1] =	stream.strided.gather [hbm4b:s2+s9], $0x800, s10, s9, $0x38;
	[tilespmem:$0x1C100] =	vst v63  }
0x70: {  	s2 =	spop (v2sf)  }
0x71: {  	s3 =	sshra.s32 s2, $0x1F  }
0x72: {  	s3 =	sshrl.u32 s3, $0x19  }
0x73: {  	s2 =	sadd.s32 s3, s2  }
0x74: {  	s2 =	sand.u32 $0xFFFFF80, s2  }
0x75: {  	s2 =	sadd.s32 s0, s2  }
0x76: {  	(v2sf) =	vpush v48, $0xD;
	[tilespmem:s20], [sflag:$0x1] =	stream.strided.gather [hbm4b:s2+s9], $0x800, s10, s9, $0x38;
	[tilespmem:$0x1C100] =	vst v63  }
0x77: {  	s2 =	spop (v2sf)  }
0x78: {  	s3 =	sshra.s32 s2, $0x1F  }
0x79: {  	s3 =	sshrl.u32 s3, $0x19  }
0x7a: {  	s2 =	sadd.s32 s3, s2  }
0x7b: {  	s2 =	sand.u32 $0xFFFFF80, s2  }
0x7c: {  	s2 =	sadd.s32 s0, s2  }
0x7d: {  	(v2sf) =	vpush v48, $0xE;
	[tilespmem:s21], [sflag:$0x1] =	stream.strided.gather [hbm4b:s2+s9], $0x800, s10, s9, $0x38;
	[tilespmem:$0x1C100] =	vst v63  }
0x7e: {  	s2 =	spop (v2sf)  }
0x7f: {  	s3 =	sshra.s32 s2, $0x1F  }
0x80: {  	s3 =	sshrl.u32 s3, $0x19  }
0x81: {  	s2 =	sadd.s32 s3, s2  }
0x82: {  	s2 =	sand.u32 $0xFFFFF80, s2  }
0x83: {  	s2 =	sadd.s32 s0, s2  }
0x84: {  	(v2sf) =	vpush v48, $0xF;
	[tilespmem:s22], [sflag:$0x1] =	stream.strided.gather [hbm4b:s2+s9], $0x800, s10, s9, $0x38;
	[tilespmem:$0x1C100] =	vst v63  }
0x85: {  	s2 =	spop (v2sf)  }
0x86: {  	s3 =	sshra.s32 s2, $0x1F  }
0x87: {  	s3 =	sshrl.u32 s3, $0x19  }
0x88: {  	s2 =	sadd.s32 s3, s2  }
0x89: {  	s2 =	sand.u32 $0xFFFFF80, s2  }
0x8a: {  	s3 =	simm.s32 $0x6900;
	s2 =	sadd.s32 s0, s2  }
0x8b: {  	[tilespmem:s3], [sflag:$0x1] =	stream.strided.gather [hbm4b:s2+s9], $0x800, s10, s9, $0x38;
	[tilespmem:$0x1C100] =	vst v63  }
0x8c: {  	s2 =	spop (v2sf)  }
0x8d: {  	s3 =	sshra.s32 s2, $0x1F  }
0x8e: {  	s3 =	sshrl.u32 s3, $0x19  }
0x8f: {  	s2 =	sadd.s32 s3, s2  }
0x90: {  	s2 =	sand.u32 $0xFFFFF80, s2  }
0x91: {  	s3 =	simm.s32 $0x7100;
	s2 =	sadd.s32 s0, s2  }
0x92: {  	[tilespmem:s3], [sflag:$0x1] =	stream.strided.gather [hbm4b:s2+s9], $0x800, s10, s9, $0x38;
	[tilespmem:$0x1C100] =	vst v63  }
0x93: {  	s2 =	spop (v2sf)  }
0x94: {  	s3 =	sshra.s32 s2, $0x1F  }
0x95: {  	s3 =	sshrl.u32 s3, $0x19  }
0x96: {  	s2 =	sadd.s32 s3, s2  }
0x97: {  	s2 =	sand.u32 $0xFFFFF80, s2  }
0x98: {  	s3 =	simm.s32 $0x7900;
	s2 =	sadd.s32 s0, s2  }
0x99: {  	[tilespmem:s3], [sflag:$0x1] =	stream.strided.gather [hbm4b:s2+s9], $0x800, s10, s9, $0x38;
	[tilespmem:$0x1C100] =	vst v63  }
0x9a: {  	v54 =	vld [tilespmem:$0x10];
	_ =	sdelay $0x4  }
0x9b: {  	(v2sf) =	vpush v54, $0x0;
	_ =	sdelay $0x6  }
0x9c: {  	(v2sf) =	vpush v54, $0x1;
	_ =	sdelay $0x6  }
0x9d: {  	(v2sf) =	vpush v54, $0x2  }
0x9e: {  	s2 =	spop (v2sf)  }
0x9f: {  	s3 =	sshra.s32 s2, $0x1F  }
0xa0: {  	s3 =	sshrl.u32 s3, $0x19  }
0xa1: {  	s2 =	sadd.s32 s3, s2  }
0xa2: {  	s2 =	sand.u32 $0xFFFFF80, s2  }
0xa3: {  	s2 =	sadd.s32 s0, s2  }
0xa4: {  	(v2sf) =	vpush v54, $0x3;
	[tilespmem:s28], [sflag:$0x2] =	stream.strided.gather [hbm4b:s2+s9], $0x800, s10, s9, $0x38;
	[tilespmem:$0x1C100] =	vst v63  }
0xa5: {  	s2 =	spop (v2sf)  }
0xa6: {  	s3 =	sshra.s32 s2, $0x1F  }
0xa7: {  	s3 =	sshrl.u32 s3, $0x19  }
0xa8: {  	s2 =	sadd.s32 s3, s2  }
0xa9: {  	s2 =	sand.u32 $0xFFFFF80, s2  }
0xaa: {  	s3 =	simm.s32 $0x8900;
	s2 =	sadd.s32 s0, s2  }
0xab: {  	(v2sf) =	vpush v54, $0x4;
	[tilespmem:s3], [sflag:$0x2] =	stream.strided.gather [hbm4b:s2+s9], $0x800, s10, s9, $0x38;
	[tilespmem:$0x1C100] =	vst v63  }
0xac: {  	s2 =	spop (v2sf)  }
0xad: {  	s3 =	sshra.s32 s2, $0x1F  }
0xae: {  	s3 =	sshrl.u32 s3, $0x19  }
0xaf: {  	s2 =	sadd.s32 s3, s2  }
0xb0: {  	s2 =	sand.u32 $0xFFFFF80, s2  }
0xb1: {  	s3 =	simm.s32 $0x9100;
	s2 =	sadd.s32 s0, s2  }
0xb2: {  	(v2sf) =	vpush v54, $0x5;
	[tilespmem:s3], [sflag:$0x2] =	stream.strided.gather [hbm4b:s2+s9], $0x800, s10, s9, $0x38;
	[tilespmem:$0x1C100] =	vst v63  }
0xb3: {  	s2 =	spop (v2sf)  }
0xb4: {  	s3 =	sshra.s32 s2, $0x1F  }
0xb5: {  	s3 =	sshrl.u32 s3, $0x19  }
0xb6: {  	s2 =	sadd.s32 s3, s2  }
0xb7: {  	s2 =	sand.u32 $0xFFFFF80, s2  }
0xb8: {  	s3 =	simm.s32 $0x9900;
	s2 =	sadd.s32 s0, s2  }
0xb9: {  	(v2sf) =	vpush v54, $0x6;
	[tilespmem:s3], [sflag:$0x2] =	stream.strided.gather [hbm4b:s2+s9], $0x800, s10, s9, $0x38;
	[tilespmem:$0x1C100] =	vst v63  }
0xba: {  	s2 =	spop (v2sf)  }
0xbb: {  	s3 =	sshra.s32 s2, $0x1F  }
0xbc: {  	s3 =	sshrl.u32 s3, $0x19  }
0xbd: {  	s2 =	sadd.s32 s3, s2  }
0xbe: {  	s2 =	sand.u32 $0xFFFFF80, s2  }
0xbf: {  	s3 =	simm.s32 $0xA100;
	s2 =	sadd.s32 s0, s2  }
0xc0: {  	(v2sf) =	vpush v54, $0x7;
	[tilespmem:s3], [sflag:$0x2] =	stream.strided.gather [hbm4b:s2+s9], $0x800, s10, s9, $0x38;
	[tilespmem:$0x1C100] =	vst v63  }
0xc1: {  	s2 =	spop (v2sf)  }
0xc2: {  	s3 =	sshra.s32 s2, $0x1F  }
0xc3: {  	s3 =	sshrl.u32 s3, $0x19  }
0xc4: {  	s2 =	sadd.s32 s3, s2  }
0xc5: {  	s2 =	sand.u32 $0xFFFFF80, s2  }
0xc6: {  	s3 =	simm.s32 $0xA900;
	s2 =	sadd.s32 s0, s2  }
0xc7: {  	(v2sf) =	vpush v54, $0x8;
	[tilespmem:s3], [sflag:$0x2] =	stream.strided.gather [hbm4b:s2+s9], $0x800, s10, s9, $0x38;
	[tilespmem:$0x1C100] =	vst v63  }
0xc8: {  	s2 =	spop (v2sf)  }
0xc9: {  	s3 =	sshra.s32 s2, $0x1F  }
0xca: {  	s3 =	sshrl.u32 s3, $0x19  }
0xcb: {  	s2 =	sadd.s32 s3, s2  }
0xcc: {  	s2 =	sand.u32 $0xFFFFF80, s2  }
0xcd: {  	s3 =	simm.s32 $0xB100;
	s2 =	sadd.s32 s0, s2  }
0xce: {  	(v2sf) =	vpush v54, $0x9;
	[tilespmem:s3], [sflag:$0x2] =	stream.strided.gather [hbm4b:s2+s9], $0x800, s10, s9, $0x38;
	[tilespmem:$0x1C100] =	vst v63  }
0xcf: {  	s2 =	spop (v2sf)  }
0xd0: {  	s3 =	sshra.s32 s2, $0x1F  }
0xd1: {  	s3 =	sshrl.u32 s3, $0x19  }
0xd2: {  	s2 =	sadd.s32 s3, s2  }
0xd3: {  	s2 =	sand.u32 $0xFFFFF80, s2  }
0xd4: {  	s3 =	simm.s32 $0xB900;
	s2 =	sadd.s32 s0, s2  }
0xd5: {  	(v2sf) =	vpush v54, $0xA;
	[tilespmem:s3], [sflag:$0x2] =	stream.strided.gather [hbm4b:s2+s9], $0x800, s10, s9, $0x38;
	[tilespmem:$0x1C100] =	vst v63  }
0xd6: {  	s2 =	spop (v2sf)  }
0xd7: {  	s3 =	sshra.s32 s2, $0x1F  }
0xd8: {  	s3 =	sshrl.u32 s3, $0x19  }
0xd9: {  	s2 =	sadd.s32 s3, s2  }
0xda: {  	s2 =	sand.u32 $0xFFFFF80, s2  }
0xdb: {  	s3 =	simm.s32 $0xC100;
	s2 =	sadd.s32 s0, s2  }
0xdc: {  	(v2sf) =	vpush v54, $0xB;
	[tilespmem:s3], [sflag:$0x2] =	stream.strided.gather [hbm4b:s2+s9], $0x800, s10, s9, $0x38;
	[tilespmem:$0x1C100] =	vst v63  }
0xdd: {  	s2 =	spop (v2sf)  }
0xde: {  	s3 =	sshra.s32 s2, $0x1F  }
0xdf: {  	s3 =	sshrl.u32 s3, $0x19  }
0xe0: {  	s2 =	sadd.s32 s3, s2  }
0xe1: {  	s2 =	sand.u32 $0xFFFFF80, s2  }
0xe2: {  	s3 =	simm.s32 $0xC900;
	s2 =	sadd.s32 s0, s2  }
0xe3: {  	(v2sf) =	vpush v54, $0xC;
	[tilespmem:s3], [sflag:$0x2] =	stream.strided.gather [hbm4b:s2+s9], $0x800, s10, s9, $0x38;
	[tilespmem:$0x1C100] =	vst v63  }
0xe4: {  	s2 =	spop (v2sf)  }
0xe5: {  	s3 =	sshra.s32 s2, $0x1F  }
0xe6: {  	s3 =	sshrl.u32 s3, $0x19  }
0xe7: {  	s2 =	sadd.s32 s3, s2  }
0xe8: {  	s2 =	sand.u32 $0xFFFFF80, s2  }
0xe9: {  	s3 =	simm.s32 $0xD100;
	s2 =	sadd.s32 s0, s2  }
0xea: {  	(v2sf) =	vpush v54, $0xD;
	[tilespmem:s3], [sflag:$0x2] =	stream.strided.gather [hbm4b:s2+s9], $0x800, s10, s9, $0x38;
	[tilespmem:$0x1C100] =	vst v63  }
0xeb: {  	s2 =	spop (v2sf)  }
0xec: {  	s3 =	sshra.s32 s2, $0x1F  }
0xed: {  	s3 =	sshrl.u32 s3, $0x19  }
0xee: {  	s2 =	sadd.s32 s3, s2  }
0xef: {  	s2 =	sand.u32 $0xFFFFF80, s2  }
0xf0: {  	s3 =	simm.s32 $0xD900;
	s2 =	sadd.s32 s0, s2  }
0xf1: {  	(v2sf) =	vpush v54, $0xE;
	[tilespmem:s3], [sflag:$0x2] =	stream.strided.gather [hbm4b:s2+s9], $0x800, s10, s9, $0x38;
	[tilespmem:$0x1C100] =	vst v63  }
0xf2: {  	s2 =	spop (v2sf)  }
0xf3: {  	s3 =	sshra.s32 s2, $0x1F  }
0xf4: {  	s3 =	sshrl.u32 s3, $0x19  }
0xf5: {  	s2 =	sadd.s32 s3, s2  }
0xf6: {  	s2 =	sand.u32 $0xFFFFF80, s2  }
0xf7: {  	s3 =	simm.s32 $0xE100;
	s2 =	sadd.s32 s0, s2  }
0xf8: {  	(v2sf) =	vpush v54, $0xF;
	[tilespmem:s3], [sflag:$0x2] =	stream.strided.gather [hbm4b:s2+s9], $0x800, s10, s9, $0x38;
	[tilespmem:$0x1C100] =	vst v63  }
0xf9: {  	s2 =	spop (v2sf)  }
0xfa: {  	s3 =	sshra.s32 s2, $0x1F  }
0xfb: {  	s3 =	sshrl.u32 s3, $0x19  }
0xfc: {  	s2 =	sadd.s32 s3, s2  }
0xfd: {  	s2 =	sand.u32 $0xFFFFF80, s2  }
0xfe: {  	s3 =	simm.s32 $0xE900;
	s2 =	sadd.s32 s0, s2  }
0xff: {  	[tilespmem:s3], [sflag:$0x2] =	stream.strided.gather [hbm4b:s2+s9], $0x800, s10, s9, $0x38;
	[tilespmem:$0x1C100] =	vst v63  }
0x100: {  	s2 =	spop (v2sf)  }
0x101: {  	s3 =	sshra.s32 s2, $0x1F  }
0x102: {  	s3 =	sshrl.u32 s3, $0x19  }
0x103: {  	s2 =	sadd.s32 s3, s2  }
0x104: {  	s2 =	sand.u32 $0xFFFFF80, s2  }
0x105: {  	s3 =	simm.s32 $0xF100;
	s2 =	sadd.s32 s0, s2  }
0x106: {  	[tilespmem:s3], [sflag:$0x2] =	stream.strided.gather [hbm4b:s2+s9], $0x800, s10, s9, $0x38;
	[tilespmem:$0x1C100] =	vst v63  }
0x107: {  	s2 =	spop (v2sf)  }
0x108: {  	s3 =	sshra.s32 s2, $0x1F  }
0x109: {  	s3 =	sshrl.u32 s3, $0x19  }
0x10a: {  	s2 =	sadd.s32 s3, s2  }
0x10b: {  	s2 =	sand.u32 $0xFFFFF80, s2  }
0x10c: {  	s3 =	simm.s32 $0xF900;
	s2 =	sadd.s32 s0, s2  }
0x10d: {  	[tilespmem:s3], [sflag:$0x2] =	stream.strided.gather [hbm4b:s2+s9], $0x800, s10, s9, $0x38;
	[tilespmem:$0x1C100] =	vst v63  }
0x10e: {  	s3 =	simm.s32 $0x3  }
0x10f: {  	_ =	swait.ge [sflag:s3], $0x4000  }
0x110: {  	[sflag:s3] =	ssyncset.done $0x0  }
0x111: {  	[sflag:s3] =	ssyncadd.s32 $0xFFFFC000  }
0x112: {  	_ =	swait.ge [sflag:s3], $0x4000  }
0x113: {  	[sflag:s3] =	ssyncset.done $0x0  }
0x114: {  	[sflag:s3] =	ssyncadd.s32 $0xFFFFC000  }
0x115: {  	v55 =	vld [tilespmem:$0x80];
	_ =	sdelay $0x4  }
0x116: {  	v49 =	vshll.u32 v55, $0x3  }
0x117: {  	v48 =	vand.u32 $0x7F, v55;
	v49 =	vand.u32 $0xFFFFFC00, v49  }
0x118: {  	v48 =	vor.u32 v48, v49;
	_ =	sdelay $0x4  }
0x119: {  	v49 =	vld.idx.msk [tilespmem:v48+s6+$0x0], $0xffff;
	_ =	sdelay $0x4  }
0x11a: {  	[tilespmem:v0+s23+$0x0] =	vst.idx.msk $0xffff, v49  }
0x11b: {  	v49 =	vld.idx.msk [tilespmem:v48+s7+$0x0], $0xffff  }
0x11c: {  	v50 =	vor.u32 $0x80, v48;
	_ =	sdelay $0x3  }
0x11d: {  	[tilespmem:v0+s24+$0x0] =	vst.idx.msk $0xffff, v49  }
0x11e: {  	v49 =	vld.idx.msk [tilespmem:v50+s6+$0x0], $0xffff;
	_ =	sdelay $0x4  }
0x11f: {  	[tilespmem:v1+s23+$0x0] =	vst.idx.msk $0xffff, v49  }
0x120: {  	v49 =	vld.idx.msk [tilespmem:v50+s7+$0x0], $0xffff  }
0x121: {  	v56 =	vor.u32 $0x100, v48;
	_ =	sdelay $0x3  }
0x122: {  	[tilespmem:v1+s24+$0x0] =	vst.idx.msk $0xffff, v49  }
0x123: {  	v49 =	vld.idx.msk [tilespmem:v56+s6+$0x0], $0xffff;
	_ =	sdelay $0x4  }
0x124: {  	[tilespmem:v2+s23+$0x0] =	vst.idx.msk $0xffff, v49  }
0x125: {  	v49 =	vld.idx.msk [tilespmem:v56+s7+$0x0], $0xffff  }
0x126: {  	v57 =	vor.u32 $0x180, v48;
	_ =	sdelay $0x3  }
0x127: {  	[tilespmem:v2+s24+$0x0] =	vst.idx.msk $0xffff, v49  }
0x128: {  	v49 =	vld.idx.msk [tilespmem:v57+s6+$0x0], $0xffff;
	_ =	sdelay $0x4  }
0x129: {  	[tilespmem:v3+s23+$0x0] =	vst.idx.msk $0xffff, v49  }
0x12a: {  	v49 =	vld.idx.msk [tilespmem:v57+s7+$0x0], $0xffff  }
0x12b: {  	v58 =	vor.u32 $0x200, v48;
	_ =	sdelay $0x3  }
0x12c: {  	[tilespmem:v3+s24+$0x0] =	vst.idx.msk $0xffff, v49  }
0x12d: {  	v49 =	vld.idx.msk [tilespmem:v58+s6+$0x0], $0xffff;
	_ =	sdelay $0x4  }
0x12e: {  	[tilespmem:v4+s23+$0x0] =	vst.idx.msk $0xffff, v49  }
0x12f: {  	v49 =	vld.idx.msk [tilespmem:v58+s7+$0x0], $0xffff  }
0x130: {  	v59 =	vor.u32 $0x280, v48;
	_ =	sdelay $0x3  }
0x131: {  	[tilespmem:v4+s24+$0x0] =	vst.idx.msk $0xffff, v49  }
0x132: {  	v49 =	vld.idx.msk [tilespmem:v59+s6+$0x0], $0xffff;
	_ =	sdelay $0x4  }
0x133: {  	[tilespmem:v5+s23+$0x0] =	vst.idx.msk $0xffff, v49  }
0x134: {  	v49 =	vld.idx.msk [tilespmem:v59+s7+$0x0], $0xffff  }
0x135: {  	v60 =	vor.u32 $0x300, v48;
	_ =	sdelay $0x3  }
0x136: {  	[tilespmem:v5+s24+$0x0] =	vst.idx.msk $0xffff, v49  }
0x137: {  	v49 =	vld.idx.msk [tilespmem:v60+s6+$0x0], $0xffff;
	_ =	sdelay $0x4  }
0x138: {  	[tilespmem:v6+s23+$0x0] =	vst.idx.msk $0xffff, v49  }
0x139: {  	v49 =	vld.idx.msk [tilespmem:v60+s7+$0x0], $0xffff  }
0x13a: {  	v61 =	vor.u32 $0x380, v48;
	_ =	sdelay $0x3  }
0x13b: {  	[tilespmem:v6+s24+$0x0] =	vst.idx.msk $0xffff, v49  }
0x13c: {  	v49 =	vld.idx.msk [tilespmem:v61+s6+$0x0], $0xffff;
	_ =	sdelay $0x4  }
0x13d: {  	[tilespmem:v7+s23+$0x0] =	vst.idx.msk $0xffff, v49  }
0x13e: {  	v49 =	vld.idx.msk [tilespmem:v61+s7+$0x0], $0xffff  }
0x13f: {  	v62 =	vadd.s32 $0x2000, v48;
	_ =	sdelay $0x3  }
0x140: {  	[tilespmem:v7+s24+$0x0] =	vst.idx.msk $0xffff, v49  }
0x141: {  	v49 =	vld.idx.msk [tilespmem:v62+s6+$0x0], $0xffff;
	_ =	sdelay $0x4  }
0x142: {  	[tilespmem:v8+s23+$0x0] =	vst.idx.msk $0xffff, v49  }
0x143: {  	v49 =	vld.idx.msk [tilespmem:v62+s7+$0x0], $0xffff  }
0x144: {  	v63 =	vadd.s32 $0x2080, v48;
	_ =	sdelay $0x3  }
0x145: {  	[tilespmem:v8+s24+$0x0] =	vst.idx.msk $0xffff, v49  }
0x146: {  	v49 =	vld.idx.msk [tilespmem:v63+s6+$0x0], $0xffff;
	_ =	sdelay $0x4  }
0x147: {  	[tilespmem:v9+s23+$0x0] =	vst.idx.msk $0xffff, v49  }
0x148: {  	v49 =	vld.idx.msk [tilespmem:v63+s7+$0x0], $0xffff  }
0x149: {  	v52 =	vadd.s32 $0x2100, v48;
	_ =	sdelay $0x3  }
0x14a: {  	[tilespmem:v9+s24+$0x0] =	vst.idx.msk $0xffff, v49  }
0x14b: {  	v49 =	vld.idx.msk [tilespmem:v52+s6+$0x0], $0xffff;
	_ =	sdelay $0x4  }
0x14c: {  	[tilespmem:v10+s23+$0x0] =	vst.idx.msk $0xffff, v49  }
0x14d: {  	v49 =	vld.idx.msk [tilespmem:v52+s7+$0x0], $0xffff  }
0x14e: {  	v53 =	vadd.s32 $0x2180, v48;
	_ =	sdelay $0x3  }
0x14f: {  	[tilespmem:v10+s24+$0x0] =	vst.idx.msk $0xffff, v49  }
0x150: {  	v49 =	vld.idx.msk [tilespmem:v53+s6+$0x0], $0xffff;
	_ =	sdelay $0x4  }
0x151: {  	[tilespmem:v11+s23+$0x0] =	vst.idx.msk $0xffff, v49  }
0x152: {  	v49 =	vld.idx.msk [tilespmem:v53+s7+$0x0], $0xffff  }
0x153: {  	v54 =	vadd.s32 $0x2200, v48;
	_ =	sdelay $0x3  }
0x154: {  	[tilespmem:v11+s24+$0x0] =	vst.idx.msk $0xffff, v49  }
0x155: {  	v49 =	vld.idx.msk [tilespmem:v54+s6+$0x0], $0xffff;
	_ =	sdelay $0x4  }
0x156: {  	[tilespmem:v12+s23+$0x0] =	vst.idx.msk $0xffff, v49  }
0x157: {  	v49 =	vld.idx.msk [tilespmem:v54+s7+$0x0], $0xffff  }
0x158: {  	v55 =	vadd.s32 $0x2280, v48;
	_ =	sdelay $0x3  }
0x159: {  	[tilespmem:v12+s24+$0x0] =	vst.idx.msk $0xffff, v49  }
0x15a: {  	v49 =	vld.idx.msk [tilespmem:v55+s6+$0x0], $0xffff;
	_ =	sdelay $0x4  }
0x15b: {  	[tilespmem:v13+s23+$0x0] =	vst.idx.msk $0xffff, v49  }
0x15c: {  	v49 =	vld.idx.msk [tilespmem:v55+s7+$0x0], $0xffff  }
0x15d: {  	v56 =	vadd.s32 $0x2300, v48;
	_ =	sdelay $0x3  }
0x15e: {  	[tilespmem:v13+s24+$0x0] =	vst.idx.msk $0xffff, v49  }
0x15f: {  	v49 =	vld.idx.msk [tilespmem:v56+s6+$0x0], $0xffff;
	_ =	sdelay $0x4  }
0x160: {  	[tilespmem:v14+s23+$0x0] =	vst.idx.msk $0xffff, v49  }
0x161: {  	v49 =	vld.idx.msk [tilespmem:v56+s7+$0x0], $0xffff  }
0x162: {  	v48 =	vadd.s32 $0x2380, v48;
	_ =	sdelay $0x3  }
0x163: {  	[tilespmem:v14+s24+$0x0] =	vst.idx.msk $0xffff, v49  }
0x164: {  	v49 =	vld.idx.msk [tilespmem:v48+s6+$0x0], $0xffff;
	_ =	sdelay $0x4  }
0x165: {  	[tilespmem:v15+s23+$0x0] =	vst.idx.msk $0xffff, v49  }
0x166: {  	v48 =	vld.idx.msk [tilespmem:v48+s7+$0x0], $0xffff;
	_ =	sdelay $0x4  }
0x167: {  	[tilespmem:v15+s24+$0x0] =	vst.idx.msk $0xffff, v48  }
0x168: {  	v48 =	vld [tilespmem:$0x90];
	_ =	sdelay $0x4  }
0x169: {  	v57 =	vshll.u32 v48, $0x3  }
0x16a: {  	v48 =	vand.u32 $0x7F, v48;
	v49 =	vand.u32 $0xFFFFFC00, v57  }
0x16b: {  	v48 =	vor.u32 v48, v49;
	_ =	sdelay $0x4  }
0x16c: {  	v49 =	vld.idx.msk [tilespmem:v48+s6+$0x0], $0xffff;
	_ =	sdelay $0x4  }
0x16d: {  	[tilespmem:v16+s23+$0x0] =	vst.idx.msk $0xffff, v49  }
0x16e: {  	v49 =	vld.idx.msk [tilespmem:v48+s7+$0x0], $0xffff  }
0x16f: {  	v58 =	vor.u32 $0x80, v48;
	_ =	sdelay $0x3  }
0x170: {  	[tilespmem:v16+s24+$0x0] =	vst.idx.msk $0xffff, v49  }
0x171: {  	v49 =	vld.idx.msk [tilespmem:v58+s6+$0x0], $0xffff;
	_ =	sdelay $0x4  }
0x172: {  	[tilespmem:v17+s23+$0x0] =	vst.idx.msk $0xffff, v49  }
0x173: {  	v49 =	vld.idx.msk [tilespmem:v58+s7+$0x0], $0xffff  }
0x174: {  	v59 =	vor.u32 $0x100, v48;
	_ =	sdelay $0x3  }
0x175: {  	[tilespmem:v17+s24+$0x0] =	vst.idx.msk $0xffff, v49  }
0x176: {  	v49 =	vld.idx.msk [tilespmem:v59+s6+$0x0], $0xffff;
	_ =	sdelay $0x4  }
0x177: {  	[tilespmem:v18+s23+$0x0] =	vst.idx.msk $0xffff, v49  }
0x178: {  	v49 =	vld.idx.msk [tilespmem:v59+s7+$0x0], $0xffff  }
0x179: {  	v60 =	vor.u32 $0x180, v48;
	_ =	sdelay $0x3  }
0x17a: {  	[tilespmem:v18+s24+$0x0] =	vst.idx.msk $0xffff, v49  }
0x17b: {  	v49 =	vld.idx.msk [tilespmem:v60+s6+$0x0], $0xffff;
	_ =	sdelay $0x4  }
0x17c: {  	[tilespmem:v19+s23+$0x0] =	vst.idx.msk $0xffff, v49  }
0x17d: {  	v49 =	vld.idx.msk [tilespmem:v60+s7+$0x0], $0xffff  }
0x17e: {  	v61 =	vor.u32 $0x200, v48;
	_ =	sdelay $0x3  }
0x17f: {  	[tilespmem:v19+s24+$0x0] =	vst.idx.msk $0xffff, v49  }
0x180: {  	v49 =	vld.idx.msk [tilespmem:v61+s6+$0x0], $0xffff;
	_ =	sdelay $0x4  }
0x181: {  	[tilespmem:v20+s23+$0x0] =	vst.idx.msk $0xffff, v49  }
0x182: {  	v49 =	vld.idx.msk [tilespmem:v61+s7+$0x0], $0xffff  }
0x183: {  	v62 =	vor.u32 $0x280, v48;
	_ =	sdelay $0x3  }
0x184: {  	[tilespmem:v20+s24+$0x0] =	vst.idx.msk $0xffff, v49  }
0x185: {  	v49 =	vld.idx.msk [tilespmem:v62+s6+$0x0], $0xffff;
	_ =	sdelay $0x4  }
0x186: {  	[tilespmem:v21+s23+$0x0] =	vst.idx.msk $0xffff, v49  }
0x187: {  	v49 =	vld.idx.msk [tilespmem:v62+s7+$0x0], $0xffff  }
0x188: {  	v63 =	vor.u32 $0x300, v48;
	_ =	sdelay $0x3  }
0x189: {  	[tilespmem:v21+s24+$0x0] =	vst.idx.msk $0xffff, v49  }
0x18a: {  	v49 =	vld.idx.msk [tilespmem:v63+s6+$0x0], $0xffff;
	_ =	sdelay $0x4  }
0x18b: {  	[tilespmem:v22+s23+$0x0] =	vst.idx.msk $0xffff, v49  }
0x18c: {  	v49 =	vld.idx.msk [tilespmem:v63+s7+$0x0], $0xffff  }
0x18d: {  	v52 =	vor.u32 $0x380, v48;
	_ =	sdelay $0x3  }
0x18e: {  	[tilespmem:v22+s24+$0x0] =	vst.idx.msk $0xffff, v49  }
0x18f: {  	v49 =	vld.idx.msk [tilespmem:v52+s6+$0x0], $0xffff;
	_ =	sdelay $0x4  }
0x190: {  	[tilespmem:v23+s23+$0x0] =	vst.idx.msk $0xffff, v49  }
0x191: {  	v49 =	vld.idx.msk [tilespmem:v52+s7+$0x0], $0xffff  }
0x192: {  	v53 =	vadd.s32 $0x2000, v48;
	_ =	sdelay $0x3  }
0x193: {  	[tilespmem:v23+s24+$0x0] =	vst.idx.msk $0xffff, v49  }
0x194: {  	v49 =	vld.idx.msk [tilespmem:v53+s6+$0x0], $0xffff;
	_ =	sdelay $0x4  }
0x195: {  	[tilespmem:v24+s23+$0x0] =	vst.idx.msk $0xffff, v49  }
0x196: {  	v49 =	vld.idx.msk [tilespmem:v53+s7+$0x0], $0xffff  }
0x197: {  	v54 =	vadd.s32 $0x2080, v48;
	_ =	sdelay $0x3  }
0x198: {  	[tilespmem:v24+s24+$0x0] =	vst.idx.msk $0xffff, v49  }
0x199: {  	v49 =	vld.idx.msk [tilespmem:v54+s6+$0x0], $0xffff;
	_ =	sdelay $0x4  }
0x19a: {  	[tilespmem:v25+s23+$0x0] =	vst.idx.msk $0xffff, v49  }
0x19b: {  	v49 =	vld.idx.msk [tilespmem:v54+s7+$0x0], $0xffff  }
0x19c: {  	v55 =	vadd.s32 $0x2100, v48;
	_ =	sdelay $0x3  }
0x19d: {  	[tilespmem:v25+s24+$0x0] =	vst.idx.msk $0xffff, v49  }
0x19e: {  	v49 =	vld.idx.msk [tilespmem:v55+s6+$0x0], $0xffff;
	_ =	sdelay $0x4  }
0x19f: {  	[tilespmem:v26+s23+$0x0] =	vst.idx.msk $0xffff, v49  }
0x1a0: {  	v49 =	vld.idx.msk [tilespmem:v55+s7+$0x0], $0xffff  }
0x1a1: {  	v56 =	vadd.s32 $0x2180, v48;
	_ =	sdelay $0x3  }
0x1a2: {  	[tilespmem:v26+s24+$0x0] =	vst.idx.msk $0xffff, v49  }
0x1a3: {  	v49 =	vld.idx.msk [tilespmem:v56+s6+$0x0], $0xffff;
	_ =	sdelay $0x4  }
0x1a4: {  	[tilespmem:v27+s23+$0x0] =	vst.idx.msk $0xffff, v49  }
0x1a5: {  	v49 =	vld.idx.msk [tilespmem:v56+s7+$0x0], $0xffff  }
0x1a6: {  	v57 =	vadd.s32 $0x2200, v48;
	_ =	sdelay $0x3  }
0x1a7: {  	[tilespmem:v27+s24+$0x0] =	vst.idx.msk $0xffff, v49  }
0x1a8: {  	v49 =	vld.idx.msk [tilespmem:v57+s6+$0x0], $0xffff;
	_ =	sdelay $0x4  }
0x1a9: {  	[tilespmem:v28+s23+$0x0] =	vst.idx.msk $0xffff, v49  }
0x1aa: {  	v49 =	vld.idx.msk [tilespmem:v57+s7+$0x0], $0xffff  }
0x1ab: {  	v58 =	vadd.s32 $0x2280, v48;
	_ =	sdelay $0x3  }
0x1ac: {  	[tilespmem:v28+s24+$0x0] =	vst.idx.msk $0xffff, v49  }
0x1ad: {  	v49 =	vld.idx.msk [tilespmem:v58+s6+$0x0], $0xffff;
	_ =	sdelay $0x4  }
0x1ae: {  	[tilespmem:v30+s23+$0x0] =	vst.idx.msk $0xffff, v49  }
0x1af: {  	v49 =	vld.idx.msk [tilespmem:v58+s7+$0x0], $0xffff  }
0x1b0: {  	v59 =	vadd.s32 $0x2300, v48;
	_ =	sdelay $0x3  }
0x1b1: {  	[tilespmem:v30+s24+$0x0] =	vst.idx.msk $0xffff, v49  }
0x1b2: {  	v49 =	vld.idx.msk [tilespmem:v59+s6+$0x0], $0xffff;
	_ =	sdelay $0x4  }
0x1b3: {  	[tilespmem:v31+s23+$0x0] =	vst.idx.msk $0xffff, v49  }
0x1b4: {  	v49 =	vld.idx.msk [tilespmem:v59+s7+$0x0], $0xffff  }
0x1b5: {  	v48 =	vadd.s32 $0x2380, v48;
	_ =	sdelay $0x3  }
0x1b6: {  	[tilespmem:v31+s24+$0x0] =	vst.idx.msk $0xffff, v49  }
0x1b7: {  	v49 =	vld.idx.msk [tilespmem:v48+s6+$0x0], $0xffff;
	_ =	sdelay $0x4  }
0x1b8: {  	[tilespmem:v32+s23+$0x0] =	vst.idx.msk $0xffff, v49  }
0x1b9: {  	v48 =	vld.idx.msk [tilespmem:v48+s7+$0x0], $0xffff;
	_ =	sdelay $0x4  }
0x1ba: {  	s2 =	rddreg [dreg:$0xd];
	[tilespmem:v32+s24+$0x0] =	vst.idx.msk $0xffff, v48  }
0x1bb: {  	[hbm4b:s2+s4] =	stream.linear.scatter [tilespmem:s23], [sflag:$0x4], $0x1000, $0x38;
	[tilespmem:$0x1C100] =	vst v63  }
0x1bc: {  	s3 =	rddreg [dreg:$0xe]  }
0x1bd: {  	[hbm4b:s3+s4] =	stream.linear.scatter [tilespmem:s24], [sflag:$0x4], $0x1000, $0x38;
	[tilespmem:$0x1C100] =	vst v63  }
0x1be: {  	_ =	swait.ge [sflag:s25], $0x800  }
0x1bf: {  	[sflag:s25] =	ssyncset.done $0x0  }
0x1c0: {  	[sflag:s25] =	ssyncadd.s32 $0xFFFFF800  }
0x1c1: {  	_ =	swait.ge [sflag:s25], $0x800  }
0x1c2: {  	[sflag:s25] =	ssyncset.done $0x0  }
0x1c3: {  	[sflag:s25] =	ssyncadd.s32 $0xFFFFF800  }
0x1c4: {  	_ =	swait.ge [sflag:s25], $0x800  }
0x1c5: {  	[sflag:s25] =	ssyncset.done $0x0  }
0x1c6: {  	[sflag:s25] =	ssyncadd.s32 $0xFFFFF800  }
0x1c7: {  	_ =	swait.ge [sflag:s25], $0x800  }
0x1c8: {  	[sflag:s25] =	ssyncset.done $0x0  }
0x1c9: {  	[sflag:s25] =	ssyncadd.s32 $0xFFFFF800  }
0x1ca: {  	_ =	swait.ge [sflag:s25], $0x800  }
0x1cb: {  	[sflag:s25] =	ssyncset.done $0x0  }
0x1cc: {  	[sflag:s25] =	ssyncadd.s32 $0xFFFFF800  }
0x1cd: {  	_ =	swait.ge [sflag:s25], $0x800  }
0x1ce: {  	[sflag:s25] =	ssyncset.done $0x0  }
0x1cf: {  	[sflag:s25] =	ssyncadd.s32 $0xFFFFF800  }
0x1d0: {  	_ =	swait.ge [sflag:s25], $0x800  }
0x1d1: {  	[sflag:s25] =	ssyncset.done $0x0  }
0x1d2: {  	[sflag:s25] =	ssyncadd.s32 $0xFFFFF800  }
0x1d3: {  	_ =	swait.ge [sflag:s25], $0x800  }
0x1d4: {  	[sflag:s25] =	ssyncset.done $0x0  }
0x1d5: {  	[sflag:s25] =	ssyncadd.s32 $0xFFFFF800  }
0x1d6: {  	_ =	swait.ge [sflag:s25], $0x800  }
0x1d7: {  	[sflag:s25] =	ssyncset.done $0x0  }
0x1d8: {  	[sflag:s25] =	ssyncadd.s32 $0xFFFFF800  }
0x1d9: {  	_ =	swait.ge [sflag:s25], $0x800  }
0x1da: {  	[sflag:s25] =	ssyncset.done $0x0  }
0x1db: {  	[sflag:s25] =	ssyncadd.s32 $0xFFFFF800  }
0x1dc: {  	_ =	swait.ge [sflag:s25], $0x800  }
0x1dd: {  	[sflag:s25] =	ssyncset.done $0x0  }
0x1de: {  	[sflag:s25] =	ssyncadd.s32 $0xFFFFF800  }
0x1df: {  	_ =	swait.ge [sflag:s25], $0x800  }
0x1e0: {  	[sflag:s25] =	ssyncset.done $0x0  }
0x1e1: {  	[sflag:s25] =	ssyncadd.s32 $0xFFFFF800  }
0x1e2: {  	_ =	swait.ge [sflag:s25], $0x800  }
0x1e3: {  	[sflag:s25] =	ssyncset.done $0x0  }
0x1e4: {  	[sflag:s25] =	ssyncadd.s32 $0xFFFFF800  }
0x1e5: {  	_ =	swait.ge [sflag:s25], $0x800  }
0x1e6: {  	[sflag:s25] =	ssyncset.done $0x0  }
0x1e7: {  	[sflag:s25] =	ssyncadd.s32 $0xFFFFF800  }
0x1e8: {  	_ =	swait.ge [sflag:s25], $0x800  }
0x1e9: {  	[sflag:s25] =	ssyncset.done $0x0  }
0x1ea: {  	[sflag:s25] =	ssyncadd.s32 $0xFFFFF800  }
0x1eb: {  	_ =	swait.ge [sflag:s25], $0x800  }
0x1ec: {  	[sflag:s25] =	ssyncset.done $0x0  }
0x1ed: {  	[sflag:s25] =	ssyncadd.s32 $0xFFFFF800  }
0x1ee: {  	v60 =	vld [tilespmem:$0x0];
	_ =	sdelay $0x4  }
0x1ef: {  	v48 =	vand.u32 $0x7F, v60  }
0x1f0: {  	v61 =	vor.u32 v29, v48;
	_ =	sdelay $0x4  }
0x1f1: {  	v49 =	vld.idx.msk [tilespmem:v61+s11+$0x0], $0xffff  }
0x1f2: {  	v62 =	vor.u32 v33, v48;
	_ =	sdelay $0x3  }
0x1f3: {  	[tilespmem:v0+s26+$0x0] =	vst.idx.msk $0xffff, v49  }
0x1f4: {  	v49 =	vld.idx.msk [tilespmem:v62+s11+$0x0], $0xffff  }
0x1f5: {  	v63 =	vor.u32 v34, v48;
	_ =	sdelay $0x3  }
0x1f6: {  	[tilespmem:v1+s26+$0x0] =	vst.idx.msk $0xffff, v49  }
0x1f7: {  	v49 =	vld.idx.msk [tilespmem:v63+s11+$0x0], $0xffff  }
0x1f8: {  	v52 =	vor.u32 v35, v48;
	_ =	sdelay $0x3  }
0x1f9: {  	[tilespmem:v2+s26+$0x0] =	vst.idx.msk $0xffff, v49  }
0x1fa: {  	v49 =	vld.idx.msk [tilespmem:v52+s11+$0x0], $0xffff  }
0x1fb: {  	v53 =	vor.u32 v36, v48;
	_ =	sdelay $0x3  }
0x1fc: {  	[tilespmem:v3+s26+$0x0] =	vst.idx.msk $0xffff, v49  }
0x1fd: {  	v49 =	vld.idx.msk [tilespmem:v53+s11+$0x0], $0xffff  }
0x1fe: {  	v54 =	vor.u32 v37, v48;
	_ =	sdelay $0x3  }
0x1ff: {  	[tilespmem:v4+s26+$0x0] =	vst.idx.msk $0xffff, v49  }
0x200: {  	v49 =	vld.idx.msk [tilespmem:v54+s11+$0x0], $0xffff  }
0x201: {  	v55 =	vor.u32 v38, v48;
	_ =	sdelay $0x3  }
0x202: {  	[tilespmem:v5+s26+$0x0] =	vst.idx.msk $0xffff, v49  }
0x203: {  	v49 =	vld.idx.msk [tilespmem:v55+s11+$0x0], $0xffff  }
0x204: {  	v56 =	vor.u32 v39, v48;
	_ =	sdelay $0x3  }
0x205: {  	[tilespmem:v6+s26+$0x0] =	vst.idx.msk $0xffff, v49  }
0x206: {  	v49 =	vld.idx.msk [tilespmem:v56+s11+$0x0], $0xffff  }
0x207: {  	v57 =	vor.u32 v40, v48;
	_ =	sdelay $0x3  }
0x208: {  	[tilespmem:v7+s26+$0x0] =	vst.idx.msk $0xffff, v49  }
0x209: {  	v49 =	vld.idx.msk [tilespmem:v57+s11+$0x0], $0xffff  }
0x20a: {  	v58 =	vor.u32 v41, v48;
	_ =	sdelay $0x3  }
0x20b: {  	[tilespmem:v8+s26+$0x0] =	vst.idx.msk $0xffff, v49  }
0x20c: {  	v49 =	vld.idx.msk [tilespmem:v58+s11+$0x0], $0xffff  }
0x20d: {  	v59 =	vor.u32 v42, v48;
	_ =	sdelay $0x3  }
0x20e: {  	[tilespmem:v9+s26+$0x0] =	vst.idx.msk $0xffff, v49  }
0x20f: {  	v49 =	vld.idx.msk [tilespmem:v59+s11+$0x0], $0xffff  }
0x210: {  	v60 =	vor.u32 v43, v48;
	_ =	sdelay $0x3  }
0x211: {  	[tilespmem:v10+s26+$0x0] =	vst.idx.msk $0xffff, v49  }
0x212: {  	v49 =	vld.idx.msk [tilespmem:v60+s11+$0x0], $0xffff  }
0x213: {  	v61 =	vor.u32 v44, v48;
	_ =	sdelay $0x3  }
0x214: {  	[tilespmem:v11+s26+$0x0] =	vst.idx.msk $0xffff, v49  }
0x215: {  	v49 =	vld.idx.msk [tilespmem:v61+s11+$0x0], $0xffff  }
0x216: {  	v62 =	vor.u32 v45, v48;
	_ =	sdelay $0x3  }
0x217: {  	[tilespmem:v12+s26+$0x0] =	vst.idx.msk $0xffff, v49  }
0x218: {  	v49 =	vld.idx.msk [tilespmem:v62+s11+$0x0], $0xffff  }
0x219: {  	v63 =	vor.u32 v46, v48;
	_ =	sdelay $0x3  }
0x21a: {  	[tilespmem:v13+s26+$0x0] =	vst.idx.msk $0xffff, v49  }
0x21b: {  	v49 =	vld.idx.msk [tilespmem:v63+s11+$0x0], $0xffff  }
0x21c: {  	v48 =	vor.u32 v47, v48;
	_ =	sdelay $0x3  }
0x21d: {  	[tilespmem:v14+s26+$0x0] =	vst.idx.msk $0xffff, v49  }
0x21e: {  	v48 =	vld.idx.msk [tilespmem:v48+s11+$0x0], $0xffff;
	_ =	sdelay $0x4  }
0x21f: {  	[tilespmem:v15+s26+$0x0] =	vst.idx.msk $0xffff, v48  }
0x220: {  	v48 =	vld [tilespmem:$0x0];
	_ =	sdelay $0x4  }
0x221: {  	(v2sf) =	vpush v48, $0x0;
	_ =	sdelay $0x6  }
0x222: {  	(v2sf) =	vpush v48, $0x1;
	_ =	sdelay $0x6  }
0x223: {  	(v2sf) =	vpush v48, $0x2  }
0x224: {  	s2 =	spop (v2sf)  }
0x225: {  	s3 =	sshra.s32 s2, $0x1F  }
0x226: {  	s3 =	sshrl.u32 s3, $0x19  }
0x227: {  	s2 =	sadd.s32 s3, s2  }
0x228: {  	(v2sf) =	vpush v48, $0x3;
	s2 =	sand.u32 $0xFFFFF80, s2  }
0x229: {  	s2 =	sadd.s32 s1, s2  }
0x22a: {  	[tilespmem:s11], [sflag:$0x1] =	stream.strided.gather [hbm4b:s2+s9], $0x800, s10, s9, $0x38;
	[tilespmem:$0x1C100] =	vst v63  }
0x22b: {  	s2 =	spop (v2sf)  }
0x22c: {  	s3 =	sshra.s32 s2, $0x1F  }
0x22d: {  	(v2sf) =	vpush v48, $0x4;
	s3 =	sshrl.u32 s3, $0x19  }
0x22e: {  	s2 =	sadd.s32 s3, s2  }
0x22f: {  	s2 =	sand.u32 $0xFFFFF80, s2  }
0x230: {  	s2 =	sadd.s32 s1, s2  }
0x231: {  	[tilespmem:s31], [sflag:$0x1] =	stream.strided.gather [hbm4b:s2+s9], $0x800, s10, s9, $0x38;
	[tilespmem:$0x1C100] =	vst v63  }
0x232: {  	s2 =	spop (v2sf)  }
0x233: {  	s31 =	sshra.s32 s2, $0x1F  }
0x234: {  	s3 =	sshrl.u32 s31, $0x19  }
0x235: {  	(v2sf) =	vpush v48, $0x5;
	s2 =	sadd.s32 s3, s2  }
0x236: {  	s2 =	sand.u32 $0xFFFFF80, s2  }
0x237: {  	s31 =	spop (v2sf);
	s2 =	sadd.s32 s1, s2  }
0x238: {  	(v2sf) =	vpush v48, $0x6;
	[tilespmem:s12], [sflag:$0x1] =	stream.strided.gather [hbm4b:s2+s9], $0x800, s10, s9, $0x38;
	[tilespmem:$0x1C100] =	vst v63  }
0x239: {  	s12 =	sshra.s32 s31, $0x1F  }
0x23a: {  	s3 =	sshrl.u32 s12, $0x19  }
0x23b: {  	s2 =	sadd.s32 s3, s31  }
0x23c: {  	s2 =	sand.u32 $0xFFFFF80, s2;
	s31 =	spop (v2sf)  }
0x23d: {  	s2 =	sadd.s32 s1, s2;
	s12 =	sshra.s32 s31, $0x1F  }
0x23e: {  	[tilespmem:s13], [sflag:$0x1] =	stream.strided.gather [hbm4b:s2+s9], $0x800, s10, s9, $0x38;
	[tilespmem:$0x1C100] =	vst v63  }
0x23f: {  	s3 =	sshrl.u32 s12, $0x19  }
0x240: {  	(v2sf) =	vpush v48, $0x7;
	s2 =	sadd.s32 s3, s31  }
0x241: {  	s2 =	sand.u32 $0xFFFFF80, s2  }
0x242: {  	s2 =	sadd.s32 s1, s2  }
0x243: {  	[tilespmem:s14], [sflag:$0x1] =	stream.strided.gather [hbm4b:s2+s9], $0x800, s10, s9, $0x38;
	[tilespmem:$0x1C100] =	vst v63  }
0x244: {  	s31 =	spop (v2sf)  }
0x245: {  	s12 =	sshra.s32 s31, $0x1F  }
0x246: {  	s3 =	sshrl.u32 s12, $0x19  }
0x247: {  	(v2sf) =	vpush v48, $0x8;
	s2 =	sadd.s32 s3, s31;
	s31 =	spop (v2sf)  }
0x248: {  	s2 =	sand.u32 $0xFFFFF80, s2;
	s12 =	sshra.s32 s31, $0x1F  }
0x249: {  	s2 =	sadd.s32 s1, s2;
	s3 =	sshrl.u32 s12, $0x19  }
0x24a: {  	(v2sf) =	vpush v48, $0x9;
	[tilespmem:s15], [sflag:$0x1] =	stream.strided.gather [hbm4b:s2+s9], $0x800, s10, s9, $0x38;
	[tilespmem:$0x1C100] =	vst v63  }
0x24b: {  	s2 =	sadd.s32 s3, s31  }
0x24c: {  	s2 =	sand.u32 $0xFFFFF80, s2  }
0x24d: {  	s2 =	sadd.s32 s1, s2  }
0x24e: {  	[tilespmem:s16], [sflag:$0x1] =	stream.strided.gather [hbm4b:s2+s9], $0x800, s10, s9, $0x38;
	[tilespmem:$0x1C100] =	vst v63  }
0x24f: {  	s31 =	spop (v2sf)  }
0x250: {  	s12 =	sshra.s32 s31, $0x1F  }
0x251: {  	s3 =	sshrl.u32 s12, $0x19  }
0x252: {  	(v2sf) =	vpush v48, $0xA;
	s2 =	sadd.s32 s3, s31  }
0x253: {  	s2 =	sand.u32 $0xFFFFF80, s2  }
0x254: {  	s2 =	sadd.s32 s1, s2  }
0x255: {  	[tilespmem:s17], [sflag:$0x1] =	stream.strided.gather [hbm4b:s2+s9], $0x800, s10, s9, $0x38;
	[tilespmem:$0x1C100] =	vst v63  }
0x256: {  	s31 =	spop (v2sf)  }
0x257: {  	s12 =	sshra.s32 s31, $0x1F  }
0x258: {  	s3 =	sshrl.u32 s12, $0x19  }
0x259: {  	(v2sf) =	vpush v48, $0xB;
	s2 =	sadd.s32 s3, s31;
	s31 =	spop (v2sf)  }
0x25a: {  	s2 =	sand.u32 $0xFFFFF80, s2;
	s12 =	sshra.s32 s31, $0x1F  }
0x25b: {  	s2 =	sadd.s32 s1, s2;
	s3 =	sshrl.u32 s12, $0x19  }
0x25c: {  	(v2sf) =	vpush v48, $0xC;
	[tilespmem:s18], [sflag:$0x1] =	stream.strided.gather [hbm4b:s2+s9], $0x800, s10, s9, $0x38;
	[tilespmem:$0x1C100] =	vst v63  }
0x25d: {  	s2 =	sadd.s32 s3, s31  }
0x25e: {  	s2 =	sand.u32 $0xFFFFF80, s2  }
0x25f: {  	s2 =	sadd.s32 s1, s2  }
0x260: {  	[tilespmem:s19], [sflag:$0x1] =	stream.strided.gather [hbm4b:s2+s9], $0x800, s10, s9, $0x38;
	[tilespmem:$0x1C100] =	vst v63  }
0x261: {  	s31 =	spop (v2sf)  }
0x262: {  	s12 =	sshra.s32 s31, $0x1F  }
0x263: {  	s3 =	sshrl.u32 s12, $0x19  }
0x264: {  	(v2sf) =	vpush v48, $0xD;
	s2 =	sadd.s32 s3, s31  }
0x265: {  	s2 =	sand.u32 $0xFFFFF80, s2  }
0x266: {  	s2 =	sadd.s32 s1, s2  }
0x267: {  	[tilespmem:s20], [sflag:$0x1] =	stream.strided.gather [hbm4b:s2+s9], $0x800, s10, s9, $0x38;
	[tilespmem:$0x1C100] =	vst v63  }
0x268: {  	s31 =	spop (v2sf)  }
0x269: {  	s12 =	sshra.s32 s31, $0x1F  }
0x26a: {  	s3 =	sshrl.u32 s12, $0x19  }
0x26b: {  	(v2sf) =	vpush v48, $0xE;
	s2 =	sadd.s32 s3, s31;
	s31 =	spop (v2sf)  }
0x26c: {  	s2 =	sand.u32 $0xFFFFF80, s2;
	s12 =	sshra.s32 s31, $0x1F  }
0x26d: {  	s2 =	sadd.s32 s1, s2;
	s3 =	sshrl.u32 s12, $0x19  }
0x26e: {  	[tilespmem:s21], [sflag:$0x1] =	stream.strided.gather [hbm4b:s2+s9], $0x800, s10, s9, $0x38;
	[tilespmem:$0x1C100] =	vst v63  }
0x26f: {  	s2 =	sadd.s32 s3, s31  }
0x270: {  	(v2sf) =	vpush v48, $0xF;
	s2 =	sand.u32 $0xFFFFF80, s2  }
0x271: {  	s2 =	sadd.s32 s1, s2  }
0x272: {  	[tilespmem:s22], [sflag:$0x1] =	stream.strided.gather [hbm4b:s2+s9], $0x800, s10, s9, $0x38;
	[tilespmem:$0x1C100] =	vst v63  }
0x273: {  	s31 =	spop (v2sf)  }
0x274: {  	s12 =	sshra.s32 s31, $0x1F  }
0x275: {  	s3 =	sshrl.u32 s12, $0x19  }
0x276: {  	s2 =	sadd.s32 s3, s31  }
0x277: {  	s2 =	sand.u32 $0xFFFFF80, s2  }
0x278: {  	s31 =	simm.s32 $0x6900;
	s2 =	sadd.s32 s1, s2  }
0x279: {  	[tilespmem:s31], [sflag:$0x1] =	stream.strided.gather [hbm4b:s2+s9], $0x800, s10, s9, $0x38;
	[tilespmem:$0x1C100] =	vst v63  }
0x27a: {  	s12 =	spop (v2sf)  }
0x27b: {  	s31 =	sshra.s32 s12, $0x1F  }
0x27c: {  	s3 =	sshrl.u32 s31, $0x19  }
0x27d: {  	s2 =	sadd.s32 s3, s12  }
0x27e: {  	s2 =	sand.u32 $0xFFFFF80, s2  }
0x27f: {  	s12 =	simm.s32 $0x7100;
	s31 =	spop (v2sf);
	s2 =	sadd.s32 s1, s2  }
0x280: {  	[tilespmem:s12], [sflag:$0x1] =	stream.strided.gather [hbm4b:s2+s9], $0x800, s10, s9, $0x38;
	[tilespmem:$0x1C100] =	vst v63  }
0x281: {  	s12 =	sshra.s32 s31, $0x1F  }
0x282: {  	s3 =	sshrl.u32 s12, $0x19  }
0x283: {  	s2 =	sadd.s32 s3, s31  }
0x284: {  	s2 =	sand.u32 $0xFFFFF80, s2  }
0x285: {  	s31 =	simm.s32 $0x7900;
	s2 =	sadd.s32 s1, s2  }
0x286: {  	[tilespmem:s31], [sflag:$0x1] =	stream.strided.gather [hbm4b:s2+s9], $0x800, s10, s9, $0x38;
	[tilespmem:$0x1C100] =	vst v63  }
0x287: {  	_ =	swait.ge [sflag:s29], $0x800  }
0x288: {  	[sflag:s29] =	ssyncset.done $0x0  }
0x289: {  	[sflag:s29] =	ssyncadd.s32 $0xFFFFF800  }
0x28a: {  	_ =	swait.ge [sflag:s29], $0x800  }
0x28b: {  	[sflag:s29] =	ssyncset.done $0x0  }
0x28c: {  	[sflag:s29] =	ssyncadd.s32 $0xFFFFF800  }
0x28d: {  	_ =	swait.ge [sflag:s29], $0x800  }
0x28e: {  	[sflag:s29] =	ssyncset.done $0x0  }
0x28f: {  	[sflag:s29] =	ssyncadd.s32 $0xFFFFF800  }
0x290: {  	_ =	swait.ge [sflag:s29], $0x800  }
0x291: {  	[sflag:s29] =	ssyncset.done $0x0  }
0x292: {  	[sflag:s29] =	ssyncadd.s32 $0xFFFFF800  }
0x293: {  	_ =	swait.ge [sflag:s29], $0x800  }
0x294: {  	[sflag:s29] =	ssyncset.done $0x0  }
0x295: {  	[sflag:s29] =	ssyncadd.s32 $0xFFFFF800  }
0x296: {  	_ =	swait.ge [sflag:s29], $0x800  }
0x297: {  	[sflag:s29] =	ssyncset.done $0x0  }
0x298: {  	[sflag:s29] =	ssyncadd.s32 $0xFFFFF800  }
0x299: {  	_ =	swait.ge [sflag:s29], $0x800  }
0x29a: {  	[sflag:s29] =	ssyncset.done $0x0  }
0x29b: {  	[sflag:s29] =	ssyncadd.s32 $0xFFFFF800  }
0x29c: {  	_ =	swait.ge [sflag:s29], $0x800  }
0x29d: {  	[sflag:s29] =	ssyncset.done $0x0  }
0x29e: {  	[sflag:s29] =	ssyncadd.s32 $0xFFFFF800  }
0x29f: {  	_ =	swait.ge [sflag:s29], $0x800  }
0x2a0: {  	[sflag:s29] =	ssyncset.done $0x0  }
0x2a1: {  	[sflag:s29] =	ssyncadd.s32 $0xFFFFF800  }
0x2a2: {  	_ =	swait.ge [sflag:s29], $0x800  }
0x2a3: {  	[sflag:s29] =	ssyncset.done $0x0  }
0x2a4: {  	[sflag:s29] =	ssyncadd.s32 $0xFFFFF800  }
0x2a5: {  	_ =	swait.ge [sflag:s29], $0x800  }
0x2a6: {  	[sflag:s29] =	ssyncset.done $0x0  }
0x2a7: {  	[sflag:s29] =	ssyncadd.s32 $0xFFFFF800  }
0x2a8: {  	_ =	swait.ge [sflag:s29], $0x800  }
0x2a9: {  	[sflag:s29] =	ssyncset.done $0x0  }
0x2aa: {  	[sflag:s29] =	ssyncadd.s32 $0xFFFFF800  }
0x2ab: {  	_ =	swait.ge [sflag:s29], $0x800  }
0x2ac: {  	[sflag:s29] =	ssyncset.done $0x0  }
0x2ad: {  	[sflag:s29] =	ssyncadd.s32 $0xFFFFF800  }
0x2ae: {  	_ =	swait.ge [sflag:s29], $0x800  }
0x2af: {  	[sflag:s29] =	ssyncset.done $0x0  }
0x2b0: {  	[sflag:s29] =	ssyncadd.s32 $0xFFFFF800  }
0x2b1: {  	_ =	swait.ge [sflag:s29], $0x800  }
0x2b2: {  	[sflag:s29] =	ssyncset.done $0x0  }
0x2b3: {  	[sflag:s29] =	ssyncadd.s32 $0xFFFFF800  }
0x2b4: {  	_ =	swait.ge [sflag:s29], $0x800  }
0x2b5: {  	[sflag:s29] =	ssyncset.done $0x0  }
0x2b6: {  	[sflag:s29] =	ssyncadd.s32 $0xFFFFF800  }
0x2b7: {  	v52 =	vld [tilespmem:$0x10];
	_ =	sdelay $0x4  }
0x2b8: {  	v48 =	vand.u32 $0x7F, v52  }
0x2b9: {  	v53 =	vor.u32 v29, v48;
	_ =	sdelay $0x4  }
0x2ba: {  	v49 =	vld.idx.msk [tilespmem:v53+s28+$0x0], $0xffff  }
0x2bb: {  	v54 =	vor.u32 v33, v48;
	_ =	sdelay $0x3  }
0x2bc: {  	[tilespmem:v16+s26+$0x0] =	vst.idx.msk $0xffff, v49  }
0x2bd: {  	v49 =	vld.idx.msk [tilespmem:v54+s28+$0x0], $0xffff  }
0x2be: {  	v55 =	vor.u32 v34, v48;
	_ =	sdelay $0x3  }
0x2bf: {  	[tilespmem:v17+s26+$0x0] =	vst.idx.msk $0xffff, v49  }
0x2c0: {  	v49 =	vld.idx.msk [tilespmem:v55+s28+$0x0], $0xffff  }
0x2c1: {  	v56 =	vor.u32 v35, v48;
	_ =	sdelay $0x3  }
0x2c2: {  	[tilespmem:v18+s26+$0x0] =	vst.idx.msk $0xffff, v49  }
0x2c3: {  	v49 =	vld.idx.msk [tilespmem:v56+s28+$0x0], $0xffff  }
0x2c4: {  	v57 =	vor.u32 v36, v48;
	_ =	sdelay $0x3  }
0x2c5: {  	[tilespmem:v19+s26+$0x0] =	vst.idx.msk $0xffff, v49  }
0x2c6: {  	v49 =	vld.idx.msk [tilespmem:v57+s28+$0x0], $0xffff  }
0x2c7: {  	v58 =	vor.u32 v37, v48;
	_ =	sdelay $0x3  }
0x2c8: {  	[tilespmem:v20+s26+$0x0] =	vst.idx.msk $0xffff, v49  }
0x2c9: {  	v49 =	vld.idx.msk [tilespmem:v58+s28+$0x0], $0xffff  }
0x2ca: {  	v59 =	vor.u32 v38, v48;
	_ =	sdelay $0x3  }
0x2cb: {  	[tilespmem:v21+s26+$0x0] =	vst.idx.msk $0xffff, v49  }
0x2cc: {  	v49 =	vld.idx.msk [tilespmem:v59+s28+$0x0], $0xffff  }
0x2cd: {  	v60 =	vor.u32 v39, v48;
	_ =	sdelay $0x3  }
0x2ce: {  	[tilespmem:v22+s26+$0x0] =	vst.idx.msk $0xffff, v49  }
0x2cf: {  	v49 =	vld.idx.msk [tilespmem:v60+s28+$0x0], $0xffff  }
0x2d0: {  	v61 =	vor.u32 v40, v48;
	_ =	sdelay $0x3  }
0x2d1: {  	[tilespmem:v23+s26+$0x0] =	vst.idx.msk $0xffff, v49  }
0x2d2: {  	v49 =	vld.idx.msk [tilespmem:v61+s28+$0x0], $0xffff  }
0x2d3: {  	v62 =	vor.u32 v41, v48;
	_ =	sdelay $0x3  }
0x2d4: {  	[tilespmem:v24+s26+$0x0] =	vst.idx.msk $0xffff, v49  }
0x2d5: {  	v49 =	vld.idx.msk [tilespmem:v62+s28+$0x0], $0xffff  }
0x2d6: {  	v63 =	vor.u32 v42, v48;
	_ =	sdelay $0x3  }
0x2d7: {  	[tilespmem:v25+s26+$0x0] =	vst.idx.msk $0xffff, v49  }
0x2d8: {  	v49 =	vld.idx.msk [tilespmem:v63+s28+$0x0], $0xffff  }
0x2d9: {  	v52 =	vor.u32 v43, v48;
	_ =	sdelay $0x3  }
0x2da: {  	[tilespmem:v26+s26+$0x0] =	vst.idx.msk $0xffff, v49  }
0x2db: {  	v49 =	vld.idx.msk [tilespmem:v52+s28+$0x0], $0xffff  }
0x2dc: {  	v53 =	vor.u32 v44, v48;
	_ =	sdelay $0x3  }
0x2dd: {  	[tilespmem:v27+s26+$0x0] =	vst.idx.msk $0xffff, v49  }
0x2de: {  	v49 =	vld.idx.msk [tilespmem:v53+s28+$0x0], $0xffff  }
0x2df: {  	v54 =	vor.u32 v45, v48;
	_ =	sdelay $0x3  }
0x2e0: {  	[tilespmem:v28+s26+$0x0] =	vst.idx.msk $0xffff, v49  }
0x2e1: {  	v49 =	vld.idx.msk [tilespmem:v54+s28+$0x0], $0xffff  }
0x2e2: {  	v55 =	vor.u32 v46, v48;
	_ =	sdelay $0x3  }
0x2e3: {  	[tilespmem:v30+s26+$0x0] =	vst.idx.msk $0xffff, v49  }
0x2e4: {  	v49 =	vld.idx.msk [tilespmem:v55+s28+$0x0], $0xffff  }
0x2e5: {  	v48 =	vor.u32 v47, v48;
	_ =	sdelay $0x3  }
0x2e6: {  	[tilespmem:v31+s26+$0x0] =	vst.idx.msk $0xffff, v49  }
0x2e7: {  	v48 =	vld.idx.msk [tilespmem:v48+s28+$0x0], $0xffff;
	_ =	sdelay $0x4  }
0x2e8: {  	s3 =	rddreg [dreg:$0xf];
	[tilespmem:v32+s26+$0x0] =	vst.idx.msk $0xffff, v48  }
0x2e9: {  	[hbm4b:s3+s4] =	stream.linear.scatter [tilespmem:s26], [sflag:$0x4], $0x1000, $0x38;
	[tilespmem:$0x1C100] =	vst v63  }
0x2ea: {  	v48 =	vld [tilespmem:$0x10];
	_ =	sdelay $0x4  }
0x2eb: {  	(v2sf) =	vpush v48, $0x0;
	_ =	sdelay $0x2  }
0x2ec: {  	(v2sf) =	vpush v48, $0x1;
	_ =	sdelay $0x5  }
0x2ed: {  	(v2sf) =	vpush v48, $0x2;
	_ =	sdelay $0x5  }
0x2ee: {  	s12 =	spop (v2sf)  }
0x2ef: {  	s31 =	sshra.s32 s12, $0x1F  }
0x2f0: {  	(v2sf) =	vpush v48, $0x3;
	s3 =	sshrl.u32 s31, $0x19  }
0x2f1: {  	s2 =	sadd.s32 s3, s12;
	s12 =	spop (v2sf)  }
0x2f2: {  	s2 =	sand.u32 $0xFFFFF80, s2;
	s31 =	sshra.s32 s12, $0x1F  }
0x2f3: {  	s2 =	sadd.s32 s1, s2;
	s3 =	sshrl.u32 s31, $0x19  }
0x2f4: {  	[tilespmem:s28], [sflag:$0x2] =	stream.strided.gather [hbm4b:s2+s9], $0x800, s10, s9, $0x38;
	[tilespmem:$0x1C100] =	vst v63  }
0x2f5: {  	(v2sf) =	vpush v48, $0x4;
	s2 =	sadd.s32 s3, s12  }
0x2f6: {  	s2 =	sand.u32 $0xFFFFF80, s2  }
0x2f7: {  	s31 =	spop (v2sf);
	s12 =	simm.s32 $0x8900;
	s2 =	sadd.s32 s1, s2  }
0x2f8: {  	[tilespmem:s12], [sflag:$0x2] =	stream.strided.gather [hbm4b:s2+s9], $0x800, s10, s9, $0x38;
	[tilespmem:$0x1C100] =	vst v63  }
0x2f9: {  	s12 =	sshra.s32 s31, $0x1F  }
0x2fa: {  	s3 =	sshrl.u32 s12, $0x19  }
0x2fb: {  	(v2sf) =	vpush v48, $0x5;
	s2 =	sadd.s32 s3, s31  }
0x2fc: {  	s2 =	sand.u32 $0xFFFFF80, s2  }
0x2fd: {  	s31 =	simm.s32 $0x9100;
	s2 =	sadd.s32 s1, s2  }
0x2fe: {  	[tilespmem:s31], [sflag:$0x2] =	stream.strided.gather [hbm4b:s2+s9], $0x800, s10, s9, $0x38;
	[tilespmem:$0x1C100] =	vst v63  }
0x2ff: {  	s12 =	spop (v2sf)  }
0x300: {  	s31 =	sshra.s32 s12, $0x1F  }
0x301: {  	(v2sf) =	vpush v48, $0x6;
	s3 =	sshrl.u32 s31, $0x19  }
0x302: {  	s2 =	sadd.s32 s3, s12  }
0x303: {  	s2 =	sand.u32 $0xFFFFF80, s2  }
0x304: {  	s12 =	simm.s32 $0x9900;
	s31 =	spop (v2sf);
	s2 =	sadd.s32 s1, s2  }
0x305: {  	[tilespmem:s12], [sflag:$0x2] =	stream.strided.gather [hbm4b:s2+s9], $0x800, s10, s9, $0x38;
	[tilespmem:$0x1C100] =	vst v63  }
0x306: {  	s12 =	sshra.s32 s31, $0x1F  }
0x307: {  	(v2sf) =	vpush v48, $0x7;
	s3 =	sshrl.u32 s12, $0x19  }
0x308: {  	s2 =	sadd.s32 s3, s31  }
0x309: {  	s2 =	sand.u32 $0xFFFFF80, s2  }
0x30a: {  	s12 =	spop (v2sf);
	s31 =	simm.s32 $0xA100;
	s2 =	sadd.s32 s1, s2  }
0x30b: {  	[tilespmem:s31], [sflag:$0x2] =	stream.strided.gather [hbm4b:s2+s9], $0x800, s10, s9, $0x38;
	[tilespmem:$0x1C100] =	vst v63  }
0x30c: {  	s31 =	sshra.s32 s12, $0x1F  }
0x30d: {  	(v2sf) =	vpush v48, $0x8;
	s3 =	sshrl.u32 s31, $0x19  }
0x30e: {  	s2 =	sadd.s32 s3, s12  }
0x30f: {  	s2 =	sand.u32 $0xFFFFF80, s2  }
0x310: {  	s12 =	simm.s32 $0xA900;
	s2 =	sadd.s32 s1, s2;
	s31 =	spop (v2sf)  }
0x311: {  	[tilespmem:s12], [sflag:$0x2] =	stream.strided.gather [hbm4b:s2+s9], $0x800, s10, s9, $0x38;
	[tilespmem:$0x1C100] =	vst v63  }
0x312: {  	s12 =	sshra.s32 s31, $0x1F  }
0x313: {  	(v2sf) =	vpush v48, $0x9;
	s3 =	sshrl.u32 s12, $0x19  }
0x314: {  	s2 =	sadd.s32 s3, s31  }
0x315: {  	s2 =	sand.u32 $0xFFFFF80, s2  }
0x316: {  	s31 =	simm.s32 $0xB100;
	s12 =	spop (v2sf);
	s2 =	sadd.s32 s1, s2  }
0x317: {  	[tilespmem:s31], [sflag:$0x2] =	stream.strided.gather [hbm4b:s2+s9], $0x800, s10, s9, $0x38;
	[tilespmem:$0x1C100] =	vst v63  }
0x318: {  	s31 =	sshra.s32 s12, $0x1F  }
0x319: {  	(v2sf) =	vpush v48, $0xA;
	s3 =	sshrl.u32 s31, $0x19  }
0x31a: {  	s2 =	sadd.s32 s3, s12  }
0x31b: {  	s2 =	sand.u32 $0xFFFFF80, s2  }
0x31c: {  	s31 =	spop (v2sf);
	s12 =	simm.s32 $0xB900;
	s2 =	sadd.s32 s1, s2  }
0x31d: {  	[tilespmem:s12], [sflag:$0x2] =	stream.strided.gather [hbm4b:s2+s9], $0x800, s10, s9, $0x38;
	[tilespmem:$0x1C100] =	vst v63  }
0x31e: {  	s12 =	sshra.s32 s31, $0x1F  }
0x31f: {  	(v2sf) =	vpush v48, $0xB;
	s3 =	sshrl.u32 s12, $0x19  }
0x320: {  	s2 =	sadd.s32 s3, s31  }
0x321: {  	s2 =	sand.u32 $0xFFFFF80, s2  }
0x322: {  	s31 =	simm.s32 $0xC100;
	s2 =	sadd.s32 s1, s2;
	s12 =	spop (v2sf)  }
0x323: {  	[tilespmem:s31], [sflag:$0x2] =	stream.strided.gather [hbm4b:s2+s9], $0x800, s10, s9, $0x38;
	[tilespmem:$0x1C100] =	vst v63  }
0x324: {  	s31 =	sshra.s32 s12, $0x1F  }
0x325: {  	(v2sf) =	vpush v48, $0xC;
	s3 =	sshrl.u32 s31, $0x19  }
0x326: {  	s2 =	sadd.s32 s3, s12  }
0x327: {  	s2 =	sand.u32 $0xFFFFF80, s2  }
0x328: {  	s12 =	simm.s32 $0xC900;
	s31 =	spop (v2sf);
	s2 =	sadd.s32 s1, s2  }
0x329: {  	[tilespmem:s12], [sflag:$0x2] =	stream.strided.gather [hbm4b:s2+s9], $0x800, s10, s9, $0x38;
	[tilespmem:$0x1C100] =	vst v63  }
0x32a: {  	(v2sf) =	vpush v48, $0xD;
	s12 =	sshra.s32 s31, $0x1F  }
0x32b: {  	s3 =	sshrl.u32 s12, $0x19  }
0x32c: {  	s2 =	sadd.s32 s3, s31  }
0x32d: {  	s2 =	sand.u32 $0xFFFFF80, s2  }
0x32e: {  	s12 =	spop (v2sf);
	s31 =	simm.s32 $0xD100;
	s2 =	sadd.s32 s1, s2  }
0x32f: {  	(v2sf) =	vpush v48, $0xE;
	[tilespmem:s31], [sflag:$0x2] =	stream.strided.gather [hbm4b:s2+s9], $0x800, s10, s9, $0x38;
	[tilespmem:$0x1C100] =	vst v63  }
0x330: {  	s31 =	sshra.s32 s12, $0x1F  }
0x331: {  	s3 =	sshrl.u32 s31, $0x19  }
0x332: {  	s2 =	sadd.s32 s3, s12  }
0x333: {  	s2 =	sand.u32 $0xFFFFF80, s2  }
0x334: {  	s12 =	simm.s32 $0xD900;
	s2 =	sadd.s32 s1, s2;
	s31 =	spop (v2sf)  }
0x335: {  	[tilespmem:s12], [sflag:$0x2] =	stream.strided.gather [hbm4b:s2+s9], $0x800, s10, s9, $0x38;
	[tilespmem:$0x1C100] =	vst v63  }
0x336: {  	s12 =	sshra.s32 s31, $0x1F  }
0x337: {  	(v2sf) =	vpush v48, $0xF;
	s3 =	sshrl.u32 s12, $0x19  }
0x338: {  	s2 =	sadd.s32 s3, s31  }
0x339: {  	s3 =	spop (v2sf);
	s2 =	sand.u32 $0xFFFFF80, s2  }
0x33a: {  	s31 =	simm.s32 $0xE100;
	s12 =	sshra.s32 s3, $0x1F;
	s2 =	sadd.s32 s1, s2  }
0x33b: {  	[tilespmem:s31], [sflag:$0x2] =	stream.strided.gather [hbm4b:s2+s9], $0x800, s10, s9, $0x38;
	[tilespmem:$0x1C100] =	vst v63  }
0x33c: {  	s2 =	sshrl.u32 s12, $0x19  }
0x33d: {  	s2 =	sadd.s32 s2, s3  }
0x33e: {  	s3 =	spop (v2sf);
	s2 =	sand.u32 $0xFFFFF80, s2  }
0x33f: {  	s31 =	simm.s32 $0xE900;
	s12 =	sshra.s32 s3, $0x1F;
	s2 =	sadd.s32 s1, s2  }
0x340: {  	[tilespmem:s31], [sflag:$0x2] =	stream.strided.gather [hbm4b:s2+s9], $0x800, s10, s9, $0x38;
	[tilespmem:$0x1C100] =	vst v63  }
0x341: {  	s2 =	sshrl.u32 s12, $0x19  }
0x342: {  	s2 =	sadd.s32 s2, s3  }
0x343: {  	s2 =	sand.u32 $0xFFFFF80, s2  }
0x344: {  	s31 =	simm.s32 $0xF100;
	s2 =	sadd.s32 s1, s2  }
0x345: {  	[tilespmem:s31], [sflag:$0x2] =	stream.strided.gather [hbm4b:s2+s9], $0x800, s10, s9, $0x38;
	[tilespmem:$0x1C100] =	vst v63  }
0x346: {  	s12 =	spop (v2sf)  }
0x347: {  	s31 =	sshra.s32 s12, $0x1F  }
0x348: {  	s3 =	sshrl.u32 s31, $0x19  }
0x349: {  	s2 =	sadd.s32 s3, s12  }
0x34a: {  	s2 =	sand.u32 $0xFFFFF80, s2  }
0x34b: {  	s12 =	simm.s32 $0xF900;
	s2 =	sadd.s32 s1, s2  }
0x34c: {  	[tilespmem:s12], [sflag:$0x2] =	stream.strided.gather [hbm4b:s2+s9], $0x800, s10, s9, $0x38;
	[tilespmem:$0x1C100] =	vst v63  }
0x34d: {  	_ =	swait.ge [sflag:s25], $0x800  }
0x34e: {  	[sflag:s25] =	ssyncset.done $0x0  }
0x34f: {  	[sflag:s25] =	ssyncadd.s32 $0xFFFFF800  }
0x350: {  	_ =	swait.ge [sflag:s25], $0x800  }
0x351: {  	[sflag:s25] =	ssyncset.done $0x0  }
0x352: {  	[sflag:s25] =	ssyncadd.s32 $0xFFFFF800  }
0x353: {  	_ =	swait.ge [sflag:s25], $0x800  }
0x354: {  	[sflag:s25] =	ssyncset.done $0x0  }
0x355: {  	[sflag:s25] =	ssyncadd.s32 $0xFFFFF800  }
0x356: {  	_ =	swait.ge [sflag:s25], $0x800  }
0x357: {  	[sflag:s25] =	ssyncset.done $0x0  }
0x358: {  	[sflag:s25] =	ssyncadd.s32 $0xFFFFF800  }
0x359: {  	_ =	swait.ge [sflag:s25], $0x800  }
0x35a: {  	[sflag:s25] =	ssyncset.done $0x0  }
0x35b: {  	[sflag:s25] =	ssyncadd.s32 $0xFFFFF800  }
0x35c: {  	_ =	swait.ge [sflag:s25], $0x800  }
0x35d: {  	[sflag:s25] =	ssyncset.done $0x0  }
0x35e: {  	[sflag:s25] =	ssyncadd.s32 $0xFFFFF800  }
0x35f: {  	_ =	swait.ge [sflag:s25], $0x800  }
0x360: {  	[sflag:s25] =	ssyncset.done $0x0  }
0x361: {  	[sflag:s25] =	ssyncadd.s32 $0xFFFFF800  }
0x362: {  	_ =	swait.ge [sflag:s25], $0x800  }
0x363: {  	[sflag:s25] =	ssyncset.done $0x0  }
0x364: {  	[sflag:s25] =	ssyncadd.s32 $0xFFFFF800  }
0x365: {  	_ =	swait.ge [sflag:s25], $0x800  }
0x366: {  	[sflag:s25] =	ssyncset.done $0x0  }
0x367: {  	[sflag:s25] =	ssyncadd.s32 $0xFFFFF800  }
0x368: {  	_ =	swait.ge [sflag:s25], $0x800  }
0x369: {  	[sflag:s25] =	ssyncset.done $0x0  }
0x36a: {  	[sflag:s25] =	ssyncadd.s32 $0xFFFFF800  }
0x36b: {  	_ =	swait.ge [sflag:s25], $0x800  }
0x36c: {  	[sflag:s25] =	ssyncset.done $0x0  }
0x36d: {  	[sflag:s25] =	ssyncadd.s32 $0xFFFFF800  }
0x36e: {  	_ =	swait.ge [sflag:s25], $0x800  }
0x36f: {  	[sflag:s25] =	ssyncset.done $0x0  }
0x370: {  	[sflag:s25] =	ssyncadd.s32 $0xFFFFF800  }
0x371: {  	_ =	swait.ge [sflag:s25], $0x800  }
0x372: {  	[sflag:s25] =	ssyncset.done $0x0  }
0x373: {  	[sflag:s25] =	ssyncadd.s32 $0xFFFFF800  }
0x374: {  	_ =	swait.ge [sflag:s25], $0x800  }
0x375: {  	[sflag:s25] =	ssyncset.done $0x0  }
0x376: {  	[sflag:s25] =	ssyncadd.s32 $0xFFFFF800  }
0x377: {  	_ =	swait.ge [sflag:s25], $0x800  }
0x378: {  	[sflag:s25] =	ssyncset.done $0x0  }
0x379: {  	[sflag:s25] =	ssyncadd.s32 $0xFFFFF800  }
0x37a: {  	_ =	swait.ge [sflag:s25], $0x800  }
0x37b: {  	[sflag:s25] =	ssyncset.done $0x0  }
0x37c: {  	[sflag:s25] =	ssyncadd.s32 $0xFFFFF800  }
0x37d: {  	v56 =	vld [tilespmem:$0x0];
	_ =	sdelay $0x4  }
0x37e: {  	v48 =	vand.u32 $0x7F, v56  }
0x37f: {  	v57 =	vor.u32 v29, v48;
	_ =	sdelay $0x4  }
0x380: {  	v49 =	vld.idx.msk [tilespmem:v57+s11+$0x0], $0xffff  }
0x381: {  	v58 =	vor.u32 v33, v48;
	_ =	sdelay $0x3  }
0x382: {  	[tilespmem:v0+s30+$0x0] =	vst.idx.msk $0xffff, v49  }
0x383: {  	v49 =	vld.idx.msk [tilespmem:v58+s11+$0x0], $0xffff  }
0x384: {  	v59 =	vor.u32 v34, v48;
	_ =	sdelay $0x3  }
0x385: {  	[tilespmem:v1+s30+$0x0] =	vst.idx.msk $0xffff, v49  }
0x386: {  	v49 =	vld.idx.msk [tilespmem:v59+s11+$0x0], $0xffff  }
0x387: {  	v60 =	vor.u32 v35, v48;
	_ =	sdelay $0x3  }
0x388: {  	[tilespmem:v2+s30+$0x0] =	vst.idx.msk $0xffff, v49  }
0x389: {  	v49 =	vld.idx.msk [tilespmem:v60+s11+$0x0], $0xffff  }
0x38a: {  	v61 =	vor.u32 v36, v48;
	_ =	sdelay $0x3  }
0x38b: {  	[tilespmem:v3+s30+$0x0] =	vst.idx.msk $0xffff, v49  }
0x38c: {  	v49 =	vld.idx.msk [tilespmem:v61+s11+$0x0], $0xffff  }
0x38d: {  	v62 =	vor.u32 v37, v48;
	_ =	sdelay $0x3  }
0x38e: {  	[tilespmem:v4+s30+$0x0] =	vst.idx.msk $0xffff, v49  }
0x38f: {  	v49 =	vld.idx.msk [tilespmem:v62+s11+$0x0], $0xffff  }
0x390: {  	v63 =	vor.u32 v38, v48;
	_ =	sdelay $0x3  }
0x391: {  	[tilespmem:v5+s30+$0x0] =	vst.idx.msk $0xffff, v49  }
0x392: {  	v49 =	vld.idx.msk [tilespmem:v63+s11+$0x0], $0xffff  }
0x393: {  	v52 =	vor.u32 v39, v48;
	_ =	sdelay $0x3  }
0x394: {  	[tilespmem:v6+s30+$0x0] =	vst.idx.msk $0xffff, v49  }
0x395: {  	v49 =	vld.idx.msk [tilespmem:v52+s11+$0x0], $0xffff  }
0x396: {  	v53 =	vor.u32 v40, v48;
	_ =	sdelay $0x3  }
0x397: {  	[tilespmem:v7+s30+$0x0] =	vst.idx.msk $0xffff, v49  }
0x398: {  	v49 =	vld.idx.msk [tilespmem:v53+s11+$0x0], $0xffff  }
0x399: {  	v54 =	vor.u32 v41, v48;
	_ =	sdelay $0x3  }
0x39a: {  	[tilespmem:v8+s30+$0x0] =	vst.idx.msk $0xffff, v49  }
0x39b: {  	v49 =	vld.idx.msk [tilespmem:v54+s11+$0x0], $0xffff  }
0x39c: {  	v55 =	vor.u32 v42, v48;
	_ =	sdelay $0x3  }
0x39d: {  	[tilespmem:v9+s30+$0x0] =	vst.idx.msk $0xffff, v49  }
0x39e: {  	v49 =	vld.idx.msk [tilespmem:v55+s11+$0x0], $0xffff  }
0x39f: {  	v56 =	vor.u32 v43, v48;
	_ =	sdelay $0x3  }
0x3a0: {  	[tilespmem:v10+s30+$0x0] =	vst.idx.msk $0xffff, v49  }
0x3a1: {  	v49 =	vld.idx.msk [tilespmem:v56+s11+$0x0], $0xffff  }
0x3a2: {  	v57 =	vor.u32 v44, v48;
	_ =	sdelay $0x3  }
0x3a3: {  	[tilespmem:v11+s30+$0x0] =	vst.idx.msk $0xffff, v49  }
0x3a4: {  	v49 =	vld.idx.msk [tilespmem:v57+s11+$0x0], $0xffff  }
0x3a5: {  	v58 =	vor.u32 v45, v48;
	_ =	sdelay $0x3  }
0x3a6: {  	[tilespmem:v12+s30+$0x0] =	vst.idx.msk $0xffff, v49  }
0x3a7: {  	v49 =	vld.idx.msk [tilespmem:v58+s11+$0x0], $0xffff  }
0x3a8: {  	v59 =	vor.u32 v46, v48;
	_ =	sdelay $0x3  }
0x3a9: {  	[tilespmem:v13+s30+$0x0] =	vst.idx.msk $0xffff, v49  }
0x3aa: {  	v49 =	vld.idx.msk [tilespmem:v59+s11+$0x0], $0xffff  }
0x3ab: {  	v48 =	vor.u32 v47, v48;
	_ =	sdelay $0x3  }
0x3ac: {  	[tilespmem:v14+s30+$0x0] =	vst.idx.msk $0xffff, v49  }
0x3ad: {  	v48 =	vld.idx.msk [tilespmem:v48+s11+$0x0], $0xffff;
	_ =	sdelay $0x4  }
0x3ae: {  	[tilespmem:v15+s30+$0x0] =	vst.idx.msk $0xffff, v48  }
0x3af: {  	_ =	swait.ge [sflag:s29], $0x800  }
0x3b0: {  	[sflag:s29] =	ssyncset.done $0x0  }
0x3b1: {  	[sflag:s29] =	ssyncadd.s32 $0xFFFFF800  }
0x3b2: {  	_ =	swait.ge [sflag:s29], $0x800  }
0x3b3: {  	[sflag:s29] =	ssyncset.done $0x0  }
0x3b4: {  	[sflag:s29] =	ssyncadd.s32 $0xFFFFF800  }
0x3b5: {  	_ =	swait.ge [sflag:s29], $0x800  }
0x3b6: {  	[sflag:s29] =	ssyncset.done $0x0  }
0x3b7: {  	[sflag:s29] =	ssyncadd.s32 $0xFFFFF800  }
0x3b8: {  	_ =	swait.ge [sflag:s29], $0x800  }
0x3b9: {  	[sflag:s29] =	ssyncset.done $0x0  }
0x3ba: {  	[sflag:s29] =	ssyncadd.s32 $0xFFFFF800  }
0x3bb: {  	_ =	swait.ge [sflag:s29], $0x800  }
0x3bc: {  	[sflag:s29] =	ssyncset.done $0x0  }
0x3bd: {  	[sflag:s29] =	ssyncadd.s32 $0xFFFFF800  }
0x3be: {  	_ =	swait.ge [sflag:s29], $0x800  }
0x3bf: {  	[sflag:s29] =	ssyncset.done $0x0  }
0x3c0: {  	[sflag:s29] =	ssyncadd.s32 $0xFFFFF800  }
0x3c1: {  	_ =	swait.ge [sflag:s29], $0x800  }
0x3c2: {  	[sflag:s29] =	ssyncset.done $0x0  }
0x3c3: {  	[sflag:s29] =	ssyncadd.s32 $0xFFFFF800  }
0x3c4: {  	_ =	swait.ge [sflag:s29], $0x800  }
0x3c5: {  	[sflag:s29] =	ssyncset.done $0x0  }
0x3c6: {  	[sflag:s29] =	ssyncadd.s32 $0xFFFFF800  }
0x3c7: {  	_ =	swait.ge [sflag:s29], $0x800  }
0x3c8: {  	[sflag:s29] =	ssyncset.done $0x0  }
0x3c9: {  	[sflag:s29] =	ssyncadd.s32 $0xFFFFF800  }
0x3ca: {  	_ =	swait.ge [sflag:s29], $0x800  }
0x3cb: {  	[sflag:s29] =	ssyncset.done $0x0  }
0x3cc: {  	[sflag:s29] =	ssyncadd.s32 $0xFFFFF800  }
0x3cd: {  	_ =	swait.ge [sflag:s29], $0x800  }
0x3ce: {  	[sflag:s29] =	ssyncset.done $0x0  }
0x3cf: {  	[sflag:s29] =	ssyncadd.s32 $0xFFFFF800  }
0x3d0: {  	_ =	swait.ge [sflag:s29], $0x800  }
0x3d1: {  	[sflag:s29] =	ssyncset.done $0x0  }
0x3d2: {  	[sflag:s29] =	ssyncadd.s32 $0xFFFFF800  }
0x3d3: {  	_ =	swait.ge [sflag:s29], $0x800  }
0x3d4: {  	[sflag:s29] =	ssyncset.done $0x0  }
0x3d5: {  	[sflag:s29] =	ssyncadd.s32 $0xFFFFF800  }
0x3d6: {  	_ =	swait.ge [sflag:s29], $0x800  }
0x3d7: {  	[sflag:s29] =	ssyncset.done $0x0  }
0x3d8: {  	[sflag:s29] =	ssyncadd.s32 $0xFFFFF800  }
0x3d9: {  	_ =	swait.ge [sflag:s29], $0x800  }
0x3da: {  	[sflag:s29] =	ssyncset.done $0x0  }
0x3db: {  	[sflag:s29] =	ssyncadd.s32 $0xFFFFF800  }
0x3dc: {  	_ =	swait.ge [sflag:s29], $0x800  }
0x3dd: {  	[sflag:s29] =	ssyncset.done $0x0  }
0x3de: {  	[sflag:s29] =	ssyncadd.s32 $0xFFFFF800  }
0x3df: {  	v60 =	vld [tilespmem:$0x10];
	_ =	sdelay $0x4  }
0x3e0: {  	v48 =	vand.u32 $0x7F, v60  }
0x3e1: {  	v61 =	vor.u32 v29, v48;
	_ =	sdelay $0x4  }
0x3e2: {  	v49 =	vld.idx.msk [tilespmem:v61+s28+$0x0], $0xffff  }
0x3e3: {  	v62 =	vor.u32 v33, v48;
	_ =	sdelay $0x3  }
0x3e4: {  	[tilespmem:v16+s30+$0x0] =	vst.idx.msk $0xffff, v49  }
0x3e5: {  	v49 =	vld.idx.msk [tilespmem:v62+s28+$0x0], $0xffff  }
0x3e6: {  	v63 =	vor.u32 v34, v48;
	_ =	sdelay $0x3  }
0x3e7: {  	[tilespmem:v17+s30+$0x0] =	vst.idx.msk $0xffff, v49  }
0x3e8: {  	v49 =	vld.idx.msk [tilespmem:v63+s28+$0x0], $0xffff  }
0x3e9: {  	v52 =	vor.u32 v35, v48;
	_ =	sdelay $0x3  }
0x3ea: {  	[tilespmem:v18+s30+$0x0] =	vst.idx.msk $0xffff, v49  }
0x3eb: {  	v49 =	vld.idx.msk [tilespmem:v52+s28+$0x0], $0xffff  }
0x3ec: {  	v53 =	vor.u32 v36, v48;
	_ =	sdelay $0x3  }
0x3ed: {  	[tilespmem:v19+s30+$0x0] =	vst.idx.msk $0xffff, v49  }
0x3ee: {  	v49 =	vld.idx.msk [tilespmem:v53+s28+$0x0], $0xffff  }
0x3ef: {  	v54 =	vor.u32 v37, v48;
	_ =	sdelay $0x3  }
0x3f0: {  	[tilespmem:v20+s30+$0x0] =	vst.idx.msk $0xffff, v49  }
0x3f1: {  	v49 =	vld.idx.msk [tilespmem:v54+s28+$0x0], $0xffff  }
0x3f2: {  	v55 =	vor.u32 v38, v48;
	_ =	sdelay $0x3  }
0x3f3: {  	[tilespmem:v21+s30+$0x0] =	vst.idx.msk $0xffff, v49  }
0x3f4: {  	v49 =	vld.idx.msk [tilespmem:v55+s28+$0x0], $0xffff  }
0x3f5: {  	v56 =	vor.u32 v39, v48;
	_ =	sdelay $0x3  }
0x3f6: {  	[tilespmem:v22+s30+$0x0] =	vst.idx.msk $0xffff, v49  }
0x3f7: {  	v49 =	vld.idx.msk [tilespmem:v56+s28+$0x0], $0xffff  }
0x3f8: {  	v57 =	vor.u32 v40, v48;
	_ =	sdelay $0x3  }
0x3f9: {  	[tilespmem:v23+s30+$0x0] =	vst.idx.msk $0xffff, v49  }
0x3fa: {  	v49 =	vld.idx.msk [tilespmem:v57+s28+$0x0], $0xffff  }
0x3fb: {  	v58 =	vor.u32 v41, v48;
	_ =	sdelay $0x3  }
0x3fc: {  	[tilespmem:v24+s30+$0x0] =	vst.idx.msk $0xffff, v49  }
0x3fd: {  	v49 =	vld.idx.msk [tilespmem:v58+s28+$0x0], $0xffff  }
0x3fe: {  	v59 =	vor.u32 v42, v48;
	_ =	sdelay $0x3  }
0x3ff: {  	[tilespmem:v25+s30+$0x0] =	vst.idx.msk $0xffff, v49  }
0x400: {  	v49 =	vld.idx.msk [tilespmem:v59+s28+$0x0], $0xffff  }
0x401: {  	v60 =	vor.u32 v43, v48;
	_ =	sdelay $0x3  }
0x402: {  	[tilespmem:v26+s30+$0x0] =	vst.idx.msk $0xffff, v49  }
0x403: {  	v49 =	vld.idx.msk [tilespmem:v60+s28+$0x0], $0xffff  }
0x404: {  	v61 =	vor.u32 v44, v48;
	_ =	sdelay $0x3  }
0x405: {  	[tilespmem:v27+s30+$0x0] =	vst.idx.msk $0xffff, v49  }
0x406: {  	v49 =	vld.idx.msk [tilespmem:v61+s28+$0x0], $0xffff  }
0x407: {  	v62 =	vor.u32 v45, v48;
	_ =	sdelay $0x3  }
0x408: {  	[tilespmem:v28+s30+$0x0] =	vst.idx.msk $0xffff, v49  }
0x409: {  	v49 =	vld.idx.msk [tilespmem:v62+s28+$0x0], $0xffff  }
0x40a: {  	v63 =	vor.u32 v46, v48;
	_ =	sdelay $0x3  }
0x40b: {  	[tilespmem:v30+s30+$0x0] =	vst.idx.msk $0xffff, v49  }
0x40c: {  	v49 =	vld.idx.msk [tilespmem:v63+s28+$0x0], $0xffff  }
0x40d: {  	v48 =	vor.u32 v47, v48;
	_ =	sdelay $0x3  }
0x40e: {  	[tilespmem:v31+s30+$0x0] =	vst.idx.msk $0xffff, v49  }
0x40f: {  	v48 =	vld.idx.msk [tilespmem:v48+s28+$0x0], $0xffff;
	_ =	sdelay $0x4  }
0x410: {  	s31 =	rddreg [dreg:$0x10];
	[tilespmem:v32+s30+$0x0] =	vst.idx.msk $0xffff, v48  }
0x411: {  	[hbm4b:s31+s4] =	stream.linear.scatter [tilespmem:s30], [sflag:$0x4], $0x1000, $0x38;
	[tilespmem:$0x1C100] =	vst v63  }
0x412: {  	_ =	swait.ge [sflag:s8], $0x1000  }
0x413: {  	[sflag:s8] =	ssyncset.done $0x0  }
0x414: {  	[sflag:s8] =	ssyncadd.s32 $0xFFFFF000  }
0x415: {  	_ =	swait.ge [sflag:s8], $0x1000  }
0x416: {  	[sflag:s8] =	ssyncset.done $0x0  }
0x417: {  	[sflag:s8] =	ssyncadd.s32 $0xFFFFF000  }
0x418: {  	p0 =	sne.s32 s5, $0x1;
	_ =	swait.ge [sflag:s8], $0x1000  }
.Ltmp0:
0x419: {  	[sflag:s8] =	ssyncset.done $0x0;
	(pc) =	sbr.rel @p0 .LBB2_1-.Ltmp0, $4  }
0x41a: {  	[sflag:s8] =	ssyncadd.s32 $0xFFFFF000  }
0x41b: {  	_ =	swait.ge [sflag:s8], $0x1000  }
0x41c: {  	[sflag:s8] =	ssyncset.done $0x0  }
0x41d: {  	s5 =	sadd.s32 $0xFFFFFFFF, s5;
	[sflag:s8] =	ssyncadd.s32 $0xFFFFF000  }
0x41e: {  	_ =	sfence.sel $0x180000  }
0x41f: {  	[bflag:$0x0] =	sbarrier.arrive $0xFFFF  }
0x420: {  	_ =	strace $0x90000047  }
0x421: {  	s0 =	stileid.u32;
	[bflag:$0x2] =	sbarrier.arrive $0xFFFF  }
0x422: {  	p0 =	sne.s32 s0, $0x0;
	s0 =	rddreg [dreg:$0x8]  }
0x423: {  	s0 =	sadd.s32 @!p0 $0x100000, s0  }
0x424: {  	[sflag:s0] =	ssyncadd.tile.s32 @!p0 $0x1;
	_ =	shalt  }
.Lfunc_end2:
_tile_overlayer_lowered:
.L_overlay_start_2:
0x425: {  	(tag) =	ssettag $0x2  }
0x426: {  	s0 =	rddreg [dreg:$0x0];
	s2 =	stileid.u32  }
0x427: {  	s1 =	rddreg [dreg:$0x1];
	p0 =	sne.s32 s2, $0x0  }
0x428: {  	s3 =	rddreg [dreg:$0x2];
	[bflag:$0x3] =	sbarrier.arrive $0xFFFF;
	s2 =	simm.s32 @!p0 $0x1C05  }
0x429: {  	[timem:s3], [sflag:s2] =	dma.local @!p0 [hbm:s0], s1  }
0x42a: {  	s0 =	simm.s32 @!p0 $0x5  }
0x42b: {  	_ =	swait.ge @!p0 [sflag:s0], s1  }
0x42c: {  	s1 =	ssub.s32 @!p0 $0x0, s1;
	[sflag:s0] =	ssyncset.done @!p0 $0x0  }
0x42d: {  	[sflag:s0] =	ssyncadd.s32 @!p0 s1  }
0x42e: {  	[bflag:$0x3] =	sbarrier.arrive $0xFFFF  }
0x42f: {  	_ =	shalt  }

</sc_bundles>
